<compile_context>
chip_gen: v7x
topology: tpu7x:2x2x1
jax: 0.10.2.dev20260603
libtpu: 0.0.44.dev20260713+nightly
codegen_flags: <defaults>
</compile_context>

<pallas_src>
import jax
import jax.numpy as jnp
from jax.experimental import pallas as pl

_N = 5000
_B = 128
_NB = 40
_NP = _B * _NB
_SCORE_T = 0.2


def _nms_body(cpk_ref, keep_ref):
    cp = cpk_ref[...]

    rloc = jax.lax.broadcasted_iota(jnp.int32, (_B, _B), 0)
    cloc = jax.lax.broadcasted_iota(jnp.int32, (_B, _B), 1)
    tri = cloc > rloc
    eye = jnp.where(cloc == rloc, 1.0, 0.0)

    keep_ref[...] = jnp.ones((1, _NP), jnp.float32)

    for i in range(_NB):
        lo = i * _B
        hi = lo + _B
        tw = _NP - hi

        xi = jax.lax.slice(cp, (0, lo), (8, hi))
        ti = jax.lax.dot_general(
            eye, xi, (((1,), (1,)), ((), ())),
            precision=jax.lax.Precision.HIGHEST,
            preferred_element_type=jnp.float32)
        x0r = jax.lax.slice(ti, (0, 0), (_B, 1))
        y0r = jax.lax.slice(ti, (0, 1), (_B, 2))
        x1r = jax.lax.slice(ti, (0, 2), (_B, 3))
        y1r = jax.lax.slice(ti, (0, 3), (_B, 4))
        ar = jax.lax.slice(ti, (0, 4), (_B, 5))

        x0d = jax.lax.slice(cp, (0, lo), (1, hi))
        y0d = jax.lax.slice(cp, (1, lo), (2, hi))
        x1d = jax.lax.slice(cp, (2, lo), (3, hi))
        y1d = jax.lax.slice(cp, (3, lo), (4, hi))
        ad = jax.lax.slice(cp, (4, lo), (5, hi))
        ww = jnp.maximum(jnp.minimum(x1r, x1d) - jnp.maximum(x0r, x0d), 0.0)
        hh = jnp.maximum(jnp.minimum(y1r, y1d) - jnp.maximum(y0r, y0d), 0.0)
        inter = ww * hh
        sii = jnp.where((inter * 3.0 > ar + ad) & tri, 1.0, 0.0)

        alive0 = keep_ref[:, lo:hi]

        def _cond(c):
            return c[1]

        def _body(c):
            k = c[0]
            s1 = jax.lax.dot_general(
                k, sii, (((1,), (0,)), ((), ())),
                preferred_element_type=jnp.float32)
            k1 = jnp.where(s1 > 0.5, 0.0, alive0)
            s2 = jax.lax.dot_general(
                k1, sii, (((1,), (0,)), ((), ())),
                preferred_element_type=jnp.float32)
            k2 = jnp.where(s2 > 0.5, 0.0, alive0)
            chg = jnp.sum(jnp.abs(k2 - k1)) > 0.0
            return k2, chg

        kfin, _ = jax.lax.while_loop(
            _cond, _body, (alive0, jnp.bool_(True)))
        keep_ref[:, lo:hi] = kfin

        if tw > 0:
            x0t = jax.lax.slice(cp, (0, hi), (1, _NP))
            y0t = jax.lax.slice(cp, (1, hi), (2, _NP))
            x1t = jax.lax.slice(cp, (2, hi), (3, _NP))
            y1t = jax.lax.slice(cp, (3, hi), (4, _NP))
            at = jax.lax.slice(cp, (4, hi), (5, _NP))
            wt = jnp.maximum(
                jnp.minimum(x1r, x1t) - jnp.maximum(x0r, x0t), 0.0)
            ht = jnp.maximum(
                jnp.minimum(y1r, y1t) - jnp.maximum(y0r, y0t), 0.0)
            it_ = wt * ht
            st = (it_ * 3.0 > ar + at).astype(jnp.bfloat16)
            supp = jax.lax.dot_general(
                kfin.astype(jnp.bfloat16), st, (((1,), (0,)), ((), ())),
                preferred_element_type=jnp.float32)
            keep_ref[:, hi:] = jnp.where(
                supp > 0.5, 0.0, keep_ref[:, hi:])


def _mask_body(p_ref, hd_ref, out_ref):
    p = p_ref[...]
    m = jax.lax.slice(p, (0, 0), (p.shape[0], 1))
    head = jax.lax.slice(p, (0, 1), (p.shape[0], 6))
    out_ref[...] = jnp.concatenate([head, hd_ref[...] * m], axis=1)


def kernel(boxes, scores, hidden_states, labels):
    boxes = boxes.astype(jnp.float32)
    scores = scores.astype(jnp.float32)
    hidden_states = hidden_states.astype(jnp.float32)

    max_coord = jnp.max(boxes)
    offsets = labels.astype(boxes.dtype) * (max_coord + 1.0)
    b = boxes + offsets[:, None]
    order = jnp.argsort(-scores)
    bs = b[order]
    bsp = jnp.concatenate(
        [bs, jnp.zeros((_NP - _N, 4), jnp.float32)], axis=0)
    area = (bsp[:, 2] - bsp[:, 0]) * (bsp[:, 3] - bsp[:, 1])
    cpk = jnp.concatenate(
        [bsp.T, area[None, :], jnp.zeros((3, _NP), jnp.float32)], axis=0)

    keep_s = pl.pallas_call(
        _nms_body,
        out_shape=jax.ShapeDtypeStruct((1, _NP), jnp.float32),
    )(cpk)

    keep = jax.lax.sort_key_val(
        order.astype(jnp.int32), keep_s[0, :_N])[1]
    m = keep * (scores >= _SCORE_T).astype(jnp.float32)
    p = jnp.concatenate(
        [m[:, None], (scores * m)[:, None], boxes * m[:, None],
         jnp.zeros((_N, 2), jnp.float32)], axis=1)

    rows = 1000
    out = pl.pallas_call(
        _mask_body,
        grid=(_N // rows,),
        in_specs=[
            pl.BlockSpec((rows, 8), lambda i: (i, 0)),
            pl.BlockSpec((rows, 256), lambda i: (i, 0)),
        ],
        out_specs=pl.BlockSpec((rows, 261), lambda i: (i, 0)),
        out_shape=jax.ShapeDtypeStruct((_N, 261), jnp.float32),
    )(p, hidden_states)
    return out

# --- scband reference (transcript-rebuilt; emitter-appended) ---
"""Pipeline reference for scband-upt-73632919323137 (READ-ONLY COPY).

The authoritative reference and input builder live on the scoring server;
editing this copy changes nothing except your own understanding.
"""

import jax, jax.numpy as jnp
import numpy as np

N = 5000
NUM_DET_CLASSES = 91
D_HID = 256
IOU_THRESH = 0.5
SCORE_THRESH = 0.2


def setup_inputs(seed: int = 0) -> dict:
    key = jax.random.key(seed)
    k1, k2, k3, k4, k5 = jax.random.split(key, 5)
    # Valid xyxy boxes within a DETR-scale image (1333 x 800)
    xy = jax.random.uniform(k1, (N, 2), dtype=jnp.float32) * jnp.array([1333.0, 800.0], dtype=jnp.float32)
    wh = jax.random.uniform(k2, (N, 2), dtype=jnp.float32) * 128.0 + 1.0
    boxes = jnp.concatenate([xy, xy + wh], axis=1)
    scores = jax.random.uniform(k3, (N,), dtype=jnp.float32)
    labels = jax.random.randint(k4, (N,), 0, NUM_DET_CLASSES, dtype=jnp.int64 if jax.config.jax_enable_x64 else jnp.int32)
    hidden_states = jax.random.normal(k5, (N, D_HID), dtype=jnp.float32)
    return {"boxes": boxes, "scores": scores, "hidden_states": hidden_states, "labels": labels}


def _box_iou(a, b):
    area_a = (a[:, 2] - a[:, 0]) * (a[:, 3] - a[:, 1])
    area_b = (b[:, 2] - b[:, 0]) * (b[:, 3] - b[:, 1])
    lt = jnp.maximum(a[:, None, :2], b[None, :, :2])
    rb = jnp.minimum(a[:, None, 2:], b[None, :, 2:])
    wh = jnp.clip(rb - lt, 0.0)
    inter = wh[..., 0] * wh[..., 1]
    union = area_a[:, None] + area_b[None, :] - inter
    return inter / jnp.maximum(union, 1e-9)


def _batched_nms_mask(boxes, scores, labels, iou_thresh):
    # Class-aware NMS via the coordinate-offset trick (matches torchvision batched_nms)
    max_coord = jnp.max(boxes)
    offsets = labels.astype(boxes.dtype) * (max_coord + 1.0)
    b = boxes + offsets[:, None]
    order = jnp.argsort(-scores)
    b_s = b[order]
    iou = _box_iou(b_s, b_s)
    n = boxes.shape[0]
    idx = jnp.arange(n)

    def body(i, keep):
        suppress = (iou[i] > iou_thresh) & (idx > i) & keep[i]
        return keep & (~suppress)

    keep_sorted = jax.lax.fori_loop(0, n, body, jnp.ones((n,), dtype=bool))
    keep = jnp.zeros((n,), dtype=bool).at[order].set(keep_sorted)
    return keep


def reference(boxes, scores, hidden_states, labels):
    # Core of UPT.prepare_region_proposals: batched NMS (iou 0.5) followed by
    # score thresholding (box_score_thresh=0.2). Fixed-shape formulation:
    # suppressed detections are zero-masked instead of compacted.
    keep = _batched_nms_mask(boxes, scores, labels, IOU_THRESH)
    final = keep & (scores >= SCORE_THRESH)
    m = final.astype(boxes.dtype)
    out_scores = scores * m
    out_boxes = boxes * m[:, None]
    out_hidden = hidden_states * m[:, None]
    return jnp.concatenate([out_scores[:, None], out_boxes, out_hidden], axis=1)

if __name__ == "__main__":
    import jax
    _d = setup_inputs()
    print(jax.jit(kernel)(*tuple(_d.values())))

</pallas_src>

<mosaic_0001>
module attributes {stable_mosaic.version = 14 : i64} {
  func.func @_nms_body(%arg0: memref<8x5120xf32, #tpu.memory_space<vmem>>, %arg1: memref<1x5120xf32, #tpu.memory_space<vmem>>) attributes {dimension_semantics = [], scalar_prefetch = 0 : i64, scratch_operands = 0 : i64, tpu.core_type = #tpu.core_type<tc>} {
    %get3A = arith.constant 0 : index
    %get3A_0 = arith.constant 0 : index
    %get3A_1 = vector.load %arg0[%get3A, %get3A_0] : memref<8x5120xf32, #tpu.memory_space<vmem>>, vector<8x5120xf32>
    %iota3A = tpu.iota {dimensions = array<i32: 0>} : vector<128x128xi32>
    %iota3A_2 = tpu.iota {dimensions = array<i32: 1>} : vector<128x128xi32>
    %gt3A = arith.cmpi sgt, %iota3A_2, %iota3A : vector<128x128xi32>
    %eq3A = arith.cmpi eq, %iota3A_2, %iota3A : vector<128x128xi32>
    %jit3A = arith.constant 1.000000e+00 : f32
    %jit3A_3 = arith.constant 0.000000e+00 : f32
    %broadcast_in_dim3A = vector.broadcast %jit3A : f32 to vector<128x128xf32>
    %broadcast_in_dim3A_4 = vector.broadcast %jit3A_3 : f32 to vector<128x128xf32>
    %select_n3A = arith.select %eq3A, %broadcast_in_dim3A, %broadcast_in_dim3A_4 : vector<128x128xi1>, vector<128x128xf32>
    %broadcast_in_dim3A_5 = arith.constant 1.000000e+00 : f32
    %broadcast_in_dim3A_6 = vector.broadcast %broadcast_in_dim3A_5 : f32 to vector<1x5120xf32>
    %swap3A = arith.constant 0 : index
    %swap3A_7 = arith.constant 0 : index
    %swap3A_8 = vector.load %arg1[%swap3A, %swap3A_7] : memref<1x5120xf32, #tpu.memory_space<vmem>>, vector<1x5120xf32>
    tpu.vector_store %arg1[%swap3A, %swap3A_7], %broadcast_in_dim3A_6 {strides = array<i32>} : memref<1x5120xf32, #tpu.memory_space<vmem>>, vector<1x5120xf32>,
    %slice3A = vector.extract_strided_slice %get3A_1 {offsets = [0, 0], sizes = [8, 128], strides = [1, 1]} : vector<8x5120xf32> to vector<8x128xf32>
    %dot_general3A = arith.constant dense<0.000000e+00> : vector<128x8xf32>
    %dot_general3A_9 = tpu.matmul %select_n3A, %slice3A, %dot_general3A {dimension_numbers = #tpu.dot_dimension_numbers<[1], [1], [0], [0], [0, 0, 1, 0], [], []>, precision = #tpu.contract_precision<fp32>, transpose_lhs_hint = false} : vector<128x128xf32>, vector<8x128xf32>, vector<128x8xf32> -> vector<128x8xf32>
    %slice3A_10 = vector.extract_strided_slice %dot_general3A_9 {offsets = [0, 0], sizes = [128, 1], strides = [1, 1]} : vector<128x8xf32> to vector<128x1xf32>
    %slice3A_11 = vector.extract_strided_slice %dot_general3A_9 {offsets = [0, 1], sizes = [128, 1], strides = [1, 1]} : vector<128x8xf32> to vector<128x1xf32>
    %slice3A_12 = vector.extract_strided_slice %dot_general3A_9 {offsets = [0, 2], sizes = [128, 1], strides = [1, 1]} : vector<128x8xf32> to vector<128x1xf32>
    %slice3A_13 = vector.extract_strided_slice %dot_general3A_9 {offsets = [0, 3], sizes = [128, 1], strides = [1, 1]} : vector<128x8xf32> to vector<128x1xf32>
    %slice3A_14 = vector.extract_strided_slice %dot_general3A_9 {offsets = [0, 4], sizes = [128, 1], strides = [1, 1]} : vector<128x8xf32> to vector<128x1xf32>
    %slice3A_15 = vector.extract_strided_slice %get3A_1 {offsets = [0, 0], sizes = [1, 128], strides = [1, 1]} : vector<8x5120xf32> to vector<1x128xf32>
    %slice3A_16 = vector.extract_strided_slice %get3A_1 {offsets = [1, 0], sizes = [1, 128], strides = [1, 1]} : vector<8x5120xf32> to vector<1x128xf32>
    %slice3A_17 = vector.extract_strided_slice %get3A_1 {offsets = [2, 0], sizes = [1, 128], strides = [1, 1]} : vector<8x5120xf32> to vector<1x128xf32>
    %slice3A_18 = vector.extract_strided_slice %get3A_1 {offsets = [3, 0], sizes = [1, 128], strides = [1, 1]} : vector<8x5120xf32> to vector<1x128xf32>
    %slice3A_19 = vector.extract_strided_slice %get3A_1 {offsets = [4, 0], sizes = [1, 128], strides = [1, 1]} : vector<8x5120xf32> to vector<1x128xf32>
    %min3A = vector.broadcast %slice3A_12 : vector<128x1xf32> to vector<128x128xf32>
    %min3A_20 = vector.broadcast %slice3A_17 : vector<1x128xf32> to vector<128x128xf32>
    %min3A_21 = arith.minimumf %min3A, %min3A_20 : vector<128x128xf32>
    %max3A = vector.broadcast %slice3A_10 : vector<128x1xf32> to vector<128x128xf32>
    %max3A_22 = vector.broadcast %slice3A_15 : vector<1x128xf32> to vector<128x128xf32>
    %max3A_23 = arith.maximumf %max3A, %max3A_22 : vector<128x128xf32>
    %sub3A = arith.subf %min3A_21, %max3A_23 : vector<128x128xf32>
    %max3A_24 = arith.constant 0.000000e+00 : f32
    %max3A_25 = vector.broadcast %max3A_24 : f32 to vector<128x128xf32>
    %max3A_26 = arith.maximumf %sub3A, %max3A_25 : vector<128x128xf32>
    %min3A_27 = vector.broadcast %slice3A_13 : vector<128x1xf32> to vector<128x128xf32>
    %min3A_28 = vector.broadcast %slice3A_18 : vector<1x128xf32> to vector<128x128xf32>
    %min3A_29 = arith.minimumf %min3A_27, %min3A_28 : vector<128x128xf32>
    %max3A_30 = vector.broadcast %slice3A_11 : vector<128x1xf32> to vector<128x128xf32>
    %max3A_31 = vector.broadcast %slice3A_16 : vector<1x128xf32> to vector<128x128xf32>
    %max3A_32 = arith.maximumf %max3A_30, %max3A_31 : vector<128x128xf32>
    %sub3A_33 = arith.subf %min3A_29, %max3A_32 : vector<128x128xf32>
    %max3A_34 = arith.constant 0.000000e+00 : f32
    %max3A_35 = vector.broadcast %max3A_34 : f32 to vector<128x128xf32>
    %max3A_36 = arith.maximumf %sub3A_33, %max3A_35 : vector<128x128xf32>
    %mul3A = arith.mulf %max3A_26, %max3A_36 : vector<128x128xf32>
    %mul3A_37 = arith.constant 3.000000e+00 : f32
    %mul3A_38 = vector.broadcast %mul3A_37 : f32 to vector<128x128xf32>
    %mul3A_39 = arith.mulf %mul3A, %mul3A_38 : vector<128x128xf32>
    %add3A = vector.broadcast %slice3A_14 : vector<128x1xf32> to vector<128x128xf32>
    %add3A_40 = vector.broadcast %slice3A_19 : vector<1x128xf32> to vector<128x128xf32>
    %add3A_41 = arith.addf %add3A, %add3A_40 : vector<128x128xf32>
    %gt3A_42 = arith.cmpf ogt, %mul3A_39, %add3A_41 : vector<128x128xf32>
    %and3A = arith.andi %gt3A_42, %gt3A : vector<128x128xi1>
    %jit3A_43 = arith.constant 1.000000e+00 : f32
    %jit3A_44 = arith.constant 0.000000e+00 : f32
    %broadcast_in_dim3A_45 = vector.broadcast %jit3A_43 : f32 to vector<128x128xf32>
    %broadcast_in_dim3A_46 = vector.broadcast %jit3A_44 : f32 to vector<128x128xf32>
    %select_n3A_47 = arith.select %and3A, %broadcast_in_dim3A_45, %broadcast_in_dim3A_46 : vector<128x128xi1>, vector<128x128xf32>
    %get3A_48 = arith.constant 0 : index
    %get3A_49 = arith.constant 0 : index
    %get3A_50 = vector.load %arg1[%get3A_48, %get3A_49] : memref<1x5120xf32, #tpu.memory_space<vmem>>, vector<1x128xf32>
    %while3A = arith.constant true
    %while3A_51:2 = scf.while (%while3A_4188 = %get3A_50, %while3A_4189 = %while3A) : (vector<1x128xf32>, i1) -> (vector<1x128xf32>, i1) {
      scf.condition(%while3A_4189) %while3A_4188, %while3A_4189 : vector<1x128xf32>, i1
    } do {
    ^bb0(%while3A_4188: vector<1x128xf32>, %while3A_4189: i1):
      %dot_general3A_4190 = arith.constant dense<0.000000e+00> : vector<1x128xf32>
      %dot_general3A_4191 = tpu.matmul %while3A_4188, %select_n3A_47, %dot_general3A_4190 {dimension_numbers = #tpu.dot_dimension_numbers<[1], [0], [0], [1], [0, 0, 1, 1], [], []>, transpose_lhs_hint = false} : vector<1x128xf32>, vector<128x128xf32>, vector<1x128xf32> -> vector<1x128xf32>
      %gt3A_4192 = arith.constant 5.000000e-01 : f32
      %gt3A_4193 = vector.broadcast %gt3A_4192 : f32 to vector<1x128xf32>
      %gt3A_4194 = arith.cmpf ogt, %dot_general3A_4191, %gt3A_4193 : vector<1x128xf32>
      %jit3A_4195 = arith.constant 0.000000e+00 : f32
      %broadcast_in_dim3A_4196 = vector.broadcast %jit3A_4195 : f32 to vector<1x128xf32>
      %select_n3A_4197 = arith.select %gt3A_4194, %broadcast_in_dim3A_4196, %get3A_50 : vector<1x128xi1>, vector<1x128xf32>
      %dot_general3A_4198 = arith.constant dense<0.000000e+00> : vector<1x128xf32>
      %dot_general3A_4199 = tpu.matmul %select_n3A_4197, %select_n3A_47, %dot_general3A_4198 {dimension_numbers = #tpu.dot_dimension_numbers<[1], [0], [0], [1], [0, 0, 1, 1], [], []>, transpose_lhs_hint = false} : vector<1x128xf32>, vector<128x128xf32>, vector<1x128xf32> -> vector<1x128xf32>
      %gt3A_4200 = arith.constant 5.000000e-01 : f32
      %gt3A_4201 = vector.broadcast %gt3A_4200 : f32 to vector<1x128xf32>
      %gt3A_4202 = arith.cmpf ogt, %dot_general3A_4199, %gt3A_4201 : vector<1x128xf32>
      %jit3A_4203 = arith.constant 0.000000e+00 : f32
      %broadcast_in_dim3A_4204 = vector.broadcast %jit3A_4203 : f32 to vector<1x128xf32>
      %select_n3A_4205 = arith.select %gt3A_4202, %broadcast_in_dim3A_4204, %get3A_50 : vector<1x128xi1>, vector<1x128xf32>
      %sub3A_4206 = arith.subf %select_n3A_4205, %select_n3A_4197 : vector<1x128xf32>
      %abs3A = math.absf %sub3A_4206 : vector<1x128xf32>
      %reduce_sum3A = vector.shape_cast %abs3A : vector<1x128xf32> to vector<1x1x128xf32>
      %reduce_sum3A_4207 = arith.constant dense<0.000000e+00> : vector<1xf32>
      %reduce_sum3A_4208 = vector.multi_reduction <add>, %reduce_sum3A, %reduce_sum3A_4207 [1, 2] : vector<1x1x128xf32> to vector<1xf32>
      %reduce_sum3A_4209 = vector.shape_cast %reduce_sum3A_4208 : vector<1xf32> to vector<1x1x1xf32>
      %reduce_sum3A_4210 = vector.extract %reduce_sum3A_4209[0, 0, 0] : f32 from vector<1x1x1xf32>
      %gt3A_4211 = arith.constant 0.000000e+00 : f32
      %gt3A_4212 = arith.cmpf ogt, %reduce_sum3A_4210, %gt3A_4211 : f32
      scf.yield %select_n3A_4205, %gt3A_4212 : vector<1x128xf32>, i1
    }
    %swap3A_52 = arith.constant 0 : index
    %swap3A_53 = arith.constant 0 : index
    %swap3A_54 = vector.load %arg1[%swap3A_52, %swap3A_53] : memref<1x5120xf32, #tpu.memory_space<vmem>>, vector<1x128xf32>
    tpu.vector_store %arg1[%swap3A_52, %swap3A_53], %while3A_51#0 {strides = array<i32>} : memref<1x5120xf32, #tpu.memory_space<vmem>>, vector<1x128xf32>,
    %slice3A_55 = vector.extract_strided_slice %get3A_1 {offsets = [0, 128], sizes = [1, 4992], strides = [1, 1]} : vector<8x5120xf32> to vector<1x4992xf32>
    %slice3A_56 = vector.extract_strided_slice %get3A_1 {offsets = [1, 128], sizes = [1, 4992], strides = [1, 1]} : vector<8x5120xf32> to vector<1x4992xf32>
    %slice3A_57 = vector.extract_strided_slice %get3A_1 {offsets = [2, 128], sizes = [1, 4992], strides = [1, 1]} : vector<8x5120xf32> to vector<1x4992xf32>
    %slice3A_58 = vector.extract_strided_slice %get3A_1 {offsets = [3, 128], sizes = [1, 4992], strides = [1, 1]} : vector<8x5120xf32> to vector<1x4992xf32>
    %slice3A_59 = vector.extract_strided_slice %get3A_1 {offsets = [4, 128], sizes = [1, 4992], strides = [1, 1]} : vector<8x5120xf32> to vector<1x4992xf32>
    %min3A_60 = vector.broadcast %slice3A_12 : vector<128x1xf32> to vector<128x4992xf32>
    %min3A_61 = vector.broadcast %slice3A_57 : vector<1x4992xf32> to vector<128x4992xf32>
    %min3A_62 = arith.minimumf %min3A_60, %min3A_61 : vector<128x4992xf32>
    %max3A_63 = vector.broadcast %slice3A_10 : vector<128x1xf32> to vector<128x4992xf32>
    %max3A_64 = vector.broadcast %slice3A_55 : vector<1x4992xf32> to vector<128x4992xf32>
    %max3A_65 = arith.maximumf %max3A_63, %max3A_64 : vector<128x4992xf32>
    %sub3A_66 = arith.subf %min3A_62, %max3A_65 : vector<128x4992xf32>
    %max3A_67 = arith.constant 0.000000e+00 : f32
    %max3A_68 = vector.broadcast %max3A_67 : f32 to vector<128x4992xf32>
    %max3A_69 = arith.maximumf %sub3A_66, %max3A_68 : vector<128x4992xf32>
    %min3A_70 = vector.broadcast %slice3A_13 : vector<128x1xf32> to vector<128x4992xf32>
    %min3A_71 = vector.broadcast %slice3A_58 : vector<1x4992xf32> to vector<128x4992xf32>
    %min3A_72 = arith.minimumf %min3A_70, %min3A_71 : vector<128x4992xf32>
    %max3A_73 = vector.broadcast %slice3A_11 : vector<128x1xf32> to vector<128x4992xf32>
    %max3A_74 = vector.broadcast %slice3A_56 : vector<1x4992xf32> to vector<128x4992xf32>
    %max3A_75 = arith.maximumf %max3A_73, %max3A_74 : vector<128x4992xf32>
    %sub3A_76 = arith.subf %min3A_72, %max3A_75 : vector<128x4992xf32>
    %max3A_77 = arith.constant 0.000000e+00 : f32
    %max3A_78 = vector.broadcast %max3A_77 : f32 to vector<128x4992xf32>
    %max3A_79 = arith.maximumf %sub3A_76, %max3A_78 : vector<128x4992xf32>
    %mul3A_80 = arith.mulf %max3A_69, %max3A_79 : vector<128x4992xf32>
    %mul3A_81 = arith.constant 3.000000e+00 : f32
    %mul3A_82 = vector.broadcast %mul3A_81 : f32 to vector<128x4992xf32>
    %mul3A_83 = arith.mulf %mul3A_80, %mul3A_82 : vector<128x4992xf32>
    %add3A_84 = vector.broadcast %slice3A_14 : vector<128x1xf32> to vector<128x4992xf32>
    %add3A_85 = vector.broadcast %slice3A_59 : vector<1x4992xf32> to vector<128x4992xf32>
    %add3A_86 = arith.addf %add3A_84, %add3A_85 : vector<128x4992xf32>
    %gt3A_87 = arith.cmpf ogt, %mul3A_83, %add3A_86 : vector<128x4992xf32>
    %convert_element_type3A = arith.extui %gt3A_87 : vector<128x4992xi1> to vector<128x4992xi32>
    %convert_element_type3A_88 = arith.sitofp %convert_element_type3A : vector<128x4992xi32> to vector<128x4992xf32>
    %convert_element_type3A_89 = arith.truncf %convert_element_type3A_88 : vector<128x4992xf32> to vector<128x4992xbf16>
    %convert_element_type3A_90 = arith.truncf %while3A_51#0 : vector<1x128xf32> to vector<1x128xbf16>
    %dot_general3A_91 = arith.constant dense<0.000000e+00> : vector<1x4992xf32>
    %dot_general3A_92 = tpu.matmul %convert_element_type3A_90, %convert_element_type3A_89, %dot_general3A_91 {dimension_numbers = #tpu.dot_dimension_numbers<[1], [0], [0], [1], [0, 0, 1, 1], [], []>, transpose_lhs_hint = false} : vector<1x128xbf16>, vector<128x4992xbf16>, vector<1x4992xf32> -> vector<1x4992xf32>
    %gt3A_93 = arith.constant 5.000000e-01 : f32
    %gt3A_94 = vector.broadcast %gt3A_93 : f32 to vector<1x4992xf32>
    %gt3A_95 = arith.cmpf ogt, %dot_general3A_92, %gt3A_94 : vector<1x4992xf32>
    %get3A_96 = arith.constant 0 : index
    %get3A_97 = arith.constant 128 : index
    %get3A_98 = vector.load %arg1[%get3A_96, %get3A_97] : memref<1x5120xf32, #tpu.memory_space<vmem>>, vector<1x4992xf32>
    %jit3A_99 = arith.constant 0.000000e+00 : f32
    %broadcast_in_dim3A_100 = vector.broadcast %jit3A_99 : f32 to vector<1x4992xf32>
    %select_n3A_101 = arith.select %gt3A_95, %broadcast_in_dim3A_100, %get3A_98 : vector<1x4992xi1>, vector<1x4992xf32>
    %swap3A_102 = arith.constant 0 : index
    %swap3A_103 = arith.constant 128 : index
    %swap3A_104 = vector.load %arg1[%swap3A_102, %swap3A_103] : memref<1x5120xf32, #tpu.memory_space<vmem>>, vector<1x4992xf32>
    tpu.vector_store %arg1[%swap3A_102, %swap3A_103], %select_n3A_101 {strides = array<i32>} : memref<1x5120xf32, #tpu.memory_space<vmem>>, vector<1x4992xf32>,
    %slice3A_105 = vector.extract_strided_slice %get3A_1 {offsets = [0, 128], sizes = [8, 128], strides = [1, 1]} : vector<8x5120xf32> to vector<8x128xf32>
    %dot_general3A_106 = arith.constant dense<0.000000e+00> : vector<128x8xf32>
    %dot_general3A_107 = tpu.matmul %select_n3A, %slice3A_105, %dot_general3A_106 {dimension_numbers = #tpu.dot_dimension_numbers<[1], [1], [0], [0], [0, 0, 1, 0], [], []>, precision = #tpu.contract_precision<fp32>, transpose_lhs_hint = false} : vector<128x128xf32>, vector<8x128xf32>, vector<128x8xf32> -> vector<128x8xf32>
    %slice3A_108 = vector.extract_strided_slice %dot_general3A_107 {offsets = [0, 0], sizes = [128, 1], strides = [1, 1]} : vector<128x8xf32> to vector<128x1xf32>
    %slice3A_109 = vector.extract_strided_slice %dot_general3A_107 {offsets = [0, 1], sizes = [128, 1], strides = [1, 1]} : vector<128x8xf32> to vector<128x1xf32>
    %slice3A_110 = vector.extract_strided_slice %dot_general3A_107 {offsets = [0, 2], sizes = [128, 1], strides = [1, 1]} : vector<128x8xf32> to vector<128x1xf32>
    %slice3A_111 = vector.extract_strided_slice %dot_general3A_107 {offsets = [0, 3], sizes = [128, 1], strides = [1, 1]} : vector<128x8xf32> to vector<128x1xf32>
    %slice3A_112 = vector.extract_strided_slice %dot_general3A_107 {offsets = [0, 4], sizes = [128, 1], strides = [1, 1]} : vector<128x8xf32> to vector<128x1xf32>
    %slice3A_113 = vector.extract_strided_slice %get3A_1 {offsets = [0, 128], sizes = [1, 128], strides = [1, 1]} : vector<8x5120xf32> to vector<1x128xf32>
    %slice3A_114 = vector.extract_strided_slice %get3A_1 {offsets = [1, 128], sizes = [1, 128], strides = [1, 1]} : vector<8x5120xf32> to vector<1x128xf32>
    %slice3A_115 = vector.extract_strided_slice %get3A_1 {offsets = [2, 128], sizes = [1, 128], strides = [1, 1]} : vector<8x5120xf32> to vector<1x128xf32>
    %slice3A_116 = vector.extract_strided_slice %get3A_1 {offsets = [3, 128], sizes = [1, 128], strides = [1, 1]} : vector<8x5120xf32> to vector<1x128xf32>
    %slice3A_117 = vector.extract_strided_slice %get3A_1 {offsets = [4, 128], sizes = [1, 128], strides = [1, 1]} : vector<8x5120xf32> to vector<1x128xf32>
    %min3A_118 = vector.broadcast %slice3A_110 : vector<128x1xf32> to vector<128x128xf32>
    %min3A_119 = vector.broadcast %slice3A_115 : vector<1x128xf32> to vector<128x128xf32>
    %min3A_120 = arith.minimumf %min3A_118, %min3A_119 : vector<128x128xf32>
    %max3A_121 = vector.broadcast %slice3A_108 : vector<128x1xf32> to vector<128x128xf32>
    %max3A_122 = vector.broadcast %slice3A_113 : vector<1x128xf32> to vector<128x128xf32>
    %max3A_123 = arith.maximumf %max3A_121, %max3A_122 : vector<128x128xf32>
    %sub3A_124 = arith.subf %min3A_120, %max3A_123 : vector<128x128xf32>
    %max3A_125 = arith.constant 0.000000e+00 : f32
    %max3A_126 = vector.broadcast %max3A_125 : f32 to vector<128x128xf32>
    %max3A_127 = arith.maximumf %sub3A_124, %max3A_126 : vector<128x128xf32>
    %min3A_128 = vector.broadcast %slice3A_111 : vector<128x1xf32> to vector<128x128xf32>
    %min3A_129 = vector.broadcast %slice3A_116 : vector<1x128xf32> to vector<128x128xf32>
    %min3A_130 = arith.minimumf %min3A_128, %min3A_129 : vector<128x128xf32>
    %max3A_131 = vector.broadcast %slice3A_109 : vector<128x1xf32> to vector<128x128xf32>
    %max3A_132 = vector.broadcast %slice3A_114 : vector<1x128xf32> to vector<128x128xf32>
    %max3A_133 = arith.maximumf %max3A_131, %max3A_132 : vector<128x128xf32>
    %sub3A_134 = arith.subf %min3A_130, %max3A_133 : vector<128x128xf32>
    %max3A_135 = arith.constant 0.000000e+00 : f32
    %max3A_136 = vector.broadcast %max3A_135 : f32 to vector<128x128xf32>
    %max3A_137 = arith.maximumf %sub3A_134, %max3A_136 : vector<128x128xf32>
    %mul3A_138 = arith.mulf %max3A_127, %max3A_137 : vector<128x128xf32>
    %mul3A_139 = arith.constant 3.000000e+00 : f32
    %mul3A_140 = vector.broadcast %mul3A_139 : f32 to vector<128x128xf32>
    %mul3A_141 = arith.mulf %mul3A_138, %mul3A_140 : vector<128x128xf32>
    %add3A_142 = vector.broadcast %slice3A_112 : vector<128x1xf32> to vector<128x128xf32>
    %add3A_143 = vector.broadcast %slice3A_117 : vector<1x128xf32> to vector<128x128xf32>
    %add3A_144 = arith.addf %add3A_142, %add3A_143 : vector<128x128xf32>
    %gt3A_145 = arith.cmpf ogt, %mul3A_141, %add3A_144 : vector<128x128xf32>
    %and3A_146 = arith.andi %gt3A_145, %gt3A : vector<128x128xi1>
    %jit3A_147 = arith.constant 1.000000e+00 : f32
    %jit3A_148 = arith.constant 0.000000e+00 : f32
    %broadcast_in_dim3A_149 = vector.broadcast %jit3A_147 : f32 to vector<128x128xf32>
    %broadcast_in_dim3A_150 = vector.broadcast %jit3A_148 : f32 to vector<128x128xf32>
    %select_n3A_151 = arith.select %and3A_146, %broadcast_in_dim3A_149, %broadcast_in_dim3A_150 : vector<128x128xi1>, vector<128x128xf32>
    %get3A_152 = arith.constant 0 : index
    %get3A_153 = arith.constant 128 : index
    %get3A_154 = vector.load %arg1[%get3A_152, %get3A_153] : memref<1x5120xf32, #tpu.memory_space<vmem>>, vector<1x128xf32>
    %while3A_155 = arith.constant true
    %while3A_156:2 = scf.while (%while3A_4188 = %get3A_154, %while3A_4189 = %while3A_155) : (vector<1x128xf32>, i1) -> (vector<1x128xf32>, i1) {
      scf.condition(%while3A_4189) %while3A_4188, %while3A_4189 : vector<1x128xf32>, i1
    } do {
    ^bb0(%while3A_4188: vector<1x128xf32>, %while3A_4189: i1):
      %dot_general3A_4190 = arith.constant dense<0.000000e+00> : vector<1x128xf32>
      %dot_general3A_4191 = tpu.matmul %while3A_4188, %select_n3A_151, %dot_general3A_4190 {dimension_numbers = #tpu.dot_dimension_numbers<[1], [0], [0], [1], [0, 0, 1, 1], [], []>, transpose_lhs_hint = false} : vector<1x128xf32>, vector<128x128xf32>, vector<1x128xf32> -> vector<1x128xf32>
      %gt3A_4192 = arith.constant 5.000000e-01 : f32
      %gt3A_4193 = vector.broadcast %gt3A_4192 : f32 to vector<1x128xf32>
      %gt3A_4194 = arith.cmpf ogt, %dot_general3A_4191, %gt3A_4193 : vector<1x128xf32>
      %jit3A_4195 = arith.constant 0.000000e+00 : f32
      %broadcast_in_dim3A_4196 = vector.broadcast %jit3A_4195 : f32 to vector<1x128xf32>
      %select_n3A_4197 = arith.select %gt3A_4194, %broadcast_in_dim3A_4196, %get3A_154 : vector<1x128xi1>, vector<1x128xf32>
      %dot_general3A_4198 = arith.constant dense<0.000000e+00> : vector<1x128xf32>
      %dot_general3A_4199 = tpu.matmul %select_n3A_4197, %select_n3A_151, %dot_general3A_4198 {dimension_numbers = #tpu.dot_dimension_numbers<[1], [0], [0], [1], [0, 0, 1, 1], [], []>, transpose_lhs_hint = false} : vector<1x128xf32>, vector<128x128xf32>, vector<1x128xf32> -> vector<1x128xf32>
      %gt3A_4200 = arith.constant 5.000000e-01 : f32
      %gt3A_4201 = vector.broadcast %gt3A_4200 : f32 to vector<1x128xf32>
      %gt3A_4202 = arith.cmpf ogt, %dot_general3A_4199, %gt3A_4201 : vector<1x128xf32>
      %jit3A_4203 = arith.constant 0.000000e+00 : f32
      %broadcast_in_dim3A_4204 = vector.broadcast %jit3A_4203 : f32 to vector<1x128xf32>
      %select_n3A_4205 = arith.select %gt3A_4202, %broadcast_in_dim3A_4204, %get3A_154 : vector<1x128xi1>, vector<1x128xf32>
      %sub3A_4206 = arith.subf %select_n3A_4205, %select_n3A_4197 : vector<1x128xf32>
      %abs3A = math.absf %sub3A_4206 : vector<1x128xf32>
      %reduce_sum3A = vector.shape_cast %abs3A : vector<1x128xf32> to vector<1x1x128xf32>
      %reduce_sum3A_4207 = arith.constant dense<0.000000e+00> : vector<1xf32>
      %reduce_sum3A_4208 = vector.multi_reduction <add>, %reduce_sum3A, %reduce_sum3A_4207 [1, 2] : vector<1x1x128xf32> to vector<1xf32>
      %reduce_sum3A_4209 = vector.shape_cast %reduce_sum3A_4208 : vector<1xf32> to vector<1x1x1xf32>
      %reduce_sum3A_4210 = vector.extract %reduce_sum3A_4209[0, 0, 0] : f32 from vector<1x1x1xf32>
      %gt3A_4211 = arith.constant 0.000000e+00 : f32
      %gt3A_4212 = arith.cmpf ogt, %reduce_sum3A_4210, %gt3A_4211 : f32
      scf.yield %select_n3A_4205, %gt3A_4212 : vector<1x128xf32>, i1
    }
    %swap3A_157 = arith.constant 0 : index
    %swap3A_158 = arith.constant 128 : index
    %swap3A_159 = vector.load %arg1[%swap3A_157, %swap3A_158] : memref<1x5120xf32, #tpu.memory_space<vmem>>, vector<1x128xf32>
    tpu.vector_store %arg1[%swap3A_157, %swap3A_158], %while3A_156#0 {strides = array<i32>} : memref<1x5120xf32, #tpu.memory_space<vmem>>, vector<1x128xf32>,
    %slice3A_160 = vector.extract_strided_slice %get3A_1 {offsets = [0, 256], sizes = [1, 4864], strides = [1, 1]} : vector<8x5120xf32> to vector<1x4864xf32>
    %slice3A_161 = vector.extract_strided_slice %get3A_1 {offsets = [1, 256], sizes = [1, 4864], strides = [1, 1]} : vector<8x5120xf32> to vector<1x4864xf32>
    %slice3A_162 = vector.extract_strided_slice %get3A_1 {offsets = [2, 256], sizes = [1, 4864], strides = [1, 1]} : vector<8x5120xf32> to vector<1x4864xf32>
    %slice3A_163 = vector.extract_strided_slice %get3A_1 {offsets = [3, 256], sizes = [1, 4864], strides = [1, 1]} : vector<8x5120xf32> to vector<1x4864xf32>
    %slice3A_164 = vector.extract_strided_slice %get3A_1 {offsets = [4, 256], sizes = [1, 4864], strides = [1, 1]} : vector<8x5120xf32> to vector<1x4864xf32>
    %min3A_165 = vector.broadcast %slice3A_110 : vector<128x1xf32> to vector<128x4864xf32>
    %min3A_166 = vector.broadcast %slice3A_162 : vector<1x4864xf32> to vector<128x4864xf32>
    %min3A_167 = arith.minimumf %min3A_165, %min3A_166 : vector<128x4864xf32>
    %max3A_168 = vector.broadcast %slice3A_108 : vector<128x1xf32> to vector<128x4864xf32>
    %max3A_169 = vector.broadcast %slice3A_160 : vector<1x4864xf32> to vector<128x4864xf32>
    %max3A_170 = arith.maximumf %max3A_168, %max3A_169 : vector<128x4864xf32>
    %sub3A_171 = arith.subf %min3A_167, %max3A_170 : vector<128x4864xf32>
    %max3A_172 = arith.constant 0.000000e+00 : f32
    %max3A_173 = vector.broadcast %max3A_172 : f32 to vector<128x4864xf32>
    %max3A_174 = arith.maximumf %sub3A_171, %max3A_173 : vector<128x4864xf32>
    %min3A_175 = vector.broadcast %slice3A_111 : vector<128x1xf32> to vector<128x4864xf32>
    %min3A_176 = vector.broadcast %slice3A_163 : vector<1x4864xf32> to vector<128x4864xf32>
    %min3A_177 = arith.minimumf %min3A_175, %min3A_176 : vector<128x4864xf32>
    %max3A_178 = vector.broadcast %slice3A_109 : vector<128x1xf32> to vector<128x4864xf32>
    %max3A_179 = vector.broadcast %slice3A_161 : vector<1x4864xf32> to vector<128x4864xf32>
    %max3A_180 = arith.maximumf %max3A_178, %max3A_179 : vector<128x4864xf32>
    %sub3A_181 = arith.subf %min3A_177, %max3A_180 : vector<128x4864xf32>
    %max3A_182 = arith.constant 0.000000e+00 : f32
    %max3A_183 = vector.broadcast %max3A_182 : f32 to vector<128x4864xf32>
    %max3A_184 = arith.maximumf %sub3A_181, %max3A_183 : vector<128x4864xf32>
    %mul3A_185 = arith.mulf %max3A_174, %max3A_184 : vector<128x4864xf32>
    %mul3A_186 = arith.constant 3.000000e+00 : f32
    %mul3A_187 = vector.broadcast %mul3A_186 : f32 to vector<128x4864xf32>
    %mul3A_188 = arith.mulf %mul3A_185, %mul3A_187 : vector<128x4864xf32>
    %add3A_189 = vector.broadcast %slice3A_112 : vector<128x1xf32> to vector<128x4864xf32>
    %add3A_190 = vector.broadcast %slice3A_164 : vector<1x4864xf32> to vector<128x4864xf32>
    %add3A_191 = arith.addf %add3A_189, %add3A_190 : vector<128x4864xf32>
    %gt3A_192 = arith.cmpf ogt, %mul3A_188, %add3A_191 : vector<128x4864xf32>
    %convert_element_type3A_193 = arith.extui %gt3A_192 : vector<128x4864xi1> to vector<128x4864xi32>
    %convert_element_type3A_194 = arith.sitofp %convert_element_type3A_193 : vector<128x4864xi32> to vector<128x4864xf32>
    %convert_element_type3A_195 = arith.truncf %convert_element_type3A_194 : vector<128x4864xf32> to vector<128x4864xbf16>
    %convert_element_type3A_196 = arith.truncf %while3A_156#0 : vector<1x128xf32> to vector<1x128xbf16>
    %dot_general3A_197 = arith.constant dense<0.000000e+00> : vector<1x4864xf32>
    %dot_general3A_198 = tpu.matmul %convert_element_type3A_196, %convert_element_type3A_195, %dot_general3A_197 {dimension_numbers = #tpu.dot_dimension_numbers<[1], [0], [0], [1], [0, 0, 1, 1], [], []>, transpose_lhs_hint = false} : vector<1x128xbf16>, vector<128x4864xbf16>, vector<1x4864xf32> -> vector<1x4864xf32>
    %gt3A_199 = arith.constant 5.000000e-01 : f32
    %gt3A_200 = vector.broadcast %gt3A_199 : f32 to vector<1x4864xf32>
    %gt3A_201 = arith.cmpf ogt, %dot_general3A_198, %gt3A_200 : vector<1x4864xf32>
    %get3A_202 = arith.constant 0 : index
    %get3A_203 = arith.constant 256 : index
    %get3A_204 = vector.load %arg1[%get3A_202, %get3A_203] : memref<1x5120xf32, #tpu.memory_space<vmem>>, vector<1x4864xf32>
    %jit3A_205 = arith.constant 0.000000e+00 : f32
    %broadcast_in_dim3A_206 = vector.broadcast %jit3A_205 : f32 to vector<1x4864xf32>
    %select_n3A_207 = arith.select %gt3A_201, %broadcast_in_dim3A_206, %get3A_204 : vector<1x4864xi1>, vector<1x4864xf32>
    %swap3A_208 = arith.constant 0 : index
    %swap3A_209 = arith.constant 256 : index
    %swap3A_210 = vector.load %arg1[%swap3A_208, %swap3A_209] : memref<1x5120xf32, #tpu.memory_space<vmem>>, vector<1x4864xf32>
    tpu.vector_store %arg1[%swap3A_208, %swap3A_209], %select_n3A_207 {strides = array<i32>} : memref<1x5120xf32, #tpu.memory_space<vmem>>, vector<1x4864xf32>,
    %slice3A_211 = vector.extract_strided_slice %get3A_1 {offsets = [0, 256], sizes = [8, 128], strides = [1, 1]} : vector<8x5120xf32> to vector<8x128xf32>
    %dot_general3A_212 = arith.constant dense<0.000000e+00> : vector<128x8xf32>
    %dot_general3A_213 = tpu.matmul %select_n3A, %slice3A_211, %dot_general3A_212 {dimension_numbers = #tpu.dot_dimension_numbers<[1], [1], [0], [0], [0, 0, 1, 0], [], []>, precision = #tpu.contract_precision<fp32>, transpose_lhs_hint = false} : vector<128x128xf32>, vector<8x128xf32>, vector<128x8xf32> -> vector<128x8xf32>
    %slice3A_214 = vector.extract_strided_slice %dot_general3A_213 {offsets = [0, 0], sizes = [128, 1], strides = [1, 1]} : vector<128x8xf32> to vector<128x1xf32>
    %slice3A_215 = vector.extract_strided_slice %dot_general3A_213 {offsets = [0, 1], sizes = [128, 1], strides = [1, 1]} : vector<128x8xf32> to vector<128x1xf32>
    %slice3A_216 = vector.extract_strided_slice %dot_general3A_213 {offsets = [0, 2], sizes = [128, 1], strides = [1, 1]} : vector<128x8xf32> to vector<128x1xf32>
    %slice3A_217 = vector.extract_strided_slice %dot_general3A_213 {offsets = [0, 3], sizes = [128, 1], strides = [1, 1]} : vector<128x8xf32> to vector<128x1xf32>
    %slice3A_218 = vector.extract_strided_slice %dot_general3A_213 {offsets = [0, 4], sizes = [128, 1], strides = [1, 1]} : vector<128x8xf32> to vector<128x1xf32>
    %slice3A_219 = vector.extract_strided_slice %get3A_1 {offsets = [0, 256], sizes = [1, 128], strides = [1, 1]} : vector<8x5120xf32> to vector<1x128xf32>
    %slice3A_220 = vector.extract_strided_slice %get3A_1 {offsets = [1, 256], sizes = [1, 128], strides = [1, 1]} : vector<8x5120xf32> to vector<1x128xf32>
    %slice3A_221 = vector.extract_strided_slice %get3A_1 {offsets = [2, 256], sizes = [1, 128], strides = [1, 1]} : vector<8x5120xf32> to vector<1x128xf32>
    %slice3A_222 = vector.extract_strided_slice %get3A_1 {offsets = [3, 256], sizes = [1, 128], strides = [1, 1]} : vector<8x5120xf32> to vector<1x128xf32>
    %slice3A_223 = vector.extract_strided_slice %get3A_1 {offsets = [4, 256], sizes = [1, 128], strides = [1, 1]} : vector<8x5120xf32> to vector<1x128xf32>
    %min3A_224 = vector.broadcast %slice3A_216 : vector<128x1xf32> to vector<128x128xf32>
    %min3A_225 = vector.broadcast %slice3A_221 : vector<1x128xf32> to vector<128x128xf32>
    %min3A_226 = arith.minimumf %min3A_224, %min3A_225 : vector<128x128xf32>
    %max3A_227 = vector.broadcast %slice3A_214 : vector<128x1xf32> to vector<128x128xf32>
    %max3A_228 = vector.broadcast %slice3A_219 : vector<1x128xf32> to vector<128x128xf32>
    %max3A_229 = arith.maximumf %max3A_227, %max3A_228 : vector<128x128xf32>
    %sub3A_230 = arith.subf %min3A_226, %max3A_229 : vector<128x128xf32>
    %max3A_231 = arith.constant 0.000000e+00 : f32
    %max3A_232 = vector.broadcast %max3A_231 : f32 to vector<128x128xf32>
    %max3A_233 = arith.maximumf %sub3A_230, %max3A_232 : vector<128x128xf32>
    %min3A_234 = vector.broadcast %slice3A_217 : vector<128x1xf32> to vector<128x128xf32>
    %min3A_235 = vector.broadcast %slice3A_222 : vector<1x128xf32> to vector<128x128xf32>
    %min3A_236 = arith.minimumf %min3A_234, %min3A_235 : vector<128x128xf32>
    %max3A_237 = vector.broadcast %slice3A_215 : vector<128x1xf32> to vector<128x128xf32>
    %max3A_238 = vector.broadcast %slice3A_220 : vector<1x128xf32> to vector<128x128xf32>
    %max3A_239 = arith.maximumf %max3A_237, %max3A_238 : vector<128x128xf32>
    %sub3A_240 = arith.subf %min3A_236, %max3A_239 : vector<128x128xf32>
    %max3A_241 = arith.constant 0.000000e+00 : f32
    %max3A_242 = vector.broadcast %max3A_241 : f32 to vector<128x128xf32>
    %max3A_243 = arith.maximumf %sub3A_240, %max3A_242 : vector<128x128xf32>
    %mul3A_244 = arith.mulf %max3A_233, %max3A_243 : vector<128x128xf32>
    %mul3A_245 = arith.constant 3.000000e+00 : f32
    %mul3A_246 = vector.broadcast %mul3A_245 : f32 to vector<128x128xf32>
    %mul3A_247 = arith.mulf %mul3A_244, %mul3A_246 : vector<128x128xf32>
    %add3A_248 = vector.broadcast %slice3A_218 : vector<128x1xf32> to vector<128x128xf32>
    %add3A_249 = vector.broadcast %slice3A_223 : vector<1x128xf32> to vector<128x128xf32>
    %add3A_250 = arith.addf %add3A_248, %add3A_249 : vector<128x128xf32>
    %gt3A_251 = arith.cmpf ogt, %mul3A_247, %add3A_250 : vector<128x128xf32>
    %and3A_252 = arith.andi %gt3A_251, %gt3A : vector<128x128xi1>
    %jit3A_253 = arith.constant 1.000000e+00 : f32
    %jit3A_254 = arith.constant 0.000000e+00 : f32
    %broadcast_in_dim3A_255 = vector.broadcast %jit3A_253 : f32 to vector<128x128xf32>
    %broadcast_in_dim3A_256 = vector.broadcast %jit3A_254 : f32 to vector<128x128xf32>
    %select_n3A_257 = arith.select %and3A_252, %broadcast_in_dim3A_255, %broadcast_in_dim3A_256 : vector<128x128xi1>, vector<128x128xf32>
    %get3A_258 = arith.constant 0 : index
    %get3A_259 = arith.constant 256 : index
    %get3A_260 = vector.load %arg1[%get3A_258, %get3A_259] : memref<1x5120xf32, #tpu.memory_space<vmem>>, vector<1x128xf32>
    %while3A_261 = arith.constant true
    %while3A_262:2 = scf.while (%while3A_4188 = %get3A_260, %while3A_4189 = %while3A_261) : (vector<1x128xf32>, i1) -> (vector<1x128xf32>, i1) {
      scf.condition(%while3A_4189) %while3A_4188, %while3A_4189 : vector<1x128xf32>, i1
    } do {
    ^bb0(%while3A_4188: vector<1x128xf32>, %while3A_4189: i1):
      %dot_general3A_4190 = arith.constant dense<0.000000e+00> : vector<1x128xf32>
      %dot_general3A_4191 = tpu.matmul %while3A_4188, %select_n3A_257, %dot_general3A_4190 {dimension_numbers = #tpu.dot_dimension_numbers<[1], [0], [0], [1], [0, 0, 1, 1], [], []>, transpose_lhs_hint = false} : vector<1x128xf32>, vector<128x128xf32>, vector<1x128xf32> -> vector<1x128xf32>
      %gt3A_4192 = arith.constant 5.000000e-01 : f32
      %gt3A_4193 = vector.broadcast %gt3A_4192 : f32 to vector<1x128xf32>
      %gt3A_4194 = arith.cmpf ogt, %dot_general3A_4191, %gt3A_4193 : vector<1x128xf32>
      %jit3A_4195 = arith.constant 0.000000e+00 : f32
      %broadcast_in_dim3A_4196 = vector.broadcast %jit3A_4195 : f32 to vector<1x128xf32>
      %select_n3A_4197 = arith.select %gt3A_4194, %broadcast_in_dim3A_4196, %get3A_260 : vector<1x128xi1>, vector<1x128xf32>
      %dot_general3A_4198 = arith.constant dense<0.000000e+00> : vector<1x128xf32>
      %dot_general3A_4199 = tpu.matmul %select_n3A_4197, %select_n3A_257, %dot_general3A_4198 {dimension_numbers = #tpu.dot_dimension_numbers<[1], [0], [0], [1], [0, 0, 1, 1], [], []>, transpose_lhs_hint = false} : vector<1x128xf32>, vector<128x128xf32>, vector<1x128xf32> -> vector<1x128xf32>
      %gt3A_4200 = arith.constant 5.000000e-01 : f32
      %gt3A_4201 = vector.broadcast %gt3A_4200 : f32 to vector<1x128xf32>
      %gt3A_4202 = arith.cmpf ogt, %dot_general3A_4199, %gt3A_4201 : vector<1x128xf32>
      %jit3A_4203 = arith.constant 0.000000e+00 : f32
      %broadcast_in_dim3A_4204 = vector.broadcast %jit3A_4203 : f32 to vector<1x128xf32>
      %select_n3A_4205 = arith.select %gt3A_4202, %broadcast_in_dim3A_4204, %get3A_260 : vector<1x128xi1>, vector<1x128xf32>
      %sub3A_4206 = arith.subf %select_n3A_4205, %select_n3A_4197 : vector<1x128xf32>
      %abs3A = math.absf %sub3A_4206 : vector<1x128xf32>
      %reduce_sum3A = vector.shape_cast %abs3A : vector<1x128xf32> to vector<1x1x128xf32>
      %reduce_sum3A_4207 = arith.constant dense<0.000000e+00> : vector<1xf32>
      %reduce_sum3A_4208 = vector.multi_reduction <add>, %reduce_sum3A, %reduce_sum3A_4207 [1, 2] : vector<1x1x128xf32> to vector<1xf32>
      %reduce_sum3A_4209 = vector.shape_cast %reduce_sum3A_4208 : vector<1xf32> to vector<1x1x1xf32>
      %reduce_sum3A_4210 = vector.extract %reduce_sum3A_4209[0, 0, 0] : f32 from vector<1x1x1xf32>
      %gt3A_4211 = arith.constant 0.000000e+00 : f32
      %gt3A_4212 = arith.cmpf ogt, %reduce_sum3A_4210, %gt3A_4211 : f32
      scf.yield %select_n3A_4205, %gt3A_4212 : vector<1x128xf32>, i1
    }
    %swap3A_263 = arith.constant 0 : index
    %swap3A_264 = arith.constant 256 : index
    %swap3A_265 = vector.load %arg1[%swap3A_263, %swap3A_264] : memref<1x5120xf32, #tpu.memory_space<vmem>>, vector<1x128xf32>
    tpu.vector_store %arg1[%swap3A_263, %swap3A_264], %while3A_262#0 {strides = array<i32>} : memref<1x5120xf32, #tpu.memory_space<vmem>>, vector<1x128xf32>,
    %slice3A_266 = vector.extract_strided_slice %get3A_1 {offsets = [0, 384], sizes = [1, 4736], strides = [1, 1]} : vector<8x5120xf32> to vector<1x4736xf32>
    %slice3A_267 = vector.extract_strided_slice %get3A_1 {offsets = [1, 384], sizes = [1, 4736], strides = [1, 1]} : vector<8x5120xf32> to vector<1x4736xf32>
    %slice3A_268 = vector.extract_strided_slice %get3A_1 {offsets = [2, 384], sizes = [1, 4736], strides = [1, 1]} : vector<8x5120xf32> to vector<1x4736xf32>
    %slice3A_269 = vector.extract_strided_slice %get3A_1 {offsets = [3, 384], sizes = [1, 4736], strides = [1, 1]} : vector<8x5120xf32> to vector<1x4736xf32>
    %slice3A_270 = vector.extract_strided_slice %get3A_1 {offsets = [4, 384], sizes = [1, 4736], strides = [1, 1]} : vector<8x5120xf32> to vector<1x4736xf32>
    %min3A_271 = vector.broadcast %slice3A_216 : vector<128x1xf32> to vector<128x4736xf32>
    %min3A_272 = vector.broadcast %slice3A_268 : vector<1x4736xf32> to vector<128x4736xf32>
    %min3A_273 = arith.minimumf %min3A_271, %min3A_272 : vector<128x4736xf32>
    %max3A_274 = vector.broadcast %slice3A_214 : vector<128x1xf32> to vector<128x4736xf32>
    %max3A_275 = vector.broadcast %slice3A_266 : vector<1x4736xf32> to vector<128x4736xf32>
    %max3A_276 = arith.maximumf %max3A_274, %max3A_275 : vector<128x4736xf32>
    %sub3A_277 = arith.subf %min3A_273, %max3A_276 : vector<128x4736xf32>
    %max3A_278 = arith.constant 0.000000e+00 : f32
    %max3A_279 = vector.broadcast %max3A_278 : f32 to vector<128x4736xf32>
    %max3A_280 = arith.maximumf %sub3A_277, %max3A_279 : vector<128x4736xf32>
    %min3A_281 = vector.broadcast %slice3A_217 : vector<128x1xf32> to vector<128x4736xf32>
    %min3A_282 = vector.broadcast %slice3A_269 : vector<1x4736xf32> to vector<128x4736xf32>
    %min3A_283 = arith.minimumf %min3A_281, %min3A_282 : vector<128x4736xf32>
    %max3A_284 = vector.broadcast %slice3A_215 : vector<128x1xf32> to vector<128x4736xf32>
    %max3A_285 = vector.broadcast %slice3A_267 : vector<1x4736xf32> to vector<128x4736xf32>
    %max3A_286 = arith.maximumf %max3A_284, %max3A_285 : vector<128x4736xf32>
    %sub3A_287 = arith.subf %min3A_283, %max3A_286 : vector<128x4736xf32>
    %max3A_288 = arith.constant 0.000000e+00 : f32
    %max3A_289 = vector.broadcast %max3A_288 : f32 to vector<128x4736xf32>
    %max3A_290 = arith.maximumf %sub3A_287, %max3A_289 : vector<128x4736xf32>
    %mul3A_291 = arith.mulf %max3A_280, %max3A_290 : vector<128x4736xf32>
    %mul3A_292 = arith.constant 3.000000e+00 : f32
    %mul3A_293 = vector.broadcast %mul3A_292 : f32 to vector<128x4736xf32>
    %mul3A_294 = arith.mulf %mul3A_291, %mul3A_293 : vector<128x4736xf32>
    %add3A_295 = vector.broadcast %slice3A_218 : vector<128x1xf32> to vector<128x4736xf32>
    %add3A_296 = vector.broadcast %slice3A_270 : vector<1x4736xf32> to vector<128x4736xf32>
    %add3A_297 = arith.addf %add3A_295, %add3A_296 : vector<128x4736xf32>
    %gt3A_298 = arith.cmpf ogt, %mul3A_294, %add3A_297 : vector<128x4736xf32>
    %convert_element_type3A_299 = arith.extui %gt3A_298 : vector<128x4736xi1> to vector<128x4736xi32>
    %convert_element_type3A_300 = arith.sitofp %convert_element_type3A_299 : vector<128x4736xi32> to vector<128x4736xf32>
    %convert_element_type3A_301 = arith.truncf %convert_element_type3A_300 : vector<128x4736xf32> to vector<128x4736xbf16>
    %convert_element_type3A_302 = arith.truncf %while3A_262#0 : vector<1x128xf32> to vector<1x128xbf16>
    %dot_general3A_303 = arith.constant dense<0.000000e+00> : vector<1x4736xf32>
    %dot_general3A_304 = tpu.matmul %convert_element_type3A_302, %convert_element_type3A_301, %dot_general3A_303 {dimension_numbers = #tpu.dot_dimension_numbers<[1], [0], [0], [1], [0, 0, 1, 1], [], []>, transpose_lhs_hint = false} : vector<1x128xbf16>, vector<128x4736xbf16>, vector<1x4736xf32> -> vector<1x4736xf32>
    %gt3A_305 = arith.constant 5.000000e-01 : f32
    %gt3A_306 = vector.broadcast %gt3A_305 : f32 to vector<1x4736xf32>
    %gt3A_307 = arith.cmpf ogt, %dot_general3A_304, %gt3A_306 : vector<1x4736xf32>
    %get3A_308 = arith.constant 0 : index
    %get3A_309 = arith.constant 384 : index
    %get3A_310 = vector.load %arg1[%get3A_308, %get3A_309] : memref<1x5120xf32, #tpu.memory_space<vmem>>, vector<1x4736xf32>
    %jit3A_311 = arith.constant 0.000000e+00 : f32
    %broadcast_in_dim3A_312 = vector.broadcast %jit3A_311 : f32 to vector<1x4736xf32>
    %select_n3A_313 = arith.select %gt3A_307, %broadcast_in_dim3A_312, %get3A_310 : vector<1x4736xi1>, vector<1x4736xf32>
    %swap3A_314 = arith.constant 0 : index
    %swap3A_315 = arith.constant 384 : index
    %swap3A_316 = vector.load %arg1[%swap3A_314, %swap3A_315] : memref<1x5120xf32, #tpu.memory_space<vmem>>, vector<1x4736xf32>
    tpu.vector_store %arg1[%swap3A_314, %swap3A_315], %select_n3A_313 {strides = array<i32>} : memref<1x5120xf32, #tpu.memory_space<vmem>>, vector<1x4736xf32>,
    %slice3A_317 = vector.extract_strided_slice %get3A_1 {offsets = [0, 384], sizes = [8, 128], strides = [1, 1]} : vector<8x5120xf32> to vector<8x128xf32>
    %dot_general3A_318 = arith.constant dense<0.000000e+00> : vector<128x8xf32>
    %dot_general3A_319 = tpu.matmul %select_n3A, %slice3A_317, %dot_general3A_318 {dimension_numbers = #tpu.dot_dimension_numbers<[1], [1], [0], [0], [0, 0, 1, 0], [], []>, precision = #tpu.contract_precision<fp32>, transpose_lhs_hint = false} : vector<128x128xf32>, vector<8x128xf32>, vector<128x8xf32> -> vector<128x8xf32>
    %slice3A_320 = vector.extract_strided_slice %dot_general3A_319 {offsets = [0, 0], sizes = [128, 1], strides = [1, 1]} : vector<128x8xf32> to vector<128x1xf32>
    %slice3A_321 = vector.extract_strided_slice %dot_general3A_319 {offsets = [0, 1], sizes = [128, 1], strides = [1, 1]} : vector<128x8xf32> to vector<128x1xf32>
    %slice3A_322 = vector.extract_strided_slice %dot_general3A_319 {offsets = [0, 2], sizes = [128, 1], strides = [1, 1]} : vector<128x8xf32> to vector<128x1xf32>
    %slice3A_323 = vector.extract_strided_slice %dot_general3A_319 {offsets = [0, 3], sizes = [128, 1], strides = [1, 1]} : vector<128x8xf32> to vector<128x1xf32>
    %slice3A_324 = vector.extract_strided_slice %dot_general3A_319 {offsets = [0, 4], sizes = [128, 1], strides = [1, 1]} : vector<128x8xf32> to vector<128x1xf32>
    %slice3A_325 = vector.extract_strided_slice %get3A_1 {offsets = [0, 384], sizes = [1, 128], strides = [1, 1]} : vector<8x5120xf32> to vector<1x128xf32>
    %slice3A_326 = vector.extract_strided_slice %get3A_1 {offsets = [1, 384], sizes = [1, 128], strides = [1, 1]} : vector<8x5120xf32> to vector<1x128xf32>
    %slice3A_327 = vector.extract_strided_slice %get3A_1 {offsets = [2, 384], sizes = [1, 128], strides = [1, 1]} : vector<8x5120xf32> to vector<1x128xf32>
    %slice3A_328 = vector.extract_strided_slice %get3A_1 {offsets = [3, 384], sizes = [1, 128], strides = [1, 1]} : vector<8x5120xf32> to vector<1x128xf32>
    %slice3A_329 = vector.extract_strided_slice %get3A_1 {offsets = [4, 384], sizes = [1, 128], strides = [1, 1]} : vector<8x5120xf32> to vector<1x128xf32>
    %min3A_330 = vector.broadcast %slice3A_322 : vector<128x1xf32> to vector<128x128xf32>
    %min3A_331 = vector.broadcast %slice3A_327 : vector<1x128xf32> to vector<128x128xf32>
    %min3A_332 = arith.minimumf %min3A_330, %min3A_331 : vector<128x128xf32>
    %max3A_333 = vector.broadcast %slice3A_320 : vector<128x1xf32> to vector<128x128xf32>
    %max3A_334 = vector.broadcast %slice3A_325 : vector<1x128xf32> to vector<128x128xf32>
    %max3A_335 = arith.maximumf %max3A_333, %max3A_334 : vector<128x128xf32>
    %sub3A_336 = arith.subf %min3A_332, %max3A_335 : vector<128x128xf32>
    %max3A_337 = arith.constant 0.000000e+00 : f32
    %max3A_338 = vector.broadcast %max3A_337 : f32 to vector<128x128xf32>
    %max3A_339 = arith.maximumf %sub3A_336, %max3A_338 : vector<128x128xf32>
    %min3A_340 = vector.broadcast %slice3A_323 : vector<128x1xf32> to vector<128x128xf32>
    %min3A_341 = vector.broadcast %slice3A_328 : vector<1x128xf32> to vector<128x128xf32>
    %min3A_342 = arith.minimumf %min3A_340, %min3A_341 : vector<128x128xf32>
    %max3A_343 = vector.broadcast %slice3A_321 : vector<128x1xf32> to vector<128x128xf32>
    %max3A_344 = vector.broadcast %slice3A_326 : vector<1x128xf32> to vector<128x128xf32>
    %max3A_345 = arith.maximumf %max3A_343, %max3A_344 : vector<128x128xf32>
    %sub3A_346 = arith.subf %min3A_342, %max3A_345 : vector<128x128xf32>
    %max3A_347 = arith.constant 0.000000e+00 : f32
    %max3A_348 = vector.broadcast %max3A_347 : f32 to vector<128x128xf32>
    %max3A_349 = arith.maximumf %sub3A_346, %max3A_348 : vector<128x128xf32>
    %mul3A_350 = arith.mulf %max3A_339, %max3A_349 : vector<128x128xf32>
    %mul3A_351 = arith.constant 3.000000e+00 : f32
    %mul3A_352 = vector.broadcast %mul3A_351 : f32 to vector<128x128xf32>
    %mul3A_353 = arith.mulf %mul3A_350, %mul3A_352 : vector<128x128xf32>
    %add3A_354 = vector.broadcast %slice3A_324 : vector<128x1xf32> to vector<128x128xf32>
    %add3A_355 = vector.broadcast %slice3A_329 : vector<1x128xf32> to vector<128x128xf32>
    %add3A_356 = arith.addf %add3A_354, %add3A_355 : vector<128x128xf32>
    %gt3A_357 = arith.cmpf ogt, %mul3A_353, %add3A_356 : vector<128x128xf32>
    %and3A_358 = arith.andi %gt3A_357, %gt3A : vector<128x128xi1>
    %jit3A_359 = arith.constant 1.000000e+00 : f32
    %jit3A_360 = arith.constant 0.000000e+00 : f32
    %broadcast_in_dim3A_361 = vector.broadcast %jit3A_359 : f32 to vector<128x128xf32>
    %broadcast_in_dim3A_362 = vector.broadcast %jit3A_360 : f32 to vector<128x128xf32>
    %select_n3A_363 = arith.select %and3A_358, %broadcast_in_dim3A_361, %broadcast_in_dim3A_362 : vector<128x128xi1>, vector<128x128xf32>
    %get3A_364 = arith.constant 0 : index
    %get3A_365 = arith.constant 384 : index
    %get3A_366 = vector.load %arg1[%get3A_364, %get3A_365] : memref<1x5120xf32, #tpu.memory_space<vmem>>, vector<1x128xf32>
    %while3A_367 = arith.constant true
    %while3A_368:2 = scf.while (%while3A_4188 = %get3A_366, %while3A_4189 = %while3A_367) : (vector<1x128xf32>, i1) -> (vector<1x128xf32>, i1) {
      scf.condition(%while3A_4189) %while3A_4188, %while3A_4189 : vector<1x128xf32>, i1
    } do {
    ^bb0(%while3A_4188: vector<1x128xf32>, %while3A_4189: i1):
      %dot_general3A_4190 = arith.constant dense<0.000000e+00> : vector<1x128xf32>
      %dot_general3A_4191 = tpu.matmul %while3A_4188, %select_n3A_363, %dot_general3A_4190 {dimension_numbers = #tpu.dot_dimension_numbers<[1], [0], [0], [1], [0, 0, 1, 1], [], []>, transpose_lhs_hint = false} : vector<1x128xf32>, vector<128x128xf32>, vector<1x128xf32> -> vector<1x128xf32>
      %gt3A_4192 = arith.constant 5.000000e-01 : f32
      %gt3A_4193 = vector.broadcast %gt3A_4192 : f32 to vector<1x128xf32>
      %gt3A_4194 = arith.cmpf ogt, %dot_general3A_4191, %gt3A_4193 : vector<1x128xf32>
      %jit3A_4195 = arith.constant 0.000000e+00 : f32
      %broadcast_in_dim3A_4196 = vector.broadcast %jit3A_4195 : f32 to vector<1x128xf32>
      %select_n3A_4197 = arith.select %gt3A_4194, %broadcast_in_dim3A_4196, %get3A_366 : vector<1x128xi1>, vector<1x128xf32>
      %dot_general3A_4198 = arith.constant dense<0.000000e+00> : vector<1x128xf32>
      %dot_general3A_4199 = tpu.matmul %select_n3A_4197, %select_n3A_363, %dot_general3A_4198 {dimension_numbers = #tpu.dot_dimension_numbers<[1], [0], [0], [1], [0, 0, 1, 1], [], []>, transpose_lhs_hint = false} : vector<1x128xf32>, vector<128x128xf32>, vector<1x128xf32> -> vector<1x128xf32>
      %gt3A_4200 = arith.constant 5.000000e-01 : f32
      %gt3A_4201 = vector.broadcast %gt3A_4200 : f32 to vector<1x128xf32>
      %gt3A_4202 = arith.cmpf ogt, %dot_general3A_4199, %gt3A_4201 : vector<1x128xf32>
      %jit3A_4203 = arith.constant 0.000000e+00 : f32
      %broadcast_in_dim3A_4204 = vector.broadcast %jit3A_4203 : f32 to vector<1x128xf32>
      %select_n3A_4205 = arith.select %gt3A_4202, %broadcast_in_dim3A_4204, %get3A_366 : vector<1x128xi1>, vector<1x128xf32>
      %sub3A_4206 = arith.subf %select_n3A_4205, %select_n3A_4197 : vector<1x128xf32>
      %abs3A = math.absf %sub3A_4206 : vector<1x128xf32>
      %reduce_sum3A = vector.shape_cast %abs3A : vector<1x128xf32> to vector<1x1x128xf32>
      %reduce_sum3A_4207 = arith.constant dense<0.000000e+00> : vector<1xf32>
      %reduce_sum3A_4208 = vector.multi_reduction <add>, %reduce_sum3A, %reduce_sum3A_4207 [1, 2] : vector<1x1x128xf32> to vector<1xf32>
      %reduce_sum3A_4209 = vector.shape_cast %reduce_sum3A_4208 : vector<1xf32> to vector<1x1x1xf32>
      %reduce_sum3A_4210 = vector.extract %reduce_sum3A_4209[0, 0, 0] : f32 from vector<1x1x1xf32>
      %gt3A_4211 = arith.constant 0.000000e+00 : f32
      %gt3A_4212 = arith.cmpf ogt, %reduce_sum3A_4210, %gt3A_4211 : f32
      scf.yield %select_n3A_4205, %gt3A_4212 : vector<1x128xf32>, i1
    }
    %swap3A_369 = arith.constant 0 : index
    %swap3A_370 = arith.constant 384 : index
    %swap3A_371 = vector.load %arg1[%swap3A_369, %swap3A_370] : memref<1x5120xf32, #tpu.memory_space<vmem>>, vector<1x128xf32>
    tpu.vector_store %arg1[%swap3A_369, %swap3A_370], %while3A_368#0 {strides = array<i32>} : memref<1x5120xf32, #tpu.memory_space<vmem>>, vector<1x128xf32>,
    %slice3A_372 = vector.extract_strided_slice %get3A_1 {offsets = [0, 512], sizes = [1, 4608], strides = [1, 1]} : vector<8x5120xf32> to vector<1x4608xf32>
    %slice3A_373 = vector.extract_strided_slice %get3A_1 {offsets = [1, 512], sizes = [1, 4608], strides = [1, 1]} : vector<8x5120xf32> to vector<1x4608xf32>
    %slice3A_374 = vector.extract_strided_slice %get3A_1 {offsets = [2, 512], sizes = [1, 4608], strides = [1, 1]} : vector<8x5120xf32> to vector<1x4608xf32>
    %slice3A_375 = vector.extract_strided_slice %get3A_1 {offsets = [3, 512], sizes = [1, 4608], strides = [1, 1]} : vector<8x5120xf32> to vector<1x4608xf32>
    %slice3A_376 = vector.extract_strided_slice %get3A_1 {offsets = [4, 512], sizes = [1, 4608], strides = [1, 1]} : vector<8x5120xf32> to vector<1x4608xf32>
    %min3A_377 = vector.broadcast %slice3A_322 : vector<128x1xf32> to vector<128x4608xf32>
    %min3A_378 = vector.broadcast %slice3A_374 : vector<1x4608xf32> to vector<128x4608xf32>
    %min3A_379 = arith.minimumf %min3A_377, %min3A_378 : vector<128x4608xf32>
    %max3A_380 = vector.broadcast %slice3A_320 : vector<128x1xf32> to vector<128x4608xf32>
    %max3A_381 = vector.broadcast %slice3A_372 : vector<1x4608xf32> to vector<128x4608xf32>
    %max3A_382 = arith.maximumf %max3A_380, %max3A_381 : vector<128x4608xf32>
    %sub3A_383 = arith.subf %min3A_379, %max3A_382 : vector<128x4608xf32>
    %max3A_384 = arith.constant 0.000000e+00 : f32
    %max3A_385 = vector.broadcast %max3A_384 : f32 to vector<128x4608xf32>
    %max3A_386 = arith.maximumf %sub3A_383, %max3A_385 : vector<128x4608xf32>
    %min3A_387 = vector.broadcast %slice3A_323 : vector<128x1xf32> to vector<128x4608xf32>
    %min3A_388 = vector.broadcast %slice3A_375 : vector<1x4608xf32> to vector<128x4608xf32>
    %min3A_389 = arith.minimumf %min3A_387, %min3A_388 : vector<128x4608xf32>
    %max3A_390 = vector.broadcast %slice3A_321 : vector<128x1xf32> to vector<128x4608xf32>
    %max3A_391 = vector.broadcast %slice3A_373 : vector<1x4608xf32> to vector<128x4608xf32>
    %max3A_392 = arith.maximumf %max3A_390, %max3A_391 : vector<128x4608xf32>
    %sub3A_393 = arith.subf %min3A_389, %max3A_392 : vector<128x4608xf32>
    %max3A_394 = arith.constant 0.000000e+00 : f32
    %max3A_395 = vector.broadcast %max3A_394 : f32 to vector<128x4608xf32>
    %max3A_396 = arith.maximumf %sub3A_393, %max3A_395 : vector<128x4608xf32>
    %mul3A_397 = arith.mulf %max3A_386, %max3A_396 : vector<128x4608xf32>
    %mul3A_398 = arith.constant 3.000000e+00 : f32
    %mul3A_399 = vector.broadcast %mul3A_398 : f32 to vector<128x4608xf32>
    %mul3A_400 = arith.mulf %mul3A_397, %mul3A_399 : vector<128x4608xf32>
    %add3A_401 = vector.broadcast %slice3A_324 : vector<128x1xf32> to vector<128x4608xf32>
    %add3A_402 = vector.broadcast %slice3A_376 : vector<1x4608xf32> to vector<128x4608xf32>
    %add3A_403 = arith.addf %add3A_401, %add3A_402 : vector<128x4608xf32>
    %gt3A_404 = arith.cmpf ogt, %mul3A_400, %add3A_403 : vector<128x4608xf32>
    %convert_element_type3A_405 = arith.extui %gt3A_404 : vector<128x4608xi1> to vector<128x4608xi32>
    %convert_element_type3A_406 = arith.sitofp %convert_element_type3A_405 : vector<128x4608xi32> to vector<128x4608xf32>
    %convert_element_type3A_407 = arith.truncf %convert_element_type3A_406 : vector<128x4608xf32> to vector<128x4608xbf16>
    %convert_element_type3A_408 = arith.truncf %while3A_368#0 : vector<1x128xf32> to vector<1x128xbf16>
    %dot_general3A_409 = arith.constant dense<0.000000e+00> : vector<1x4608xf32>
    %dot_general3A_410 = tpu.matmul %convert_element_type3A_408, %convert_element_type3A_407, %dot_general3A_409 {dimension_numbers = #tpu.dot_dimension_numbers<[1], [0], [0], [1], [0, 0, 1, 1], [], []>, transpose_lhs_hint = false} : vector<1x128xbf16>, vector<128x4608xbf16>, vector<1x4608xf32> -> vector<1x4608xf32>
    %gt3A_411 = arith.constant 5.000000e-01 : f32
    %gt3A_412 = vector.broadcast %gt3A_411 : f32 to vector<1x4608xf32>
    %gt3A_413 = arith.cmpf ogt, %dot_general3A_410, %gt3A_412 : vector<1x4608xf32>
    %get3A_414 = arith.constant 0 : index
    %get3A_415 = arith.constant 512 : index
    %get3A_416 = vector.load %arg1[%get3A_414, %get3A_415] : memref<1x5120xf32, #tpu.memory_space<vmem>>, vector<1x4608xf32>
    %jit3A_417 = arith.constant 0.000000e+00 : f32
    %broadcast_in_dim3A_418 = vector.broadcast %jit3A_417 : f32 to vector<1x4608xf32>
    %select_n3A_419 = arith.select %gt3A_413, %broadcast_in_dim3A_418, %get3A_416 : vector<1x4608xi1>, vector<1x4608xf32>
    %swap3A_420 = arith.constant 0 : index
    %swap3A_421 = arith.constant 512 : index
    %swap3A_422 = vector.load %arg1[%swap3A_420, %swap3A_421] : memref<1x5120xf32, #tpu.memory_space<vmem>>, vector<1x4608xf32>
    tpu.vector_store %arg1[%swap3A_420, %swap3A_421], %select_n3A_419 {strides = array<i32>} : memref<1x5120xf32, #tpu.memory_space<vmem>>, vector<1x4608xf32>,
    %slice3A_423 = vector.extract_strided_slice %get3A_1 {offsets = [0, 512], sizes = [8, 128], strides = [1, 1]} : vector<8x5120xf32> to vector<8x128xf32>
    %dot_general3A_424 = arith.constant dense<0.000000e+00> : vector<128x8xf32>
    %dot_general3A_425 = tpu.matmul %select_n3A, %slice3A_423, %dot_general3A_424 {dimension_numbers = #tpu.dot_dimension_numbers<[1], [1], [0], [0], [0, 0, 1, 0], [], []>, precision = #tpu.contract_precision<fp32>, transpose_lhs_hint = false} : vector<128x128xf32>, vector<8x128xf32>, vector<128x8xf32> -> vector<128x8xf32>
    %slice3A_426 = vector.extract_strided_slice %dot_general3A_425 {offsets = [0, 0], sizes = [128, 1], strides = [1, 1]} : vector<128x8xf32> to vector<128x1xf32>
    %slice3A_427 = vector.extract_strided_slice %dot_general3A_425 {offsets = [0, 1], sizes = [128, 1], strides = [1, 1]} : vector<128x8xf32> to vector<128x1xf32>
    %slice3A_428 = vector.extract_strided_slice %dot_general3A_425 {offsets = [0, 2], sizes = [128, 1], strides = [1, 1]} : vector<128x8xf32> to vector<128x1xf32>
    %slice3A_429 = vector.extract_strided_slice %dot_general3A_425 {offsets = [0, 3], sizes = [128, 1], strides = [1, 1]} : vector<128x8xf32> to vector<128x1xf32>
    %slice3A_430 = vector.extract_strided_slice %dot_general3A_425 {offsets = [0, 4], sizes = [128, 1], strides = [1, 1]} : vector<128x8xf32> to vector<128x1xf32>
    %slice3A_431 = vector.extract_strided_slice %get3A_1 {offsets = [0, 512], sizes = [1, 128], strides = [1, 1]} : vector<8x5120xf32> to vector<1x128xf32>
    %slice3A_432 = vector.extract_strided_slice %get3A_1 {offsets = [1, 512], sizes = [1, 128], strides = [1, 1]} : vector<8x5120xf32> to vector<1x128xf32>
    %slice3A_433 = vector.extract_strided_slice %get3A_1 {offsets = [2, 512], sizes = [1, 128], strides = [1, 1]} : vector<8x5120xf32> to vector<1x128xf32>
    %slice3A_434 = vector.extract_strided_slice %get3A_1 {offsets = [3, 512], sizes = [1, 128], strides = [1, 1]} : vector<8x5120xf32> to vector<1x128xf32>
    %slice3A_435 = vector.extract_strided_slice %get3A_1 {offsets = [4, 512], sizes = [1, 128], strides = [1, 1]} : vector<8x5120xf32> to vector<1x128xf32>
    %min3A_436 = vector.broadcast %slice3A_428 : vector<128x1xf32> to vector<128x128xf32>
    %min3A_437 = vector.broadcast %slice3A_433 : vector<1x128xf32> to vector<128x128xf32>
    %min3A_438 = arith.minimumf %min3A_436, %min3A_437 : vector<128x128xf32>
    %max3A_439 = vector.broadcast %slice3A_426 : vector<128x1xf32> to vector<128x128xf32>
    %max3A_440 = vector.broadcast %slice3A_431 : vector<1x128xf32> to vector<128x128xf32>
    %max3A_441 = arith.maximumf %max3A_439, %max3A_440 : vector<128x128xf32>
    %sub3A_442 = arith.subf %min3A_438, %max3A_441 : vector<128x128xf32>
    %max3A_443 = arith.constant 0.000000e+00 : f32
    %max3A_444 = vector.broadcast %max3A_443 : f32 to vector<128x128xf32>
    %max3A_445 = arith.maximumf %sub3A_442, %max3A_444 : vector<128x128xf32>
    %min3A_446 = vector.broadcast %slice3A_429 : vector<128x1xf32> to vector<128x128xf32>
    %min3A_447 = vector.broadcast %slice3A_434 : vector<1x128xf32> to vector<128x128xf32>
    %min3A_448 = arith.minimumf %min3A_446, %min3A_447 : vector<128x128xf32>
    %max3A_449 = vector.broadcast %slice3A_427 : vector<128x1xf32> to vector<128x128xf32>
    %max3A_450 = vector.broadcast %slice3A_432 : vector<1x128xf32> to vector<128x128xf32>
    %max3A_451 = arith.maximumf %max3A_449, %max3A_450 : vector<128x128xf32>
    %sub3A_452 = arith.subf %min3A_448, %max3A_451 : vector<128x128xf32>
    %max3A_453 = arith.constant 0.000000e+00 : f32
    %max3A_454 = vector.broadcast %max3A_453 : f32 to vector<128x128xf32>
    %max3A_455 = arith.maximumf %sub3A_452, %max3A_454 : vector<128x128xf32>
    %mul3A_456 = arith.mulf %max3A_445, %max3A_455 : vector<128x128xf32>
    %mul3A_457 = arith.constant 3.000000e+00 : f32
    %mul3A_458 = vector.broadcast %mul3A_457 : f32 to vector<128x128xf32>
    %mul3A_459 = arith.mulf %mul3A_456, %mul3A_458 : vector<128x128xf32>
    %add3A_460 = vector.broadcast %slice3A_430 : vector<128x1xf32> to vector<128x128xf32>
    %add3A_461 = vector.broadcast %slice3A_435 : vector<1x128xf32> to vector<128x128xf32>
    %add3A_462 = arith.addf %add3A_460, %add3A_461 : vector<128x128xf32>
    %gt3A_463 = arith.cmpf ogt, %mul3A_459, %add3A_462 : vector<128x128xf32>
    %and3A_464 = arith.andi %gt3A_463, %gt3A : vector<128x128xi1>
    %jit3A_465 = arith.constant 1.000000e+00 : f32
    %jit3A_466 = arith.constant 0.000000e+00 : f32
    %broadcast_in_dim3A_467 = vector.broadcast %jit3A_465 : f32 to vector<128x128xf32>
    %broadcast_in_dim3A_468 = vector.broadcast %jit3A_466 : f32 to vector<128x128xf32>
    %select_n3A_469 = arith.select %and3A_464, %broadcast_in_dim3A_467, %broadcast_in_dim3A_468 : vector<128x128xi1>, vector<128x128xf32>
    %get3A_470 = arith.constant 0 : index
    %get3A_471 = arith.constant 512 : index
    %get3A_472 = vector.load %arg1[%get3A_470, %get3A_471] : memref<1x5120xf32, #tpu.memory_space<vmem>>, vector<1x128xf32>
    %while3A_473 = arith.constant true
    %while3A_474:2 = scf.while (%while3A_4188 = %get3A_472, %while3A_4189 = %while3A_473) : (vector<1x128xf32>, i1) -> (vector<1x128xf32>, i1) {
      scf.condition(%while3A_4189) %while3A_4188, %while3A_4189 : vector<1x128xf32>, i1
    } do {
    ^bb0(%while3A_4188: vector<1x128xf32>, %while3A_4189: i1):
      %dot_general3A_4190 = arith.constant dense<0.000000e+00> : vector<1x128xf32>
      %dot_general3A_4191 = tpu.matmul %while3A_4188, %select_n3A_469, %dot_general3A_4190 {dimension_numbers = #tpu.dot_dimension_numbers<[1], [0], [0], [1], [0, 0, 1, 1], [], []>, transpose_lhs_hint = false} : vector<1x128xf32>, vector<128x128xf32>, vector<1x128xf32> -> vector<1x128xf32>
      %gt3A_4192 = arith.constant 5.000000e-01 : f32
      %gt3A_4193 = vector.broadcast %gt3A_4192 : f32 to vector<1x128xf32>
      %gt3A_4194 = arith.cmpf ogt, %dot_general3A_4191, %gt3A_4193 : vector<1x128xf32>
      %jit3A_4195 = arith.constant 0.000000e+00 : f32
      %broadcast_in_dim3A_4196 = vector.broadcast %jit3A_4195 : f32 to vector<1x128xf32>
      %select_n3A_4197 = arith.select %gt3A_4194, %broadcast_in_dim3A_4196, %get3A_472 : vector<1x128xi1>, vector<1x128xf32>
      %dot_general3A_4198 = arith.constant dense<0.000000e+00> : vector<1x128xf32>
      %dot_general3A_4199 = tpu.matmul %select_n3A_4197, %select_n3A_469, %dot_general3A_4198 {dimension_numbers = #tpu.dot_dimension_numbers<[1], [0], [0], [1], [0, 0, 1, 1], [], []>, transpose_lhs_hint = false} : vector<1x128xf32>, vector<128x128xf32>, vector<1x128xf32> -> vector<1x128xf32>
      %gt3A_4200 = arith.constant 5.000000e-01 : f32
      %gt3A_4201 = vector.broadcast %gt3A_4200 : f32 to vector<1x128xf32>
      %gt3A_4202 = arith.cmpf ogt, %dot_general3A_4199, %gt3A_4201 : vector<1x128xf32>
      %jit3A_4203 = arith.constant 0.000000e+00 : f32
      %broadcast_in_dim3A_4204 = vector.broadcast %jit3A_4203 : f32 to vector<1x128xf32>
      %select_n3A_4205 = arith.select %gt3A_4202, %broadcast_in_dim3A_4204, %get3A_472 : vector<1x128xi1>, vector<1x128xf32>
      %sub3A_4206 = arith.subf %select_n3A_4205, %select_n3A_4197 : vector<1x128xf32>
      %abs3A = math.absf %sub3A_4206 : vector<1x128xf32>
      %reduce_sum3A = vector.shape_cast %abs3A : vector<1x128xf32> to vector<1x1x128xf32>
      %reduce_sum3A_4207 = arith.constant dense<0.000000e+00> : vector<1xf32>
      %reduce_sum3A_4208 = vector.multi_reduction <add>, %reduce_sum3A, %reduce_sum3A_4207 [1, 2] : vector<1x1x128xf32> to vector<1xf32>
      %reduce_sum3A_4209 = vector.shape_cast %reduce_sum3A_4208 : vector<1xf32> to vector<1x1x1xf32>
      %reduce_sum3A_4210 = vector.extract %reduce_sum3A_4209[0, 0, 0] : f32 from vector<1x1x1xf32>
      %gt3A_4211 = arith.constant 0.000000e+00 : f32
      %gt3A_4212 = arith.cmpf ogt, %reduce_sum3A_4210, %gt3A_4211 : f32
      scf.yield %select_n3A_4205, %gt3A_4212 : vector<1x128xf32>, i1
    }
    %swap3A_475 = arith.constant 0 : index
    %swap3A_476 = arith.constant 512 : index
    %swap3A_477 = vector.load %arg1[%swap3A_475, %swap3A_476] : memref<1x5120xf32, #tpu.memory_space<vmem>>, vector<1x128xf32>
    tpu.vector_store %arg1[%swap3A_475, %swap3A_476], %while3A_474#0 {strides = array<i32>} : memref<1x5120xf32, #tpu.memory_space<vmem>>, vector<1x128xf32>,
    %slice3A_478 = vector.extract_strided_slice %get3A_1 {offsets = [0, 640], sizes = [1, 4480], strides = [1, 1]} : vector<8x5120xf32> to vector<1x4480xf32>
    %slice3A_479 = vector.extract_strided_slice %get3A_1 {offsets = [1, 640], sizes = [1, 4480], strides = [1, 1]} : vector<8x5120xf32> to vector<1x4480xf32>
    %slice3A_480 = vector.extract_strided_slice %get3A_1 {offsets = [2, 640], sizes = [1, 4480], strides = [1, 1]} : vector<8x5120xf32> to vector<1x4480xf32>
    %slice3A_481 = vector.extract_strided_slice %get3A_1 {offsets = [3, 640], sizes = [1, 4480], strides = [1, 1]} : vector<8x5120xf32> to vector<1x4480xf32>
    %slice3A_482 = vector.extract_strided_slice %get3A_1 {offsets = [4, 640], sizes = [1, 4480], strides = [1, 1]} : vector<8x5120xf32> to vector<1x4480xf32>
    %min3A_483 = vector.broadcast %slice3A_428 : vector<128x1xf32> to vector<128x4480xf32>
    %min3A_484 = vector.broadcast %slice3A_480 : vector<1x4480xf32> to vector<128x4480xf32>
    %min3A_485 = arith.minimumf %min3A_483, %min3A_484 : vector<128x4480xf32>
    %max3A_486 = vector.broadcast %slice3A_426 : vector<128x1xf32> to vector<128x4480xf32>
    %max3A_487 = vector.broadcast %slice3A_478 : vector<1x4480xf32> to vector<128x4480xf32>
    %max3A_488 = arith.maximumf %max3A_486, %max3A_487 : vector<128x4480xf32>
    %sub3A_489 = arith.subf %min3A_485, %max3A_488 : vector<128x4480xf32>
    %max3A_490 = arith.constant 0.000000e+00 : f32
    %max3A_491 = vector.broadcast %max3A_490 : f32 to vector<128x4480xf32>
    %max3A_492 = arith.maximumf %sub3A_489, %max3A_491 : vector<128x4480xf32>
    %min3A_493 = vector.broadcast %slice3A_429 : vector<128x1xf32> to vector<128x4480xf32>
    %min3A_494 = vector.broadcast %slice3A_481 : vector<1x4480xf32> to vector<128x4480xf32>
    %min3A_495 = arith.minimumf %min3A_493, %min3A_494 : vector<128x4480xf32>
    %max3A_496 = vector.broadcast %slice3A_427 : vector<128x1xf32> to vector<128x4480xf32>
    %max3A_497 = vector.broadcast %slice3A_479 : vector<1x4480xf32> to vector<128x4480xf32>
    %max3A_498 = arith.maximumf %max3A_496, %max3A_497 : vector<128x4480xf32>
    %sub3A_499 = arith.subf %min3A_495, %max3A_498 : vector<128x4480xf32>
    %max3A_500 = arith.constant 0.000000e+00 : f32
    %max3A_501 = vector.broadcast %max3A_500 : f32 to vector<128x4480xf32>
    %max3A_502 = arith.maximumf %sub3A_499, %max3A_501 : vector<128x4480xf32>
    %mul3A_503 = arith.mulf %max3A_492, %max3A_502 : vector<128x4480xf32>
    %mul3A_504 = arith.constant 3.000000e+00 : f32
    %mul3A_505 = vector.broadcast %mul3A_504 : f32 to vector<128x4480xf32>
    %mul3A_506 = arith.mulf %mul3A_503, %mul3A_505 : vector<128x4480xf32>
    %add3A_507 = vector.broadcast %slice3A_430 : vector<128x1xf32> to vector<128x4480xf32>
    %add3A_508 = vector.broadcast %slice3A_482 : vector<1x4480xf32> to vector<128x4480xf32>
    %add3A_509 = arith.addf %add3A_507, %add3A_508 : vector<128x4480xf32>
    %gt3A_510 = arith.cmpf ogt, %mul3A_506, %add3A_509 : vector<128x4480xf32>
    %convert_element_type3A_511 = arith.extui %gt3A_510 : vector<128x4480xi1> to vector<128x4480xi32>
    %convert_element_type3A_512 = arith.sitofp %convert_element_type3A_511 : vector<128x4480xi32> to vector<128x4480xf32>
    %convert_element_type3A_513 = arith.truncf %convert_element_type3A_512 : vector<128x4480xf32> to vector<128x4480xbf16>
    %convert_element_type3A_514 = arith.truncf %while3A_474#0 : vector<1x128xf32> to vector<1x128xbf16>
    %dot_general3A_515 = arith.constant dense<0.000000e+00> : vector<1x4480xf32>
    %dot_general3A_516 = tpu.matmul %convert_element_type3A_514, %convert_element_type3A_513, %dot_general3A_515 {dimension_numbers = #tpu.dot_dimension_numbers<[1], [0], [0], [1], [0, 0, 1, 1], [], []>, transpose_lhs_hint = false} : vector<1x128xbf16>, vector<128x4480xbf16>, vector<1x4480xf32> -> vector<1x4480xf32>
    %gt3A_517 = arith.constant 5.000000e-01 : f32
    %gt3A_518 = vector.broadcast %gt3A_517 : f32 to vector<1x4480xf32>
    %gt3A_519 = arith.cmpf ogt, %dot_general3A_516, %gt3A_518 : vector<1x4480xf32>
    %get3A_520 = arith.constant 0 : index
    %get3A_521 = arith.constant 640 : index
    %get3A_522 = vector.load %arg1[%get3A_520, %get3A_521] : memref<1x5120xf32, #tpu.memory_space<vmem>>, vector<1x4480xf32>
    %jit3A_523 = arith.constant 0.000000e+00 : f32
    %broadcast_in_dim3A_524 = vector.broadcast %jit3A_523 : f32 to vector<1x4480xf32>
    %select_n3A_525 = arith.select %gt3A_519, %broadcast_in_dim3A_524, %get3A_522 : vector<1x4480xi1>, vector<1x4480xf32>
    %swap3A_526 = arith.constant 0 : index
    %swap3A_527 = arith.constant 640 : index
    %swap3A_528 = vector.load %arg1[%swap3A_526, %swap3A_527] : memref<1x5120xf32, #tpu.memory_space<vmem>>, vector<1x4480xf32>
    tpu.vector_store %arg1[%swap3A_526, %swap3A_527], %select_n3A_525 {strides = array<i32>} : memref<1x5120xf32, #tpu.memory_space<vmem>>, vector<1x4480xf32>,
    %slice3A_529 = vector.extract_strided_slice %get3A_1 {offsets = [0, 640], sizes = [8, 128], strides = [1, 1]} : vector<8x5120xf32> to vector<8x128xf32>
    %dot_general3A_530 = arith.constant dense<0.000000e+00> : vector<128x8xf32>
    %dot_general3A_531 = tpu.matmul %select_n3A, %slice3A_529, %dot_general3A_530 {dimension_numbers = #tpu.dot_dimension_numbers<[1], [1], [0], [0], [0, 0, 1, 0], [], []>, precision = #tpu.contract_precision<fp32>, transpose_lhs_hint = false} : vector<128x128xf32>, vector<8x128xf32>, vector<128x8xf32> -> vector<128x8xf32>
    %slice3A_532 = vector.extract_strided_slice %dot_general3A_531 {offsets = [0, 0], sizes = [128, 1], strides = [1, 1]} : vector<128x8xf32> to vector<128x1xf32>
    %slice3A_533 = vector.extract_strided_slice %dot_general3A_531 {offsets = [0, 1], sizes = [128, 1], strides = [1, 1]} : vector<128x8xf32> to vector<128x1xf32>
    %slice3A_534 = vector.extract_strided_slice %dot_general3A_531 {offsets = [0, 2], sizes = [128, 1], strides = [1, 1]} : vector<128x8xf32> to vector<128x1xf32>
    %slice3A_535 = vector.extract_strided_slice %dot_general3A_531 {offsets = [0, 3], sizes = [128, 1], strides = [1, 1]} : vector<128x8xf32> to vector<128x1xf32>
    %slice3A_536 = vector.extract_strided_slice %dot_general3A_531 {offsets = [0, 4], sizes = [128, 1], strides = [1, 1]} : vector<128x8xf32> to vector<128x1xf32>
    %slice3A_537 = vector.extract_strided_slice %get3A_1 {offsets = [0, 640], sizes = [1, 128], strides = [1, 1]} : vector<8x5120xf32> to vector<1x128xf32>
    %slice3A_538 = vector.extract_strided_slice %get3A_1 {offsets = [1, 640], sizes = [1, 128], strides = [1, 1]} : vector<8x5120xf32> to vector<1x128xf32>
    %slice3A_539 = vector.extract_strided_slice %get3A_1 {offsets = [2, 640], sizes = [1, 128], strides = [1, 1]} : vector<8x5120xf32> to vector<1x128xf32>
    %slice3A_540 = vector.extract_strided_slice %get3A_1 {offsets = [3, 640], sizes = [1, 128], strides = [1, 1]} : vector<8x5120xf32> to vector<1x128xf32>
    %slice3A_541 = vector.extract_strided_slice %get3A_1 {offsets = [4, 640], sizes = [1, 128], strides = [1, 1]} : vector<8x5120xf32> to vector<1x128xf32>
    %min3A_542 = vector.broadcast %slice3A_534 : vector<128x1xf32> to vector<128x128xf32>
    %min3A_543 = vector.broadcast %slice3A_539 : vector<1x128xf32> to vector<128x128xf32>
    %min3A_544 = arith.minimumf %min3A_542, %min3A_543 : vector<128x128xf32>
    %max3A_545 = vector.broadcast %slice3A_532 : vector<128x1xf32> to vector<128x128xf32>
    %max3A_546 = vector.broadcast %slice3A_537 : vector<1x128xf32> to vector<128x128xf32>
    %max3A_547 = arith.maximumf %max3A_545, %max3A_546 : vector<128x128xf32>
    %sub3A_548 = arith.subf %min3A_544, %max3A_547 : vector<128x128xf32>
    %max3A_549 = arith.constant 0.000000e+00 : f32
    %max3A_550 = vector.broadcast %max3A_549 : f32 to vector<128x128xf32>
    %max3A_551 = arith.maximumf %sub3A_548, %max3A_550 : vector<128x128xf32>
    %min3A_552 = vector.broadcast %slice3A_535 : vector<128x1xf32> to vector<128x128xf32>
    %min3A_553 = vector.broadcast %slice3A_540 : vector<1x128xf32> to vector<128x128xf32>
    %min3A_554 = arith.minimumf %min3A_552, %min3A_553 : vector<128x128xf32>
    %max3A_555 = vector.broadcast %slice3A_533 : vector<128x1xf32> to vector<128x128xf32>
    %max3A_556 = vector.broadcast %slice3A_538 : vector<1x128xf32> to vector<128x128xf32>
    %max3A_557 = arith.maximumf %max3A_555, %max3A_556 : vector<128x128xf32>
    %sub3A_558 = arith.subf %min3A_554, %max3A_557 : vector<128x128xf32>
    %max3A_559 = arith.constant 0.000000e+00 : f32
    %max3A_560 = vector.broadcast %max3A_559 : f32 to vector<128x128xf32>
    %max3A_561 = arith.maximumf %sub3A_558, %max3A_560 : vector<128x128xf32>
    %mul3A_562 = arith.mulf %max3A_551, %max3A_561 : vector<128x128xf32>
    %mul3A_563 = arith.constant 3.000000e+00 : f32
    %mul3A_564 = vector.broadcast %mul3A_563 : f32 to vector<128x128xf32>
    %mul3A_565 = arith.mulf %mul3A_562, %mul3A_564 : vector<128x128xf32>
    %add3A_566 = vector.broadcast %slice3A_536 : vector<128x1xf32> to vector<128x128xf32>
    %add3A_567 = vector.broadcast %slice3A_541 : vector<1x128xf32> to vector<128x128xf32>
    %add3A_568 = arith.addf %add3A_566, %add3A_567 : vector<128x128xf32>
    %gt3A_569 = arith.cmpf ogt, %mul3A_565, %add3A_568 : vector<128x128xf32>
    %and3A_570 = arith.andi %gt3A_569, %gt3A : vector<128x128xi1>
    %jit3A_571 = arith.constant 1.000000e+00 : f32
    %jit3A_572 = arith.constant 0.000000e+00 : f32
    %broadcast_in_dim3A_573 = vector.broadcast %jit3A_571 : f32 to vector<128x128xf32>
    %broadcast_in_dim3A_574 = vector.broadcast %jit3A_572 : f32 to vector<128x128xf32>
    %select_n3A_575 = arith.select %and3A_570, %broadcast_in_dim3A_573, %broadcast_in_dim3A_574 : vector<128x128xi1>, vector<128x128xf32>
    %get3A_576 = arith.constant 0 : index
    %get3A_577 = arith.constant 640 : index
    %get3A_578 = vector.load %arg1[%get3A_576, %get3A_577] : memref<1x5120xf32, #tpu.memory_space<vmem>>, vector<1x128xf32>
    %while3A_579 = arith.constant true
    %while3A_580:2 = scf.while (%while3A_4188 = %get3A_578, %while3A_4189 = %while3A_579) : (vector<1x128xf32>, i1) -> (vector<1x128xf32>, i1) {
      scf.condition(%while3A_4189) %while3A_4188, %while3A_4189 : vector<1x128xf32>, i1
    } do {
    ^bb0(%while3A_4188: vector<1x128xf32>, %while3A_4189: i1):
      %dot_general3A_4190 = arith.constant dense<0.000000e+00> : vector<1x128xf32>
      %dot_general3A_4191 = tpu.matmul %while3A_4188, %select_n3A_575, %dot_general3A_4190 {dimension_numbers = #tpu.dot_dimension_numbers<[1], [0], [0], [1], [0, 0, 1, 1], [], []>, transpose_lhs_hint = false} : vector<1x128xf32>, vector<128x128xf32>, vector<1x128xf32> -> vector<1x128xf32>
      %gt3A_4192 = arith.constant 5.000000e-01 : f32
      %gt3A_4193 = vector.broadcast %gt3A_4192 : f32 to vector<1x128xf32>
      %gt3A_4194 = arith.cmpf ogt, %dot_general3A_4191, %gt3A_4193 : vector<1x128xf32>
      %jit3A_4195 = arith.constant 0.000000e+00 : f32
      %broadcast_in_dim3A_4196 = vector.broadcast %jit3A_4195 : f32 to vector<1x128xf32>
      %select_n3A_4197 = arith.select %gt3A_4194, %broadcast_in_dim3A_4196, %get3A_578 : vector<1x128xi1>, vector<1x128xf32>
      %dot_general3A_4198 = arith.constant dense<0.000000e+00> : vector<1x128xf32>
      %dot_general3A_4199 = tpu.matmul %select_n3A_4197, %select_n3A_575, %dot_general3A_4198 {dimension_numbers = #tpu.dot_dimension_numbers<[1], [0], [0], [1], [0, 0, 1, 1], [], []>, transpose_lhs_hint = false} : vector<1x128xf32>, vector<128x128xf32>, vector<1x128xf32> -> vector<1x128xf32>
      %gt3A_4200 = arith.constant 5.000000e-01 : f32
      %gt3A_4201 = vector.broadcast %gt3A_4200 : f32 to vector<1x128xf32>
      %gt3A_4202 = arith.cmpf ogt, %dot_general3A_4199, %gt3A_4201 : vector<1x128xf32>
      %jit3A_4203 = arith.constant 0.000000e+00 : f32
      %broadcast_in_dim3A_4204 = vector.broadcast %jit3A_4203 : f32 to vector<1x128xf32>
      %select_n3A_4205 = arith.select %gt3A_4202, %broadcast_in_dim3A_4204, %get3A_578 : vector<1x128xi1>, vector<1x128xf32>
      %sub3A_4206 = arith.subf %select_n3A_4205, %select_n3A_4197 : vector<1x128xf32>
      %abs3A = math.absf %sub3A_4206 : vector<1x128xf32>
      %reduce_sum3A = vector.shape_cast %abs3A : vector<1x128xf32> to vector<1x1x128xf32>
      %reduce_sum3A_4207 = arith.constant dense<0.000000e+00> : vector<1xf32>
      %reduce_sum3A_4208 = vector.multi_reduction <add>, %reduce_sum3A, %reduce_sum3A_4207 [1, 2] : vector<1x1x128xf32> to vector<1xf32>
      %reduce_sum3A_4209 = vector.shape_cast %reduce_sum3A_4208 : vector<1xf32> to vector<1x1x1xf32>
      %reduce_sum3A_4210 = vector.extract %reduce_sum3A_4209[0, 0, 0] : f32 from vector<1x1x1xf32>
      %gt3A_4211 = arith.constant 0.000000e+00 : f32
      %gt3A_4212 = arith.cmpf ogt, %reduce_sum3A_4210, %gt3A_4211 : f32
      scf.yield %select_n3A_4205, %gt3A_4212 : vector<1x128xf32>, i1
    }
    %swap3A_581 = arith.constant 0 : index
    %swap3A_582 = arith.constant 640 : index
    %swap3A_583 = vector.load %arg1[%swap3A_581, %swap3A_582] : memref<1x5120xf32, #tpu.memory_space<vmem>>, vector<1x128xf32>
    tpu.vector_store %arg1[%swap3A_581, %swap3A_582], %while3A_580#0 {strides = array<i32>} : memref<1x5120xf32, #tpu.memory_space<vmem>>, vector<1x128xf32>,
    %slice3A_584 = vector.extract_strided_slice %get3A_1 {offsets = [0, 768], sizes = [1, 4352], strides = [1, 1]} : vector<8x5120xf32> to vector<1x4352xf32>
    %slice3A_585 = vector.extract_strided_slice %get3A_1 {offsets = [1, 768], sizes = [1, 4352], strides = [1, 1]} : vector<8x5120xf32> to vector<1x4352xf32>
    %slice3A_586 = vector.extract_strided_slice %get3A_1 {offsets = [2, 768], sizes = [1, 4352], strides = [1, 1]} : vector<8x5120xf32> to vector<1x4352xf32>
    %slice3A_587 = vector.extract_strided_slice %get3A_1 {offsets = [3, 768], sizes = [1, 4352], strides = [1, 1]} : vector<8x5120xf32> to vector<1x4352xf32>
    %slice3A_588 = vector.extract_strided_slice %get3A_1 {offsets = [4, 768], sizes = [1, 4352], strides = [1, 1]} : vector<8x5120xf32> to vector<1x4352xf32>
    %min3A_589 = vector.broadcast %slice3A_534 : vector<128x1xf32> to vector<128x4352xf32>
    %min3A_590 = vector.broadcast %slice3A_586 : vector<1x4352xf32> to vector<128x4352xf32>
    %min3A_591 = arith.minimumf %min3A_589, %min3A_590 : vector<128x4352xf32>
    %max3A_592 = vector.broadcast %slice3A_532 : vector<128x1xf32> to vector<128x4352xf32>
    %max3A_593 = vector.broadcast %slice3A_584 : vector<1x4352xf32> to vector<128x4352xf32>
    %max3A_594 = arith.maximumf %max3A_592, %max3A_593 : vector<128x4352xf32>
    %sub3A_595 = arith.subf %min3A_591, %max3A_594 : vector<128x4352xf32>
    %max3A_596 = arith.constant 0.000000e+00 : f32
    %max3A_597 = vector.broadcast %max3A_596 : f32 to vector<128x4352xf32>
    %max3A_598 = arith.maximumf %sub3A_595, %max3A_597 : vector<128x4352xf32>
    %min3A_599 = vector.broadcast %slice3A_535 : vector<128x1xf32> to vector<128x4352xf32>
    %min3A_600 = vector.broadcast %slice3A_587 : vector<1x4352xf32> to vector<128x4352xf32>
    %min3A_601 = arith.minimumf %min3A_599, %min3A_600 : vector<128x4352xf32>
    %max3A_602 = vector.broadcast %slice3A_533 : vector<128x1xf32> to vector<128x4352xf32>
    %max3A_603 = vector.broadcast %slice3A_585 : vector<1x4352xf32> to vector<128x4352xf32>
    %max3A_604 = arith.maximumf %max3A_602, %max3A_603 : vector<128x4352xf32>
    %sub3A_605 = arith.subf %min3A_601, %max3A_604 : vector<128x4352xf32>
    %max3A_606 = arith.constant 0.000000e+00 : f32
    %max3A_607 = vector.broadcast %max3A_606 : f32 to vector<128x4352xf32>
    %max3A_608 = arith.maximumf %sub3A_605, %max3A_607 : vector<128x4352xf32>
    %mul3A_609 = arith.mulf %max3A_598, %max3A_608 : vector<128x4352xf32>
    %mul3A_610 = arith.constant 3.000000e+00 : f32
    %mul3A_611 = vector.broadcast %mul3A_610 : f32 to vector<128x4352xf32>
    %mul3A_612 = arith.mulf %mul3A_609, %mul3A_611 : vector<128x4352xf32>
    %add3A_613 = vector.broadcast %slice3A_536 : vector<128x1xf32> to vector<128x4352xf32>
    %add3A_614 = vector.broadcast %slice3A_588 : vector<1x4352xf32> to vector<128x4352xf32>
    %add3A_615 = arith.addf %add3A_613, %add3A_614 : vector<128x4352xf32>
    %gt3A_616 = arith.cmpf ogt, %mul3A_612, %add3A_615 : vector<128x4352xf32>
    %convert_element_type3A_617 = arith.extui %gt3A_616 : vector<128x4352xi1> to vector<128x4352xi32>
    %convert_element_type3A_618 = arith.sitofp %convert_element_type3A_617 : vector<128x4352xi32> to vector<128x4352xf32>
    %convert_element_type3A_619 = arith.truncf %convert_element_type3A_618 : vector<128x4352xf32> to vector<128x4352xbf16>
    %convert_element_type3A_620 = arith.truncf %while3A_580#0 : vector<1x128xf32> to vector<1x128xbf16>
    %dot_general3A_621 = arith.constant dense<0.000000e+00> : vector<1x4352xf32>
    %dot_general3A_622 = tpu.matmul %convert_element_type3A_620, %convert_element_type3A_619, %dot_general3A_621 {dimension_numbers = #tpu.dot_dimension_numbers<[1], [0], [0], [1], [0, 0, 1, 1], [], []>, transpose_lhs_hint = false} : vector<1x128xbf16>, vector<128x4352xbf16>, vector<1x4352xf32> -> vector<1x4352xf32>
    %gt3A_623 = arith.constant 5.000000e-01 : f32
    %gt3A_624 = vector.broadcast %gt3A_623 : f32 to vector<1x4352xf32>
    %gt3A_625 = arith.cmpf ogt, %dot_general3A_622, %gt3A_624 : vector<1x4352xf32>
    %get3A_626 = arith.constant 0 : index
    %get3A_627 = arith.constant 768 : index
    %get3A_628 = vector.load %arg1[%get3A_626, %get3A_627] : memref<1x5120xf32, #tpu.memory_space<vmem>>, vector<1x4352xf32>
    %jit3A_629 = arith.constant 0.000000e+00 : f32
    %broadcast_in_dim3A_630 = vector.broadcast %jit3A_629 : f32 to vector<1x4352xf32>
    %select_n3A_631 = arith.select %gt3A_625, %broadcast_in_dim3A_630, %get3A_628 : vector<1x4352xi1>, vector<1x4352xf32>
    %swap3A_632 = arith.constant 0 : index
    %swap3A_633 = arith.constant 768 : index
    %swap3A_634 = vector.load %arg1[%swap3A_632, %swap3A_633] : memref<1x5120xf32, #tpu.memory_space<vmem>>, vector<1x4352xf32>
    tpu.vector_store %arg1[%swap3A_632, %swap3A_633], %select_n3A_631 {strides = array<i32>} : memref<1x5120xf32, #tpu.memory_space<vmem>>, vector<1x4352xf32>,
    %slice3A_635 = vector.extract_strided_slice %get3A_1 {offsets = [0, 768], sizes = [8, 128], strides = [1, 1]} : vector<8x5120xf32> to vector<8x128xf32>
    %dot_general3A_636 = arith.constant dense<0.000000e+00> : vector<128x8xf32>
    %dot_general3A_637 = tpu.matmul %select_n3A, %slice3A_635, %dot_general3A_636 {dimension_numbers = #tpu.dot_dimension_numbers<[1], [1], [0], [0], [0, 0, 1, 0], [], []>, precision = #tpu.contract_precision<fp32>, transpose_lhs_hint = false} : vector<128x128xf32>, vector<8x128xf32>, vector<128x8xf32> -> vector<128x8xf32>
    %slice3A_638 = vector.extract_strided_slice %dot_general3A_637 {offsets = [0, 0], sizes = [128, 1], strides = [1, 1]} : vector<128x8xf32> to vector<128x1xf32>
    %slice3A_639 = vector.extract_strided_slice %dot_general3A_637 {offsets = [0, 1], sizes = [128, 1], strides = [1, 1]} : vector<128x8xf32> to vector<128x1xf32>
    %slice3A_640 = vector.extract_strided_slice %dot_general3A_637 {offsets = [0, 2], sizes = [128, 1], strides = [1, 1]} : vector<128x8xf32> to vector<128x1xf32>
    %slice3A_641 = vector.extract_strided_slice %dot_general3A_637 {offsets = [0, 3], sizes = [128, 1], strides = [1, 1]} : vector<128x8xf32> to vector<128x1xf32>
    %slice3A_642 = vector.extract_strided_slice %dot_general3A_637 {offsets = [0, 4], sizes = [128, 1], strides = [1, 1]} : vector<128x8xf32> to vector<128x1xf32>
    %slice3A_643 = vector.extract_strided_slice %get3A_1 {offsets = [0, 768], sizes = [1, 128], strides = [1, 1]} : vector<8x5120xf32> to vector<1x128xf32>
    %slice3A_644 = vector.extract_strided_slice %get3A_1 {offsets = [1, 768], sizes = [1, 128], strides = [1, 1]} : vector<8x5120xf32> to vector<1x128xf32>
    %slice3A_645 = vector.extract_strided_slice %get3A_1 {offsets = [2, 768], sizes = [1, 128], strides = [1, 1]} : vector<8x5120xf32> to vector<1x128xf32>
    %slice3A_646 = vector.extract_strided_slice %get3A_1 {offsets = [3, 768], sizes = [1, 128], strides = [1, 1]} : vector<8x5120xf32> to vector<1x128xf32>
    %slice3A_647 = vector.extract_strided_slice %get3A_1 {offsets = [4, 768], sizes = [1, 128], strides = [1, 1]} : vector<8x5120xf32> to vector<1x128xf32>
    %min3A_648 = vector.broadcast %slice3A_640 : vector<128x1xf32> to vector<128x128xf32>
    %min3A_649 = vector.broadcast %slice3A_645 : vector<1x128xf32> to vector<128x128xf32>
    %min3A_650 = arith.minimumf %min3A_648, %min3A_649 : vector<128x128xf32>
    %max3A_651 = vector.broadcast %slice3A_638 : vector<128x1xf32> to vector<128x128xf32>
    %max3A_652 = vector.broadcast %slice3A_643 : vector<1x128xf32> to vector<128x128xf32>
    %max3A_653 = arith.maximumf %max3A_651, %max3A_652 : vector<128x128xf32>
    %sub3A_654 = arith.subf %min3A_650, %max3A_653 : vector<128x128xf32>
    %max3A_655 = arith.constant 0.000000e+00 : f32
    %max3A_656 = vector.broadcast %max3A_655 : f32 to vector<128x128xf32>
    %max3A_657 = arith.maximumf %sub3A_654, %max3A_656 : vector<128x128xf32>
    %min3A_658 = vector.broadcast %slice3A_641 : vector<128x1xf32> to vector<128x128xf32>
    %min3A_659 = vector.broadcast %slice3A_646 : vector<1x128xf32> to vector<128x128xf32>
    %min3A_660 = arith.minimumf %min3A_658, %min3A_659 : vector<128x128xf32>
    %max3A_661 = vector.broadcast %slice3A_639 : vector<128x1xf32> to vector<128x128xf32>
    %max3A_662 = vector.broadcast %slice3A_644 : vector<1x128xf32> to vector<128x128xf32>
    %max3A_663 = arith.maximumf %max3A_661, %max3A_662 : vector<128x128xf32>
    %sub3A_664 = arith.subf %min3A_660, %max3A_663 : vector<128x128xf32>
    %max3A_665 = arith.constant 0.000000e+00 : f32
    %max3A_666 = vector.broadcast %max3A_665 : f32 to vector<128x128xf32>
    %max3A_667 = arith.maximumf %sub3A_664, %max3A_666 : vector<128x128xf32>
    %mul3A_668 = arith.mulf %max3A_657, %max3A_667 : vector<128x128xf32>
    %mul3A_669 = arith.constant 3.000000e+00 : f32
    %mul3A_670 = vector.broadcast %mul3A_669 : f32 to vector<128x128xf32>
    %mul3A_671 = arith.mulf %mul3A_668, %mul3A_670 : vector<128x128xf32>
    %add3A_672 = vector.broadcast %slice3A_642 : vector<128x1xf32> to vector<128x128xf32>
    %add3A_673 = vector.broadcast %slice3A_647 : vector<1x128xf32> to vector<128x128xf32>
    %add3A_674 = arith.addf %add3A_672, %add3A_673 : vector<128x128xf32>
    %gt3A_675 = arith.cmpf ogt, %mul3A_671, %add3A_674 : vector<128x128xf32>
    %and3A_676 = arith.andi %gt3A_675, %gt3A : vector<128x128xi1>
    %jit3A_677 = arith.constant 1.000000e+00 : f32
    %jit3A_678 = arith.constant 0.000000e+00 : f32
    %broadcast_in_dim3A_679 = vector.broadcast %jit3A_677 : f32 to vector<128x128xf32>
    %broadcast_in_dim3A_680 = vector.broadcast %jit3A_678 : f32 to vector<128x128xf32>
    %select_n3A_681 = arith.select %and3A_676, %broadcast_in_dim3A_679, %broadcast_in_dim3A_680 : vector<128x128xi1>, vector<128x128xf32>
    %get3A_682 = arith.constant 0 : index
    %get3A_683 = arith.constant 768 : index
    %get3A_684 = vector.load %arg1[%get3A_682, %get3A_683] : memref<1x5120xf32, #tpu.memory_space<vmem>>, vector<1x128xf32>
    %while3A_685 = arith.constant true
    %while3A_686:2 = scf.while (%while3A_4188 = %get3A_684, %while3A_4189 = %while3A_685) : (vector<1x128xf32>, i1) -> (vector<1x128xf32>, i1) {
      scf.condition(%while3A_4189) %while3A_4188, %while3A_4189 : vector<1x128xf32>, i1
    } do {
    ^bb0(%while3A_4188: vector<1x128xf32>, %while3A_4189: i1):
      %dot_general3A_4190 = arith.constant dense<0.000000e+00> : vector<1x128xf32>
      %dot_general3A_4191 = tpu.matmul %while3A_4188, %select_n3A_681, %dot_general3A_4190 {dimension_numbers = #tpu.dot_dimension_numbers<[1], [0], [0], [1], [0, 0, 1, 1], [], []>, transpose_lhs_hint = false} : vector<1x128xf32>, vector<128x128xf32>, vector<1x128xf32> -> vector<1x128xf32>
      %gt3A_4192 = arith.constant 5.000000e-01 : f32
      %gt3A_4193 = vector.broadcast %gt3A_4192 : f32 to vector<1x128xf32>
      %gt3A_4194 = arith.cmpf ogt, %dot_general3A_4191, %gt3A_4193 : vector<1x128xf32>
      %jit3A_4195 = arith.constant 0.000000e+00 : f32
      %broadcast_in_dim3A_4196 = vector.broadcast %jit3A_4195 : f32 to vector<1x128xf32>
      %select_n3A_4197 = arith.select %gt3A_4194, %broadcast_in_dim3A_4196, %get3A_684 : vector<1x128xi1>, vector<1x128xf32>
      %dot_general3A_4198 = arith.constant dense<0.000000e+00> : vector<1x128xf32>
      %dot_general3A_4199 = tpu.matmul %select_n3A_4197, %select_n3A_681, %dot_general3A_4198 {dimension_numbers = #tpu.dot_dimension_numbers<[1], [0], [0], [1], [0, 0, 1, 1], [], []>, transpose_lhs_hint = false} : vector<1x128xf32>, vector<128x128xf32>, vector<1x128xf32> -> vector<1x128xf32>
      %gt3A_4200 = arith.constant 5.000000e-01 : f32
      %gt3A_4201 = vector.broadcast %gt3A_4200 : f32 to vector<1x128xf32>
      %gt3A_4202 = arith.cmpf ogt, %dot_general3A_4199, %gt3A_4201 : vector<1x128xf32>
      %jit3A_4203 = arith.constant 0.000000e+00 : f32
      %broadcast_in_dim3A_4204 = vector.broadcast %jit3A_4203 : f32 to vector<1x128xf32>
      %select_n3A_4205 = arith.select %gt3A_4202, %broadcast_in_dim3A_4204, %get3A_684 : vector<1x128xi1>, vector<1x128xf32>
      %sub3A_4206 = arith.subf %select_n3A_4205, %select_n3A_4197 : vector<1x128xf32>
      %abs3A = math.absf %sub3A_4206 : vector<1x128xf32>
      %reduce_sum3A = vector.shape_cast %abs3A : vector<1x128xf32> to vector<1x1x128xf32>
      %reduce_sum3A_4207 = arith.constant dense<0.000000e+00> : vector<1xf32>
      %reduce_sum3A_4208 = vector.multi_reduction <add>, %reduce_sum3A, %reduce_sum3A_4207 [1, 2] : vector<1x1x128xf32> to vector<1xf32>
      %reduce_sum3A_4209 = vector.shape_cast %reduce_sum3A_4208 : vector<1xf32> to vector<1x1x1xf32>
      %reduce_sum3A_4210 = vector.extract %reduce_sum3A_4209[0, 0, 0] : f32 from vector<1x1x1xf32>
      %gt3A_4211 = arith.constant 0.000000e+00 : f32
      %gt3A_4212 = arith.cmpf ogt, %reduce_sum3A_4210, %gt3A_4211 : f32
      scf.yield %select_n3A_4205, %gt3A_4212 : vector<1x128xf32>, i1
    }
    %swap3A_687 = arith.constant 0 : index
    %swap3A_688 = arith.constant 768 : index
    %swap3A_689 = vector.load %arg1[%swap3A_687, %swap3A_688] : memref<1x5120xf32, #tpu.memory_space<vmem>>, vector<1x128xf32>
    tpu.vector_store %arg1[%swap3A_687, %swap3A_688], %while3A_686#0 {strides = array<i32>} : memref<1x5120xf32, #tpu.memory_space<vmem>>, vector<1x128xf32>,
    %slice3A_690 = vector.extract_strided_slice %get3A_1 {offsets = [0, 896], sizes = [1, 4224], strides = [1, 1]} : vector<8x5120xf32> to vector<1x4224xf32>
    %slice3A_691 = vector.extract_strided_slice %get3A_1 {offsets = [1, 896], sizes = [1, 4224], strides = [1, 1]} : vector<8x5120xf32> to vector<1x4224xf32>
    %slice3A_692 = vector.extract_strided_slice %get3A_1 {offsets = [2, 896], sizes = [1, 4224], strides = [1, 1]} : vector<8x5120xf32> to vector<1x4224xf32>
    %slice3A_693 = vector.extract_strided_slice %get3A_1 {offsets = [3, 896], sizes = [1, 4224], strides = [1, 1]} : vector<8x5120xf32> to vector<1x4224xf32>
    %slice3A_694 = vector.extract_strided_slice %get3A_1 {offsets = [4, 896], sizes = [1, 4224], strides = [1, 1]} : vector<8x5120xf32> to vector<1x4224xf32>
    %min3A_695 = vector.broadcast %slice3A_640 : vector<128x1xf32> to vector<128x4224xf32>
    %min3A_696 = vector.broadcast %slice3A_692 : vector<1x4224xf32> to vector<128x4224xf32>
    %min3A_697 = arith.minimumf %min3A_695, %min3A_696 : vector<128x4224xf32>
    %max3A_698 = vector.broadcast %slice3A_638 : vector<128x1xf32> to vector<128x4224xf32>
    %max3A_699 = vector.broadcast %slice3A_690 : vector<1x4224xf32> to vector<128x4224xf32>
    %max3A_700 = arith.maximumf %max3A_698, %max3A_699 : vector<128x4224xf32>
    %sub3A_701 = arith.subf %min3A_697, %max3A_700 : vector<128x4224xf32>
    %max3A_702 = arith.constant 0.000000e+00 : f32
    %max3A_703 = vector.broadcast %max3A_702 : f32 to vector<128x4224xf32>
    %max3A_704 = arith.maximumf %sub3A_701, %max3A_703 : vector<128x4224xf32>
    %min3A_705 = vector.broadcast %slice3A_641 : vector<128x1xf32> to vector<128x4224xf32>
    %min3A_706 = vector.broadcast %slice3A_693 : vector<1x4224xf32> to vector<128x4224xf32>
    %min3A_707 = arith.minimumf %min3A_705, %min3A_706 : vector<128x4224xf32>
    %max3A_708 = vector.broadcast %slice3A_639 : vector<128x1xf32> to vector<128x4224xf32>
    %max3A_709 = vector.broadcast %slice3A_691 : vector<1x4224xf32> to vector<128x4224xf32>
    %max3A_710 = arith.maximumf %max3A_708, %max3A_709 : vector<128x4224xf32>
    %sub3A_711 = arith.subf %min3A_707, %max3A_710 : vector<128x4224xf32>
    %max3A_712 = arith.constant 0.000000e+00 : f32
    %max3A_713 = vector.broadcast %max3A_712 : f32 to vector<128x4224xf32>
    %max3A_714 = arith.maximumf %sub3A_711, %max3A_713 : vector<128x4224xf32>
    %mul3A_715 = arith.mulf %max3A_704, %max3A_714 : vector<128x4224xf32>
    %mul3A_716 = arith.constant 3.000000e+00 : f32
    %mul3A_717 = vector.broadcast %mul3A_716 : f32 to vector<128x4224xf32>
    %mul3A_718 = arith.mulf %mul3A_715, %mul3A_717 : vector<128x4224xf32>
    %add3A_719 = vector.broadcast %slice3A_642 : vector<128x1xf32> to vector<128x4224xf32>
    %add3A_720 = vector.broadcast %slice3A_694 : vector<1x4224xf32> to vector<128x4224xf32>
    %add3A_721 = arith.addf %add3A_719, %add3A_720 : vector<128x4224xf32>
    %gt3A_722 = arith.cmpf ogt, %mul3A_718, %add3A_721 : vector<128x4224xf32>
    %convert_element_type3A_723 = arith.extui %gt3A_722 : vector<128x4224xi1> to vector<128x4224xi32>
    %convert_element_type3A_724 = arith.sitofp %convert_element_type3A_723 : vector<128x4224xi32> to vector<128x4224xf32>
    %convert_element_type3A_725 = arith.truncf %convert_element_type3A_724 : vector<128x4224xf32> to vector<128x4224xbf16>
    %convert_element_type3A_726 = arith.truncf %while3A_686#0 : vector<1x128xf32> to vector<1x128xbf16>
    %dot_general3A_727 = arith.constant dense<0.000000e+00> : vector<1x4224xf32>
    %dot_general3A_728 = tpu.matmul %convert_element_type3A_726, %convert_element_type3A_725, %dot_general3A_727 {dimension_numbers = #tpu.dot_dimension_numbers<[1], [0], [0], [1], [0, 0, 1, 1], [], []>, transpose_lhs_hint = false} : vector<1x128xbf16>, vector<128x4224xbf16>, vector<1x4224xf32> -> vector<1x4224xf32>
    %gt3A_729 = arith.constant 5.000000e-01 : f32
    %gt3A_730 = vector.broadcast %gt3A_729 : f32 to vector<1x4224xf32>
    %gt3A_731 = arith.cmpf ogt, %dot_general3A_728, %gt3A_730 : vector<1x4224xf32>
    %get3A_732 = arith.constant 0 : index
    %get3A_733 = arith.constant 896 : index
    %get3A_734 = vector.load %arg1[%get3A_732, %get3A_733] : memref<1x5120xf32, #tpu.memory_space<vmem>>, vector<1x4224xf32>
    %jit3A_735 = arith.constant 0.000000e+00 : f32
    %broadcast_in_dim3A_736 = vector.broadcast %jit3A_735 : f32 to vector<1x4224xf32>
    %select_n3A_737 = arith.select %gt3A_731, %broadcast_in_dim3A_736, %get3A_734 : vector<1x4224xi1>, vector<1x4224xf32>
    %swap3A_738 = arith.constant 0 : index
    %swap3A_739 = arith.constant 896 : index
    %swap3A_740 = vector.load %arg1[%swap3A_738, %swap3A_739] : memref<1x5120xf32, #tpu.memory_space<vmem>>, vector<1x4224xf32>
    tpu.vector_store %arg1[%swap3A_738, %swap3A_739], %select_n3A_737 {strides = array<i32>} : memref<1x5120xf32, #tpu.memory_space<vmem>>, vector<1x4224xf32>,
    %slice3A_741 = vector.extract_strided_slice %get3A_1 {offsets = [0, 896], sizes = [8, 128], strides = [1, 1]} : vector<8x5120xf32> to vector<8x128xf32>
    %dot_general3A_742 = arith.constant dense<0.000000e+00> : vector<128x8xf32>
    %dot_general3A_743 = tpu.matmul %select_n3A, %slice3A_741, %dot_general3A_742 {dimension_numbers = #tpu.dot_dimension_numbers<[1], [1], [0], [0], [0, 0, 1, 0], [], []>, precision = #tpu.contract_precision<fp32>, transpose_lhs_hint = false} : vector<128x128xf32>, vector<8x128xf32>, vector<128x8xf32> -> vector<128x8xf32>
    %slice3A_744 = vector.extract_strided_slice %dot_general3A_743 {offsets = [0, 0], sizes = [128, 1], strides = [1, 1]} : vector<128x8xf32> to vector<128x1xf32>
    %slice3A_745 = vector.extract_strided_slice %dot_general3A_743 {offsets = [0, 1], sizes = [128, 1], strides = [1, 1]} : vector<128x8xf32> to vector<128x1xf32>
    %slice3A_746 = vector.extract_strided_slice %dot_general3A_743 {offsets = [0, 2], sizes = [128, 1], strides = [1, 1]} : vector<128x8xf32> to vector<128x1xf32>
    %slice3A_747 = vector.extract_strided_slice %dot_general3A_743 {offsets = [0, 3], sizes = [128, 1], strides = [1, 1]} : vector<128x8xf32> to vector<128x1xf32>
    %slice3A_748 = vector.extract_strided_slice %dot_general3A_743 {offsets = [0, 4], sizes = [128, 1], strides = [1, 1]} : vector<128x8xf32> to vector<128x1xf32>
    %slice3A_749 = vector.extract_strided_slice %get3A_1 {offsets = [0, 896], sizes = [1, 128], strides = [1, 1]} : vector<8x5120xf32> to vector<1x128xf32>
    %slice3A_750 = vector.extract_strided_slice %get3A_1 {offsets = [1, 896], sizes = [1, 128], strides = [1, 1]} : vector<8x5120xf32> to vector<1x128xf32>
    %slice3A_751 = vector.extract_strided_slice %get3A_1 {offsets = [2, 896], sizes = [1, 128], strides = [1, 1]} : vector<8x5120xf32> to vector<1x128xf32>
    %slice3A_752 = vector.extract_strided_slice %get3A_1 {offsets = [3, 896], sizes = [1, 128], strides = [1, 1]} : vector<8x5120xf32> to vector<1x128xf32>
    %slice3A_753 = vector.extract_strided_slice %get3A_1 {offsets = [4, 896], sizes = [1, 128], strides = [1, 1]} : vector<8x5120xf32> to vector<1x128xf32>
    %min3A_754 = vector.broadcast %slice3A_746 : vector<128x1xf32> to vector<128x128xf32>
    %min3A_755 = vector.broadcast %slice3A_751 : vector<1x128xf32> to vector<128x128xf32>
    %min3A_756 = arith.minimumf %min3A_754, %min3A_755 : vector<128x128xf32>
    %max3A_757 = vector.broadcast %slice3A_744 : vector<128x1xf32> to vector<128x128xf32>
    %max3A_758 = vector.broadcast %slice3A_749 : vector<1x128xf32> to vector<128x128xf32>
    %max3A_759 = arith.maximumf %max3A_757, %max3A_758 : vector<128x128xf32>
    %sub3A_760 = arith.subf %min3A_756, %max3A_759 : vector<128x128xf32>
    %max3A_761 = arith.constant 0.000000e+00 : f32
    %max3A_762 = vector.broadcast %max3A_761 : f32 to vector<128x128xf32>
    %max3A_763 = arith.maximumf %sub3A_760, %max3A_762 : vector<128x128xf32>
    %min3A_764 = vector.broadcast %slice3A_747 : vector<128x1xf32> to vector<128x128xf32>
    %min3A_765 = vector.broadcast %slice3A_752 : vector<1x128xf32> to vector<128x128xf32>
    %min3A_766 = arith.minimumf %min3A_764, %min3A_765 : vector<128x128xf32>
    %max3A_767 = vector.broadcast %slice3A_745 : vector<128x1xf32> to vector<128x128xf32>
    %max3A_768 = vector.broadcast %slice3A_750 : vector<1x128xf32> to vector<128x128xf32>
    %max3A_769 = arith.maximumf %max3A_767, %max3A_768 : vector<128x128xf32>
    %sub3A_770 = arith.subf %min3A_766, %max3A_769 : vector<128x128xf32>
    %max3A_771 = arith.constant 0.000000e+00 : f32
    %max3A_772 = vector.broadcast %max3A_771 : f32 to vector<128x128xf32>
    %max3A_773 = arith.maximumf %sub3A_770, %max3A_772 : vector<128x128xf32>
    %mul3A_774 = arith.mulf %max3A_763, %max3A_773 : vector<128x128xf32>
    %mul3A_775 = arith.constant 3.000000e+00 : f32
    %mul3A_776 = vector.broadcast %mul3A_775 : f32 to vector<128x128xf32>
    %mul3A_777 = arith.mulf %mul3A_774, %mul3A_776 : vector<128x128xf32>
    %add3A_778 = vector.broadcast %slice3A_748 : vector<128x1xf32> to vector<128x128xf32>
    %add3A_779 = vector.broadcast %slice3A_753 : vector<1x128xf32> to vector<128x128xf32>
    %add3A_780 = arith.addf %add3A_778, %add3A_779 : vector<128x128xf32>
    %gt3A_781 = arith.cmpf ogt, %mul3A_777, %add3A_780 : vector<128x128xf32>
    %and3A_782 = arith.andi %gt3A_781, %gt3A : vector<128x128xi1>
    %jit3A_783 = arith.constant 1.000000e+00 : f32
    %jit3A_784 = arith.constant 0.000000e+00 : f32
    %broadcast_in_dim3A_785 = vector.broadcast %jit3A_783 : f32 to vector<128x128xf32>
    %broadcast_in_dim3A_786 = vector.broadcast %jit3A_784 : f32 to vector<128x128xf32>
    %select_n3A_787 = arith.select %and3A_782, %broadcast_in_dim3A_785, %broadcast_in_dim3A_786 : vector<128x128xi1>, vector<128x128xf32>
    %get3A_788 = arith.constant 0 : index
    %get3A_789 = arith.constant 896 : index
    %get3A_790 = vector.load %arg1[%get3A_788, %get3A_789] : memref<1x5120xf32, #tpu.memory_space<vmem>>, vector<1x128xf32>
    %while3A_791 = arith.constant true
    %while3A_792:2 = scf.while (%while3A_4188 = %get3A_790, %while3A_4189 = %while3A_791) : (vector<1x128xf32>, i1) -> (vector<1x128xf32>, i1) {
      scf.condition(%while3A_4189) %while3A_4188, %while3A_4189 : vector<1x128xf32>, i1
    } do {
    ^bb0(%while3A_4188: vector<1x128xf32>, %while3A_4189: i1):
      %dot_general3A_4190 = arith.constant dense<0.000000e+00> : vector<1x128xf32>
      %dot_general3A_4191 = tpu.matmul %while3A_4188, %select_n3A_787, %dot_general3A_4190 {dimension_numbers = #tpu.dot_dimension_numbers<[1], [0], [0], [1], [0, 0, 1, 1], [], []>, transpose_lhs_hint = false} : vector<1x128xf32>, vector<128x128xf32>, vector<1x128xf32> -> vector<1x128xf32>
      %gt3A_4192 = arith.constant 5.000000e-01 : f32
      %gt3A_4193 = vector.broadcast %gt3A_4192 : f32 to vector<1x128xf32>
      %gt3A_4194 = arith.cmpf ogt, %dot_general3A_4191, %gt3A_4193 : vector<1x128xf32>
      %jit3A_4195 = arith.constant 0.000000e+00 : f32
      %broadcast_in_dim3A_4196 = vector.broadcast %jit3A_4195 : f32 to vector<1x128xf32>
      %select_n3A_4197 = arith.select %gt3A_4194, %broadcast_in_dim3A_4196, %get3A_790 : vector<1x128xi1>, vector<1x128xf32>
      %dot_general3A_4198 = arith.constant dense<0.000000e+00> : vector<1x128xf32>
      %dot_general3A_4199 = tpu.matmul %select_n3A_4197, %select_n3A_787, %dot_general3A_4198 {dimension_numbers = #tpu.dot_dimension_numbers<[1], [0], [0], [1], [0, 0, 1, 1], [], []>, transpose_lhs_hint = false} : vector<1x128xf32>, vector<128x128xf32>, vector<1x128xf32> -> vector<1x128xf32>
      %gt3A_4200 = arith.constant 5.000000e-01 : f32
      %gt3A_4201 = vector.broadcast %gt3A_4200 : f32 to vector<1x128xf32>
      %gt3A_4202 = arith.cmpf ogt, %dot_general3A_4199, %gt3A_4201 : vector<1x128xf32>
      %jit3A_4203 = arith.constant 0.000000e+00 : f32
      %broadcast_in_dim3A_4204 = vector.broadcast %jit3A_4203 : f32 to vector<1x128xf32>
      %select_n3A_4205 = arith.select %gt3A_4202, %broadcast_in_dim3A_4204, %get3A_790 : vector<1x128xi1>, vector<1x128xf32>
      %sub3A_4206 = arith.subf %select_n3A_4205, %select_n3A_4197 : vector<1x128xf32>
      %abs3A = math.absf %sub3A_4206 : vector<1x128xf32>
      %reduce_sum3A = vector.shape_cast %abs3A : vector<1x128xf32> to vector<1x1x128xf32>
      %reduce_sum3A_4207 = arith.constant dense<0.000000e+00> : vector<1xf32>
      %reduce_sum3A_4208 = vector.multi_reduction <add>, %reduce_sum3A, %reduce_sum3A_4207 [1, 2] : vector<1x1x128xf32> to vector<1xf32>
      %reduce_sum3A_4209 = vector.shape_cast %reduce_sum3A_4208 : vector<1xf32> to vector<1x1x1xf32>
      %reduce_sum3A_4210 = vector.extract %reduce_sum3A_4209[0, 0, 0] : f32 from vector<1x1x1xf32>
      %gt3A_4211 = arith.constant 0.000000e+00 : f32
      %gt3A_4212 = arith.cmpf ogt, %reduce_sum3A_4210, %gt3A_4211 : f32
      scf.yield %select_n3A_4205, %gt3A_4212 : vector<1x128xf32>, i1
    }
    %swap3A_793 = arith.constant 0 : index
    %swap3A_794 = arith.constant 896 : index
    %swap3A_795 = vector.load %arg1[%swap3A_793, %swap3A_794] : memref<1x5120xf32, #tpu.memory_space<vmem>>, vector<1x128xf32>
    tpu.vector_store %arg1[%swap3A_793, %swap3A_794], %while3A_792#0 {strides = array<i32>} : memref<1x5120xf32, #tpu.memory_space<vmem>>, vector<1x128xf32>,
    %slice3A_796 = vector.extract_strided_slice %get3A_1 {offsets = [0, 1024], sizes = [1, 4096], strides = [1, 1]} : vector<8x5120xf32> to vector<1x4096xf32>
    %slice3A_797 = vector.extract_strided_slice %get3A_1 {offsets = [1, 1024], sizes = [1, 4096], strides = [1, 1]} : vector<8x5120xf32> to vector<1x4096xf32>
    %slice3A_798 = vector.extract_strided_slice %get3A_1 {offsets = [2, 1024], sizes = [1, 4096], strides = [1, 1]} : vector<8x5120xf32> to vector<1x4096xf32>
    %slice3A_799 = vector.extract_strided_slice %get3A_1 {offsets = [3, 1024], sizes = [1, 4096], strides = [1, 1]} : vector<8x5120xf32> to vector<1x4096xf32>
    %slice3A_800 = vector.extract_strided_slice %get3A_1 {offsets = [4, 1024], sizes = [1, 4096], strides = [1, 1]} : vector<8x5120xf32> to vector<1x4096xf32>
    %min3A_801 = vector.broadcast %slice3A_746 : vector<128x1xf32> to vector<128x4096xf32>
    %min3A_802 = vector.broadcast %slice3A_798 : vector<1x4096xf32> to vector<128x4096xf32>
    %min3A_803 = arith.minimumf %min3A_801, %min3A_802 : vector<128x4096xf32>
    %max3A_804 = vector.broadcast %slice3A_744 : vector<128x1xf32> to vector<128x4096xf32>
    %max3A_805 = vector.broadcast %slice3A_796 : vector<1x4096xf32> to vector<128x4096xf32>
    %max3A_806 = arith.maximumf %max3A_804, %max3A_805 : vector<128x4096xf32>
    %sub3A_807 = arith.subf %min3A_803, %max3A_806 : vector<128x4096xf32>
    %max3A_808 = arith.constant 0.000000e+00 : f32
    %max3A_809 = vector.broadcast %max3A_808 : f32 to vector<128x4096xf32>
    %max3A_810 = arith.maximumf %sub3A_807, %max3A_809 : vector<128x4096xf32>
    %min3A_811 = vector.broadcast %slice3A_747 : vector<128x1xf32> to vector<128x4096xf32>
    %min3A_812 = vector.broadcast %slice3A_799 : vector<1x4096xf32> to vector<128x4096xf32>
    %min3A_813 = arith.minimumf %min3A_811, %min3A_812 : vector<128x4096xf32>
    %max3A_814 = vector.broadcast %slice3A_745 : vector<128x1xf32> to vector<128x4096xf32>
    %max3A_815 = vector.broadcast %slice3A_797 : vector<1x4096xf32> to vector<128x4096xf32>
    %max3A_816 = arith.maximumf %max3A_814, %max3A_815 : vector<128x4096xf32>
    %sub3A_817 = arith.subf %min3A_813, %max3A_816 : vector<128x4096xf32>
    %max3A_818 = arith.constant 0.000000e+00 : f32
    %max3A_819 = vector.broadcast %max3A_818 : f32 to vector<128x4096xf32>
    %max3A_820 = arith.maximumf %sub3A_817, %max3A_819 : vector<128x4096xf32>
    %mul3A_821 = arith.mulf %max3A_810, %max3A_820 : vector<128x4096xf32>
    %mul3A_822 = arith.constant 3.000000e+00 : f32
    %mul3A_823 = vector.broadcast %mul3A_822 : f32 to vector<128x4096xf32>
    %mul3A_824 = arith.mulf %mul3A_821, %mul3A_823 : vector<128x4096xf32>
    %add3A_825 = vector.broadcast %slice3A_748 : vector<128x1xf32> to vector<128x4096xf32>
    %add3A_826 = vector.broadcast %slice3A_800 : vector<1x4096xf32> to vector<128x4096xf32>
    %add3A_827 = arith.addf %add3A_825, %add3A_826 : vector<128x4096xf32>
    %gt3A_828 = arith.cmpf ogt, %mul3A_824, %add3A_827 : vector<128x4096xf32>
    %convert_element_type3A_829 = arith.extui %gt3A_828 : vector<128x4096xi1> to vector<128x4096xi32>
    %convert_element_type3A_830 = arith.sitofp %convert_element_type3A_829 : vector<128x4096xi32> to vector<128x4096xf32>
    %convert_element_type3A_831 = arith.truncf %convert_element_type3A_830 : vector<128x4096xf32> to vector<128x4096xbf16>
    %convert_element_type3A_832 = arith.truncf %while3A_792#0 : vector<1x128xf32> to vector<1x128xbf16>
    %dot_general3A_833 = arith.constant dense<0.000000e+00> : vector<1x4096xf32>
    %dot_general3A_834 = tpu.matmul %convert_element_type3A_832, %convert_element_type3A_831, %dot_general3A_833 {dimension_numbers = #tpu.dot_dimension_numbers<[1], [0], [0], [1], [0, 0, 1, 1], [], []>, transpose_lhs_hint = false} : vector<1x128xbf16>, vector<128x4096xbf16>, vector<1x4096xf32> -> vector<1x4096xf32>
    %gt3A_835 = arith.constant 5.000000e-01 : f32
    %gt3A_836 = vector.broadcast %gt3A_835 : f32 to vector<1x4096xf32>
    %gt3A_837 = arith.cmpf ogt, %dot_general3A_834, %gt3A_836 : vector<1x4096xf32>
    %get3A_838 = arith.constant 0 : index
    %get3A_839 = arith.constant 1024 : index
    %get3A_840 = vector.load %arg1[%get3A_838, %get3A_839] : memref<1x5120xf32, #tpu.memory_space<vmem>>, vector<1x4096xf32>
    %jit3A_841 = arith.constant 0.000000e+00 : f32
    %broadcast_in_dim3A_842 = vector.broadcast %jit3A_841 : f32 to vector<1x4096xf32>
    %select_n3A_843 = arith.select %gt3A_837, %broadcast_in_dim3A_842, %get3A_840 : vector<1x4096xi1>, vector<1x4096xf32>
    %swap3A_844 = arith.constant 0 : index
    %swap3A_845 = arith.constant 1024 : index
    %swap3A_846 = vector.load %arg1[%swap3A_844, %swap3A_845] : memref<1x5120xf32, #tpu.memory_space<vmem>>, vector<1x4096xf32>
    tpu.vector_store %arg1[%swap3A_844, %swap3A_845], %select_n3A_843 {strides = array<i32>} : memref<1x5120xf32, #tpu.memory_space<vmem>>, vector<1x4096xf32>,
    %slice3A_847 = vector.extract_strided_slice %get3A_1 {offsets = [0, 1024], sizes = [8, 128], strides = [1, 1]} : vector<8x5120xf32> to vector<8x128xf32>
    %dot_general3A_848 = arith.constant dense<0.000000e+00> : vector<128x8xf32>
    %dot_general3A_849 = tpu.matmul %select_n3A, %slice3A_847, %dot_general3A_848 {dimension_numbers = #tpu.dot_dimension_numbers<[1], [1], [0], [0], [0, 0, 1, 0], [], []>, precision = #tpu.contract_precision<fp32>, transpose_lhs_hint = false} : vector<128x128xf32>, vector<8x128xf32>, vector<128x8xf32> -> vector<128x8xf32>
    %slice3A_850 = vector.extract_strided_slice %dot_general3A_849 {offsets = [0, 0], sizes = [128, 1], strides = [1, 1]} : vector<128x8xf32> to vector<128x1xf32>
    %slice3A_851 = vector.extract_strided_slice %dot_general3A_849 {offsets = [0, 1], sizes = [128, 1], strides = [1, 1]} : vector<128x8xf32> to vector<128x1xf32>
    %slice3A_852 = vector.extract_strided_slice %dot_general3A_849 {offsets = [0, 2], sizes = [128, 1], strides = [1, 1]} : vector<128x8xf32> to vector<128x1xf32>
    %slice3A_853 = vector.extract_strided_slice %dot_general3A_849 {offsets = [0, 3], sizes = [128, 1], strides = [1, 1]} : vector<128x8xf32> to vector<128x1xf32>
    %slice3A_854 = vector.extract_strided_slice %dot_general3A_849 {offsets = [0, 4], sizes = [128, 1], strides = [1, 1]} : vector<128x8xf32> to vector<128x1xf32>
    %slice3A_855 = vector.extract_strided_slice %get3A_1 {offsets = [0, 1024], sizes = [1, 128], strides = [1, 1]} : vector<8x5120xf32> to vector<1x128xf32>
    %slice3A_856 = vector.extract_strided_slice %get3A_1 {offsets = [1, 1024], sizes = [1, 128], strides = [1, 1]} : vector<8x5120xf32> to vector<1x128xf32>
    %slice3A_857 = vector.extract_strided_slice %get3A_1 {offsets = [2, 1024], sizes = [1, 128], strides = [1, 1]} : vector<8x5120xf32> to vector<1x128xf32>
    %slice3A_858 = vector.extract_strided_slice %get3A_1 {offsets = [3, 1024], sizes = [1, 128], strides = [1, 1]} : vector<8x5120xf32> to vector<1x128xf32>
    %slice3A_859 = vector.extract_strided_slice %get3A_1 {offsets = [4, 1024], sizes = [1, 128], strides = [1, 1]} : vector<8x5120xf32> to vector<1x128xf32>
    %min3A_860 = vector.broadcast %slice3A_852 : vector<128x1xf32> to vector<128x128xf32>
    %min3A_861 = vector.broadcast %slice3A_857 : vector<1x128xf32> to vector<128x128xf32>
    %min3A_862 = arith.minimumf %min3A_860, %min3A_861 : vector<128x128xf32>
    %max3A_863 = vector.broadcast %slice3A_850 : vector<128x1xf32> to vector<128x128xf32>
    %max3A_864 = vector.broadcast %slice3A_855 : vector<1x128xf32> to vector<128x128xf32>
    %max3A_865 = arith.maximumf %max3A_863, %max3A_864 : vector<128x128xf32>
    %sub3A_866 = arith.subf %min3A_862, %max3A_865 : vector<128x128xf32>
    %max3A_867 = arith.constant 0.000000e+00 : f32
    %max3A_868 = vector.broadcast %max3A_867 : f32 to vector<128x128xf32>
    %max3A_869 = arith.maximumf %sub3A_866, %max3A_868 : vector<128x128xf32>
    %min3A_870 = vector.broadcast %slice3A_853 : vector<128x1xf32> to vector<128x128xf32>
    %min3A_871 = vector.broadcast %slice3A_858 : vector<1x128xf32> to vector<128x128xf32>
    %min3A_872 = arith.minimumf %min3A_870, %min3A_871 : vector<128x128xf32>
    %max3A_873 = vector.broadcast %slice3A_851 : vector<128x1xf32> to vector<128x128xf32>
    %max3A_874 = vector.broadcast %slice3A_856 : vector<1x128xf32> to vector<128x128xf32>
    %max3A_875 = arith.maximumf %max3A_873, %max3A_874 : vector<128x128xf32>
    %sub3A_876 = arith.subf %min3A_872, %max3A_875 : vector<128x128xf32>
    %max3A_877 = arith.constant 0.000000e+00 : f32
    %max3A_878 = vector.broadcast %max3A_877 : f32 to vector<128x128xf32>
    %max3A_879 = arith.maximumf %sub3A_876, %max3A_878 : vector<128x128xf32>
    %mul3A_880 = arith.mulf %max3A_869, %max3A_879 : vector<128x128xf32>
    %mul3A_881 = arith.constant 3.000000e+00 : f32
    %mul3A_882 = vector.broadcast %mul3A_881 : f32 to vector<128x128xf32>
    %mul3A_883 = arith.mulf %mul3A_880, %mul3A_882 : vector<128x128xf32>
    %add3A_884 = vector.broadcast %slice3A_854 : vector<128x1xf32> to vector<128x128xf32>
    %add3A_885 = vector.broadcast %slice3A_859 : vector<1x128xf32> to vector<128x128xf32>
    %add3A_886 = arith.addf %add3A_884, %add3A_885 : vector<128x128xf32>
    %gt3A_887 = arith.cmpf ogt, %mul3A_883, %add3A_886 : vector<128x128xf32>
    %and3A_888 = arith.andi %gt3A_887, %gt3A : vector<128x128xi1>
    %jit3A_889 = arith.constant 1.000000e+00 : f32
    %jit3A_890 = arith.constant 0.000000e+00 : f32
    %broadcast_in_dim3A_891 = vector.broadcast %jit3A_889 : f32 to vector<128x128xf32>
    %broadcast_in_dim3A_892 = vector.broadcast %jit3A_890 : f32 to vector<128x128xf32>
    %select_n3A_893 = arith.select %and3A_888, %broadcast_in_dim3A_891, %broadcast_in_dim3A_892 : vector<128x128xi1>, vector<128x128xf32>
    %get3A_894 = arith.constant 0 : index
    %get3A_895 = arith.constant 1024 : index
    %get3A_896 = vector.load %arg1[%get3A_894, %get3A_895] : memref<1x5120xf32, #tpu.memory_space<vmem>>, vector<1x128xf32>
    %while3A_897 = arith.constant true
    %while3A_898:2 = scf.while (%while3A_4188 = %get3A_896, %while3A_4189 = %while3A_897) : (vector<1x128xf32>, i1) -> (vector<1x128xf32>, i1) {
      scf.condition(%while3A_4189) %while3A_4188, %while3A_4189 : vector<1x128xf32>, i1
    } do {
    ^bb0(%while3A_4188: vector<1x128xf32>, %while3A_4189: i1):
      %dot_general3A_4190 = arith.constant dense<0.000000e+00> : vector<1x128xf32>
      %dot_general3A_4191 = tpu.matmul %while3A_4188, %select_n3A_893, %dot_general3A_4190 {dimension_numbers = #tpu.dot_dimension_numbers<[1], [0], [0], [1], [0, 0, 1, 1], [], []>, transpose_lhs_hint = false} : vector<1x128xf32>, vector<128x128xf32>, vector<1x128xf32> -> vector<1x128xf32>
      %gt3A_4192 = arith.constant 5.000000e-01 : f32
      %gt3A_4193 = vector.broadcast %gt3A_4192 : f32 to vector<1x128xf32>
      %gt3A_4194 = arith.cmpf ogt, %dot_general3A_4191, %gt3A_4193 : vector<1x128xf32>
      %jit3A_4195 = arith.constant 0.000000e+00 : f32
      %broadcast_in_dim3A_4196 = vector.broadcast %jit3A_4195 : f32 to vector<1x128xf32>
      %select_n3A_4197 = arith.select %gt3A_4194, %broadcast_in_dim3A_4196, %get3A_896 : vector<1x128xi1>, vector<1x128xf32>
      %dot_general3A_4198 = arith.constant dense<0.000000e+00> : vector<1x128xf32>
      %dot_general3A_4199 = tpu.matmul %select_n3A_4197, %select_n3A_893, %dot_general3A_4198 {dimension_numbers = #tpu.dot_dimension_numbers<[1], [0], [0], [1], [0, 0, 1, 1], [], []>, transpose_lhs_hint = false} : vector<1x128xf32>, vector<128x128xf32>, vector<1x128xf32> -> vector<1x128xf32>
      %gt3A_4200 = arith.constant 5.000000e-01 : f32
      %gt3A_4201 = vector.broadcast %gt3A_4200 : f32 to vector<1x128xf32>
      %gt3A_4202 = arith.cmpf ogt, %dot_general3A_4199, %gt3A_4201 : vector<1x128xf32>
      %jit3A_4203 = arith.constant 0.000000e+00 : f32
      %broadcast_in_dim3A_4204 = vector.broadcast %jit3A_4203 : f32 to vector<1x128xf32>
      %select_n3A_4205 = arith.select %gt3A_4202, %broadcast_in_dim3A_4204, %get3A_896 : vector<1x128xi1>, vector<1x128xf32>
      %sub3A_4206 = arith.subf %select_n3A_4205, %select_n3A_4197 : vector<1x128xf32>
      %abs3A = math.absf %sub3A_4206 : vector<1x128xf32>
      %reduce_sum3A = vector.shape_cast %abs3A : vector<1x128xf32> to vector<1x1x128xf32>
      %reduce_sum3A_4207 = arith.constant dense<0.000000e+00> : vector<1xf32>
      %reduce_sum3A_4208 = vector.multi_reduction <add>, %reduce_sum3A, %reduce_sum3A_4207 [1, 2] : vector<1x1x128xf32> to vector<1xf32>
      %reduce_sum3A_4209 = vector.shape_cast %reduce_sum3A_4208 : vector<1xf32> to vector<1x1x1xf32>
      %reduce_sum3A_4210 = vector.extract %reduce_sum3A_4209[0, 0, 0] : f32 from vector<1x1x1xf32>
      %gt3A_4211 = arith.constant 0.000000e+00 : f32
      %gt3A_4212 = arith.cmpf ogt, %reduce_sum3A_4210, %gt3A_4211 : f32
      scf.yield %select_n3A_4205, %gt3A_4212 : vector<1x128xf32>, i1
    }
    %swap3A_899 = arith.constant 0 : index
    %swap3A_900 = arith.constant 1024 : index
    %swap3A_901 = vector.load %arg1[%swap3A_899, %swap3A_900] : memref<1x5120xf32, #tpu.memory_space<vmem>>, vector<1x128xf32>
    tpu.vector_store %arg1[%swap3A_899, %swap3A_900], %while3A_898#0 {strides = array<i32>} : memref<1x5120xf32, #tpu.memory_space<vmem>>, vector<1x128xf32>,
    %slice3A_902 = vector.extract_strided_slice %get3A_1 {offsets = [0, 1152], sizes = [1, 3968], strides = [1, 1]} : vector<8x5120xf32> to vector<1x3968xf32>
    %slice3A_903 = vector.extract_strided_slice %get3A_1 {offsets = [1, 1152], sizes = [1, 3968], strides = [1, 1]} : vector<8x5120xf32> to vector<1x3968xf32>
    %slice3A_904 = vector.extract_strided_slice %get3A_1 {offsets = [2, 1152], sizes = [1, 3968], strides = [1, 1]} : vector<8x5120xf32> to vector<1x3968xf32>
    %slice3A_905 = vector.extract_strided_slice %get3A_1 {offsets = [3, 1152], sizes = [1, 3968], strides = [1, 1]} : vector<8x5120xf32> to vector<1x3968xf32>
    %slice3A_906 = vector.extract_strided_slice %get3A_1 {offsets = [4, 1152], sizes = [1, 3968], strides = [1, 1]} : vector<8x5120xf32> to vector<1x3968xf32>
    %min3A_907 = vector.broadcast %slice3A_852 : vector<128x1xf32> to vector<128x3968xf32>
    %min3A_908 = vector.broadcast %slice3A_904 : vector<1x3968xf32> to vector<128x3968xf32>
    %min3A_909 = arith.minimumf %min3A_907, %min3A_908 : vector<128x3968xf32>
    %max3A_910 = vector.broadcast %slice3A_850 : vector<128x1xf32> to vector<128x3968xf32>
    %max3A_911 = vector.broadcast %slice3A_902 : vector<1x3968xf32> to vector<128x3968xf32>
    %max3A_912 = arith.maximumf %max3A_910, %max3A_911 : vector<128x3968xf32>
    %sub3A_913 = arith.subf %min3A_909, %max3A_912 : vector<128x3968xf32>
    %max3A_914 = arith.constant 0.000000e+00 : f32
    %max3A_915 = vector.broadcast %max3A_914 : f32 to vector<128x3968xf32>
    %max3A_916 = arith.maximumf %sub3A_913, %max3A_915 : vector<128x3968xf32>
    %min3A_917 = vector.broadcast %slice3A_853 : vector<128x1xf32> to vector<128x3968xf32>
    %min3A_918 = vector.broadcast %slice3A_905 : vector<1x3968xf32> to vector<128x3968xf32>
    %min3A_919 = arith.minimumf %min3A_917, %min3A_918 : vector<128x3968xf32>
    %max3A_920 = vector.broadcast %slice3A_851 : vector<128x1xf32> to vector<128x3968xf32>
    %max3A_921 = vector.broadcast %slice3A_903 : vector<1x3968xf32> to vector<128x3968xf32>
    %max3A_922 = arith.maximumf %max3A_920, %max3A_921 : vector<128x3968xf32>
    %sub3A_923 = arith.subf %min3A_919, %max3A_922 : vector<128x3968xf32>
    %max3A_924 = arith.constant 0.000000e+00 : f32
    %max3A_925 = vector.broadcast %max3A_924 : f32 to vector<128x3968xf32>
    %max3A_926 = arith.maximumf %sub3A_923, %max3A_925 : vector<128x3968xf32>
    %mul3A_927 = arith.mulf %max3A_916, %max3A_926 : vector<128x3968xf32>
    %mul3A_928 = arith.constant 3.000000e+00 : f32
    %mul3A_929 = vector.broadcast %mul3A_928 : f32 to vector<128x3968xf32>
    %mul3A_930 = arith.mulf %mul3A_927, %mul3A_929 : vector<128x3968xf32>
    %add3A_931 = vector.broadcast %slice3A_854 : vector<128x1xf32> to vector<128x3968xf32>
    %add3A_932 = vector.broadcast %slice3A_906 : vector<1x3968xf32> to vector<128x3968xf32>
    %add3A_933 = arith.addf %add3A_931, %add3A_932 : vector<128x3968xf32>
    %gt3A_934 = arith.cmpf ogt, %mul3A_930, %add3A_933 : vector<128x3968xf32>
    %convert_element_type3A_935 = arith.extui %gt3A_934 : vector<128x3968xi1> to vector<128x3968xi32>
    %convert_element_type3A_936 = arith.sitofp %convert_element_type3A_935 : vector<128x3968xi32> to vector<128x3968xf32>
    %convert_element_type3A_937 = arith.truncf %convert_element_type3A_936 : vector<128x3968xf32> to vector<128x3968xbf16>
    %convert_element_type3A_938 = arith.truncf %while3A_898#0 : vector<1x128xf32> to vector<1x128xbf16>
    %dot_general3A_939 = arith.constant dense<0.000000e+00> : vector<1x3968xf32>
    %dot_general3A_940 = tpu.matmul %convert_element_type3A_938, %convert_element_type3A_937, %dot_general3A_939 {dimension_numbers = #tpu.dot_dimension_numbers<[1], [0], [0], [1], [0, 0, 1, 1], [], []>, transpose_lhs_hint = false} : vector<1x128xbf16>, vector<128x3968xbf16>, vector<1x3968xf32> -> vector<1x3968xf32>
    %gt3A_941 = arith.constant 5.000000e-01 : f32
    %gt3A_942 = vector.broadcast %gt3A_941 : f32 to vector<1x3968xf32>
    %gt3A_943 = arith.cmpf ogt, %dot_general3A_940, %gt3A_942 : vector<1x3968xf32>
    %get3A_944 = arith.constant 0 : index
    %get3A_945 = arith.constant 1152 : index
    %get3A_946 = vector.load %arg1[%get3A_944, %get3A_945] : memref<1x5120xf32, #tpu.memory_space<vmem>>, vector<1x3968xf32>
    %jit3A_947 = arith.constant 0.000000e+00 : f32
    %broadcast_in_dim3A_948 = vector.broadcast %jit3A_947 : f32 to vector<1x3968xf32>
    %select_n3A_949 = arith.select %gt3A_943, %broadcast_in_dim3A_948, %get3A_946 : vector<1x3968xi1>, vector<1x3968xf32>
    %swap3A_950 = arith.constant 0 : index
    %swap3A_951 = arith.constant 1152 : index
    %swap3A_952 = vector.load %arg1[%swap3A_950, %swap3A_951] : memref<1x5120xf32, #tpu.memory_space<vmem>>, vector<1x3968xf32>
    tpu.vector_store %arg1[%swap3A_950, %swap3A_951], %select_n3A_949 {strides = array<i32>} : memref<1x5120xf32, #tpu.memory_space<vmem>>, vector<1x3968xf32>,
    %slice3A_953 = vector.extract_strided_slice %get3A_1 {offsets = [0, 1152], sizes = [8, 128], strides = [1, 1]} : vector<8x5120xf32> to vector<8x128xf32>
    %dot_general3A_954 = arith.constant dense<0.000000e+00> : vector<128x8xf32>
    %dot_general3A_955 = tpu.matmul %select_n3A, %slice3A_953, %dot_general3A_954 {dimension_numbers = #tpu.dot_dimension_numbers<[1], [1], [0], [0], [0, 0, 1, 0], [], []>, precision = #tpu.contract_precision<fp32>, transpose_lhs_hint = false} : vector<128x128xf32>, vector<8x128xf32>, vector<128x8xf32> -> vector<128x8xf32>
    %slice3A_956 = vector.extract_strided_slice %dot_general3A_955 {offsets = [0, 0], sizes = [128, 1], strides = [1, 1]} : vector<128x8xf32> to vector<128x1xf32>
    %slice3A_957 = vector.extract_strided_slice %dot_general3A_955 {offsets = [0, 1], sizes = [128, 1], strides = [1, 1]} : vector<128x8xf32> to vector<128x1xf32>
    %slice3A_958 = vector.extract_strided_slice %dot_general3A_955 {offsets = [0, 2], sizes = [128, 1], strides = [1, 1]} : vector<128x8xf32> to vector<128x1xf32>
    %slice3A_959 = vector.extract_strided_slice %dot_general3A_955 {offsets = [0, 3], sizes = [128, 1], strides = [1, 1]} : vector<128x8xf32> to vector<128x1xf32>
    %slice3A_960 = vector.extract_strided_slice %dot_general3A_955 {offsets = [0, 4], sizes = [128, 1], strides = [1, 1]} : vector<128x8xf32> to vector<128x1xf32>
    %slice3A_961 = vector.extract_strided_slice %get3A_1 {offsets = [0, 1152], sizes = [1, 128], strides = [1, 1]} : vector<8x5120xf32> to vector<1x128xf32>
    %slice3A_962 = vector.extract_strided_slice %get3A_1 {offsets = [1, 1152], sizes = [1, 128], strides = [1, 1]} : vector<8x5120xf32> to vector<1x128xf32>
    %slice3A_963 = vector.extract_strided_slice %get3A_1 {offsets = [2, 1152], sizes = [1, 128], strides = [1, 1]} : vector<8x5120xf32> to vector<1x128xf32>
    %slice3A_964 = vector.extract_strided_slice %get3A_1 {offsets = [3, 1152], sizes = [1, 128], strides = [1, 1]} : vector<8x5120xf32> to vector<1x128xf32>
    %slice3A_965 = vector.extract_strided_slice %get3A_1 {offsets = [4, 1152], sizes = [1, 128], strides = [1, 1]} : vector<8x5120xf32> to vector<1x128xf32>
    %min3A_966 = vector.broadcast %slice3A_958 : vector<128x1xf32> to vector<128x128xf32>
    %min3A_967 = vector.broadcast %slice3A_963 : vector<1x128xf32> to vector<128x128xf32>
    %min3A_968 = arith.minimumf %min3A_966, %min3A_967 : vector<128x128xf32>
    %max3A_969 = vector.broadcast %slice3A_956 : vector<128x1xf32> to vector<128x128xf32>
    %max3A_970 = vector.broadcast %slice3A_961 : vector<1x128xf32> to vector<128x128xf32>
    %max3A_971 = arith.maximumf %max3A_969, %max3A_970 : vector<128x128xf32>
    %sub3A_972 = arith.subf %min3A_968, %max3A_971 : vector<128x128xf32>
    %max3A_973 = arith.constant 0.000000e+00 : f32
    %max3A_974 = vector.broadcast %max3A_973 : f32 to vector<128x128xf32>
    %max3A_975 = arith.maximumf %sub3A_972, %max3A_974 : vector<128x128xf32>
    %min3A_976 = vector.broadcast %slice3A_959 : vector<128x1xf32> to vector<128x128xf32>
    %min3A_977 = vector.broadcast %slice3A_964 : vector<1x128xf32> to vector<128x128xf32>
    %min3A_978 = arith.minimumf %min3A_976, %min3A_977 : vector<128x128xf32>
    %max3A_979 = vector.broadcast %slice3A_957 : vector<128x1xf32> to vector<128x128xf32>
    %max3A_980 = vector.broadcast %slice3A_962 : vector<1x128xf32> to vector<128x128xf32>
    %max3A_981 = arith.maximumf %max3A_979, %max3A_980 : vector<128x128xf32>
    %sub3A_982 = arith.subf %min3A_978, %max3A_981 : vector<128x128xf32>
    %max3A_983 = arith.constant 0.000000e+00 : f32
    %max3A_984 = vector.broadcast %max3A_983 : f32 to vector<128x128xf32>
    %max3A_985 = arith.maximumf %sub3A_982, %max3A_984 : vector<128x128xf32>
    %mul3A_986 = arith.mulf %max3A_975, %max3A_985 : vector<128x128xf32>
    %mul3A_987 = arith.constant 3.000000e+00 : f32
    %mul3A_988 = vector.broadcast %mul3A_987 : f32 to vector<128x128xf32>
    %mul3A_989 = arith.mulf %mul3A_986, %mul3A_988 : vector<128x128xf32>
    %add3A_990 = vector.broadcast %slice3A_960 : vector<128x1xf32> to vector<128x128xf32>
    %add3A_991 = vector.broadcast %slice3A_965 : vector<1x128xf32> to vector<128x128xf32>
    %add3A_992 = arith.addf %add3A_990, %add3A_991 : vector<128x128xf32>
    %gt3A_993 = arith.cmpf ogt, %mul3A_989, %add3A_992 : vector<128x128xf32>
    %and3A_994 = arith.andi %gt3A_993, %gt3A : vector<128x128xi1>
    %jit3A_995 = arith.constant 1.000000e+00 : f32
    %jit3A_996 = arith.constant 0.000000e+00 : f32
    %broadcast_in_dim3A_997 = vector.broadcast %jit3A_995 : f32 to vector<128x128xf32>
    %broadcast_in_dim3A_998 = vector.broadcast %jit3A_996 : f32 to vector<128x128xf32>
    %select_n3A_999 = arith.select %and3A_994, %broadcast_in_dim3A_997, %broadcast_in_dim3A_998 : vector<128x128xi1>, vector<128x128xf32>
    %get3A_1000 = arith.constant 0 : index
    %get3A_1001 = arith.constant 1152 : index
    %get3A_1002 = vector.load %arg1[%get3A_1000, %get3A_1001] : memref<1x5120xf32, #tpu.memory_space<vmem>>, vector<1x128xf32>
    %while3A_1003 = arith.constant true
    %while3A_1004:2 = scf.while (%while3A_4188 = %get3A_1002, %while3A_4189 = %while3A_1003) : (vector<1x128xf32>, i1) -> (vector<1x128xf32>, i1) {
      scf.condition(%while3A_4189) %while3A_4188, %while3A_4189 : vector<1x128xf32>, i1
    } do {
    ^bb0(%while3A_4188: vector<1x128xf32>, %while3A_4189: i1):
      %dot_general3A_4190 = arith.constant dense<0.000000e+00> : vector<1x128xf32>
      %dot_general3A_4191 = tpu.matmul %while3A_4188, %select_n3A_999, %dot_general3A_4190 {dimension_numbers = #tpu.dot_dimension_numbers<[1], [0], [0], [1], [0, 0, 1, 1], [], []>, transpose_lhs_hint = false} : vector<1x128xf32>, vector<128x128xf32>, vector<1x128xf32> -> vector<1x128xf32>
      %gt3A_4192 = arith.constant 5.000000e-01 : f32
      %gt3A_4193 = vector.broadcast %gt3A_4192 : f32 to vector<1x128xf32>
      %gt3A_4194 = arith.cmpf ogt, %dot_general3A_4191, %gt3A_4193 : vector<1x128xf32>
      %jit3A_4195 = arith.constant 0.000000e+00 : f32
      %broadcast_in_dim3A_4196 = vector.broadcast %jit3A_4195 : f32 to vector<1x128xf32>
      %select_n3A_4197 = arith.select %gt3A_4194, %broadcast_in_dim3A_4196, %get3A_1002 : vector<1x128xi1>, vector<1x128xf32>
      %dot_general3A_4198 = arith.constant dense<0.000000e+00> : vector<1x128xf32>
      %dot_general3A_4199 = tpu.matmul %select_n3A_4197, %select_n3A_999, %dot_general3A_4198 {dimension_numbers = #tpu.dot_dimension_numbers<[1], [0], [0], [1], [0, 0, 1, 1], [], []>, transpose_lhs_hint = false} : vector<1x128xf32>, vector<128x128xf32>, vector<1x128xf32> -> vector<1x128xf32>
      %gt3A_4200 = arith.constant 5.000000e-01 : f32
      %gt3A_4201 = vector.broadcast %gt3A_4200 : f32 to vector<1x128xf32>
      %gt3A_4202 = arith.cmpf ogt, %dot_general3A_4199, %gt3A_4201 : vector<1x128xf32>
      %jit3A_4203 = arith.constant 0.000000e+00 : f32
      %broadcast_in_dim3A_4204 = vector.broadcast %jit3A_4203 : f32 to vector<1x128xf32>
      %select_n3A_4205 = arith.select %gt3A_4202, %broadcast_in_dim3A_4204, %get3A_1002 : vector<1x128xi1>, vector<1x128xf32>
      %sub3A_4206 = arith.subf %select_n3A_4205, %select_n3A_4197 : vector<1x128xf32>
      %abs3A = math.absf %sub3A_4206 : vector<1x128xf32>
      %reduce_sum3A = vector.shape_cast %abs3A : vector<1x128xf32> to vector<1x1x128xf32>
      %reduce_sum3A_4207 = arith.constant dense<0.000000e+00> : vector<1xf32>
      %reduce_sum3A_4208 = vector.multi_reduction <add>, %reduce_sum3A, %reduce_sum3A_4207 [1, 2] : vector<1x1x128xf32> to vector<1xf32>
      %reduce_sum3A_4209 = vector.shape_cast %reduce_sum3A_4208 : vector<1xf32> to vector<1x1x1xf32>
      %reduce_sum3A_4210 = vector.extract %reduce_sum3A_4209[0, 0, 0] : f32 from vector<1x1x1xf32>
      %gt3A_4211 = arith.constant 0.000000e+00 : f32
      %gt3A_4212 = arith.cmpf ogt, %reduce_sum3A_4210, %gt3A_4211 : f32
      scf.yield %select_n3A_4205, %gt3A_4212 : vector<1x128xf32>, i1
    }
    %swap3A_1005 = arith.constant 0 : index
    %swap3A_1006 = arith.constant 1152 : index
    %swap3A_1007 = vector.load %arg1[%swap3A_1005, %swap3A_1006] : memref<1x5120xf32, #tpu.memory_space<vmem>>, vector<1x128xf32>
    tpu.vector_store %arg1[%swap3A_1005, %swap3A_1006], %while3A_1004#0 {strides = array<i32>} : memref<1x5120xf32, #tpu.memory_space<vmem>>, vector<1x128xf32>,
    %slice3A_1008 = vector.extract_strided_slice %get3A_1 {offsets = [0, 1280], sizes = [1, 3840], strides = [1, 1]} : vector<8x5120xf32> to vector<1x3840xf32>
    %slice3A_1009 = vector.extract_strided_slice %get3A_1 {offsets = [1, 1280], sizes = [1, 3840], strides = [1, 1]} : vector<8x5120xf32> to vector<1x3840xf32>
    %slice3A_1010 = vector.extract_strided_slice %get3A_1 {offsets = [2, 1280], sizes = [1, 3840], strides = [1, 1]} : vector<8x5120xf32> to vector<1x3840xf32>
    %slice3A_1011 = vector.extract_strided_slice %get3A_1 {offsets = [3, 1280], sizes = [1, 3840], strides = [1, 1]} : vector<8x5120xf32> to vector<1x3840xf32>
    %slice3A_1012 = vector.extract_strided_slice %get3A_1 {offsets = [4, 1280], sizes = [1, 3840], strides = [1, 1]} : vector<8x5120xf32> to vector<1x3840xf32>
    %min3A_1013 = vector.broadcast %slice3A_958 : vector<128x1xf32> to vector<128x3840xf32>
    %min3A_1014 = vector.broadcast %slice3A_1010 : vector<1x3840xf32> to vector<128x3840xf32>
    %min3A_1015 = arith.minimumf %min3A_1013, %min3A_1014 : vector<128x3840xf32>
    %max3A_1016 = vector.broadcast %slice3A_956 : vector<128x1xf32> to vector<128x3840xf32>
    %max3A_1017 = vector.broadcast %slice3A_1008 : vector<1x3840xf32> to vector<128x3840xf32>
    %max3A_1018 = arith.maximumf %max3A_1016, %max3A_1017 : vector<128x3840xf32>
    %sub3A_1019 = arith.subf %min3A_1015, %max3A_1018 : vector<128x3840xf32>
    %max3A_1020 = arith.constant 0.000000e+00 : f32
    %max3A_1021 = vector.broadcast %max3A_1020 : f32 to vector<128x3840xf32>
    %max3A_1022 = arith.maximumf %sub3A_1019, %max3A_1021 : vector<128x3840xf32>
    %min3A_1023 = vector.broadcast %slice3A_959 : vector<128x1xf32> to vector<128x3840xf32>
    %min3A_1024 = vector.broadcast %slice3A_1011 : vector<1x3840xf32> to vector<128x3840xf32>
    %min3A_1025 = arith.minimumf %min3A_1023, %min3A_1024 : vector<128x3840xf32>
    %max3A_1026 = vector.broadcast %slice3A_957 : vector<128x1xf32> to vector<128x3840xf32>
    %max3A_1027 = vector.broadcast %slice3A_1009 : vector<1x3840xf32> to vector<128x3840xf32>
    %max3A_1028 = arith.maximumf %max3A_1026, %max3A_1027 : vector<128x3840xf32>
    %sub3A_1029 = arith.subf %min3A_1025, %max3A_1028 : vector<128x3840xf32>
    %max3A_1030 = arith.constant 0.000000e+00 : f32
    %max3A_1031 = vector.broadcast %max3A_1030 : f32 to vector<128x3840xf32>
    %max3A_1032 = arith.maximumf %sub3A_1029, %max3A_1031 : vector<128x3840xf32>
    %mul3A_1033 = arith.mulf %max3A_1022, %max3A_1032 : vector<128x3840xf32>
    %mul3A_1034 = arith.constant 3.000000e+00 : f32
    %mul3A_1035 = vector.broadcast %mul3A_1034 : f32 to vector<128x3840xf32>
    %mul3A_1036 = arith.mulf %mul3A_1033, %mul3A_1035 : vector<128x3840xf32>
    %add3A_1037 = vector.broadcast %slice3A_960 : vector<128x1xf32> to vector<128x3840xf32>
    %add3A_1038 = vector.broadcast %slice3A_1012 : vector<1x3840xf32> to vector<128x3840xf32>
    %add3A_1039 = arith.addf %add3A_1037, %add3A_1038 : vector<128x3840xf32>
    %gt3A_1040 = arith.cmpf ogt, %mul3A_1036, %add3A_1039 : vector<128x3840xf32>
    %convert_element_type3A_1041 = arith.extui %gt3A_1040 : vector<128x3840xi1> to vector<128x3840xi32>
    %convert_element_type3A_1042 = arith.sitofp %convert_element_type3A_1041 : vector<128x3840xi32> to vector<128x3840xf32>
    %convert_element_type3A_1043 = arith.truncf %convert_element_type3A_1042 : vector<128x3840xf32> to vector<128x3840xbf16>
    %convert_element_type3A_1044 = arith.truncf %while3A_1004#0 : vector<1x128xf32> to vector<1x128xbf16>
    %dot_general3A_1045 = arith.constant dense<0.000000e+00> : vector<1x3840xf32>
    %dot_general3A_1046 = tpu.matmul %convert_element_type3A_1044, %convert_element_type3A_1043, %dot_general3A_1045 {dimension_numbers = #tpu.dot_dimension_numbers<[1], [0], [0], [1], [0, 0, 1, 1], [], []>, transpose_lhs_hint = false} : vector<1x128xbf16>, vector<128x3840xbf16>, vector<1x3840xf32> -> vector<1x3840xf32>
    %gt3A_1047 = arith.constant 5.000000e-01 : f32
    %gt3A_1048 = vector.broadcast %gt3A_1047 : f32 to vector<1x3840xf32>
    %gt3A_1049 = arith.cmpf ogt, %dot_general3A_1046, %gt3A_1048 : vector<1x3840xf32>
    %get3A_1050 = arith.constant 0 : index
    %get3A_1051 = arith.constant 1280 : index
    %get3A_1052 = vector.load %arg1[%get3A_1050, %get3A_1051] : memref<1x5120xf32, #tpu.memory_space<vmem>>, vector<1x3840xf32>
    %jit3A_1053 = arith.constant 0.000000e+00 : f32
    %broadcast_in_dim3A_1054 = vector.broadcast %jit3A_1053 : f32 to vector<1x3840xf32>
    %select_n3A_1055 = arith.select %gt3A_1049, %broadcast_in_dim3A_1054, %get3A_1052 : vector<1x3840xi1>, vector<1x3840xf32>
    %swap3A_1056 = arith.constant 0 : index
    %swap3A_1057 = arith.constant 1280 : index
    %swap3A_1058 = vector.load %arg1[%swap3A_1056, %swap3A_1057] : memref<1x5120xf32, #tpu.memory_space<vmem>>, vector<1x3840xf32>
    tpu.vector_store %arg1[%swap3A_1056, %swap3A_1057], %select_n3A_1055 {strides = array<i32>} : memref<1x5120xf32, #tpu.memory_space<vmem>>, vector<1x3840xf32>,
    %slice3A_1059 = vector.extract_strided_slice %get3A_1 {offsets = [0, 1280], sizes = [8, 128], strides = [1, 1]} : vector<8x5120xf32> to vector<8x128xf32>
    %dot_general3A_1060 = arith.constant dense<0.000000e+00> : vector<128x8xf32>
    %dot_general3A_1061 = tpu.matmul %select_n3A, %slice3A_1059, %dot_general3A_1060 {dimension_numbers = #tpu.dot_dimension_numbers<[1], [1], [0], [0], [0, 0, 1, 0], [], []>, precision = #tpu.contract_precision<fp32>, transpose_lhs_hint = false} : vector<128x128xf32>, vector<8x128xf32>, vector<128x8xf32> -> vector<128x8xf32>
    %slice3A_1062 = vector.extract_strided_slice %dot_general3A_1061 {offsets = [0, 0], sizes = [128, 1], strides = [1, 1]} : vector<128x8xf32> to vector<128x1xf32>
    %slice3A_1063 = vector.extract_strided_slice %dot_general3A_1061 {offsets = [0, 1], sizes = [128, 1], strides = [1, 1]} : vector<128x8xf32> to vector<128x1xf32>
    %slice3A_1064 = vector.extract_strided_slice %dot_general3A_1061 {offsets = [0, 2], sizes = [128, 1], strides = [1, 1]} : vector<128x8xf32> to vector<128x1xf32>
    %slice3A_1065 = vector.extract_strided_slice %dot_general3A_1061 {offsets = [0, 3], sizes = [128, 1], strides = [1, 1]} : vector<128x8xf32> to vector<128x1xf32>
    %slice3A_1066 = vector.extract_strided_slice %dot_general3A_1061 {offsets = [0, 4], sizes = [128, 1], strides = [1, 1]} : vector<128x8xf32> to vector<128x1xf32>
    %slice3A_1067 = vector.extract_strided_slice %get3A_1 {offsets = [0, 1280], sizes = [1, 128], strides = [1, 1]} : vector<8x5120xf32> to vector<1x128xf32>
    %slice3A_1068 = vector.extract_strided_slice %get3A_1 {offsets = [1, 1280], sizes = [1, 128], strides = [1, 1]} : vector<8x5120xf32> to vector<1x128xf32>
    %slice3A_1069 = vector.extract_strided_slice %get3A_1 {offsets = [2, 1280], sizes = [1, 128], strides = [1, 1]} : vector<8x5120xf32> to vector<1x128xf32>
    %slice3A_1070 = vector.extract_strided_slice %get3A_1 {offsets = [3, 1280], sizes = [1, 128], strides = [1, 1]} : vector<8x5120xf32> to vector<1x128xf32>
    %slice3A_1071 = vector.extract_strided_slice %get3A_1 {offsets = [4, 1280], sizes = [1, 128], strides = [1, 1]} : vector<8x5120xf32> to vector<1x128xf32>
    %min3A_1072 = vector.broadcast %slice3A_1064 : vector<128x1xf32> to vector<128x128xf32>
    %min3A_1073 = vector.broadcast %slice3A_1069 : vector<1x128xf32> to vector<128x128xf32>
    %min3A_1074 = arith.minimumf %min3A_1072, %min3A_1073 : vector<128x128xf32>
    %max3A_1075 = vector.broadcast %slice3A_1062 : vector<128x1xf32> to vector<128x128xf32>
    %max3A_1076 = vector.broadcast %slice3A_1067 : vector<1x128xf32> to vector<128x128xf32>
    %max3A_1077 = arith.maximumf %max3A_1075, %max3A_1076 : vector<128x128xf32>
    %sub3A_1078 = arith.subf %min3A_1074, %max3A_1077 : vector<128x128xf32>
    %max3A_1079 = arith.constant 0.000000e+00 : f32
    %max3A_1080 = vector.broadcast %max3A_1079 : f32 to vector<128x128xf32>
    %max3A_1081 = arith.maximumf %sub3A_1078, %max3A_1080 : vector<128x128xf32>
    %min3A_1082 = vector.broadcast %slice3A_1065 : vector<128x1xf32> to vector<128x128xf32>
    %min3A_1083 = vector.broadcast %slice3A_1070 : vector<1x128xf32> to vector<128x128xf32>
    %min3A_1084 = arith.minimumf %min3A_1082, %min3A_1083 : vector<128x128xf32>
    %max3A_1085 = vector.broadcast %slice3A_1063 : vector<128x1xf32> to vector<128x128xf32>
    %max3A_1086 = vector.broadcast %slice3A_1068 : vector<1x128xf32> to vector<128x128xf32>
    %max3A_1087 = arith.maximumf %max3A_1085, %max3A_1086 : vector<128x128xf32>
    %sub3A_1088 = arith.subf %min3A_1084, %max3A_1087 : vector<128x128xf32>
    %max3A_1089 = arith.constant 0.000000e+00 : f32
    %max3A_1090 = vector.broadcast %max3A_1089 : f32 to vector<128x128xf32>
    %max3A_1091 = arith.maximumf %sub3A_1088, %max3A_1090 : vector<128x128xf32>
    %mul3A_1092 = arith.mulf %max3A_1081, %max3A_1091 : vector<128x128xf32>
    %mul3A_1093 = arith.constant 3.000000e+00 : f32
    %mul3A_1094 = vector.broadcast %mul3A_1093 : f32 to vector<128x128xf32>
    %mul3A_1095 = arith.mulf %mul3A_1092, %mul3A_1094 : vector<128x128xf32>
    %add3A_1096 = vector.broadcast %slice3A_1066 : vector<128x1xf32> to vector<128x128xf32>
    %add3A_1097 = vector.broadcast %slice3A_1071 : vector<1x128xf32> to vector<128x128xf32>
    %add3A_1098 = arith.addf %add3A_1096, %add3A_1097 : vector<128x128xf32>
    %gt3A_1099 = arith.cmpf ogt, %mul3A_1095, %add3A_1098 : vector<128x128xf32>
    %and3A_1100 = arith.andi %gt3A_1099, %gt3A : vector<128x128xi1>
    %jit3A_1101 = arith.constant 1.000000e+00 : f32
    %jit3A_1102 = arith.constant 0.000000e+00 : f32
    %broadcast_in_dim3A_1103 = vector.broadcast %jit3A_1101 : f32 to vector<128x128xf32>
    %broadcast_in_dim3A_1104 = vector.broadcast %jit3A_1102 : f32 to vector<128x128xf32>
    %select_n3A_1105 = arith.select %and3A_1100, %broadcast_in_dim3A_1103, %broadcast_in_dim3A_1104 : vector<128x128xi1>, vector<128x128xf32>
    %get3A_1106 = arith.constant 0 : index
    %get3A_1107 = arith.constant 1280 : index
    %get3A_1108 = vector.load %arg1[%get3A_1106, %get3A_1107] : memref<1x5120xf32, #tpu.memory_space<vmem>>, vector<1x128xf32>
    %while3A_1109 = arith.constant true
    %while3A_1110:2 = scf.while (%while3A_4188 = %get3A_1108, %while3A_4189 = %while3A_1109) : (vector<1x128xf32>, i1) -> (vector<1x128xf32>, i1) {
      scf.condition(%while3A_4189) %while3A_4188, %while3A_4189 : vector<1x128xf32>, i1
    } do {
    ^bb0(%while3A_4188: vector<1x128xf32>, %while3A_4189: i1):
      %dot_general3A_4190 = arith.constant dense<0.000000e+00> : vector<1x128xf32>
      %dot_general3A_4191 = tpu.matmul %while3A_4188, %select_n3A_1105, %dot_general3A_4190 {dimension_numbers = #tpu.dot_dimension_numbers<[1], [0], [0], [1], [0, 0, 1, 1], [], []>, transpose_lhs_hint = false} : vector<1x128xf32>, vector<128x128xf32>, vector<1x128xf32> -> vector<1x128xf32>
      %gt3A_4192 = arith.constant 5.000000e-01 : f32
      %gt3A_4193 = vector.broadcast %gt3A_4192 : f32 to vector<1x128xf32>
      %gt3A_4194 = arith.cmpf ogt, %dot_general3A_4191, %gt3A_4193 : vector<1x128xf32>
      %jit3A_4195 = arith.constant 0.000000e+00 : f32
      %broadcast_in_dim3A_4196 = vector.broadcast %jit3A_4195 : f32 to vector<1x128xf32>
      %select_n3A_4197 = arith.select %gt3A_4194, %broadcast_in_dim3A_4196, %get3A_1108 : vector<1x128xi1>, vector<1x128xf32>
      %dot_general3A_4198 = arith.constant dense<0.000000e+00> : vector<1x128xf32>
      %dot_general3A_4199 = tpu.matmul %select_n3A_4197, %select_n3A_1105, %dot_general3A_4198 {dimension_numbers = #tpu.dot_dimension_numbers<[1], [0], [0], [1], [0, 0, 1, 1], [], []>, transpose_lhs_hint = false} : vector<1x128xf32>, vector<128x128xf32>, vector<1x128xf32> -> vector<1x128xf32>
      %gt3A_4200 = arith.constant 5.000000e-01 : f32
      %gt3A_4201 = vector.broadcast %gt3A_4200 : f32 to vector<1x128xf32>
      %gt3A_4202 = arith.cmpf ogt, %dot_general3A_4199, %gt3A_4201 : vector<1x128xf32>
      %jit3A_4203 = arith.constant 0.000000e+00 : f32
      %broadcast_in_dim3A_4204 = vector.broadcast %jit3A_4203 : f32 to vector<1x128xf32>
      %select_n3A_4205 = arith.select %gt3A_4202, %broadcast_in_dim3A_4204, %get3A_1108 : vector<1x128xi1>, vector<1x128xf32>
      %sub3A_4206 = arith.subf %select_n3A_4205, %select_n3A_4197 : vector<1x128xf32>
      %abs3A = math.absf %sub3A_4206 : vector<1x128xf32>
      %reduce_sum3A = vector.shape_cast %abs3A : vector<1x128xf32> to vector<1x1x128xf32>
      %reduce_sum3A_4207 = arith.constant dense<0.000000e+00> : vector<1xf32>
      %reduce_sum3A_4208 = vector.multi_reduction <add>, %reduce_sum3A, %reduce_sum3A_4207 [1, 2] : vector<1x1x128xf32> to vector<1xf32>
      %reduce_sum3A_4209 = vector.shape_cast %reduce_sum3A_4208 : vector<1xf32> to vector<1x1x1xf32>
      %reduce_sum3A_4210 = vector.extract %reduce_sum3A_4209[0, 0, 0] : f32 from vector<1x1x1xf32>
      %gt3A_4211 = arith.constant 0.000000e+00 : f32
      %gt3A_4212 = arith.cmpf ogt, %reduce_sum3A_4210, %gt3A_4211 : f32
      scf.yield %select_n3A_4205, %gt3A_4212 : vector<1x128xf32>, i1
    }
    %swap3A_1111 = arith.constant 0 : index
    %swap3A_1112 = arith.constant 1280 : index
    %swap3A_1113 = vector.load %arg1[%swap3A_1111, %swap3A_1112] : memref<1x5120xf32, #tpu.memory_space<vmem>>, vector<1x128xf32>
    tpu.vector_store %arg1[%swap3A_1111, %swap3A_1112], %while3A_1110#0 {strides = array<i32>} : memref<1x5120xf32, #tpu.memory_space<vmem>>, vector<1x128xf32>,
    %slice3A_1114 = vector.extract_strided_slice %get3A_1 {offsets = [0, 1408], sizes = [1, 3712], strides = [1, 1]} : vector<8x5120xf32> to vector<1x3712xf32>
    %slice3A_1115 = vector.extract_strided_slice %get3A_1 {offsets = [1, 1408], sizes = [1, 3712], strides = [1, 1]} : vector<8x5120xf32> to vector<1x3712xf32>
    %slice3A_1116 = vector.extract_strided_slice %get3A_1 {offsets = [2, 1408], sizes = [1, 3712], strides = [1, 1]} : vector<8x5120xf32> to vector<1x3712xf32>
    %slice3A_1117 = vector.extract_strided_slice %get3A_1 {offsets = [3, 1408], sizes = [1, 3712], strides = [1, 1]} : vector<8x5120xf32> to vector<1x3712xf32>
    %slice3A_1118 = vector.extract_strided_slice %get3A_1 {offsets = [4, 1408], sizes = [1, 3712], strides = [1, 1]} : vector<8x5120xf32> to vector<1x3712xf32>
    %min3A_1119 = vector.broadcast %slice3A_1064 : vector<128x1xf32> to vector<128x3712xf32>
    %min3A_1120 = vector.broadcast %slice3A_1116 : vector<1x3712xf32> to vector<128x3712xf32>
    %min3A_1121 = arith.minimumf %min3A_1119, %min3A_1120 : vector<128x3712xf32>
    %max3A_1122 = vector.broadcast %slice3A_1062 : vector<128x1xf32> to vector<128x3712xf32>
    %max3A_1123 = vector.broadcast %slice3A_1114 : vector<1x3712xf32> to vector<128x3712xf32>
    %max3A_1124 = arith.maximumf %max3A_1122, %max3A_1123 : vector<128x3712xf32>
    %sub3A_1125 = arith.subf %min3A_1121, %max3A_1124 : vector<128x3712xf32>
    %max3A_1126 = arith.constant 0.000000e+00 : f32
    %max3A_1127 = vector.broadcast %max3A_1126 : f32 to vector<128x3712xf32>
    %max3A_1128 = arith.maximumf %sub3A_1125, %max3A_1127 : vector<128x3712xf32>
    %min3A_1129 = vector.broadcast %slice3A_1065 : vector<128x1xf32> to vector<128x3712xf32>
    %min3A_1130 = vector.broadcast %slice3A_1117 : vector<1x3712xf32> to vector<128x3712xf32>
    %min3A_1131 = arith.minimumf %min3A_1129, %min3A_1130 : vector<128x3712xf32>
    %max3A_1132 = vector.broadcast %slice3A_1063 : vector<128x1xf32> to vector<128x3712xf32>
    %max3A_1133 = vector.broadcast %slice3A_1115 : vector<1x3712xf32> to vector<128x3712xf32>
    %max3A_1134 = arith.maximumf %max3A_1132, %max3A_1133 : vector<128x3712xf32>
    %sub3A_1135 = arith.subf %min3A_1131, %max3A_1134 : vector<128x3712xf32>
    %max3A_1136 = arith.constant 0.000000e+00 : f32
    %max3A_1137 = vector.broadcast %max3A_1136 : f32 to vector<128x3712xf32>
    %max3A_1138 = arith.maximumf %sub3A_1135, %max3A_1137 : vector<128x3712xf32>
    %mul3A_1139 = arith.mulf %max3A_1128, %max3A_1138 : vector<128x3712xf32>
    %mul3A_1140 = arith.constant 3.000000e+00 : f32
    %mul3A_1141 = vector.broadcast %mul3A_1140 : f32 to vector<128x3712xf32>
    %mul3A_1142 = arith.mulf %mul3A_1139, %mul3A_1141 : vector<128x3712xf32>
    %add3A_1143 = vector.broadcast %slice3A_1066 : vector<128x1xf32> to vector<128x3712xf32>
    %add3A_1144 = vector.broadcast %slice3A_1118 : vector<1x3712xf32> to vector<128x3712xf32>
    %add3A_1145 = arith.addf %add3A_1143, %add3A_1144 : vector<128x3712xf32>
    %gt3A_1146 = arith.cmpf ogt, %mul3A_1142, %add3A_1145 : vector<128x3712xf32>
    %convert_element_type3A_1147 = arith.extui %gt3A_1146 : vector<128x3712xi1> to vector<128x3712xi32>
    %convert_element_type3A_1148 = arith.sitofp %convert_element_type3A_1147 : vector<128x3712xi32> to vector<128x3712xf32>
    %convert_element_type3A_1149 = arith.truncf %convert_element_type3A_1148 : vector<128x3712xf32> to vector<128x3712xbf16>
    %convert_element_type3A_1150 = arith.truncf %while3A_1110#0 : vector<1x128xf32> to vector<1x128xbf16>
    %dot_general3A_1151 = arith.constant dense<0.000000e+00> : vector<1x3712xf32>
    %dot_general3A_1152 = tpu.matmul %convert_element_type3A_1150, %convert_element_type3A_1149, %dot_general3A_1151 {dimension_numbers = #tpu.dot_dimension_numbers<[1], [0], [0], [1], [0, 0, 1, 1], [], []>, transpose_lhs_hint = false} : vector<1x128xbf16>, vector<128x3712xbf16>, vector<1x3712xf32> -> vector<1x3712xf32>
    %gt3A_1153 = arith.constant 5.000000e-01 : f32
    %gt3A_1154 = vector.broadcast %gt3A_1153 : f32 to vector<1x3712xf32>
    %gt3A_1155 = arith.cmpf ogt, %dot_general3A_1152, %gt3A_1154 : vector<1x3712xf32>
    %get3A_1156 = arith.constant 0 : index
    %get3A_1157 = arith.constant 1408 : index
    %get3A_1158 = vector.load %arg1[%get3A_1156, %get3A_1157] : memref<1x5120xf32, #tpu.memory_space<vmem>>, vector<1x3712xf32>
    %jit3A_1159 = arith.constant 0.000000e+00 : f32
    %broadcast_in_dim3A_1160 = vector.broadcast %jit3A_1159 : f32 to vector<1x3712xf32>
    %select_n3A_1161 = arith.select %gt3A_1155, %broadcast_in_dim3A_1160, %get3A_1158 : vector<1x3712xi1>, vector<1x3712xf32>
    %swap3A_1162 = arith.constant 0 : index
    %swap3A_1163 = arith.constant 1408 : index
    %swap3A_1164 = vector.load %arg1[%swap3A_1162, %swap3A_1163] : memref<1x5120xf32, #tpu.memory_space<vmem>>, vector<1x3712xf32>
    tpu.vector_store %arg1[%swap3A_1162, %swap3A_1163], %select_n3A_1161 {strides = array<i32>} : memref<1x5120xf32, #tpu.memory_space<vmem>>, vector<1x3712xf32>,
    %slice3A_1165 = vector.extract_strided_slice %get3A_1 {offsets = [0, 1408], sizes = [8, 128], strides = [1, 1]} : vector<8x5120xf32> to vector<8x128xf32>
    %dot_general3A_1166 = arith.constant dense<0.000000e+00> : vector<128x8xf32>
    %dot_general3A_1167 = tpu.matmul %select_n3A, %slice3A_1165, %dot_general3A_1166 {dimension_numbers = #tpu.dot_dimension_numbers<[1], [1], [0], [0], [0, 0, 1, 0], [], []>, precision = #tpu.contract_precision<fp32>, transpose_lhs_hint = false} : vector<128x128xf32>, vector<8x128xf32>, vector<128x8xf32> -> vector<128x8xf32>
    %slice3A_1168 = vector.extract_strided_slice %dot_general3A_1167 {offsets = [0, 0], sizes = [128, 1], strides = [1, 1]} : vector<128x8xf32> to vector<128x1xf32>
    %slice3A_1169 = vector.extract_strided_slice %dot_general3A_1167 {offsets = [0, 1], sizes = [128, 1], strides = [1, 1]} : vector<128x8xf32> to vector<128x1xf32>
    %slice3A_1170 = vector.extract_strided_slice %dot_general3A_1167 {offsets = [0, 2], sizes = [128, 1], strides = [1, 1]} : vector<128x8xf32> to vector<128x1xf32>
    %slice3A_1171 = vector.extract_strided_slice %dot_general3A_1167 {offsets = [0, 3], sizes = [128, 1], strides = [1, 1]} : vector<128x8xf32> to vector<128x1xf32>
    %slice3A_1172 = vector.extract_strided_slice %dot_general3A_1167 {offsets = [0, 4], sizes = [128, 1], strides = [1, 1]} : vector<128x8xf32> to vector<128x1xf32>
    %slice3A_1173 = vector.extract_strided_slice %get3A_1 {offsets = [0, 1408], sizes = [1, 128], strides = [1, 1]} : vector<8x5120xf32> to vector<1x128xf32>
    %slice3A_1174 = vector.extract_strided_slice %get3A_1 {offsets = [1, 1408], sizes = [1, 128], strides = [1, 1]} : vector<8x5120xf32> to vector<1x128xf32>
    %slice3A_1175 = vector.extract_strided_slice %get3A_1 {offsets = [2, 1408], sizes = [1, 128], strides = [1, 1]} : vector<8x5120xf32> to vector<1x128xf32>
    %slice3A_1176 = vector.extract_strided_slice %get3A_1 {offsets = [3, 1408], sizes = [1, 128], strides = [1, 1]} : vector<8x5120xf32> to vector<1x128xf32>
    %slice3A_1177 = vector.extract_strided_slice %get3A_1 {offsets = [4, 1408], sizes = [1, 128], strides = [1, 1]} : vector<8x5120xf32> to vector<1x128xf32>
    %min3A_1178 = vector.broadcast %slice3A_1170 : vector<128x1xf32> to vector<128x128xf32>
    %min3A_1179 = vector.broadcast %slice3A_1175 : vector<1x128xf32> to vector<128x128xf32>
    %min3A_1180 = arith.minimumf %min3A_1178, %min3A_1179 : vector<128x128xf32>
    %max3A_1181 = vector.broadcast %slice3A_1168 : vector<128x1xf32> to vector<128x128xf32>
    %max3A_1182 = vector.broadcast %slice3A_1173 : vector<1x128xf32> to vector<128x128xf32>
    %max3A_1183 = arith.maximumf %max3A_1181, %max3A_1182 : vector<128x128xf32>
    %sub3A_1184 = arith.subf %min3A_1180, %max3A_1183 : vector<128x128xf32>
    %max3A_1185 = arith.constant 0.000000e+00 : f32
    %max3A_1186 = vector.broadcast %max3A_1185 : f32 to vector<128x128xf32>
    %max3A_1187 = arith.maximumf %sub3A_1184, %max3A_1186 : vector<128x128xf32>
    %min3A_1188 = vector.broadcast %slice3A_1171 : vector<128x1xf32> to vector<128x128xf32>
    %min3A_1189 = vector.broadcast %slice3A_1176 : vector<1x128xf32> to vector<128x128xf32>
    %min3A_1190 = arith.minimumf %min3A_1188, %min3A_1189 : vector<128x128xf32>
    %max3A_1191 = vector.broadcast %slice3A_1169 : vector<128x1xf32> to vector<128x128xf32>
    %max3A_1192 = vector.broadcast %slice3A_1174 : vector<1x128xf32> to vector<128x128xf32>
    %max3A_1193 = arith.maximumf %max3A_1191, %max3A_1192 : vector<128x128xf32>
    %sub3A_1194 = arith.subf %min3A_1190, %max3A_1193 : vector<128x128xf32>
    %max3A_1195 = arith.constant 0.000000e+00 : f32
    %max3A_1196 = vector.broadcast %max3A_1195 : f32 to vector<128x128xf32>
    %max3A_1197 = arith.maximumf %sub3A_1194, %max3A_1196 : vector<128x128xf32>
    %mul3A_1198 = arith.mulf %max3A_1187, %max3A_1197 : vector<128x128xf32>
    %mul3A_1199 = arith.constant 3.000000e+00 : f32
    %mul3A_1200 = vector.broadcast %mul3A_1199 : f32 to vector<128x128xf32>
    %mul3A_1201 = arith.mulf %mul3A_1198, %mul3A_1200 : vector<128x128xf32>
    %add3A_1202 = vector.broadcast %slice3A_1172 : vector<128x1xf32> to vector<128x128xf32>
    %add3A_1203 = vector.broadcast %slice3A_1177 : vector<1x128xf32> to vector<128x128xf32>
    %add3A_1204 = arith.addf %add3A_1202, %add3A_1203 : vector<128x128xf32>
    %gt3A_1205 = arith.cmpf ogt, %mul3A_1201, %add3A_1204 : vector<128x128xf32>
    %and3A_1206 = arith.andi %gt3A_1205, %gt3A : vector<128x128xi1>
    %jit3A_1207 = arith.constant 1.000000e+00 : f32
    %jit3A_1208 = arith.constant 0.000000e+00 : f32
    %broadcast_in_dim3A_1209 = vector.broadcast %jit3A_1207 : f32 to vector<128x128xf32>
    %broadcast_in_dim3A_1210 = vector.broadcast %jit3A_1208 : f32 to vector<128x128xf32>
    %select_n3A_1211 = arith.select %and3A_1206, %broadcast_in_dim3A_1209, %broadcast_in_dim3A_1210 : vector<128x128xi1>, vector<128x128xf32>
    %get3A_1212 = arith.constant 0 : index
    %get3A_1213 = arith.constant 1408 : index
    %get3A_1214 = vector.load %arg1[%get3A_1212, %get3A_1213] : memref<1x5120xf32, #tpu.memory_space<vmem>>, vector<1x128xf32>
    %while3A_1215 = arith.constant true
    %while3A_1216:2 = scf.while (%while3A_4188 = %get3A_1214, %while3A_4189 = %while3A_1215) : (vector<1x128xf32>, i1) -> (vector<1x128xf32>, i1) {
      scf.condition(%while3A_4189) %while3A_4188, %while3A_4189 : vector<1x128xf32>, i1
    } do {
    ^bb0(%while3A_4188: vector<1x128xf32>, %while3A_4189: i1):
      %dot_general3A_4190 = arith.constant dense<0.000000e+00> : vector<1x128xf32>
      %dot_general3A_4191 = tpu.matmul %while3A_4188, %select_n3A_1211, %dot_general3A_4190 {dimension_numbers = #tpu.dot_dimension_numbers<[1], [0], [0], [1], [0, 0, 1, 1], [], []>, transpose_lhs_hint = false} : vector<1x128xf32>, vector<128x128xf32>, vector<1x128xf32> -> vector<1x128xf32>
      %gt3A_4192 = arith.constant 5.000000e-01 : f32
      %gt3A_4193 = vector.broadcast %gt3A_4192 : f32 to vector<1x128xf32>
      %gt3A_4194 = arith.cmpf ogt, %dot_general3A_4191, %gt3A_4193 : vector<1x128xf32>
      %jit3A_4195 = arith.constant 0.000000e+00 : f32
      %broadcast_in_dim3A_4196 = vector.broadcast %jit3A_4195 : f32 to vector<1x128xf32>
      %select_n3A_4197 = arith.select %gt3A_4194, %broadcast_in_dim3A_4196, %get3A_1214 : vector<1x128xi1>, vector<1x128xf32>
      %dot_general3A_4198 = arith.constant dense<0.000000e+00> : vector<1x128xf32>
      %dot_general3A_4199 = tpu.matmul %select_n3A_4197, %select_n3A_1211, %dot_general3A_4198 {dimension_numbers = #tpu.dot_dimension_numbers<[1], [0], [0], [1], [0, 0, 1, 1], [], []>, transpose_lhs_hint = false} : vector<1x128xf32>, vector<128x128xf32>, vector<1x128xf32> -> vector<1x128xf32>
      %gt3A_4200 = arith.constant 5.000000e-01 : f32
      %gt3A_4201 = vector.broadcast %gt3A_4200 : f32 to vector<1x128xf32>
      %gt3A_4202 = arith.cmpf ogt, %dot_general3A_4199, %gt3A_4201 : vector<1x128xf32>
      %jit3A_4203 = arith.constant 0.000000e+00 : f32
      %broadcast_in_dim3A_4204 = vector.broadcast %jit3A_4203 : f32 to vector<1x128xf32>
      %select_n3A_4205 = arith.select %gt3A_4202, %broadcast_in_dim3A_4204, %get3A_1214 : vector<1x128xi1>, vector<1x128xf32>
      %sub3A_4206 = arith.subf %select_n3A_4205, %select_n3A_4197 : vector<1x128xf32>
      %abs3A = math.absf %sub3A_4206 : vector<1x128xf32>
      %reduce_sum3A = vector.shape_cast %abs3A : vector<1x128xf32> to vector<1x1x128xf32>
      %reduce_sum3A_4207 = arith.constant dense<0.000000e+00> : vector<1xf32>
      %reduce_sum3A_4208 = vector.multi_reduction <add>, %reduce_sum3A, %reduce_sum3A_4207 [1, 2] : vector<1x1x128xf32> to vector<1xf32>
      %reduce_sum3A_4209 = vector.shape_cast %reduce_sum3A_4208 : vector<1xf32> to vector<1x1x1xf32>
      %reduce_sum3A_4210 = vector.extract %reduce_sum3A_4209[0, 0, 0] : f32 from vector<1x1x1xf32>
      %gt3A_4211 = arith.constant 0.000000e+00 : f32
      %gt3A_4212 = arith.cmpf ogt, %reduce_sum3A_4210, %gt3A_4211 : f32
      scf.yield %select_n3A_4205, %gt3A_4212 : vector<1x128xf32>, i1
    }
    %swap3A_1217 = arith.constant 0 : index
    %swap3A_1218 = arith.constant 1408 : index
    %swap3A_1219 = vector.load %arg1[%swap3A_1217, %swap3A_1218] : memref<1x5120xf32, #tpu.memory_space<vmem>>, vector<1x128xf32>
    tpu.vector_store %arg1[%swap3A_1217, %swap3A_1218], %while3A_1216#0 {strides = array<i32>} : memref<1x5120xf32, #tpu.memory_space<vmem>>, vector<1x128xf32>,
    %slice3A_1220 = vector.extract_strided_slice %get3A_1 {offsets = [0, 1536], sizes = [1, 3584], strides = [1, 1]} : vector<8x5120xf32> to vector<1x3584xf32>
    %slice3A_1221 = vector.extract_strided_slice %get3A_1 {offsets = [1, 1536], sizes = [1, 3584], strides = [1, 1]} : vector<8x5120xf32> to vector<1x3584xf32>
    %slice3A_1222 = vector.extract_strided_slice %get3A_1 {offsets = [2, 1536], sizes = [1, 3584], strides = [1, 1]} : vector<8x5120xf32> to vector<1x3584xf32>
    %slice3A_1223 = vector.extract_strided_slice %get3A_1 {offsets = [3, 1536], sizes = [1, 3584], strides = [1, 1]} : vector<8x5120xf32> to vector<1x3584xf32>
    %slice3A_1224 = vector.extract_strided_slice %get3A_1 {offsets = [4, 1536], sizes = [1, 3584], strides = [1, 1]} : vector<8x5120xf32> to vector<1x3584xf32>
    %min3A_1225 = vector.broadcast %slice3A_1170 : vector<128x1xf32> to vector<128x3584xf32>
    %min3A_1226 = vector.broadcast %slice3A_1222 : vector<1x3584xf32> to vector<128x3584xf32>
    %min3A_1227 = arith.minimumf %min3A_1225, %min3A_1226 : vector<128x3584xf32>
    %max3A_1228 = vector.broadcast %slice3A_1168 : vector<128x1xf32> to vector<128x3584xf32>
    %max3A_1229 = vector.broadcast %slice3A_1220 : vector<1x3584xf32> to vector<128x3584xf32>
    %max3A_1230 = arith.maximumf %max3A_1228, %max3A_1229 : vector<128x3584xf32>
    %sub3A_1231 = arith.subf %min3A_1227, %max3A_1230 : vector<128x3584xf32>
    %max3A_1232 = arith.constant 0.000000e+00 : f32
    %max3A_1233 = vector.broadcast %max3A_1232 : f32 to vector<128x3584xf32>
    %max3A_1234 = arith.maximumf %sub3A_1231, %max3A_1233 : vector<128x3584xf32>
    %min3A_1235 = vector.broadcast %slice3A_1171 : vector<128x1xf32> to vector<128x3584xf32>
    %min3A_1236 = vector.broadcast %slice3A_1223 : vector<1x3584xf32> to vector<128x3584xf32>
    %min3A_1237 = arith.minimumf %min3A_1235, %min3A_1236 : vector<128x3584xf32>
    %max3A_1238 = vector.broadcast %slice3A_1169 : vector<128x1xf32> to vector<128x3584xf32>
    %max3A_1239 = vector.broadcast %slice3A_1221 : vector<1x3584xf32> to vector<128x3584xf32>
    %max3A_1240 = arith.maximumf %max3A_1238, %max3A_1239 : vector<128x3584xf32>
    %sub3A_1241 = arith.subf %min3A_1237, %max3A_1240 : vector<128x3584xf32>
    %max3A_1242 = arith.constant 0.000000e+00 : f32
    %max3A_1243 = vector.broadcast %max3A_1242 : f32 to vector<128x3584xf32>
    %max3A_1244 = arith.maximumf %sub3A_1241, %max3A_1243 : vector<128x3584xf32>
    %mul3A_1245 = arith.mulf %max3A_1234, %max3A_1244 : vector<128x3584xf32>
    %mul3A_1246 = arith.constant 3.000000e+00 : f32
    %mul3A_1247 = vector.broadcast %mul3A_1246 : f32 to vector<128x3584xf32>
    %mul3A_1248 = arith.mulf %mul3A_1245, %mul3A_1247 : vector<128x3584xf32>
    %add3A_1249 = vector.broadcast %slice3A_1172 : vector<128x1xf32> to vector<128x3584xf32>
    %add3A_1250 = vector.broadcast %slice3A_1224 : vector<1x3584xf32> to vector<128x3584xf32>
    %add3A_1251 = arith.addf %add3A_1249, %add3A_1250 : vector<128x3584xf32>
    %gt3A_1252 = arith.cmpf ogt, %mul3A_1248, %add3A_1251 : vector<128x3584xf32>
    %convert_element_type3A_1253 = arith.extui %gt3A_1252 : vector<128x3584xi1> to vector<128x3584xi32>
    %convert_element_type3A_1254 = arith.sitofp %convert_element_type3A_1253 : vector<128x3584xi32> to vector<128x3584xf32>
    %convert_element_type3A_1255 = arith.truncf %convert_element_type3A_1254 : vector<128x3584xf32> to vector<128x3584xbf16>
    %convert_element_type3A_1256 = arith.truncf %while3A_1216#0 : vector<1x128xf32> to vector<1x128xbf16>
    %dot_general3A_1257 = arith.constant dense<0.000000e+00> : vector<1x3584xf32>
    %dot_general3A_1258 = tpu.matmul %convert_element_type3A_1256, %convert_element_type3A_1255, %dot_general3A_1257 {dimension_numbers = #tpu.dot_dimension_numbers<[1], [0], [0], [1], [0, 0, 1, 1], [], []>, transpose_lhs_hint = false} : vector<1x128xbf16>, vector<128x3584xbf16>, vector<1x3584xf32> -> vector<1x3584xf32>
    %gt3A_1259 = arith.constant 5.000000e-01 : f32
    %gt3A_1260 = vector.broadcast %gt3A_1259 : f32 to vector<1x3584xf32>
    %gt3A_1261 = arith.cmpf ogt, %dot_general3A_1258, %gt3A_1260 : vector<1x3584xf32>
    %get3A_1262 = arith.constant 0 : index
    %get3A_1263 = arith.constant 1536 : index
    %get3A_1264 = vector.load %arg1[%get3A_1262, %get3A_1263] : memref<1x5120xf32, #tpu.memory_space<vmem>>, vector<1x3584xf32>
    %jit3A_1265 = arith.constant 0.000000e+00 : f32
    %broadcast_in_dim3A_1266 = vector.broadcast %jit3A_1265 : f32 to vector<1x3584xf32>
    %select_n3A_1267 = arith.select %gt3A_1261, %broadcast_in_dim3A_1266, %get3A_1264 : vector<1x3584xi1>, vector<1x3584xf32>
    %swap3A_1268 = arith.constant 0 : index
    %swap3A_1269 = arith.constant 1536 : index
    %swap3A_1270 = vector.load %arg1[%swap3A_1268, %swap3A_1269] : memref<1x5120xf32, #tpu.memory_space<vmem>>, vector<1x3584xf32>
    tpu.vector_store %arg1[%swap3A_1268, %swap3A_1269], %select_n3A_1267 {strides = array<i32>} : memref<1x5120xf32, #tpu.memory_space<vmem>>, vector<1x3584xf32>,
    %slice3A_1271 = vector.extract_strided_slice %get3A_1 {offsets = [0, 1536], sizes = [8, 128], strides = [1, 1]} : vector<8x5120xf32> to vector<8x128xf32>
    %dot_general3A_1272 = arith.constant dense<0.000000e+00> : vector<128x8xf32>
    %dot_general3A_1273 = tpu.matmul %select_n3A, %slice3A_1271, %dot_general3A_1272 {dimension_numbers = #tpu.dot_dimension_numbers<[1], [1], [0], [0], [0, 0, 1, 0], [], []>, precision = #tpu.contract_precision<fp32>, transpose_lhs_hint = false} : vector<128x128xf32>, vector<8x128xf32>, vector<128x8xf32> -> vector<128x8xf32>
    %slice3A_1274 = vector.extract_strided_slice %dot_general3A_1273 {offsets = [0, 0], sizes = [128, 1], strides = [1, 1]} : vector<128x8xf32> to vector<128x1xf32>
    %slice3A_1275 = vector.extract_strided_slice %dot_general3A_1273 {offsets = [0, 1], sizes = [128, 1], strides = [1, 1]} : vector<128x8xf32> to vector<128x1xf32>
    %slice3A_1276 = vector.extract_strided_slice %dot_general3A_1273 {offsets = [0, 2], sizes = [128, 1], strides = [1, 1]} : vector<128x8xf32> to vector<128x1xf32>
    %slice3A_1277 = vector.extract_strided_slice %dot_general3A_1273 {offsets = [0, 3], sizes = [128, 1], strides = [1, 1]} : vector<128x8xf32> to vector<128x1xf32>
    %slice3A_1278 = vector.extract_strided_slice %dot_general3A_1273 {offsets = [0, 4], sizes = [128, 1], strides = [1, 1]} : vector<128x8xf32> to vector<128x1xf32>
    %slice3A_1279 = vector.extract_strided_slice %get3A_1 {offsets = [0, 1536], sizes = [1, 128], strides = [1, 1]} : vector<8x5120xf32> to vector<1x128xf32>
    %slice3A_1280 = vector.extract_strided_slice %get3A_1 {offsets = [1, 1536], sizes = [1, 128], strides = [1, 1]} : vector<8x5120xf32> to vector<1x128xf32>
    %slice3A_1281 = vector.extract_strided_slice %get3A_1 {offsets = [2, 1536], sizes = [1, 128], strides = [1, 1]} : vector<8x5120xf32> to vector<1x128xf32>
    %slice3A_1282 = vector.extract_strided_slice %get3A_1 {offsets = [3, 1536], sizes = [1, 128], strides = [1, 1]} : vector<8x5120xf32> to vector<1x128xf32>
    %slice3A_1283 = vector.extract_strided_slice %get3A_1 {offsets = [4, 1536], sizes = [1, 128], strides = [1, 1]} : vector<8x5120xf32> to vector<1x128xf32>
    %min3A_1284 = vector.broadcast %slice3A_1276 : vector<128x1xf32> to vector<128x128xf32>
    %min3A_1285 = vector.broadcast %slice3A_1281 : vector<1x128xf32> to vector<128x128xf32>
    %min3A_1286 = arith.minimumf %min3A_1284, %min3A_1285 : vector<128x128xf32>
    %max3A_1287 = vector.broadcast %slice3A_1274 : vector<128x1xf32> to vector<128x128xf32>
    %max3A_1288 = vector.broadcast %slice3A_1279 : vector<1x128xf32> to vector<128x128xf32>
    %max3A_1289 = arith.maximumf %max3A_1287, %max3A_1288 : vector<128x128xf32>
    %sub3A_1290 = arith.subf %min3A_1286, %max3A_1289 : vector<128x128xf32>
    %max3A_1291 = arith.constant 0.000000e+00 : f32
    %max3A_1292 = vector.broadcast %max3A_1291 : f32 to vector<128x128xf32>
    %max3A_1293 = arith.maximumf %sub3A_1290, %max3A_1292 : vector<128x128xf32>
    %min3A_1294 = vector.broadcast %slice3A_1277 : vector<128x1xf32> to vector<128x128xf32>
    %min3A_1295 = vector.broadcast %slice3A_1282 : vector<1x128xf32> to vector<128x128xf32>
    %min3A_1296 = arith.minimumf %min3A_1294, %min3A_1295 : vector<128x128xf32>
    %max3A_1297 = vector.broadcast %slice3A_1275 : vector<128x1xf32> to vector<128x128xf32>
    %max3A_1298 = vector.broadcast %slice3A_1280 : vector<1x128xf32> to vector<128x128xf32>
    %max3A_1299 = arith.maximumf %max3A_1297, %max3A_1298 : vector<128x128xf32>
    %sub3A_1300 = arith.subf %min3A_1296, %max3A_1299 : vector<128x128xf32>
    %max3A_1301 = arith.constant 0.000000e+00 : f32
    %max3A_1302 = vector.broadcast %max3A_1301 : f32 to vector<128x128xf32>
    %max3A_1303 = arith.maximumf %sub3A_1300, %max3A_1302 : vector<128x128xf32>
    %mul3A_1304 = arith.mulf %max3A_1293, %max3A_1303 : vector<128x128xf32>
    %mul3A_1305 = arith.constant 3.000000e+00 : f32
    %mul3A_1306 = vector.broadcast %mul3A_1305 : f32 to vector<128x128xf32>
    %mul3A_1307 = arith.mulf %mul3A_1304, %mul3A_1306 : vector<128x128xf32>
    %add3A_1308 = vector.broadcast %slice3A_1278 : vector<128x1xf32> to vector<128x128xf32>
    %add3A_1309 = vector.broadcast %slice3A_1283 : vector<1x128xf32> to vector<128x128xf32>
    %add3A_1310 = arith.addf %add3A_1308, %add3A_1309 : vector<128x128xf32>
    %gt3A_1311 = arith.cmpf ogt, %mul3A_1307, %add3A_1310 : vector<128x128xf32>
    %and3A_1312 = arith.andi %gt3A_1311, %gt3A : vector<128x128xi1>
    %jit3A_1313 = arith.constant 1.000000e+00 : f32
    %jit3A_1314 = arith.constant 0.000000e+00 : f32
    %broadcast_in_dim3A_1315 = vector.broadcast %jit3A_1313 : f32 to vector<128x128xf32>
    %broadcast_in_dim3A_1316 = vector.broadcast %jit3A_1314 : f32 to vector<128x128xf32>
    %select_n3A_1317 = arith.select %and3A_1312, %broadcast_in_dim3A_1315, %broadcast_in_dim3A_1316 : vector<128x128xi1>, vector<128x128xf32>
    %get3A_1318 = arith.constant 0 : index
    %get3A_1319 = arith.constant 1536 : index
    %get3A_1320 = vector.load %arg1[%get3A_1318, %get3A_1319] : memref<1x5120xf32, #tpu.memory_space<vmem>>, vector<1x128xf32>
    %while3A_1321 = arith.constant true
    %while3A_1322:2 = scf.while (%while3A_4188 = %get3A_1320, %while3A_4189 = %while3A_1321) : (vector<1x128xf32>, i1) -> (vector<1x128xf32>, i1) {
      scf.condition(%while3A_4189) %while3A_4188, %while3A_4189 : vector<1x128xf32>, i1
    } do {
    ^bb0(%while3A_4188: vector<1x128xf32>, %while3A_4189: i1):
      %dot_general3A_4190 = arith.constant dense<0.000000e+00> : vector<1x128xf32>
      %dot_general3A_4191 = tpu.matmul %while3A_4188, %select_n3A_1317, %dot_general3A_4190 {dimension_numbers = #tpu.dot_dimension_numbers<[1], [0], [0], [1], [0, 0, 1, 1], [], []>, transpose_lhs_hint = false} : vector<1x128xf32>, vector<128x128xf32>, vector<1x128xf32> -> vector<1x128xf32>
      %gt3A_4192 = arith.constant 5.000000e-01 : f32
      %gt3A_4193 = vector.broadcast %gt3A_4192 : f32 to vector<1x128xf32>
      %gt3A_4194 = arith.cmpf ogt, %dot_general3A_4191, %gt3A_4193 : vector<1x128xf32>
      %jit3A_4195 = arith.constant 0.000000e+00 : f32
      %broadcast_in_dim3A_4196 = vector.broadcast %jit3A_4195 : f32 to vector<1x128xf32>
      %select_n3A_4197 = arith.select %gt3A_4194, %broadcast_in_dim3A_4196, %get3A_1320 : vector<1x128xi1>, vector<1x128xf32>
      %dot_general3A_4198 = arith.constant dense<0.000000e+00> : vector<1x128xf32>
      %dot_general3A_4199 = tpu.matmul %select_n3A_4197, %select_n3A_1317, %dot_general3A_4198 {dimension_numbers = #tpu.dot_dimension_numbers<[1], [0], [0], [1], [0, 0, 1, 1], [], []>, transpose_lhs_hint = false} : vector<1x128xf32>, vector<128x128xf32>, vector<1x128xf32> -> vector<1x128xf32>
      %gt3A_4200 = arith.constant 5.000000e-01 : f32
      %gt3A_4201 = vector.broadcast %gt3A_4200 : f32 to vector<1x128xf32>
      %gt3A_4202 = arith.cmpf ogt, %dot_general3A_4199, %gt3A_4201 : vector<1x128xf32>
      %jit3A_4203 = arith.constant 0.000000e+00 : f32
      %broadcast_in_dim3A_4204 = vector.broadcast %jit3A_4203 : f32 to vector<1x128xf32>
      %select_n3A_4205 = arith.select %gt3A_4202, %broadcast_in_dim3A_4204, %get3A_1320 : vector<1x128xi1>, vector<1x128xf32>
      %sub3A_4206 = arith.subf %select_n3A_4205, %select_n3A_4197 : vector<1x128xf32>
      %abs3A = math.absf %sub3A_4206 : vector<1x128xf32>
      %reduce_sum3A = vector.shape_cast %abs3A : vector<1x128xf32> to vector<1x1x128xf32>
      %reduce_sum3A_4207 = arith.constant dense<0.000000e+00> : vector<1xf32>
      %reduce_sum3A_4208 = vector.multi_reduction <add>, %reduce_sum3A, %reduce_sum3A_4207 [1, 2] : vector<1x1x128xf32> to vector<1xf32>
      %reduce_sum3A_4209 = vector.shape_cast %reduce_sum3A_4208 : vector<1xf32> to vector<1x1x1xf32>
      %reduce_sum3A_4210 = vector.extract %reduce_sum3A_4209[0, 0, 0] : f32 from vector<1x1x1xf32>
      %gt3A_4211 = arith.constant 0.000000e+00 : f32
      %gt3A_4212 = arith.cmpf ogt, %reduce_sum3A_4210, %gt3A_4211 : f32
      scf.yield %select_n3A_4205, %gt3A_4212 : vector<1x128xf32>, i1
    }
    %swap3A_1323 = arith.constant 0 : index
    %swap3A_1324 = arith.constant 1536 : index
    %swap3A_1325 = vector.load %arg1[%swap3A_1323, %swap3A_1324] : memref<1x5120xf32, #tpu.memory_space<vmem>>, vector<1x128xf32>
    tpu.vector_store %arg1[%swap3A_1323, %swap3A_1324], %while3A_1322#0 {strides = array<i32>} : memref<1x5120xf32, #tpu.memory_space<vmem>>, vector<1x128xf32>,
    %slice3A_1326 = vector.extract_strided_slice %get3A_1 {offsets = [0, 1664], sizes = [1, 3456], strides = [1, 1]} : vector<8x5120xf32> to vector<1x3456xf32>
    %slice3A_1327 = vector.extract_strided_slice %get3A_1 {offsets = [1, 1664], sizes = [1, 3456], strides = [1, 1]} : vector<8x5120xf32> to vector<1x3456xf32>
    %slice3A_1328 = vector.extract_strided_slice %get3A_1 {offsets = [2, 1664], sizes = [1, 3456], strides = [1, 1]} : vector<8x5120xf32> to vector<1x3456xf32>
    %slice3A_1329 = vector.extract_strided_slice %get3A_1 {offsets = [3, 1664], sizes = [1, 3456], strides = [1, 1]} : vector<8x5120xf32> to vector<1x3456xf32>
    %slice3A_1330 = vector.extract_strided_slice %get3A_1 {offsets = [4, 1664], sizes = [1, 3456], strides = [1, 1]} : vector<8x5120xf32> to vector<1x3456xf32>
    %min3A_1331 = vector.broadcast %slice3A_1276 : vector<128x1xf32> to vector<128x3456xf32>
    %min3A_1332 = vector.broadcast %slice3A_1328 : vector<1x3456xf32> to vector<128x3456xf32>
    %min3A_1333 = arith.minimumf %min3A_1331, %min3A_1332 : vector<128x3456xf32>
    %max3A_1334 = vector.broadcast %slice3A_1274 : vector<128x1xf32> to vector<128x3456xf32>
    %max3A_1335 = vector.broadcast %slice3A_1326 : vector<1x3456xf32> to vector<128x3456xf32>
    %max3A_1336 = arith.maximumf %max3A_1334, %max3A_1335 : vector<128x3456xf32>
    %sub3A_1337 = arith.subf %min3A_1333, %max3A_1336 : vector<128x3456xf32>
    %max3A_1338 = arith.constant 0.000000e+00 : f32
    %max3A_1339 = vector.broadcast %max3A_1338 : f32 to vector<128x3456xf32>
    %max3A_1340 = arith.maximumf %sub3A_1337, %max3A_1339 : vector<128x3456xf32>
    %min3A_1341 = vector.broadcast %slice3A_1277 : vector<128x1xf32> to vector<128x3456xf32>
    %min3A_1342 = vector.broadcast %slice3A_1329 : vector<1x3456xf32> to vector<128x3456xf32>
    %min3A_1343 = arith.minimumf %min3A_1341, %min3A_1342 : vector<128x3456xf32>
    %max3A_1344 = vector.broadcast %slice3A_1275 : vector<128x1xf32> to vector<128x3456xf32>
    %max3A_1345 = vector.broadcast %slice3A_1327 : vector<1x3456xf32> to vector<128x3456xf32>
    %max3A_1346 = arith.maximumf %max3A_1344, %max3A_1345 : vector<128x3456xf32>
    %sub3A_1347 = arith.subf %min3A_1343, %max3A_1346 : vector<128x3456xf32>
    %max3A_1348 = arith.constant 0.000000e+00 : f32
    %max3A_1349 = vector.broadcast %max3A_1348 : f32 to vector<128x3456xf32>
    %max3A_1350 = arith.maximumf %sub3A_1347, %max3A_1349 : vector<128x3456xf32>
    %mul3A_1351 = arith.mulf %max3A_1340, %max3A_1350 : vector<128x3456xf32>
    %mul3A_1352 = arith.constant 3.000000e+00 : f32
    %mul3A_1353 = vector.broadcast %mul3A_1352 : f32 to vector<128x3456xf32>
    %mul3A_1354 = arith.mulf %mul3A_1351, %mul3A_1353 : vector<128x3456xf32>
    %add3A_1355 = vector.broadcast %slice3A_1278 : vector<128x1xf32> to vector<128x3456xf32>
    %add3A_1356 = vector.broadcast %slice3A_1330 : vector<1x3456xf32> to vector<128x3456xf32>
    %add3A_1357 = arith.addf %add3A_1355, %add3A_1356 : vector<128x3456xf32>
    %gt3A_1358 = arith.cmpf ogt, %mul3A_1354, %add3A_1357 : vector<128x3456xf32>
    %convert_element_type3A_1359 = arith.extui %gt3A_1358 : vector<128x3456xi1> to vector<128x3456xi32>
    %convert_element_type3A_1360 = arith.sitofp %convert_element_type3A_1359 : vector<128x3456xi32> to vector<128x3456xf32>
    %convert_element_type3A_1361 = arith.truncf %convert_element_type3A_1360 : vector<128x3456xf32> to vector<128x3456xbf16>
    %convert_element_type3A_1362 = arith.truncf %while3A_1322#0 : vector<1x128xf32> to vector<1x128xbf16>
    %dot_general3A_1363 = arith.constant dense<0.000000e+00> : vector<1x3456xf32>
    %dot_general3A_1364 = tpu.matmul %convert_element_type3A_1362, %convert_element_type3A_1361, %dot_general3A_1363 {dimension_numbers = #tpu.dot_dimension_numbers<[1], [0], [0], [1], [0, 0, 1, 1], [], []>, transpose_lhs_hint = false} : vector<1x128xbf16>, vector<128x3456xbf16>, vector<1x3456xf32> -> vector<1x3456xf32>
    %gt3A_1365 = arith.constant 5.000000e-01 : f32
    %gt3A_1366 = vector.broadcast %gt3A_1365 : f32 to vector<1x3456xf32>
    %gt3A_1367 = arith.cmpf ogt, %dot_general3A_1364, %gt3A_1366 : vector<1x3456xf32>
    %get3A_1368 = arith.constant 0 : index
    %get3A_1369 = arith.constant 1664 : index
    %get3A_1370 = vector.load %arg1[%get3A_1368, %get3A_1369] : memref<1x5120xf32, #tpu.memory_space<vmem>>, vector<1x3456xf32>
    %jit3A_1371 = arith.constant 0.000000e+00 : f32
    %broadcast_in_dim3A_1372 = vector.broadcast %jit3A_1371 : f32 to vector<1x3456xf32>
    %select_n3A_1373 = arith.select %gt3A_1367, %broadcast_in_dim3A_1372, %get3A_1370 : vector<1x3456xi1>, vector<1x3456xf32>
    %swap3A_1374 = arith.constant 0 : index
    %swap3A_1375 = arith.constant 1664 : index
    %swap3A_1376 = vector.load %arg1[%swap3A_1374, %swap3A_1375] : memref<1x5120xf32, #tpu.memory_space<vmem>>, vector<1x3456xf32>
    tpu.vector_store %arg1[%swap3A_1374, %swap3A_1375], %select_n3A_1373 {strides = array<i32>} : memref<1x5120xf32, #tpu.memory_space<vmem>>, vector<1x3456xf32>,
    %slice3A_1377 = vector.extract_strided_slice %get3A_1 {offsets = [0, 1664], sizes = [8, 128], strides = [1, 1]} : vector<8x5120xf32> to vector<8x128xf32>
    %dot_general3A_1378 = arith.constant dense<0.000000e+00> : vector<128x8xf32>
    %dot_general3A_1379 = tpu.matmul %select_n3A, %slice3A_1377, %dot_general3A_1378 {dimension_numbers = #tpu.dot_dimension_numbers<[1], [1], [0], [0], [0, 0, 1, 0], [], []>, precision = #tpu.contract_precision<fp32>, transpose_lhs_hint = false} : vector<128x128xf32>, vector<8x128xf32>, vector<128x8xf32> -> vector<128x8xf32>
    %slice3A_1380 = vector.extract_strided_slice %dot_general3A_1379 {offsets = [0, 0], sizes = [128, 1], strides = [1, 1]} : vector<128x8xf32> to vector<128x1xf32>
    %slice3A_1381 = vector.extract_strided_slice %dot_general3A_1379 {offsets = [0, 1], sizes = [128, 1], strides = [1, 1]} : vector<128x8xf32> to vector<128x1xf32>
    %slice3A_1382 = vector.extract_strided_slice %dot_general3A_1379 {offsets = [0, 2], sizes = [128, 1], strides = [1, 1]} : vector<128x8xf32> to vector<128x1xf32>
    %slice3A_1383 = vector.extract_strided_slice %dot_general3A_1379 {offsets = [0, 3], sizes = [128, 1], strides = [1, 1]} : vector<128x8xf32> to vector<128x1xf32>
    %slice3A_1384 = vector.extract_strided_slice %dot_general3A_1379 {offsets = [0, 4], sizes = [128, 1], strides = [1, 1]} : vector<128x8xf32> to vector<128x1xf32>
    %slice3A_1385 = vector.extract_strided_slice %get3A_1 {offsets = [0, 1664], sizes = [1, 128], strides = [1, 1]} : vector<8x5120xf32> to vector<1x128xf32>
    %slice3A_1386 = vector.extract_strided_slice %get3A_1 {offsets = [1, 1664], sizes = [1, 128], strides = [1, 1]} : vector<8x5120xf32> to vector<1x128xf32>
    %slice3A_1387 = vector.extract_strided_slice %get3A_1 {offsets = [2, 1664], sizes = [1, 128], strides = [1, 1]} : vector<8x5120xf32> to vector<1x128xf32>
    %slice3A_1388 = vector.extract_strided_slice %get3A_1 {offsets = [3, 1664], sizes = [1, 128], strides = [1, 1]} : vector<8x5120xf32> to vector<1x128xf32>
    %slice3A_1389 = vector.extract_strided_slice %get3A_1 {offsets = [4, 1664], sizes = [1, 128], strides = [1, 1]} : vector<8x5120xf32> to vector<1x128xf32>
    %min3A_1390 = vector.broadcast %slice3A_1382 : vector<128x1xf32> to vector<128x128xf32>
    %min3A_1391 = vector.broadcast %slice3A_1387 : vector<1x128xf32> to vector<128x128xf32>
    %min3A_1392 = arith.minimumf %min3A_1390, %min3A_1391 : vector<128x128xf32>
    %max3A_1393 = vector.broadcast %slice3A_1380 : vector<128x1xf32> to vector<128x128xf32>
    %max3A_1394 = vector.broadcast %slice3A_1385 : vector<1x128xf32> to vector<128x128xf32>
    %max3A_1395 = arith.maximumf %max3A_1393, %max3A_1394 : vector<128x128xf32>
    %sub3A_1396 = arith.subf %min3A_1392, %max3A_1395 : vector<128x128xf32>
    %max3A_1397 = arith.constant 0.000000e+00 : f32
    %max3A_1398 = vector.broadcast %max3A_1397 : f32 to vector<128x128xf32>
    %max3A_1399 = arith.maximumf %sub3A_1396, %max3A_1398 : vector<128x128xf32>
    %min3A_1400 = vector.broadcast %slice3A_1383 : vector<128x1xf32> to vector<128x128xf32>
    %min3A_1401 = vector.broadcast %slice3A_1388 : vector<1x128xf32> to vector<128x128xf32>
    %min3A_1402 = arith.minimumf %min3A_1400, %min3A_1401 : vector<128x128xf32>
    %max3A_1403 = vector.broadcast %slice3A_1381 : vector<128x1xf32> to vector<128x128xf32>
    %max3A_1404 = vector.broadcast %slice3A_1386 : vector<1x128xf32> to vector<128x128xf32>
    %max3A_1405 = arith.maximumf %max3A_1403, %max3A_1404 : vector<128x128xf32>
    %sub3A_1406 = arith.subf %min3A_1402, %max3A_1405 : vector<128x128xf32>
    %max3A_1407 = arith.constant 0.000000e+00 : f32
    %max3A_1408 = vector.broadcast %max3A_1407 : f32 to vector<128x128xf32>
    %max3A_1409 = arith.maximumf %sub3A_1406, %max3A_1408 : vector<128x128xf32>
    %mul3A_1410 = arith.mulf %max3A_1399, %max3A_1409 : vector<128x128xf32>
    %mul3A_1411 = arith.constant 3.000000e+00 : f32
    %mul3A_1412 = vector.broadcast %mul3A_1411 : f32 to vector<128x128xf32>
    %mul3A_1413 = arith.mulf %mul3A_1410, %mul3A_1412 : vector<128x128xf32>
    %add3A_1414 = vector.broadcast %slice3A_1384 : vector<128x1xf32> to vector<128x128xf32>
    %add3A_1415 = vector.broadcast %slice3A_1389 : vector<1x128xf32> to vector<128x128xf32>
    %add3A_1416 = arith.addf %add3A_1414, %add3A_1415 : vector<128x128xf32>
    %gt3A_1417 = arith.cmpf ogt, %mul3A_1413, %add3A_1416 : vector<128x128xf32>
    %and3A_1418 = arith.andi %gt3A_1417, %gt3A : vector<128x128xi1>
    %jit3A_1419 = arith.constant 1.000000e+00 : f32
    %jit3A_1420 = arith.constant 0.000000e+00 : f32
    %broadcast_in_dim3A_1421 = vector.broadcast %jit3A_1419 : f32 to vector<128x128xf32>
    %broadcast_in_dim3A_1422 = vector.broadcast %jit3A_1420 : f32 to vector<128x128xf32>
    %select_n3A_1423 = arith.select %and3A_1418, %broadcast_in_dim3A_1421, %broadcast_in_dim3A_1422 : vector<128x128xi1>, vector<128x128xf32>
    %get3A_1424 = arith.constant 0 : index
    %get3A_1425 = arith.constant 1664 : index
    %get3A_1426 = vector.load %arg1[%get3A_1424, %get3A_1425] : memref<1x5120xf32, #tpu.memory_space<vmem>>, vector<1x128xf32>
    %while3A_1427 = arith.constant true
    %while3A_1428:2 = scf.while (%while3A_4188 = %get3A_1426, %while3A_4189 = %while3A_1427) : (vector<1x128xf32>, i1) -> (vector<1x128xf32>, i1) {
      scf.condition(%while3A_4189) %while3A_4188, %while3A_4189 : vector<1x128xf32>, i1
    } do {
    ^bb0(%while3A_4188: vector<1x128xf32>, %while3A_4189: i1):
      %dot_general3A_4190 = arith.constant dense<0.000000e+00> : vector<1x128xf32>
      %dot_general3A_4191 = tpu.matmul %while3A_4188, %select_n3A_1423, %dot_general3A_4190 {dimension_numbers = #tpu.dot_dimension_numbers<[1], [0], [0], [1], [0, 0, 1, 1], [], []>, transpose_lhs_hint = false} : vector<1x128xf32>, vector<128x128xf32>, vector<1x128xf32> -> vector<1x128xf32>
      %gt3A_4192 = arith.constant 5.000000e-01 : f32
      %gt3A_4193 = vector.broadcast %gt3A_4192 : f32 to vector<1x128xf32>
      %gt3A_4194 = arith.cmpf ogt, %dot_general3A_4191, %gt3A_4193 : vector<1x128xf32>
      %jit3A_4195 = arith.constant 0.000000e+00 : f32
      %broadcast_in_dim3A_4196 = vector.broadcast %jit3A_4195 : f32 to vector<1x128xf32>
      %select_n3A_4197 = arith.select %gt3A_4194, %broadcast_in_dim3A_4196, %get3A_1426 : vector<1x128xi1>, vector<1x128xf32>
      %dot_general3A_4198 = arith.constant dense<0.000000e+00> : vector<1x128xf32>
      %dot_general3A_4199 = tpu.matmul %select_n3A_4197, %select_n3A_1423, %dot_general3A_4198 {dimension_numbers = #tpu.dot_dimension_numbers<[1], [0], [0], [1], [0, 0, 1, 1], [], []>, transpose_lhs_hint = false} : vector<1x128xf32>, vector<128x128xf32>, vector<1x128xf32> -> vector<1x128xf32>
      %gt3A_4200 = arith.constant 5.000000e-01 : f32
      %gt3A_4201 = vector.broadcast %gt3A_4200 : f32 to vector<1x128xf32>
      %gt3A_4202 = arith.cmpf ogt, %dot_general3A_4199, %gt3A_4201 : vector<1x128xf32>
      %jit3A_4203 = arith.constant 0.000000e+00 : f32
      %broadcast_in_dim3A_4204 = vector.broadcast %jit3A_4203 : f32 to vector<1x128xf32>
      %select_n3A_4205 = arith.select %gt3A_4202, %broadcast_in_dim3A_4204, %get3A_1426 : vector<1x128xi1>, vector<1x128xf32>
      %sub3A_4206 = arith.subf %select_n3A_4205, %select_n3A_4197 : vector<1x128xf32>
      %abs3A = math.absf %sub3A_4206 : vector<1x128xf32>
      %reduce_sum3A = vector.shape_cast %abs3A : vector<1x128xf32> to vector<1x1x128xf32>
      %reduce_sum3A_4207 = arith.constant dense<0.000000e+00> : vector<1xf32>
      %reduce_sum3A_4208 = vector.multi_reduction <add>, %reduce_sum3A, %reduce_sum3A_4207 [1, 2] : vector<1x1x128xf32> to vector<1xf32>
      %reduce_sum3A_4209 = vector.shape_cast %reduce_sum3A_4208 : vector<1xf32> to vector<1x1x1xf32>
      %reduce_sum3A_4210 = vector.extract %reduce_sum3A_4209[0, 0, 0] : f32 from vector<1x1x1xf32>
      %gt3A_4211 = arith.constant 0.000000e+00 : f32
      %gt3A_4212 = arith.cmpf ogt, %reduce_sum3A_4210, %gt3A_4211 : f32
      scf.yield %select_n3A_4205, %gt3A_4212 : vector<1x128xf32>, i1
    }
    %swap3A_1429 = arith.constant 0 : index
    %swap3A_1430 = arith.constant 1664 : index
    %swap3A_1431 = vector.load %arg1[%swap3A_1429, %swap3A_1430] : memref<1x5120xf32, #tpu.memory_space<vmem>>, vector<1x128xf32>
    tpu.vector_store %arg1[%swap3A_1429, %swap3A_1430], %while3A_1428#0 {strides = array<i32>} : memref<1x5120xf32, #tpu.memory_space<vmem>>, vector<1x128xf32>,
    %slice3A_1432 = vector.extract_strided_slice %get3A_1 {offsets = [0, 1792], sizes = [1, 3328], strides = [1, 1]} : vector<8x5120xf32> to vector<1x3328xf32>
    %slice3A_1433 = vector.extract_strided_slice %get3A_1 {offsets = [1, 1792], sizes = [1, 3328], strides = [1, 1]} : vector<8x5120xf32> to vector<1x3328xf32>
    %slice3A_1434 = vector.extract_strided_slice %get3A_1 {offsets = [2, 1792], sizes = [1, 3328], strides = [1, 1]} : vector<8x5120xf32> to vector<1x3328xf32>
    %slice3A_1435 = vector.extract_strided_slice %get3A_1 {offsets = [3, 1792], sizes = [1, 3328], strides = [1, 1]} : vector<8x5120xf32> to vector<1x3328xf32>
    %slice3A_1436 = vector.extract_strided_slice %get3A_1 {offsets = [4, 1792], sizes = [1, 3328], strides = [1, 1]} : vector<8x5120xf32> to vector<1x3328xf32>
    %min3A_1437 = vector.broadcast %slice3A_1382 : vector<128x1xf32> to vector<128x3328xf32>
    %min3A_1438 = vector.broadcast %slice3A_1434 : vector<1x3328xf32> to vector<128x3328xf32>
    %min3A_1439 = arith.minimumf %min3A_1437, %min3A_1438 : vector<128x3328xf32>
    %max3A_1440 = vector.broadcast %slice3A_1380 : vector<128x1xf32> to vector<128x3328xf32>
    %max3A_1441 = vector.broadcast %slice3A_1432 : vector<1x3328xf32> to vector<128x3328xf32>
    %max3A_1442 = arith.maximumf %max3A_1440, %max3A_1441 : vector<128x3328xf32>
    %sub3A_1443 = arith.subf %min3A_1439, %max3A_1442 : vector<128x3328xf32>
    %max3A_1444 = arith.constant 0.000000e+00 : f32
    %max3A_1445 = vector.broadcast %max3A_1444 : f32 to vector<128x3328xf32>
    %max3A_1446 = arith.maximumf %sub3A_1443, %max3A_1445 : vector<128x3328xf32>
    %min3A_1447 = vector.broadcast %slice3A_1383 : vector<128x1xf32> to vector<128x3328xf32>
    %min3A_1448 = vector.broadcast %slice3A_1435 : vector<1x3328xf32> to vector<128x3328xf32>
    %min3A_1449 = arith.minimumf %min3A_1447, %min3A_1448 : vector<128x3328xf32>
    %max3A_1450 = vector.broadcast %slice3A_1381 : vector<128x1xf32> to vector<128x3328xf32>
    %max3A_1451 = vector.broadcast %slice3A_1433 : vector<1x3328xf32> to vector<128x3328xf32>
    %max3A_1452 = arith.maximumf %max3A_1450, %max3A_1451 : vector<128x3328xf32>
    %sub3A_1453 = arith.subf %min3A_1449, %max3A_1452 : vector<128x3328xf32>
    %max3A_1454 = arith.constant 0.000000e+00 : f32
    %max3A_1455 = vector.broadcast %max3A_1454 : f32 to vector<128x3328xf32>
    %max3A_1456 = arith.maximumf %sub3A_1453, %max3A_1455 : vector<128x3328xf32>
    %mul3A_1457 = arith.mulf %max3A_1446, %max3A_1456 : vector<128x3328xf32>
    %mul3A_1458 = arith.constant 3.000000e+00 : f32
    %mul3A_1459 = vector.broadcast %mul3A_1458 : f32 to vector<128x3328xf32>
    %mul3A_1460 = arith.mulf %mul3A_1457, %mul3A_1459 : vector<128x3328xf32>
    %add3A_1461 = vector.broadcast %slice3A_1384 : vector<128x1xf32> to vector<128x3328xf32>
    %add3A_1462 = vector.broadcast %slice3A_1436 : vector<1x3328xf32> to vector<128x3328xf32>
    %add3A_1463 = arith.addf %add3A_1461, %add3A_1462 : vector<128x3328xf32>
    %gt3A_1464 = arith.cmpf ogt, %mul3A_1460, %add3A_1463 : vector<128x3328xf32>
    %convert_element_type3A_1465 = arith.extui %gt3A_1464 : vector<128x3328xi1> to vector<128x3328xi32>
    %convert_element_type3A_1466 = arith.sitofp %convert_element_type3A_1465 : vector<128x3328xi32> to vector<128x3328xf32>
    %convert_element_type3A_1467 = arith.truncf %convert_element_type3A_1466 : vector<128x3328xf32> to vector<128x3328xbf16>
    %convert_element_type3A_1468 = arith.truncf %while3A_1428#0 : vector<1x128xf32> to vector<1x128xbf16>
    %dot_general3A_1469 = arith.constant dense<0.000000e+00> : vector<1x3328xf32>
    %dot_general3A_1470 = tpu.matmul %convert_element_type3A_1468, %convert_element_type3A_1467, %dot_general3A_1469 {dimension_numbers = #tpu.dot_dimension_numbers<[1], [0], [0], [1], [0, 0, 1, 1], [], []>, transpose_lhs_hint = false} : vector<1x128xbf16>, vector<128x3328xbf16>, vector<1x3328xf32> -> vector<1x3328xf32>
    %gt3A_1471 = arith.constant 5.000000e-01 : f32
    %gt3A_1472 = vector.broadcast %gt3A_1471 : f32 to vector<1x3328xf32>
    %gt3A_1473 = arith.cmpf ogt, %dot_general3A_1470, %gt3A_1472 : vector<1x3328xf32>
    %get3A_1474 = arith.constant 0 : index
    %get3A_1475 = arith.constant 1792 : index
    %get3A_1476 = vector.load %arg1[%get3A_1474, %get3A_1475] : memref<1x5120xf32, #tpu.memory_space<vmem>>, vector<1x3328xf32>
    %jit3A_1477 = arith.constant 0.000000e+00 : f32
    %broadcast_in_dim3A_1478 = vector.broadcast %jit3A_1477 : f32 to vector<1x3328xf32>
    %select_n3A_1479 = arith.select %gt3A_1473, %broadcast_in_dim3A_1478, %get3A_1476 : vector<1x3328xi1>, vector<1x3328xf32>
    %swap3A_1480 = arith.constant 0 : index
    %swap3A_1481 = arith.constant 1792 : index
    %swap3A_1482 = vector.load %arg1[%swap3A_1480, %swap3A_1481] : memref<1x5120xf32, #tpu.memory_space<vmem>>, vector<1x3328xf32>
    tpu.vector_store %arg1[%swap3A_1480, %swap3A_1481], %select_n3A_1479 {strides = array<i32>} : memref<1x5120xf32, #tpu.memory_space<vmem>>, vector<1x3328xf32>,
    %slice3A_1483 = vector.extract_strided_slice %get3A_1 {offsets = [0, 1792], sizes = [8, 128], strides = [1, 1]} : vector<8x5120xf32> to vector<8x128xf32>
    %dot_general3A_1484 = arith.constant dense<0.000000e+00> : vector<128x8xf32>
    %dot_general3A_1485 = tpu.matmul %select_n3A, %slice3A_1483, %dot_general3A_1484 {dimension_numbers = #tpu.dot_dimension_numbers<[1], [1], [0], [0], [0, 0, 1, 0], [], []>, precision = #tpu.contract_precision<fp32>, transpose_lhs_hint = false} : vector<128x128xf32>, vector<8x128xf32>, vector<128x8xf32> -> vector<128x8xf32>
    %slice3A_1486 = vector.extract_strided_slice %dot_general3A_1485 {offsets = [0, 0], sizes = [128, 1], strides = [1, 1]} : vector<128x8xf32> to vector<128x1xf32>
    %slice3A_1487 = vector.extract_strided_slice %dot_general3A_1485 {offsets = [0, 1], sizes = [128, 1], strides = [1, 1]} : vector<128x8xf32> to vector<128x1xf32>
    %slice3A_1488 = vector.extract_strided_slice %dot_general3A_1485 {offsets = [0, 2], sizes = [128, 1], strides = [1, 1]} : vector<128x8xf32> to vector<128x1xf32>
    %slice3A_1489 = vector.extract_strided_slice %dot_general3A_1485 {offsets = [0, 3], sizes = [128, 1], strides = [1, 1]} : vector<128x8xf32> to vector<128x1xf32>
    %slice3A_1490 = vector.extract_strided_slice %dot_general3A_1485 {offsets = [0, 4], sizes = [128, 1], strides = [1, 1]} : vector<128x8xf32> to vector<128x1xf32>
    %slice3A_1491 = vector.extract_strided_slice %get3A_1 {offsets = [0, 1792], sizes = [1, 128], strides = [1, 1]} : vector<8x5120xf32> to vector<1x128xf32>
    %slice3A_1492 = vector.extract_strided_slice %get3A_1 {offsets = [1, 1792], sizes = [1, 128], strides = [1, 1]} : vector<8x5120xf32> to vector<1x128xf32>
    %slice3A_1493 = vector.extract_strided_slice %get3A_1 {offsets = [2, 1792], sizes = [1, 128], strides = [1, 1]} : vector<8x5120xf32> to vector<1x128xf32>
    %slice3A_1494 = vector.extract_strided_slice %get3A_1 {offsets = [3, 1792], sizes = [1, 128], strides = [1, 1]} : vector<8x5120xf32> to vector<1x128xf32>
    %slice3A_1495 = vector.extract_strided_slice %get3A_1 {offsets = [4, 1792], sizes = [1, 128], strides = [1, 1]} : vector<8x5120xf32> to vector<1x128xf32>
    %min3A_1496 = vector.broadcast %slice3A_1488 : vector<128x1xf32> to vector<128x128xf32>
    %min3A_1497 = vector.broadcast %slice3A_1493 : vector<1x128xf32> to vector<128x128xf32>
    %min3A_1498 = arith.minimumf %min3A_1496, %min3A_1497 : vector<128x128xf32>
    %max3A_1499 = vector.broadcast %slice3A_1486 : vector<128x1xf32> to vector<128x128xf32>
    %max3A_1500 = vector.broadcast %slice3A_1491 : vector<1x128xf32> to vector<128x128xf32>
    %max3A_1501 = arith.maximumf %max3A_1499, %max3A_1500 : vector<128x128xf32>
    %sub3A_1502 = arith.subf %min3A_1498, %max3A_1501 : vector<128x128xf32>
    %max3A_1503 = arith.constant 0.000000e+00 : f32
    %max3A_1504 = vector.broadcast %max3A_1503 : f32 to vector<128x128xf32>
    %max3A_1505 = arith.maximumf %sub3A_1502, %max3A_1504 : vector<128x128xf32>
    %min3A_1506 = vector.broadcast %slice3A_1489 : vector<128x1xf32> to vector<128x128xf32>
    %min3A_1507 = vector.broadcast %slice3A_1494 : vector<1x128xf32> to vector<128x128xf32>
    %min3A_1508 = arith.minimumf %min3A_1506, %min3A_1507 : vector<128x128xf32>
    %max3A_1509 = vector.broadcast %slice3A_1487 : vector<128x1xf32> to vector<128x128xf32>
    %max3A_1510 = vector.broadcast %slice3A_1492 : vector<1x128xf32> to vector<128x128xf32>
    %max3A_1511 = arith.maximumf %max3A_1509, %max3A_1510 : vector<128x128xf32>
    %sub3A_1512 = arith.subf %min3A_1508, %max3A_1511 : vector<128x128xf32>
    %max3A_1513 = arith.constant 0.000000e+00 : f32
    %max3A_1514 = vector.broadcast %max3A_1513 : f32 to vector<128x128xf32>
    %max3A_1515 = arith.maximumf %sub3A_1512, %max3A_1514 : vector<128x128xf32>
    %mul3A_1516 = arith.mulf %max3A_1505, %max3A_1515 : vector<128x128xf32>
    %mul3A_1517 = arith.constant 3.000000e+00 : f32
    %mul3A_1518 = vector.broadcast %mul3A_1517 : f32 to vector<128x128xf32>
    %mul3A_1519 = arith.mulf %mul3A_1516, %mul3A_1518 : vector<128x128xf32>
    %add3A_1520 = vector.broadcast %slice3A_1490 : vector<128x1xf32> to vector<128x128xf32>
    %add3A_1521 = vector.broadcast %slice3A_1495 : vector<1x128xf32> to vector<128x128xf32>
    %add3A_1522 = arith.addf %add3A_1520, %add3A_1521 : vector<128x128xf32>
    %gt3A_1523 = arith.cmpf ogt, %mul3A_1519, %add3A_1522 : vector<128x128xf32>
    %and3A_1524 = arith.andi %gt3A_1523, %gt3A : vector<128x128xi1>
    %jit3A_1525 = arith.constant 1.000000e+00 : f32
    %jit3A_1526 = arith.constant 0.000000e+00 : f32
    %broadcast_in_dim3A_1527 = vector.broadcast %jit3A_1525 : f32 to vector<128x128xf32>
    %broadcast_in_dim3A_1528 = vector.broadcast %jit3A_1526 : f32 to vector<128x128xf32>
    %select_n3A_1529 = arith.select %and3A_1524, %broadcast_in_dim3A_1527, %broadcast_in_dim3A_1528 : vector<128x128xi1>, vector<128x128xf32>
    %get3A_1530 = arith.constant 0 : index
    %get3A_1531 = arith.constant 1792 : index
    %get3A_1532 = vector.load %arg1[%get3A_1530, %get3A_1531] : memref<1x5120xf32, #tpu.memory_space<vmem>>, vector<1x128xf32>
    %while3A_1533 = arith.constant true
    %while3A_1534:2 = scf.while (%while3A_4188 = %get3A_1532, %while3A_4189 = %while3A_1533) : (vector<1x128xf32>, i1) -> (vector<1x128xf32>, i1) {
      scf.condition(%while3A_4189) %while3A_4188, %while3A_4189 : vector<1x128xf32>, i1
    } do {
    ^bb0(%while3A_4188: vector<1x128xf32>, %while3A_4189: i1):
      %dot_general3A_4190 = arith.constant dense<0.000000e+00> : vector<1x128xf32>
      %dot_general3A_4191 = tpu.matmul %while3A_4188, %select_n3A_1529, %dot_general3A_4190 {dimension_numbers = #tpu.dot_dimension_numbers<[1], [0], [0], [1], [0, 0, 1, 1], [], []>, transpose_lhs_hint = false} : vector<1x128xf32>, vector<128x128xf32>, vector<1x128xf32> -> vector<1x128xf32>
      %gt3A_4192 = arith.constant 5.000000e-01 : f32
      %gt3A_4193 = vector.broadcast %gt3A_4192 : f32 to vector<1x128xf32>
      %gt3A_4194 = arith.cmpf ogt, %dot_general3A_4191, %gt3A_4193 : vector<1x128xf32>
      %jit3A_4195 = arith.constant 0.000000e+00 : f32
      %broadcast_in_dim3A_4196 = vector.broadcast %jit3A_4195 : f32 to vector<1x128xf32>
      %select_n3A_4197 = arith.select %gt3A_4194, %broadcast_in_dim3A_4196, %get3A_1532 : vector<1x128xi1>, vector<1x128xf32>
      %dot_general3A_4198 = arith.constant dense<0.000000e+00> : vector<1x128xf32>
      %dot_general3A_4199 = tpu.matmul %select_n3A_4197, %select_n3A_1529, %dot_general3A_4198 {dimension_numbers = #tpu.dot_dimension_numbers<[1], [0], [0], [1], [0, 0, 1, 1], [], []>, transpose_lhs_hint = false} : vector<1x128xf32>, vector<128x128xf32>, vector<1x128xf32> -> vector<1x128xf32>
      %gt3A_4200 = arith.constant 5.000000e-01 : f32
      %gt3A_4201 = vector.broadcast %gt3A_4200 : f32 to vector<1x128xf32>
      %gt3A_4202 = arith.cmpf ogt, %dot_general3A_4199, %gt3A_4201 : vector<1x128xf32>
      %jit3A_4203 = arith.constant 0.000000e+00 : f32
      %broadcast_in_dim3A_4204 = vector.broadcast %jit3A_4203 : f32 to vector<1x128xf32>
      %select_n3A_4205 = arith.select %gt3A_4202, %broadcast_in_dim3A_4204, %get3A_1532 : vector<1x128xi1>, vector<1x128xf32>
      %sub3A_4206 = arith.subf %select_n3A_4205, %select_n3A_4197 : vector<1x128xf32>
      %abs3A = math.absf %sub3A_4206 : vector<1x128xf32>
      %reduce_sum3A = vector.shape_cast %abs3A : vector<1x128xf32> to vector<1x1x128xf32>
      %reduce_sum3A_4207 = arith.constant dense<0.000000e+00> : vector<1xf32>
      %reduce_sum3A_4208 = vector.multi_reduction <add>, %reduce_sum3A, %reduce_sum3A_4207 [1, 2] : vector<1x1x128xf32> to vector<1xf32>
      %reduce_sum3A_4209 = vector.shape_cast %reduce_sum3A_4208 : vector<1xf32> to vector<1x1x1xf32>
      %reduce_sum3A_4210 = vector.extract %reduce_sum3A_4209[0, 0, 0] : f32 from vector<1x1x1xf32>
      %gt3A_4211 = arith.constant 0.000000e+00 : f32
      %gt3A_4212 = arith.cmpf ogt, %reduce_sum3A_4210, %gt3A_4211 : f32
      scf.yield %select_n3A_4205, %gt3A_4212 : vector<1x128xf32>, i1
    }
    %swap3A_1535 = arith.constant 0 : index
    %swap3A_1536 = arith.constant 1792 : index
    %swap3A_1537 = vector.load %arg1[%swap3A_1535, %swap3A_1536] : memref<1x5120xf32, #tpu.memory_space<vmem>>, vector<1x128xf32>
    tpu.vector_store %arg1[%swap3A_1535, %swap3A_1536], %while3A_1534#0 {strides = array<i32>} : memref<1x5120xf32, #tpu.memory_space<vmem>>, vector<1x128xf32>,
    %slice3A_1538 = vector.extract_strided_slice %get3A_1 {offsets = [0, 1920], sizes = [1, 3200], strides = [1, 1]} : vector<8x5120xf32> to vector<1x3200xf32>
    %slice3A_1539 = vector.extract_strided_slice %get3A_1 {offsets = [1, 1920], sizes = [1, 3200], strides = [1, 1]} : vector<8x5120xf32> to vector<1x3200xf32>
    %slice3A_1540 = vector.extract_strided_slice %get3A_1 {offsets = [2, 1920], sizes = [1, 3200], strides = [1, 1]} : vector<8x5120xf32> to vector<1x3200xf32>
    %slice3A_1541 = vector.extract_strided_slice %get3A_1 {offsets = [3, 1920], sizes = [1, 3200], strides = [1, 1]} : vector<8x5120xf32> to vector<1x3200xf32>
    %slice3A_1542 = vector.extract_strided_slice %get3A_1 {offsets = [4, 1920], sizes = [1, 3200], strides = [1, 1]} : vector<8x5120xf32> to vector<1x3200xf32>
    %min3A_1543 = vector.broadcast %slice3A_1488 : vector<128x1xf32> to vector<128x3200xf32>
    %min3A_1544 = vector.broadcast %slice3A_1540 : vector<1x3200xf32> to vector<128x3200xf32>
    %min3A_1545 = arith.minimumf %min3A_1543, %min3A_1544 : vector<128x3200xf32>
    %max3A_1546 = vector.broadcast %slice3A_1486 : vector<128x1xf32> to vector<128x3200xf32>
    %max3A_1547 = vector.broadcast %slice3A_1538 : vector<1x3200xf32> to vector<128x3200xf32>
    %max3A_1548 = arith.maximumf %max3A_1546, %max3A_1547 : vector<128x3200xf32>
    %sub3A_1549 = arith.subf %min3A_1545, %max3A_1548 : vector<128x3200xf32>
    %max3A_1550 = arith.constant 0.000000e+00 : f32
    %max3A_1551 = vector.broadcast %max3A_1550 : f32 to vector<128x3200xf32>
    %max3A_1552 = arith.maximumf %sub3A_1549, %max3A_1551 : vector<128x3200xf32>
    %min3A_1553 = vector.broadcast %slice3A_1489 : vector<128x1xf32> to vector<128x3200xf32>
    %min3A_1554 = vector.broadcast %slice3A_1541 : vector<1x3200xf32> to vector<128x3200xf32>
    %min3A_1555 = arith.minimumf %min3A_1553, %min3A_1554 : vector<128x3200xf32>
    %max3A_1556 = vector.broadcast %slice3A_1487 : vector<128x1xf32> to vector<128x3200xf32>
    %max3A_1557 = vector.broadcast %slice3A_1539 : vector<1x3200xf32> to vector<128x3200xf32>
    %max3A_1558 = arith.maximumf %max3A_1556, %max3A_1557 : vector<128x3200xf32>
    %sub3A_1559 = arith.subf %min3A_1555, %max3A_1558 : vector<128x3200xf32>
    %max3A_1560 = arith.constant 0.000000e+00 : f32
    %max3A_1561 = vector.broadcast %max3A_1560 : f32 to vector<128x3200xf32>
    %max3A_1562 = arith.maximumf %sub3A_1559, %max3A_1561 : vector<128x3200xf32>
    %mul3A_1563 = arith.mulf %max3A_1552, %max3A_1562 : vector<128x3200xf32>
    %mul3A_1564 = arith.constant 3.000000e+00 : f32
    %mul3A_1565 = vector.broadcast %mul3A_1564 : f32 to vector<128x3200xf32>
    %mul3A_1566 = arith.mulf %mul3A_1563, %mul3A_1565 : vector<128x3200xf32>
    %add3A_1567 = vector.broadcast %slice3A_1490 : vector<128x1xf32> to vector<128x3200xf32>
    %add3A_1568 = vector.broadcast %slice3A_1542 : vector<1x3200xf32> to vector<128x3200xf32>
    %add3A_1569 = arith.addf %add3A_1567, %add3A_1568 : vector<128x3200xf32>
    %gt3A_1570 = arith.cmpf ogt, %mul3A_1566, %add3A_1569 : vector<128x3200xf32>
    %convert_element_type3A_1571 = arith.extui %gt3A_1570 : vector<128x3200xi1> to vector<128x3200xi32>
    %convert_element_type3A_1572 = arith.sitofp %convert_element_type3A_1571 : vector<128x3200xi32> to vector<128x3200xf32>
    %convert_element_type3A_1573 = arith.truncf %convert_element_type3A_1572 : vector<128x3200xf32> to vector<128x3200xbf16>
    %convert_element_type3A_1574 = arith.truncf %while3A_1534#0 : vector<1x128xf32> to vector<1x128xbf16>
    %dot_general3A_1575 = arith.constant dense<0.000000e+00> : vector<1x3200xf32>
    %dot_general3A_1576 = tpu.matmul %convert_element_type3A_1574, %convert_element_type3A_1573, %dot_general3A_1575 {dimension_numbers = #tpu.dot_dimension_numbers<[1], [0], [0], [1], [0, 0, 1, 1], [], []>, transpose_lhs_hint = false} : vector<1x128xbf16>, vector<128x3200xbf16>, vector<1x3200xf32> -> vector<1x3200xf32>
    %gt3A_1577 = arith.constant 5.000000e-01 : f32
    %gt3A_1578 = vector.broadcast %gt3A_1577 : f32 to vector<1x3200xf32>
    %gt3A_1579 = arith.cmpf ogt, %dot_general3A_1576, %gt3A_1578 : vector<1x3200xf32>
    %get3A_1580 = arith.constant 0 : index
    %get3A_1581 = arith.constant 1920 : index
    %get3A_1582 = vector.load %arg1[%get3A_1580, %get3A_1581] : memref<1x5120xf32, #tpu.memory_space<vmem>>, vector<1x3200xf32>
    %jit3A_1583 = arith.constant 0.000000e+00 : f32
    %broadcast_in_dim3A_1584 = vector.broadcast %jit3A_1583 : f32 to vector<1x3200xf32>
    %select_n3A_1585 = arith.select %gt3A_1579, %broadcast_in_dim3A_1584, %get3A_1582 : vector<1x3200xi1>, vector<1x3200xf32>
    %swap3A_1586 = arith.constant 0 : index
    %swap3A_1587 = arith.constant 1920 : index
    %swap3A_1588 = vector.load %arg1[%swap3A_1586, %swap3A_1587] : memref<1x5120xf32, #tpu.memory_space<vmem>>, vector<1x3200xf32>
    tpu.vector_store %arg1[%swap3A_1586, %swap3A_1587], %select_n3A_1585 {strides = array<i32>} : memref<1x5120xf32, #tpu.memory_space<vmem>>, vector<1x3200xf32>,
    %slice3A_1589 = vector.extract_strided_slice %get3A_1 {offsets = [0, 1920], sizes = [8, 128], strides = [1, 1]} : vector<8x5120xf32> to vector<8x128xf32>
    %dot_general3A_1590 = arith.constant dense<0.000000e+00> : vector<128x8xf32>
    %dot_general3A_1591 = tpu.matmul %select_n3A, %slice3A_1589, %dot_general3A_1590 {dimension_numbers = #tpu.dot_dimension_numbers<[1], [1], [0], [0], [0, 0, 1, 0], [], []>, precision = #tpu.contract_precision<fp32>, transpose_lhs_hint = false} : vector<128x128xf32>, vector<8x128xf32>, vector<128x8xf32> -> vector<128x8xf32>
    %slice3A_1592 = vector.extract_strided_slice %dot_general3A_1591 {offsets = [0, 0], sizes = [128, 1], strides = [1, 1]} : vector<128x8xf32> to vector<128x1xf32>
    %slice3A_1593 = vector.extract_strided_slice %dot_general3A_1591 {offsets = [0, 1], sizes = [128, 1], strides = [1, 1]} : vector<128x8xf32> to vector<128x1xf32>
    %slice3A_1594 = vector.extract_strided_slice %dot_general3A_1591 {offsets = [0, 2], sizes = [128, 1], strides = [1, 1]} : vector<128x8xf32> to vector<128x1xf32>
    %slice3A_1595 = vector.extract_strided_slice %dot_general3A_1591 {offsets = [0, 3], sizes = [128, 1], strides = [1, 1]} : vector<128x8xf32> to vector<128x1xf32>
    %slice3A_1596 = vector.extract_strided_slice %dot_general3A_1591 {offsets = [0, 4], sizes = [128, 1], strides = [1, 1]} : vector<128x8xf32> to vector<128x1xf32>
    %slice3A_1597 = vector.extract_strided_slice %get3A_1 {offsets = [0, 1920], sizes = [1, 128], strides = [1, 1]} : vector<8x5120xf32> to vector<1x128xf32>
    %slice3A_1598 = vector.extract_strided_slice %get3A_1 {offsets = [1, 1920], sizes = [1, 128], strides = [1, 1]} : vector<8x5120xf32> to vector<1x128xf32>
    %slice3A_1599 = vector.extract_strided_slice %get3A_1 {offsets = [2, 1920], sizes = [1, 128], strides = [1, 1]} : vector<8x5120xf32> to vector<1x128xf32>
    %slice3A_1600 = vector.extract_strided_slice %get3A_1 {offsets = [3, 1920], sizes = [1, 128], strides = [1, 1]} : vector<8x5120xf32> to vector<1x128xf32>
    %slice3A_1601 = vector.extract_strided_slice %get3A_1 {offsets = [4, 1920], sizes = [1, 128], strides = [1, 1]} : vector<8x5120xf32> to vector<1x128xf32>
    %min3A_1602 = vector.broadcast %slice3A_1594 : vector<128x1xf32> to vector<128x128xf32>
    %min3A_1603 = vector.broadcast %slice3A_1599 : vector<1x128xf32> to vector<128x128xf32>
    %min3A_1604 = arith.minimumf %min3A_1602, %min3A_1603 : vector<128x128xf32>
    %max3A_1605 = vector.broadcast %slice3A_1592 : vector<128x1xf32> to vector<128x128xf32>
    %max3A_1606 = vector.broadcast %slice3A_1597 : vector<1x128xf32> to vector<128x128xf32>
    %max3A_1607 = arith.maximumf %max3A_1605, %max3A_1606 : vector<128x128xf32>
    %sub3A_1608 = arith.subf %min3A_1604, %max3A_1607 : vector<128x128xf32>
    %max3A_1609 = arith.constant 0.000000e+00 : f32
    %max3A_1610 = vector.broadcast %max3A_1609 : f32 to vector<128x128xf32>
    %max3A_1611 = arith.maximumf %sub3A_1608, %max3A_1610 : vector<128x128xf32>
    %min3A_1612 = vector.broadcast %slice3A_1595 : vector<128x1xf32> to vector<128x128xf32>
    %min3A_1613 = vector.broadcast %slice3A_1600 : vector<1x128xf32> to vector<128x128xf32>
    %min3A_1614 = arith.minimumf %min3A_1612, %min3A_1613 : vector<128x128xf32>
    %max3A_1615 = vector.broadcast %slice3A_1593 : vector<128x1xf32> to vector<128x128xf32>
    %max3A_1616 = vector.broadcast %slice3A_1598 : vector<1x128xf32> to vector<128x128xf32>
    %max3A_1617 = arith.maximumf %max3A_1615, %max3A_1616 : vector<128x128xf32>
    %sub3A_1618 = arith.subf %min3A_1614, %max3A_1617 : vector<128x128xf32>
    %max3A_1619 = arith.constant 0.000000e+00 : f32
    %max3A_1620 = vector.broadcast %max3A_1619 : f32 to vector<128x128xf32>
    %max3A_1621 = arith.maximumf %sub3A_1618, %max3A_1620 : vector<128x128xf32>
    %mul3A_1622 = arith.mulf %max3A_1611, %max3A_1621 : vector<128x128xf32>
    %mul3A_1623 = arith.constant 3.000000e+00 : f32
    %mul3A_1624 = vector.broadcast %mul3A_1623 : f32 to vector<128x128xf32>
    %mul3A_1625 = arith.mulf %mul3A_1622, %mul3A_1624 : vector<128x128xf32>
    %add3A_1626 = vector.broadcast %slice3A_1596 : vector<128x1xf32> to vector<128x128xf32>
    %add3A_1627 = vector.broadcast %slice3A_1601 : vector<1x128xf32> to vector<128x128xf32>
    %add3A_1628 = arith.addf %add3A_1626, %add3A_1627 : vector<128x128xf32>
    %gt3A_1629 = arith.cmpf ogt, %mul3A_1625, %add3A_1628 : vector<128x128xf32>
    %and3A_1630 = arith.andi %gt3A_1629, %gt3A : vector<128x128xi1>
    %jit3A_1631 = arith.constant 1.000000e+00 : f32
    %jit3A_1632 = arith.constant 0.000000e+00 : f32
    %broadcast_in_dim3A_1633 = vector.broadcast %jit3A_1631 : f32 to vector<128x128xf32>
    %broadcast_in_dim3A_1634 = vector.broadcast %jit3A_1632 : f32 to vector<128x128xf32>
    %select_n3A_1635 = arith.select %and3A_1630, %broadcast_in_dim3A_1633, %broadcast_in_dim3A_1634 : vector<128x128xi1>, vector<128x128xf32>
    %get3A_1636 = arith.constant 0 : index
    %get3A_1637 = arith.constant 1920 : index
    %get3A_1638 = vector.load %arg1[%get3A_1636, %get3A_1637] : memref<1x5120xf32, #tpu.memory_space<vmem>>, vector<1x128xf32>
    %while3A_1639 = arith.constant true
    %while3A_1640:2 = scf.while (%while3A_4188 = %get3A_1638, %while3A_4189 = %while3A_1639) : (vector<1x128xf32>, i1) -> (vector<1x128xf32>, i1) {
      scf.condition(%while3A_4189) %while3A_4188, %while3A_4189 : vector<1x128xf32>, i1
    } do {
    ^bb0(%while3A_4188: vector<1x128xf32>, %while3A_4189: i1):
      %dot_general3A_4190 = arith.constant dense<0.000000e+00> : vector<1x128xf32>
      %dot_general3A_4191 = tpu.matmul %while3A_4188, %select_n3A_1635, %dot_general3A_4190 {dimension_numbers = #tpu.dot_dimension_numbers<[1], [0], [0], [1], [0, 0, 1, 1], [], []>, transpose_lhs_hint = false} : vector<1x128xf32>, vector<128x128xf32>, vector<1x128xf32> -> vector<1x128xf32>
      %gt3A_4192 = arith.constant 5.000000e-01 : f32
      %gt3A_4193 = vector.broadcast %gt3A_4192 : f32 to vector<1x128xf32>
      %gt3A_4194 = arith.cmpf ogt, %dot_general3A_4191, %gt3A_4193 : vector<1x128xf32>
      %jit3A_4195 = arith.constant 0.000000e+00 : f32
      %broadcast_in_dim3A_4196 = vector.broadcast %jit3A_4195 : f32 to vector<1x128xf32>
      %select_n3A_4197 = arith.select %gt3A_4194, %broadcast_in_dim3A_4196, %get3A_1638 : vector<1x128xi1>, vector<1x128xf32>
      %dot_general3A_4198 = arith.constant dense<0.000000e+00> : vector<1x128xf32>
      %dot_general3A_4199 = tpu.matmul %select_n3A_4197, %select_n3A_1635, %dot_general3A_4198 {dimension_numbers = #tpu.dot_dimension_numbers<[1], [0], [0], [1], [0, 0, 1, 1], [], []>, transpose_lhs_hint = false} : vector<1x128xf32>, vector<128x128xf32>, vector<1x128xf32> -> vector<1x128xf32>
      %gt3A_4200 = arith.constant 5.000000e-01 : f32
      %gt3A_4201 = vector.broadcast %gt3A_4200 : f32 to vector<1x128xf32>
      %gt3A_4202 = arith.cmpf ogt, %dot_general3A_4199, %gt3A_4201 : vector<1x128xf32>
      %jit3A_4203 = arith.constant 0.000000e+00 : f32
      %broadcast_in_dim3A_4204 = vector.broadcast %jit3A_4203 : f32 to vector<1x128xf32>
      %select_n3A_4205 = arith.select %gt3A_4202, %broadcast_in_dim3A_4204, %get3A_1638 : vector<1x128xi1>, vector<1x128xf32>
      %sub3A_4206 = arith.subf %select_n3A_4205, %select_n3A_4197 : vector<1x128xf32>
      %abs3A = math.absf %sub3A_4206 : vector<1x128xf32>
      %reduce_sum3A = vector.shape_cast %abs3A : vector<1x128xf32> to vector<1x1x128xf32>
      %reduce_sum3A_4207 = arith.constant dense<0.000000e+00> : vector<1xf32>
      %reduce_sum3A_4208 = vector.multi_reduction <add>, %reduce_sum3A, %reduce_sum3A_4207 [1, 2] : vector<1x1x128xf32> to vector<1xf32>
      %reduce_sum3A_4209 = vector.shape_cast %reduce_sum3A_4208 : vector<1xf32> to vector<1x1x1xf32>
      %reduce_sum3A_4210 = vector.extract %reduce_sum3A_4209[0, 0, 0] : f32 from vector<1x1x1xf32>
      %gt3A_4211 = arith.constant 0.000000e+00 : f32
      %gt3A_4212 = arith.cmpf ogt, %reduce_sum3A_4210, %gt3A_4211 : f32
      scf.yield %select_n3A_4205, %gt3A_4212 : vector<1x128xf32>, i1
    }
    %swap3A_1641 = arith.constant 0 : index
    %swap3A_1642 = arith.constant 1920 : index
    %swap3A_1643 = vector.load %arg1[%swap3A_1641, %swap3A_1642] : memref<1x5120xf32, #tpu.memory_space<vmem>>, vector<1x128xf32>
    tpu.vector_store %arg1[%swap3A_1641, %swap3A_1642], %while3A_1640#0 {strides = array<i32>} : memref<1x5120xf32, #tpu.memory_space<vmem>>, vector<1x128xf32>,
    %slice3A_1644 = vector.extract_strided_slice %get3A_1 {offsets = [0, 2048], sizes = [1, 3072], strides = [1, 1]} : vector<8x5120xf32> to vector<1x3072xf32>
    %slice3A_1645 = vector.extract_strided_slice %get3A_1 {offsets = [1, 2048], sizes = [1, 3072], strides = [1, 1]} : vector<8x5120xf32> to vector<1x3072xf32>
    %slice3A_1646 = vector.extract_strided_slice %get3A_1 {offsets = [2, 2048], sizes = [1, 3072], strides = [1, 1]} : vector<8x5120xf32> to vector<1x3072xf32>
    %slice3A_1647 = vector.extract_strided_slice %get3A_1 {offsets = [3, 2048], sizes = [1, 3072], strides = [1, 1]} : vector<8x5120xf32> to vector<1x3072xf32>
    %slice3A_1648 = vector.extract_strided_slice %get3A_1 {offsets = [4, 2048], sizes = [1, 3072], strides = [1, 1]} : vector<8x5120xf32> to vector<1x3072xf32>
    %min3A_1649 = vector.broadcast %slice3A_1594 : vector<128x1xf32> to vector<128x3072xf32>
    %min3A_1650 = vector.broadcast %slice3A_1646 : vector<1x3072xf32> to vector<128x3072xf32>
    %min3A_1651 = arith.minimumf %min3A_1649, %min3A_1650 : vector<128x3072xf32>
    %max3A_1652 = vector.broadcast %slice3A_1592 : vector<128x1xf32> to vector<128x3072xf32>
    %max3A_1653 = vector.broadcast %slice3A_1644 : vector<1x3072xf32> to vector<128x3072xf32>
    %max3A_1654 = arith.maximumf %max3A_1652, %max3A_1653 : vector<128x3072xf32>
    %sub3A_1655 = arith.subf %min3A_1651, %max3A_1654 : vector<128x3072xf32>
    %max3A_1656 = arith.constant 0.000000e+00 : f32
    %max3A_1657 = vector.broadcast %max3A_1656 : f32 to vector<128x3072xf32>
    %max3A_1658 = arith.maximumf %sub3A_1655, %max3A_1657 : vector<128x3072xf32>
    %min3A_1659 = vector.broadcast %slice3A_1595 : vector<128x1xf32> to vector<128x3072xf32>
    %min3A_1660 = vector.broadcast %slice3A_1647 : vector<1x3072xf32> to vector<128x3072xf32>
    %min3A_1661 = arith.minimumf %min3A_1659, %min3A_1660 : vector<128x3072xf32>
    %max3A_1662 = vector.broadcast %slice3A_1593 : vector<128x1xf32> to vector<128x3072xf32>
    %max3A_1663 = vector.broadcast %slice3A_1645 : vector<1x3072xf32> to vector<128x3072xf32>
    %max3A_1664 = arith.maximumf %max3A_1662, %max3A_1663 : vector<128x3072xf32>
    %sub3A_1665 = arith.subf %min3A_1661, %max3A_1664 : vector<128x3072xf32>
    %max3A_1666 = arith.constant 0.000000e+00 : f32
    %max3A_1667 = vector.broadcast %max3A_1666 : f32 to vector<128x3072xf32>
    %max3A_1668 = arith.maximumf %sub3A_1665, %max3A_1667 : vector<128x3072xf32>
    %mul3A_1669 = arith.mulf %max3A_1658, %max3A_1668 : vector<128x3072xf32>
    %mul3A_1670 = arith.constant 3.000000e+00 : f32
    %mul3A_1671 = vector.broadcast %mul3A_1670 : f32 to vector<128x3072xf32>
    %mul3A_1672 = arith.mulf %mul3A_1669, %mul3A_1671 : vector<128x3072xf32>
    %add3A_1673 = vector.broadcast %slice3A_1596 : vector<128x1xf32> to vector<128x3072xf32>
    %add3A_1674 = vector.broadcast %slice3A_1648 : vector<1x3072xf32> to vector<128x3072xf32>
    %add3A_1675 = arith.addf %add3A_1673, %add3A_1674 : vector<128x3072xf32>
    %gt3A_1676 = arith.cmpf ogt, %mul3A_1672, %add3A_1675 : vector<128x3072xf32>
    %convert_element_type3A_1677 = arith.extui %gt3A_1676 : vector<128x3072xi1> to vector<128x3072xi32>
    %convert_element_type3A_1678 = arith.sitofp %convert_element_type3A_1677 : vector<128x3072xi32> to vector<128x3072xf32>
    %convert_element_type3A_1679 = arith.truncf %convert_element_type3A_1678 : vector<128x3072xf32> to vector<128x3072xbf16>
    %convert_element_type3A_1680 = arith.truncf %while3A_1640#0 : vector<1x128xf32> to vector<1x128xbf16>
    %dot_general3A_1681 = arith.constant dense<0.000000e+00> : vector<1x3072xf32>
    %dot_general3A_1682 = tpu.matmul %convert_element_type3A_1680, %convert_element_type3A_1679, %dot_general3A_1681 {dimension_numbers = #tpu.dot_dimension_numbers<[1], [0], [0], [1], [0, 0, 1, 1], [], []>, transpose_lhs_hint = false} : vector<1x128xbf16>, vector<128x3072xbf16>, vector<1x3072xf32> -> vector<1x3072xf32>
    %gt3A_1683 = arith.constant 5.000000e-01 : f32
    %gt3A_1684 = vector.broadcast %gt3A_1683 : f32 to vector<1x3072xf32>
    %gt3A_1685 = arith.cmpf ogt, %dot_general3A_1682, %gt3A_1684 : vector<1x3072xf32>
    %get3A_1686 = arith.constant 0 : index
    %get3A_1687 = arith.constant 2048 : index
    %get3A_1688 = vector.load %arg1[%get3A_1686, %get3A_1687] : memref<1x5120xf32, #tpu.memory_space<vmem>>, vector<1x3072xf32>
    %jit3A_1689 = arith.constant 0.000000e+00 : f32
    %broadcast_in_dim3A_1690 = vector.broadcast %jit3A_1689 : f32 to vector<1x3072xf32>
    %select_n3A_1691 = arith.select %gt3A_1685, %broadcast_in_dim3A_1690, %get3A_1688 : vector<1x3072xi1>, vector<1x3072xf32>
    %swap3A_1692 = arith.constant 0 : index
    %swap3A_1693 = arith.constant 2048 : index
    %swap3A_1694 = vector.load %arg1[%swap3A_1692, %swap3A_1693] : memref<1x5120xf32, #tpu.memory_space<vmem>>, vector<1x3072xf32>
    tpu.vector_store %arg1[%swap3A_1692, %swap3A_1693], %select_n3A_1691 {strides = array<i32>} : memref<1x5120xf32, #tpu.memory_space<vmem>>, vector<1x3072xf32>,
    %slice3A_1695 = vector.extract_strided_slice %get3A_1 {offsets = [0, 2048], sizes = [8, 128], strides = [1, 1]} : vector<8x5120xf32> to vector<8x128xf32>
    %dot_general3A_1696 = arith.constant dense<0.000000e+00> : vector<128x8xf32>
    %dot_general3A_1697 = tpu.matmul %select_n3A, %slice3A_1695, %dot_general3A_1696 {dimension_numbers = #tpu.dot_dimension_numbers<[1], [1], [0], [0], [0, 0, 1, 0], [], []>, precision = #tpu.contract_precision<fp32>, transpose_lhs_hint = false} : vector<128x128xf32>, vector<8x128xf32>, vector<128x8xf32> -> vector<128x8xf32>
    %slice3A_1698 = vector.extract_strided_slice %dot_general3A_1697 {offsets = [0, 0], sizes = [128, 1], strides = [1, 1]} : vector<128x8xf32> to vector<128x1xf32>
    %slice3A_1699 = vector.extract_strided_slice %dot_general3A_1697 {offsets = [0, 1], sizes = [128, 1], strides = [1, 1]} : vector<128x8xf32> to vector<128x1xf32>
    %slice3A_1700 = vector.extract_strided_slice %dot_general3A_1697 {offsets = [0, 2], sizes = [128, 1], strides = [1, 1]} : vector<128x8xf32> to vector<128x1xf32>
    %slice3A_1701 = vector.extract_strided_slice %dot_general3A_1697 {offsets = [0, 3], sizes = [128, 1], strides = [1, 1]} : vector<128x8xf32> to vector<128x1xf32>
    %slice3A_1702 = vector.extract_strided_slice %dot_general3A_1697 {offsets = [0, 4], sizes = [128, 1], strides = [1, 1]} : vector<128x8xf32> to vector<128x1xf32>
    %slice3A_1703 = vector.extract_strided_slice %get3A_1 {offsets = [0, 2048], sizes = [1, 128], strides = [1, 1]} : vector<8x5120xf32> to vector<1x128xf32>
    %slice3A_1704 = vector.extract_strided_slice %get3A_1 {offsets = [1, 2048], sizes = [1, 128], strides = [1, 1]} : vector<8x5120xf32> to vector<1x128xf32>
    %slice3A_1705 = vector.extract_strided_slice %get3A_1 {offsets = [2, 2048], sizes = [1, 128], strides = [1, 1]} : vector<8x5120xf32> to vector<1x128xf32>
    %slice3A_1706 = vector.extract_strided_slice %get3A_1 {offsets = [3, 2048], sizes = [1, 128], strides = [1, 1]} : vector<8x5120xf32> to vector<1x128xf32>
    %slice3A_1707 = vector.extract_strided_slice %get3A_1 {offsets = [4, 2048], sizes = [1, 128], strides = [1, 1]} : vector<8x5120xf32> to vector<1x128xf32>
    %min3A_1708 = vector.broadcast %slice3A_1700 : vector<128x1xf32> to vector<128x128xf32>
    %min3A_1709 = vector.broadcast %slice3A_1705 : vector<1x128xf32> to vector<128x128xf32>
    %min3A_1710 = arith.minimumf %min3A_1708, %min3A_1709 : vector<128x128xf32>
    %max3A_1711 = vector.broadcast %slice3A_1698 : vector<128x1xf32> to vector<128x128xf32>
    %max3A_1712 = vector.broadcast %slice3A_1703 : vector<1x128xf32> to vector<128x128xf32>
    %max3A_1713 = arith.maximumf %max3A_1711, %max3A_1712 : vector<128x128xf32>
    %sub3A_1714 = arith.subf %min3A_1710, %max3A_1713 : vector<128x128xf32>
    %max3A_1715 = arith.constant 0.000000e+00 : f32
    %max3A_1716 = vector.broadcast %max3A_1715 : f32 to vector<128x128xf32>
    %max3A_1717 = arith.maximumf %sub3A_1714, %max3A_1716 : vector<128x128xf32>
    %min3A_1718 = vector.broadcast %slice3A_1701 : vector<128x1xf32> to vector<128x128xf32>
    %min3A_1719 = vector.broadcast %slice3A_1706 : vector<1x128xf32> to vector<128x128xf32>
    %min3A_1720 = arith.minimumf %min3A_1718, %min3A_1719 : vector<128x128xf32>
    %max3A_1721 = vector.broadcast %slice3A_1699 : vector<128x1xf32> to vector<128x128xf32>
    %max3A_1722 = vector.broadcast %slice3A_1704 : vector<1x128xf32> to vector<128x128xf32>
    %max3A_1723 = arith.maximumf %max3A_1721, %max3A_1722 : vector<128x128xf32>
    %sub3A_1724 = arith.subf %min3A_1720, %max3A_1723 : vector<128x128xf32>
    %max3A_1725 = arith.constant 0.000000e+00 : f32
    %max3A_1726 = vector.broadcast %max3A_1725 : f32 to vector<128x128xf32>
    %max3A_1727 = arith.maximumf %sub3A_1724, %max3A_1726 : vector<128x128xf32>
    %mul3A_1728 = arith.mulf %max3A_1717, %max3A_1727 : vector<128x128xf32>
    %mul3A_1729 = arith.constant 3.000000e+00 : f32
    %mul3A_1730 = vector.broadcast %mul3A_1729 : f32 to vector<128x128xf32>
    %mul3A_1731 = arith.mulf %mul3A_1728, %mul3A_1730 : vector<128x128xf32>
    %add3A_1732 = vector.broadcast %slice3A_1702 : vector<128x1xf32> to vector<128x128xf32>
    %add3A_1733 = vector.broadcast %slice3A_1707 : vector<1x128xf32> to vector<128x128xf32>
    %add3A_1734 = arith.addf %add3A_1732, %add3A_1733 : vector<128x128xf32>
    %gt3A_1735 = arith.cmpf ogt, %mul3A_1731, %add3A_1734 : vector<128x128xf32>
    %and3A_1736 = arith.andi %gt3A_1735, %gt3A : vector<128x128xi1>
    %jit3A_1737 = arith.constant 1.000000e+00 : f32
    %jit3A_1738 = arith.constant 0.000000e+00 : f32
    %broadcast_in_dim3A_1739 = vector.broadcast %jit3A_1737 : f32 to vector<128x128xf32>
    %broadcast_in_dim3A_1740 = vector.broadcast %jit3A_1738 : f32 to vector<128x128xf32>
    %select_n3A_1741 = arith.select %and3A_1736, %broadcast_in_dim3A_1739, %broadcast_in_dim3A_1740 : vector<128x128xi1>, vector<128x128xf32>
    %get3A_1742 = arith.constant 0 : index
    %get3A_1743 = arith.constant 2048 : index
    %get3A_1744 = vector.load %arg1[%get3A_1742, %get3A_1743] : memref<1x5120xf32, #tpu.memory_space<vmem>>, vector<1x128xf32>
    %while3A_1745 = arith.constant true
    %while3A_1746:2 = scf.while (%while3A_4188 = %get3A_1744, %while3A_4189 = %while3A_1745) : (vector<1x128xf32>, i1) -> (vector<1x128xf32>, i1) {
      scf.condition(%while3A_4189) %while3A_4188, %while3A_4189 : vector<1x128xf32>, i1
    } do {
    ^bb0(%while3A_4188: vector<1x128xf32>, %while3A_4189: i1):
      %dot_general3A_4190 = arith.constant dense<0.000000e+00> : vector<1x128xf32>
      %dot_general3A_4191 = tpu.matmul %while3A_4188, %select_n3A_1741, %dot_general3A_4190 {dimension_numbers = #tpu.dot_dimension_numbers<[1], [0], [0], [1], [0, 0, 1, 1], [], []>, transpose_lhs_hint = false} : vector<1x128xf32>, vector<128x128xf32>, vector<1x128xf32> -> vector<1x128xf32>
      %gt3A_4192 = arith.constant 5.000000e-01 : f32
      %gt3A_4193 = vector.broadcast %gt3A_4192 : f32 to vector<1x128xf32>
      %gt3A_4194 = arith.cmpf ogt, %dot_general3A_4191, %gt3A_4193 : vector<1x128xf32>
      %jit3A_4195 = arith.constant 0.000000e+00 : f32
      %broadcast_in_dim3A_4196 = vector.broadcast %jit3A_4195 : f32 to vector<1x128xf32>
      %select_n3A_4197 = arith.select %gt3A_4194, %broadcast_in_dim3A_4196, %get3A_1744 : vector<1x128xi1>, vector<1x128xf32>
      %dot_general3A_4198 = arith.constant dense<0.000000e+00> : vector<1x128xf32>
      %dot_general3A_4199 = tpu.matmul %select_n3A_4197, %select_n3A_1741, %dot_general3A_4198 {dimension_numbers = #tpu.dot_dimension_numbers<[1], [0], [0], [1], [0, 0, 1, 1], [], []>, transpose_lhs_hint = false} : vector<1x128xf32>, vector<128x128xf32>, vector<1x128xf32> -> vector<1x128xf32>
      %gt3A_4200 = arith.constant 5.000000e-01 : f32
      %gt3A_4201 = vector.broadcast %gt3A_4200 : f32 to vector<1x128xf32>
      %gt3A_4202 = arith.cmpf ogt, %dot_general3A_4199, %gt3A_4201 : vector<1x128xf32>
      %jit3A_4203 = arith.constant 0.000000e+00 : f32
      %broadcast_in_dim3A_4204 = vector.broadcast %jit3A_4203 : f32 to vector<1x128xf32>
      %select_n3A_4205 = arith.select %gt3A_4202, %broadcast_in_dim3A_4204, %get3A_1744 : vector<1x128xi1>, vector<1x128xf32>
      %sub3A_4206 = arith.subf %select_n3A_4205, %select_n3A_4197 : vector<1x128xf32>
      %abs3A = math.absf %sub3A_4206 : vector<1x128xf32>
      %reduce_sum3A = vector.shape_cast %abs3A : vector<1x128xf32> to vector<1x1x128xf32>
      %reduce_sum3A_4207 = arith.constant dense<0.000000e+00> : vector<1xf32>
      %reduce_sum3A_4208 = vector.multi_reduction <add>, %reduce_sum3A, %reduce_sum3A_4207 [1, 2] : vector<1x1x128xf32> to vector<1xf32>
      %reduce_sum3A_4209 = vector.shape_cast %reduce_sum3A_4208 : vector<1xf32> to vector<1x1x1xf32>
      %reduce_sum3A_4210 = vector.extract %reduce_sum3A_4209[0, 0, 0] : f32 from vector<1x1x1xf32>
      %gt3A_4211 = arith.constant 0.000000e+00 : f32
      %gt3A_4212 = arith.cmpf ogt, %reduce_sum3A_4210, %gt3A_4211 : f32
      scf.yield %select_n3A_4205, %gt3A_4212 : vector<1x128xf32>, i1
    }
    %swap3A_1747 = arith.constant 0 : index
    %swap3A_1748 = arith.constant 2048 : index
    %swap3A_1749 = vector.load %arg1[%swap3A_1747, %swap3A_1748] : memref<1x5120xf32, #tpu.memory_space<vmem>>, vector<1x128xf32>
    tpu.vector_store %arg1[%swap3A_1747, %swap3A_1748], %while3A_1746#0 {strides = array<i32>} : memref<1x5120xf32, #tpu.memory_space<vmem>>, vector<1x128xf32>,
    %slice3A_1750 = vector.extract_strided_slice %get3A_1 {offsets = [0, 2176], sizes = [1, 2944], strides = [1, 1]} : vector<8x5120xf32> to vector<1x2944xf32>
    %slice3A_1751 = vector.extract_strided_slice %get3A_1 {offsets = [1, 2176], sizes = [1, 2944], strides = [1, 1]} : vector<8x5120xf32> to vector<1x2944xf32>
    %slice3A_1752 = vector.extract_strided_slice %get3A_1 {offsets = [2, 2176], sizes = [1, 2944], strides = [1, 1]} : vector<8x5120xf32> to vector<1x2944xf32>
    %slice3A_1753 = vector.extract_strided_slice %get3A_1 {offsets = [3, 2176], sizes = [1, 2944], strides = [1, 1]} : vector<8x5120xf32> to vector<1x2944xf32>
    %slice3A_1754 = vector.extract_strided_slice %get3A_1 {offsets = [4, 2176], sizes = [1, 2944], strides = [1, 1]} : vector<8x5120xf32> to vector<1x2944xf32>
    %min3A_1755 = vector.broadcast %slice3A_1700 : vector<128x1xf32> to vector<128x2944xf32>
    %min3A_1756 = vector.broadcast %slice3A_1752 : vector<1x2944xf32> to vector<128x2944xf32>
    %min3A_1757 = arith.minimumf %min3A_1755, %min3A_1756 : vector<128x2944xf32>
    %max3A_1758 = vector.broadcast %slice3A_1698 : vector<128x1xf32> to vector<128x2944xf32>
    %max3A_1759 = vector.broadcast %slice3A_1750 : vector<1x2944xf32> to vector<128x2944xf32>
    %max3A_1760 = arith.maximumf %max3A_1758, %max3A_1759 : vector<128x2944xf32>
    %sub3A_1761 = arith.subf %min3A_1757, %max3A_1760 : vector<128x2944xf32>
    %max3A_1762 = arith.constant 0.000000e+00 : f32
    %max3A_1763 = vector.broadcast %max3A_1762 : f32 to vector<128x2944xf32>
    %max3A_1764 = arith.maximumf %sub3A_1761, %max3A_1763 : vector<128x2944xf32>
    %min3A_1765 = vector.broadcast %slice3A_1701 : vector<128x1xf32> to vector<128x2944xf32>
    %min3A_1766 = vector.broadcast %slice3A_1753 : vector<1x2944xf32> to vector<128x2944xf32>
    %min3A_1767 = arith.minimumf %min3A_1765, %min3A_1766 : vector<128x2944xf32>
    %max3A_1768 = vector.broadcast %slice3A_1699 : vector<128x1xf32> to vector<128x2944xf32>
    %max3A_1769 = vector.broadcast %slice3A_1751 : vector<1x2944xf32> to vector<128x2944xf32>
    %max3A_1770 = arith.maximumf %max3A_1768, %max3A_1769 : vector<128x2944xf32>
    %sub3A_1771 = arith.subf %min3A_1767, %max3A_1770 : vector<128x2944xf32>
    %max3A_1772 = arith.constant 0.000000e+00 : f32
    %max3A_1773 = vector.broadcast %max3A_1772 : f32 to vector<128x2944xf32>
    %max3A_1774 = arith.maximumf %sub3A_1771, %max3A_1773 : vector<128x2944xf32>
    %mul3A_1775 = arith.mulf %max3A_1764, %max3A_1774 : vector<128x2944xf32>
    %mul3A_1776 = arith.constant 3.000000e+00 : f32
    %mul3A_1777 = vector.broadcast %mul3A_1776 : f32 to vector<128x2944xf32>
    %mul3A_1778 = arith.mulf %mul3A_1775, %mul3A_1777 : vector<128x2944xf32>
    %add3A_1779 = vector.broadcast %slice3A_1702 : vector<128x1xf32> to vector<128x2944xf32>
    %add3A_1780 = vector.broadcast %slice3A_1754 : vector<1x2944xf32> to vector<128x2944xf32>
    %add3A_1781 = arith.addf %add3A_1779, %add3A_1780 : vector<128x2944xf32>
    %gt3A_1782 = arith.cmpf ogt, %mul3A_1778, %add3A_1781 : vector<128x2944xf32>
    %convert_element_type3A_1783 = arith.extui %gt3A_1782 : vector<128x2944xi1> to vector<128x2944xi32>
    %convert_element_type3A_1784 = arith.sitofp %convert_element_type3A_1783 : vector<128x2944xi32> to vector<128x2944xf32>
    %convert_element_type3A_1785 = arith.truncf %convert_element_type3A_1784 : vector<128x2944xf32> to vector<128x2944xbf16>
    %convert_element_type3A_1786 = arith.truncf %while3A_1746#0 : vector<1x128xf32> to vector<1x128xbf16>
    %dot_general3A_1787 = arith.constant dense<0.000000e+00> : vector<1x2944xf32>
    %dot_general3A_1788 = tpu.matmul %convert_element_type3A_1786, %convert_element_type3A_1785, %dot_general3A_1787 {dimension_numbers = #tpu.dot_dimension_numbers<[1], [0], [0], [1], [0, 0, 1, 1], [], []>, transpose_lhs_hint = false} : vector<1x128xbf16>, vector<128x2944xbf16>, vector<1x2944xf32> -> vector<1x2944xf32>
    %gt3A_1789 = arith.constant 5.000000e-01 : f32
    %gt3A_1790 = vector.broadcast %gt3A_1789 : f32 to vector<1x2944xf32>
    %gt3A_1791 = arith.cmpf ogt, %dot_general3A_1788, %gt3A_1790 : vector<1x2944xf32>
    %get3A_1792 = arith.constant 0 : index
    %get3A_1793 = arith.constant 2176 : index
    %get3A_1794 = vector.load %arg1[%get3A_1792, %get3A_1793] : memref<1x5120xf32, #tpu.memory_space<vmem>>, vector<1x2944xf32>
    %jit3A_1795 = arith.constant 0.000000e+00 : f32
    %broadcast_in_dim3A_1796 = vector.broadcast %jit3A_1795 : f32 to vector<1x2944xf32>
    %select_n3A_1797 = arith.select %gt3A_1791, %broadcast_in_dim3A_1796, %get3A_1794 : vector<1x2944xi1>, vector<1x2944xf32>
    %swap3A_1798 = arith.constant 0 : index
    %swap3A_1799 = arith.constant 2176 : index
    %swap3A_1800 = vector.load %arg1[%swap3A_1798, %swap3A_1799] : memref<1x5120xf32, #tpu.memory_space<vmem>>, vector<1x2944xf32>
    tpu.vector_store %arg1[%swap3A_1798, %swap3A_1799], %select_n3A_1797 {strides = array<i32>} : memref<1x5120xf32, #tpu.memory_space<vmem>>, vector<1x2944xf32>,
    %slice3A_1801 = vector.extract_strided_slice %get3A_1 {offsets = [0, 2176], sizes = [8, 128], strides = [1, 1]} : vector<8x5120xf32> to vector<8x128xf32>
    %dot_general3A_1802 = arith.constant dense<0.000000e+00> : vector<128x8xf32>
    %dot_general3A_1803 = tpu.matmul %select_n3A, %slice3A_1801, %dot_general3A_1802 {dimension_numbers = #tpu.dot_dimension_numbers<[1], [1], [0], [0], [0, 0, 1, 0], [], []>, precision = #tpu.contract_precision<fp32>, transpose_lhs_hint = false} : vector<128x128xf32>, vector<8x128xf32>, vector<128x8xf32> -> vector<128x8xf32>
    %slice3A_1804 = vector.extract_strided_slice %dot_general3A_1803 {offsets = [0, 0], sizes = [128, 1], strides = [1, 1]} : vector<128x8xf32> to vector<128x1xf32>
    %slice3A_1805 = vector.extract_strided_slice %dot_general3A_1803 {offsets = [0, 1], sizes = [128, 1], strides = [1, 1]} : vector<128x8xf32> to vector<128x1xf32>
    %slice3A_1806 = vector.extract_strided_slice %dot_general3A_1803 {offsets = [0, 2], sizes = [128, 1], strides = [1, 1]} : vector<128x8xf32> to vector<128x1xf32>
    %slice3A_1807 = vector.extract_strided_slice %dot_general3A_1803 {offsets = [0, 3], sizes = [128, 1], strides = [1, 1]} : vector<128x8xf32> to vector<128x1xf32>
    %slice3A_1808 = vector.extract_strided_slice %dot_general3A_1803 {offsets = [0, 4], sizes = [128, 1], strides = [1, 1]} : vector<128x8xf32> to vector<128x1xf32>
    %slice3A_1809 = vector.extract_strided_slice %get3A_1 {offsets = [0, 2176], sizes = [1, 128], strides = [1, 1]} : vector<8x5120xf32> to vector<1x128xf32>
    %slice3A_1810 = vector.extract_strided_slice %get3A_1 {offsets = [1, 2176], sizes = [1, 128], strides = [1, 1]} : vector<8x5120xf32> to vector<1x128xf32>
    %slice3A_1811 = vector.extract_strided_slice %get3A_1 {offsets = [2, 2176], sizes = [1, 128], strides = [1, 1]} : vector<8x5120xf32> to vector<1x128xf32>
    %slice3A_1812 = vector.extract_strided_slice %get3A_1 {offsets = [3, 2176], sizes = [1, 128], strides = [1, 1]} : vector<8x5120xf32> to vector<1x128xf32>
    %slice3A_1813 = vector.extract_strided_slice %get3A_1 {offsets = [4, 2176], sizes = [1, 128], strides = [1, 1]} : vector<8x5120xf32> to vector<1x128xf32>
    %min3A_1814 = vector.broadcast %slice3A_1806 : vector<128x1xf32> to vector<128x128xf32>
    %min3A_1815 = vector.broadcast %slice3A_1811 : vector<1x128xf32> to vector<128x128xf32>
    %min3A_1816 = arith.minimumf %min3A_1814, %min3A_1815 : vector<128x128xf32>
    %max3A_1817 = vector.broadcast %slice3A_1804 : vector<128x1xf32> to vector<128x128xf32>
    %max3A_1818 = vector.broadcast %slice3A_1809 : vector<1x128xf32> to vector<128x128xf32>
    %max3A_1819 = arith.maximumf %max3A_1817, %max3A_1818 : vector<128x128xf32>
    %sub3A_1820 = arith.subf %min3A_1816, %max3A_1819 : vector<128x128xf32>
    %max3A_1821 = arith.constant 0.000000e+00 : f32
    %max3A_1822 = vector.broadcast %max3A_1821 : f32 to vector<128x128xf32>
    %max3A_1823 = arith.maximumf %sub3A_1820, %max3A_1822 : vector<128x128xf32>
    %min3A_1824 = vector.broadcast %slice3A_1807 : vector<128x1xf32> to vector<128x128xf32>
    %min3A_1825 = vector.broadcast %slice3A_1812 : vector<1x128xf32> to vector<128x128xf32>
    %min3A_1826 = arith.minimumf %min3A_1824, %min3A_1825 : vector<128x128xf32>
    %max3A_1827 = vector.broadcast %slice3A_1805 : vector<128x1xf32> to vector<128x128xf32>
    %max3A_1828 = vector.broadcast %slice3A_1810 : vector<1x128xf32> to vector<128x128xf32>
    %max3A_1829 = arith.maximumf %max3A_1827, %max3A_1828 : vector<128x128xf32>
    %sub3A_1830 = arith.subf %min3A_1826, %max3A_1829 : vector<128x128xf32>
    %max3A_1831 = arith.constant 0.000000e+00 : f32
    %max3A_1832 = vector.broadcast %max3A_1831 : f32 to vector<128x128xf32>
    %max3A_1833 = arith.maximumf %sub3A_1830, %max3A_1832 : vector<128x128xf32>
    %mul3A_1834 = arith.mulf %max3A_1823, %max3A_1833 : vector<128x128xf32>
    %mul3A_1835 = arith.constant 3.000000e+00 : f32
    %mul3A_1836 = vector.broadcast %mul3A_1835 : f32 to vector<128x128xf32>
    %mul3A_1837 = arith.mulf %mul3A_1834, %mul3A_1836 : vector<128x128xf32>
    %add3A_1838 = vector.broadcast %slice3A_1808 : vector<128x1xf32> to vector<128x128xf32>
    %add3A_1839 = vector.broadcast %slice3A_1813 : vector<1x128xf32> to vector<128x128xf32>
    %add3A_1840 = arith.addf %add3A_1838, %add3A_1839 : vector<128x128xf32>
    %gt3A_1841 = arith.cmpf ogt, %mul3A_1837, %add3A_1840 : vector<128x128xf32>
    %and3A_1842 = arith.andi %gt3A_1841, %gt3A : vector<128x128xi1>
    %jit3A_1843 = arith.constant 1.000000e+00 : f32
    %jit3A_1844 = arith.constant 0.000000e+00 : f32
    %broadcast_in_dim3A_1845 = vector.broadcast %jit3A_1843 : f32 to vector<128x128xf32>
    %broadcast_in_dim3A_1846 = vector.broadcast %jit3A_1844 : f32 to vector<128x128xf32>
    %select_n3A_1847 = arith.select %and3A_1842, %broadcast_in_dim3A_1845, %broadcast_in_dim3A_1846 : vector<128x128xi1>, vector<128x128xf32>
    %get3A_1848 = arith.constant 0 : index
    %get3A_1849 = arith.constant 2176 : index
    %get3A_1850 = vector.load %arg1[%get3A_1848, %get3A_1849] : memref<1x5120xf32, #tpu.memory_space<vmem>>, vector<1x128xf32>
    %while3A_1851 = arith.constant true
    %while3A_1852:2 = scf.while (%while3A_4188 = %get3A_1850, %while3A_4189 = %while3A_1851) : (vector<1x128xf32>, i1) -> (vector<1x128xf32>, i1) {
      scf.condition(%while3A_4189) %while3A_4188, %while3A_4189 : vector<1x128xf32>, i1
    } do {
    ^bb0(%while3A_4188: vector<1x128xf32>, %while3A_4189: i1):
      %dot_general3A_4190 = arith.constant dense<0.000000e+00> : vector<1x128xf32>
      %dot_general3A_4191 = tpu.matmul %while3A_4188, %select_n3A_1847, %dot_general3A_4190 {dimension_numbers = #tpu.dot_dimension_numbers<[1], [0], [0], [1], [0, 0, 1, 1], [], []>, transpose_lhs_hint = false} : vector<1x128xf32>, vector<128x128xf32>, vector<1x128xf32> -> vector<1x128xf32>
      %gt3A_4192 = arith.constant 5.000000e-01 : f32
      %gt3A_4193 = vector.broadcast %gt3A_4192 : f32 to vector<1x128xf32>
      %gt3A_4194 = arith.cmpf ogt, %dot_general3A_4191, %gt3A_4193 : vector<1x128xf32>
      %jit3A_4195 = arith.constant 0.000000e+00 : f32
      %broadcast_in_dim3A_4196 = vector.broadcast %jit3A_4195 : f32 to vector<1x128xf32>
      %select_n3A_4197 = arith.select %gt3A_4194, %broadcast_in_dim3A_4196, %get3A_1850 : vector<1x128xi1>, vector<1x128xf32>
      %dot_general3A_4198 = arith.constant dense<0.000000e+00> : vector<1x128xf32>
      %dot_general3A_4199 = tpu.matmul %select_n3A_4197, %select_n3A_1847, %dot_general3A_4198 {dimension_numbers = #tpu.dot_dimension_numbers<[1], [0], [0], [1], [0, 0, 1, 1], [], []>, transpose_lhs_hint = false} : vector<1x128xf32>, vector<128x128xf32>, vector<1x128xf32> -> vector<1x128xf32>
      %gt3A_4200 = arith.constant 5.000000e-01 : f32
      %gt3A_4201 = vector.broadcast %gt3A_4200 : f32 to vector<1x128xf32>
      %gt3A_4202 = arith.cmpf ogt, %dot_general3A_4199, %gt3A_4201 : vector<1x128xf32>
      %jit3A_4203 = arith.constant 0.000000e+00 : f32
      %broadcast_in_dim3A_4204 = vector.broadcast %jit3A_4203 : f32 to vector<1x128xf32>
      %select_n3A_4205 = arith.select %gt3A_4202, %broadcast_in_dim3A_4204, %get3A_1850 : vector<1x128xi1>, vector<1x128xf32>
      %sub3A_4206 = arith.subf %select_n3A_4205, %select_n3A_4197 : vector<1x128xf32>
      %abs3A = math.absf %sub3A_4206 : vector<1x128xf32>
      %reduce_sum3A = vector.shape_cast %abs3A : vector<1x128xf32> to vector<1x1x128xf32>
      %reduce_sum3A_4207 = arith.constant dense<0.000000e+00> : vector<1xf32>
      %reduce_sum3A_4208 = vector.multi_reduction <add>, %reduce_sum3A, %reduce_sum3A_4207 [1, 2] : vector<1x1x128xf32> to vector<1xf32>
      %reduce_sum3A_4209 = vector.shape_cast %reduce_sum3A_4208 : vector<1xf32> to vector<1x1x1xf32>
      %reduce_sum3A_4210 = vector.extract %reduce_sum3A_4209[0, 0, 0] : f32 from vector<1x1x1xf32>
      %gt3A_4211 = arith.constant 0.000000e+00 : f32
      %gt3A_4212 = arith.cmpf ogt, %reduce_sum3A_4210, %gt3A_4211 : f32
      scf.yield %select_n3A_4205, %gt3A_4212 : vector<1x128xf32>, i1
    }
    %swap3A_1853 = arith.constant 0 : index
    %swap3A_1854 = arith.constant 2176 : index
    %swap3A_1855 = vector.load %arg1[%swap3A_1853, %swap3A_1854] : memref<1x5120xf32, #tpu.memory_space<vmem>>, vector<1x128xf32>
    tpu.vector_store %arg1[%swap3A_1853, %swap3A_1854], %while3A_1852#0 {strides = array<i32>} : memref<1x5120xf32, #tpu.memory_space<vmem>>, vector<1x128xf32>,
    %slice3A_1856 = vector.extract_strided_slice %get3A_1 {offsets = [0, 2304], sizes = [1, 2816], strides = [1, 1]} : vector<8x5120xf32> to vector<1x2816xf32>
    %slice3A_1857 = vector.extract_strided_slice %get3A_1 {offsets = [1, 2304], sizes = [1, 2816], strides = [1, 1]} : vector<8x5120xf32> to vector<1x2816xf32>
    %slice3A_1858 = vector.extract_strided_slice %get3A_1 {offsets = [2, 2304], sizes = [1, 2816], strides = [1, 1]} : vector<8x5120xf32> to vector<1x2816xf32>
    %slice3A_1859 = vector.extract_strided_slice %get3A_1 {offsets = [3, 2304], sizes = [1, 2816], strides = [1, 1]} : vector<8x5120xf32> to vector<1x2816xf32>
    %slice3A_1860 = vector.extract_strided_slice %get3A_1 {offsets = [4, 2304], sizes = [1, 2816], strides = [1, 1]} : vector<8x5120xf32> to vector<1x2816xf32>
    %min3A_1861 = vector.broadcast %slice3A_1806 : vector<128x1xf32> to vector<128x2816xf32>
    %min3A_1862 = vector.broadcast %slice3A_1858 : vector<1x2816xf32> to vector<128x2816xf32>
    %min3A_1863 = arith.minimumf %min3A_1861, %min3A_1862 : vector<128x2816xf32>
    %max3A_1864 = vector.broadcast %slice3A_1804 : vector<128x1xf32> to vector<128x2816xf32>
    %max3A_1865 = vector.broadcast %slice3A_1856 : vector<1x2816xf32> to vector<128x2816xf32>
    %max3A_1866 = arith.maximumf %max3A_1864, %max3A_1865 : vector<128x2816xf32>
    %sub3A_1867 = arith.subf %min3A_1863, %max3A_1866 : vector<128x2816xf32>
    %max3A_1868 = arith.constant 0.000000e+00 : f32
    %max3A_1869 = vector.broadcast %max3A_1868 : f32 to vector<128x2816xf32>
    %max3A_1870 = arith.maximumf %sub3A_1867, %max3A_1869 : vector<128x2816xf32>
    %min3A_1871 = vector.broadcast %slice3A_1807 : vector<128x1xf32> to vector<128x2816xf32>
    %min3A_1872 = vector.broadcast %slice3A_1859 : vector<1x2816xf32> to vector<128x2816xf32>
    %min3A_1873 = arith.minimumf %min3A_1871, %min3A_1872 : vector<128x2816xf32>
    %max3A_1874 = vector.broadcast %slice3A_1805 : vector<128x1xf32> to vector<128x2816xf32>
    %max3A_1875 = vector.broadcast %slice3A_1857 : vector<1x2816xf32> to vector<128x2816xf32>
    %max3A_1876 = arith.maximumf %max3A_1874, %max3A_1875 : vector<128x2816xf32>
    %sub3A_1877 = arith.subf %min3A_1873, %max3A_1876 : vector<128x2816xf32>
    %max3A_1878 = arith.constant 0.000000e+00 : f32
    %max3A_1879 = vector.broadcast %max3A_1878 : f32 to vector<128x2816xf32>
    %max3A_1880 = arith.maximumf %sub3A_1877, %max3A_1879 : vector<128x2816xf32>
    %mul3A_1881 = arith.mulf %max3A_1870, %max3A_1880 : vector<128x2816xf32>
    %mul3A_1882 = arith.constant 3.000000e+00 : f32
    %mul3A_1883 = vector.broadcast %mul3A_1882 : f32 to vector<128x2816xf32>
    %mul3A_1884 = arith.mulf %mul3A_1881, %mul3A_1883 : vector<128x2816xf32>
    %add3A_1885 = vector.broadcast %slice3A_1808 : vector<128x1xf32> to vector<128x2816xf32>
    %add3A_1886 = vector.broadcast %slice3A_1860 : vector<1x2816xf32> to vector<128x2816xf32>
    %add3A_1887 = arith.addf %add3A_1885, %add3A_1886 : vector<128x2816xf32>
    %gt3A_1888 = arith.cmpf ogt, %mul3A_1884, %add3A_1887 : vector<128x2816xf32>
    %convert_element_type3A_1889 = arith.extui %gt3A_1888 : vector<128x2816xi1> to vector<128x2816xi32>
    %convert_element_type3A_1890 = arith.sitofp %convert_element_type3A_1889 : vector<128x2816xi32> to vector<128x2816xf32>
    %convert_element_type3A_1891 = arith.truncf %convert_element_type3A_1890 : vector<128x2816xf32> to vector<128x2816xbf16>
    %convert_element_type3A_1892 = arith.truncf %while3A_1852#0 : vector<1x128xf32> to vector<1x128xbf16>
    %dot_general3A_1893 = arith.constant dense<0.000000e+00> : vector<1x2816xf32>
    %dot_general3A_1894 = tpu.matmul %convert_element_type3A_1892, %convert_element_type3A_1891, %dot_general3A_1893 {dimension_numbers = #tpu.dot_dimension_numbers<[1], [0], [0], [1], [0, 0, 1, 1], [], []>, transpose_lhs_hint = false} : vector<1x128xbf16>, vector<128x2816xbf16>, vector<1x2816xf32> -> vector<1x2816xf32>
    %gt3A_1895 = arith.constant 5.000000e-01 : f32
    %gt3A_1896 = vector.broadcast %gt3A_1895 : f32 to vector<1x2816xf32>
    %gt3A_1897 = arith.cmpf ogt, %dot_general3A_1894, %gt3A_1896 : vector<1x2816xf32>
    %get3A_1898 = arith.constant 0 : index
    %get3A_1899 = arith.constant 2304 : index
    %get3A_1900 = vector.load %arg1[%get3A_1898, %get3A_1899] : memref<1x5120xf32, #tpu.memory_space<vmem>>, vector<1x2816xf32>
    %jit3A_1901 = arith.constant 0.000000e+00 : f32
    %broadcast_in_dim3A_1902 = vector.broadcast %jit3A_1901 : f32 to vector<1x2816xf32>
    %select_n3A_1903 = arith.select %gt3A_1897, %broadcast_in_dim3A_1902, %get3A_1900 : vector<1x2816xi1>, vector<1x2816xf32>
    %swap3A_1904 = arith.constant 0 : index
    %swap3A_1905 = arith.constant 2304 : index
    %swap3A_1906 = vector.load %arg1[%swap3A_1904, %swap3A_1905] : memref<1x5120xf32, #tpu.memory_space<vmem>>, vector<1x2816xf32>
    tpu.vector_store %arg1[%swap3A_1904, %swap3A_1905], %select_n3A_1903 {strides = array<i32>} : memref<1x5120xf32, #tpu.memory_space<vmem>>, vector<1x2816xf32>,
    %slice3A_1907 = vector.extract_strided_slice %get3A_1 {offsets = [0, 2304], sizes = [8, 128], strides = [1, 1]} : vector<8x5120xf32> to vector<8x128xf32>
    %dot_general3A_1908 = arith.constant dense<0.000000e+00> : vector<128x8xf32>
    %dot_general3A_1909 = tpu.matmul %select_n3A, %slice3A_1907, %dot_general3A_1908 {dimension_numbers = #tpu.dot_dimension_numbers<[1], [1], [0], [0], [0, 0, 1, 0], [], []>, precision = #tpu.contract_precision<fp32>, transpose_lhs_hint = false} : vector<128x128xf32>, vector<8x128xf32>, vector<128x8xf32> -> vector<128x8xf32>
    %slice3A_1910 = vector.extract_strided_slice %dot_general3A_1909 {offsets = [0, 0], sizes = [128, 1], strides = [1, 1]} : vector<128x8xf32> to vector<128x1xf32>
    %slice3A_1911 = vector.extract_strided_slice %dot_general3A_1909 {offsets = [0, 1], sizes = [128, 1], strides = [1, 1]} : vector<128x8xf32> to vector<128x1xf32>
    %slice3A_1912 = vector.extract_strided_slice %dot_general3A_1909 {offsets = [0, 2], sizes = [128, 1], strides = [1, 1]} : vector<128x8xf32> to vector<128x1xf32>
    %slice3A_1913 = vector.extract_strided_slice %dot_general3A_1909 {offsets = [0, 3], sizes = [128, 1], strides = [1, 1]} : vector<128x8xf32> to vector<128x1xf32>
    %slice3A_1914 = vector.extract_strided_slice %dot_general3A_1909 {offsets = [0, 4], sizes = [128, 1], strides = [1, 1]} : vector<128x8xf32> to vector<128x1xf32>
    %slice3A_1915 = vector.extract_strided_slice %get3A_1 {offsets = [0, 2304], sizes = [1, 128], strides = [1, 1]} : vector<8x5120xf32> to vector<1x128xf32>
    %slice3A_1916 = vector.extract_strided_slice %get3A_1 {offsets = [1, 2304], sizes = [1, 128], strides = [1, 1]} : vector<8x5120xf32> to vector<1x128xf32>
    %slice3A_1917 = vector.extract_strided_slice %get3A_1 {offsets = [2, 2304], sizes = [1, 128], strides = [1, 1]} : vector<8x5120xf32> to vector<1x128xf32>
    %slice3A_1918 = vector.extract_strided_slice %get3A_1 {offsets = [3, 2304], sizes = [1, 128], strides = [1, 1]} : vector<8x5120xf32> to vector<1x128xf32>
    %slice3A_1919 = vector.extract_strided_slice %get3A_1 {offsets = [4, 2304], sizes = [1, 128], strides = [1, 1]} : vector<8x5120xf32> to vector<1x128xf32>
    %min3A_1920 = vector.broadcast %slice3A_1912 : vector<128x1xf32> to vector<128x128xf32>
    %min3A_1921 = vector.broadcast %slice3A_1917 : vector<1x128xf32> to vector<128x128xf32>
    %min3A_1922 = arith.minimumf %min3A_1920, %min3A_1921 : vector<128x128xf32>
    %max3A_1923 = vector.broadcast %slice3A_1910 : vector<128x1xf32> to vector<128x128xf32>
    %max3A_1924 = vector.broadcast %slice3A_1915 : vector<1x128xf32> to vector<128x128xf32>
    %max3A_1925 = arith.maximumf %max3A_1923, %max3A_1924 : vector<128x128xf32>
    %sub3A_1926 = arith.subf %min3A_1922, %max3A_1925 : vector<128x128xf32>
    %max3A_1927 = arith.constant 0.000000e+00 : f32
    %max3A_1928 = vector.broadcast %max3A_1927 : f32 to vector<128x128xf32>
    %max3A_1929 = arith.maximumf %sub3A_1926, %max3A_1928 : vector<128x128xf32>
    %min3A_1930 = vector.broadcast %slice3A_1913 : vector<128x1xf32> to vector<128x128xf32>
    %min3A_1931 = vector.broadcast %slice3A_1918 : vector<1x128xf32> to vector<128x128xf32>
    %min3A_1932 = arith.minimumf %min3A_1930, %min3A_1931 : vector<128x128xf32>
    %max3A_1933 = vector.broadcast %slice3A_1911 : vector<128x1xf32> to vector<128x128xf32>
    %max3A_1934 = vector.broadcast %slice3A_1916 : vector<1x128xf32> to vector<128x128xf32>
    %max3A_1935 = arith.maximumf %max3A_1933, %max3A_1934 : vector<128x128xf32>
    %sub3A_1936 = arith.subf %min3A_1932, %max3A_1935 : vector<128x128xf32>
    %max3A_1937 = arith.constant 0.000000e+00 : f32
    %max3A_1938 = vector.broadcast %max3A_1937 : f32 to vector<128x128xf32>
    %max3A_1939 = arith.maximumf %sub3A_1936, %max3A_1938 : vector<128x128xf32>
    %mul3A_1940 = arith.mulf %max3A_1929, %max3A_1939 : vector<128x128xf32>
    %mul3A_1941 = arith.constant 3.000000e+00 : f32
    %mul3A_1942 = vector.broadcast %mul3A_1941 : f32 to vector<128x128xf32>
    %mul3A_1943 = arith.mulf %mul3A_1940, %mul3A_1942 : vector<128x128xf32>
    %add3A_1944 = vector.broadcast %slice3A_1914 : vector<128x1xf32> to vector<128x128xf32>
    %add3A_1945 = vector.broadcast %slice3A_1919 : vector<1x128xf32> to vector<128x128xf32>
    %add3A_1946 = arith.addf %add3A_1944, %add3A_1945 : vector<128x128xf32>
    %gt3A_1947 = arith.cmpf ogt, %mul3A_1943, %add3A_1946 : vector<128x128xf32>
    %and3A_1948 = arith.andi %gt3A_1947, %gt3A : vector<128x128xi1>
    %jit3A_1949 = arith.constant 1.000000e+00 : f32
    %jit3A_1950 = arith.constant 0.000000e+00 : f32
    %broadcast_in_dim3A_1951 = vector.broadcast %jit3A_1949 : f32 to vector<128x128xf32>
    %broadcast_in_dim3A_1952 = vector.broadcast %jit3A_1950 : f32 to vector<128x128xf32>
    %select_n3A_1953 = arith.select %and3A_1948, %broadcast_in_dim3A_1951, %broadcast_in_dim3A_1952 : vector<128x128xi1>, vector<128x128xf32>
    %get3A_1954 = arith.constant 0 : index
    %get3A_1955 = arith.constant 2304 : index
    %get3A_1956 = vector.load %arg1[%get3A_1954, %get3A_1955] : memref<1x5120xf32, #tpu.memory_space<vmem>>, vector<1x128xf32>
    %while3A_1957 = arith.constant true
    %while3A_1958:2 = scf.while (%while3A_4188 = %get3A_1956, %while3A_4189 = %while3A_1957) : (vector<1x128xf32>, i1) -> (vector<1x128xf32>, i1) {
      scf.condition(%while3A_4189) %while3A_4188, %while3A_4189 : vector<1x128xf32>, i1
    } do {
    ^bb0(%while3A_4188: vector<1x128xf32>, %while3A_4189: i1):
      %dot_general3A_4190 = arith.constant dense<0.000000e+00> : vector<1x128xf32>
      %dot_general3A_4191 = tpu.matmul %while3A_4188, %select_n3A_1953, %dot_general3A_4190 {dimension_numbers = #tpu.dot_dimension_numbers<[1], [0], [0], [1], [0, 0, 1, 1], [], []>, transpose_lhs_hint = false} : vector<1x128xf32>, vector<128x128xf32>, vector<1x128xf32> -> vector<1x128xf32>
      %gt3A_4192 = arith.constant 5.000000e-01 : f32
      %gt3A_4193 = vector.broadcast %gt3A_4192 : f32 to vector<1x128xf32>
      %gt3A_4194 = arith.cmpf ogt, %dot_general3A_4191, %gt3A_4193 : vector<1x128xf32>
      %jit3A_4195 = arith.constant 0.000000e+00 : f32
      %broadcast_in_dim3A_4196 = vector.broadcast %jit3A_4195 : f32 to vector<1x128xf32>
      %select_n3A_4197 = arith.select %gt3A_4194, %broadcast_in_dim3A_4196, %get3A_1956 : vector<1x128xi1>, vector<1x128xf32>
      %dot_general3A_4198 = arith.constant dense<0.000000e+00> : vector<1x128xf32>
      %dot_general3A_4199 = tpu.matmul %select_n3A_4197, %select_n3A_1953, %dot_general3A_4198 {dimension_numbers = #tpu.dot_dimension_numbers<[1], [0], [0], [1], [0, 0, 1, 1], [], []>, transpose_lhs_hint = false} : vector<1x128xf32>, vector<128x128xf32>, vector<1x128xf32> -> vector<1x128xf32>
      %gt3A_4200 = arith.constant 5.000000e-01 : f32
      %gt3A_4201 = vector.broadcast %gt3A_4200 : f32 to vector<1x128xf32>
      %gt3A_4202 = arith.cmpf ogt, %dot_general3A_4199, %gt3A_4201 : vector<1x128xf32>
      %jit3A_4203 = arith.constant 0.000000e+00 : f32
      %broadcast_in_dim3A_4204 = vector.broadcast %jit3A_4203 : f32 to vector<1x128xf32>
      %select_n3A_4205 = arith.select %gt3A_4202, %broadcast_in_dim3A_4204, %get3A_1956 : vector<1x128xi1>, vector<1x128xf32>
      %sub3A_4206 = arith.subf %select_n3A_4205, %select_n3A_4197 : vector<1x128xf32>
      %abs3A = math.absf %sub3A_4206 : vector<1x128xf32>
      %reduce_sum3A = vector.shape_cast %abs3A : vector<1x128xf32> to vector<1x1x128xf32>
      %reduce_sum3A_4207 = arith.constant dense<0.000000e+00> : vector<1xf32>
      %reduce_sum3A_4208 = vector.multi_reduction <add>, %reduce_sum3A, %reduce_sum3A_4207 [1, 2] : vector<1x1x128xf32> to vector<1xf32>
      %reduce_sum3A_4209 = vector.shape_cast %reduce_sum3A_4208 : vector<1xf32> to vector<1x1x1xf32>
      %reduce_sum3A_4210 = vector.extract %reduce_sum3A_4209[0, 0, 0] : f32 from vector<1x1x1xf32>
      %gt3A_4211 = arith.constant 0.000000e+00 : f32
      %gt3A_4212 = arith.cmpf ogt, %reduce_sum3A_4210, %gt3A_4211 : f32
      scf.yield %select_n3A_4205, %gt3A_4212 : vector<1x128xf32>, i1
    }
    %swap3A_1959 = arith.constant 0 : index
    %swap3A_1960 = arith.constant 2304 : index
    %swap3A_1961 = vector.load %arg1[%swap3A_1959, %swap3A_1960] : memref<1x5120xf32, #tpu.memory_space<vmem>>, vector<1x128xf32>
    tpu.vector_store %arg1[%swap3A_1959, %swap3A_1960], %while3A_1958#0 {strides = array<i32>} : memref<1x5120xf32, #tpu.memory_space<vmem>>, vector<1x128xf32>,
    %slice3A_1962 = vector.extract_strided_slice %get3A_1 {offsets = [0, 2432], sizes = [1, 2688], strides = [1, 1]} : vector<8x5120xf32> to vector<1x2688xf32>
    %slice3A_1963 = vector.extract_strided_slice %get3A_1 {offsets = [1, 2432], sizes = [1, 2688], strides = [1, 1]} : vector<8x5120xf32> to vector<1x2688xf32>
    %slice3A_1964 = vector.extract_strided_slice %get3A_1 {offsets = [2, 2432], sizes = [1, 2688], strides = [1, 1]} : vector<8x5120xf32> to vector<1x2688xf32>
    %slice3A_1965 = vector.extract_strided_slice %get3A_1 {offsets = [3, 2432], sizes = [1, 2688], strides = [1, 1]} : vector<8x5120xf32> to vector<1x2688xf32>
    %slice3A_1966 = vector.extract_strided_slice %get3A_1 {offsets = [4, 2432], sizes = [1, 2688], strides = [1, 1]} : vector<8x5120xf32> to vector<1x2688xf32>
    %min3A_1967 = vector.broadcast %slice3A_1912 : vector<128x1xf32> to vector<128x2688xf32>
    %min3A_1968 = vector.broadcast %slice3A_1964 : vector<1x2688xf32> to vector<128x2688xf32>
    %min3A_1969 = arith.minimumf %min3A_1967, %min3A_1968 : vector<128x2688xf32>
    %max3A_1970 = vector.broadcast %slice3A_1910 : vector<128x1xf32> to vector<128x2688xf32>
    %max3A_1971 = vector.broadcast %slice3A_1962 : vector<1x2688xf32> to vector<128x2688xf32>
    %max3A_1972 = arith.maximumf %max3A_1970, %max3A_1971 : vector<128x2688xf32>
    %sub3A_1973 = arith.subf %min3A_1969, %max3A_1972 : vector<128x2688xf32>
    %max3A_1974 = arith.constant 0.000000e+00 : f32
    %max3A_1975 = vector.broadcast %max3A_1974 : f32 to vector<128x2688xf32>
    %max3A_1976 = arith.maximumf %sub3A_1973, %max3A_1975 : vector<128x2688xf32>
    %min3A_1977 = vector.broadcast %slice3A_1913 : vector<128x1xf32> to vector<128x2688xf32>
    %min3A_1978 = vector.broadcast %slice3A_1965 : vector<1x2688xf32> to vector<128x2688xf32>
    %min3A_1979 = arith.minimumf %min3A_1977, %min3A_1978 : vector<128x2688xf32>
    %max3A_1980 = vector.broadcast %slice3A_1911 : vector<128x1xf32> to vector<128x2688xf32>
    %max3A_1981 = vector.broadcast %slice3A_1963 : vector<1x2688xf32> to vector<128x2688xf32>
    %max3A_1982 = arith.maximumf %max3A_1980, %max3A_1981 : vector<128x2688xf32>
    %sub3A_1983 = arith.subf %min3A_1979, %max3A_1982 : vector<128x2688xf32>
    %max3A_1984 = arith.constant 0.000000e+00 : f32
    %max3A_1985 = vector.broadcast %max3A_1984 : f32 to vector<128x2688xf32>
    %max3A_1986 = arith.maximumf %sub3A_1983, %max3A_1985 : vector<128x2688xf32>
    %mul3A_1987 = arith.mulf %max3A_1976, %max3A_1986 : vector<128x2688xf32>
    %mul3A_1988 = arith.constant 3.000000e+00 : f32
    %mul3A_1989 = vector.broadcast %mul3A_1988 : f32 to vector<128x2688xf32>
    %mul3A_1990 = arith.mulf %mul3A_1987, %mul3A_1989 : vector<128x2688xf32>
    %add3A_1991 = vector.broadcast %slice3A_1914 : vector<128x1xf32> to vector<128x2688xf32>
    %add3A_1992 = vector.broadcast %slice3A_1966 : vector<1x2688xf32> to vector<128x2688xf32>
    %add3A_1993 = arith.addf %add3A_1991, %add3A_1992 : vector<128x2688xf32>
    %gt3A_1994 = arith.cmpf ogt, %mul3A_1990, %add3A_1993 : vector<128x2688xf32>
    %convert_element_type3A_1995 = arith.extui %gt3A_1994 : vector<128x2688xi1> to vector<128x2688xi32>
    %convert_element_type3A_1996 = arith.sitofp %convert_element_type3A_1995 : vector<128x2688xi32> to vector<128x2688xf32>
    %convert_element_type3A_1997 = arith.truncf %convert_element_type3A_1996 : vector<128x2688xf32> to vector<128x2688xbf16>
    %convert_element_type3A_1998 = arith.truncf %while3A_1958#0 : vector<1x128xf32> to vector<1x128xbf16>
    %dot_general3A_1999 = arith.constant dense<0.000000e+00> : vector<1x2688xf32>
    %dot_general3A_2000 = tpu.matmul %convert_element_type3A_1998, %convert_element_type3A_1997, %dot_general3A_1999 {dimension_numbers = #tpu.dot_dimension_numbers<[1], [0], [0], [1], [0, 0, 1, 1], [], []>, transpose_lhs_hint = false} : vector<1x128xbf16>, vector<128x2688xbf16>, vector<1x2688xf32> -> vector<1x2688xf32>
    %gt3A_2001 = arith.constant 5.000000e-01 : f32
    %gt3A_2002 = vector.broadcast %gt3A_2001 : f32 to vector<1x2688xf32>
    %gt3A_2003 = arith.cmpf ogt, %dot_general3A_2000, %gt3A_2002 : vector<1x2688xf32>
    %get3A_2004 = arith.constant 0 : index
    %get3A_2005 = arith.constant 2432 : index
    %get3A_2006 = vector.load %arg1[%get3A_2004, %get3A_2005] : memref<1x5120xf32, #tpu.memory_space<vmem>>, vector<1x2688xf32>
    %jit3A_2007 = arith.constant 0.000000e+00 : f32
    %broadcast_in_dim3A_2008 = vector.broadcast %jit3A_2007 : f32 to vector<1x2688xf32>
    %select_n3A_2009 = arith.select %gt3A_2003, %broadcast_in_dim3A_2008, %get3A_2006 : vector<1x2688xi1>, vector<1x2688xf32>
    %swap3A_2010 = arith.constant 0 : index
    %swap3A_2011 = arith.constant 2432 : index
    %swap3A_2012 = vector.load %arg1[%swap3A_2010, %swap3A_2011] : memref<1x5120xf32, #tpu.memory_space<vmem>>, vector<1x2688xf32>
    tpu.vector_store %arg1[%swap3A_2010, %swap3A_2011], %select_n3A_2009 {strides = array<i32>} : memref<1x5120xf32, #tpu.memory_space<vmem>>, vector<1x2688xf32>,
    %slice3A_2013 = vector.extract_strided_slice %get3A_1 {offsets = [0, 2432], sizes = [8, 128], strides = [1, 1]} : vector<8x5120xf32> to vector<8x128xf32>
    %dot_general3A_2014 = arith.constant dense<0.000000e+00> : vector<128x8xf32>
    %dot_general3A_2015 = tpu.matmul %select_n3A, %slice3A_2013, %dot_general3A_2014 {dimension_numbers = #tpu.dot_dimension_numbers<[1], [1], [0], [0], [0, 0, 1, 0], [], []>, precision = #tpu.contract_precision<fp32>, transpose_lhs_hint = false} : vector<128x128xf32>, vector<8x128xf32>, vector<128x8xf32> -> vector<128x8xf32>
    %slice3A_2016 = vector.extract_strided_slice %dot_general3A_2015 {offsets = [0, 0], sizes = [128, 1], strides = [1, 1]} : vector<128x8xf32> to vector<128x1xf32>
    %slice3A_2017 = vector.extract_strided_slice %dot_general3A_2015 {offsets = [0, 1], sizes = [128, 1], strides = [1, 1]} : vector<128x8xf32> to vector<128x1xf32>
    %slice3A_2018 = vector.extract_strided_slice %dot_general3A_2015 {offsets = [0, 2], sizes = [128, 1], strides = [1, 1]} : vector<128x8xf32> to vector<128x1xf32>
    %slice3A_2019 = vector.extract_strided_slice %dot_general3A_2015 {offsets = [0, 3], sizes = [128, 1], strides = [1, 1]} : vector<128x8xf32> to vector<128x1xf32>
    %slice3A_2020 = vector.extract_strided_slice %dot_general3A_2015 {offsets = [0, 4], sizes = [128, 1], strides = [1, 1]} : vector<128x8xf32> to vector<128x1xf32>
    %slice3A_2021 = vector.extract_strided_slice %get3A_1 {offsets = [0, 2432], sizes = [1, 128], strides = [1, 1]} : vector<8x5120xf32> to vector<1x128xf32>
    %slice3A_2022 = vector.extract_strided_slice %get3A_1 {offsets = [1, 2432], sizes = [1, 128], strides = [1, 1]} : vector<8x5120xf32> to vector<1x128xf32>
    %slice3A_2023 = vector.extract_strided_slice %get3A_1 {offsets = [2, 2432], sizes = [1, 128], strides = [1, 1]} : vector<8x5120xf32> to vector<1x128xf32>
    %slice3A_2024 = vector.extract_strided_slice %get3A_1 {offsets = [3, 2432], sizes = [1, 128], strides = [1, 1]} : vector<8x5120xf32> to vector<1x128xf32>
    %slice3A_2025 = vector.extract_strided_slice %get3A_1 {offsets = [4, 2432], sizes = [1, 128], strides = [1, 1]} : vector<8x5120xf32> to vector<1x128xf32>
    %min3A_2026 = vector.broadcast %slice3A_2018 : vector<128x1xf32> to vector<128x128xf32>
    %min3A_2027 = vector.broadcast %slice3A_2023 : vector<1x128xf32> to vector<128x128xf32>
    %min3A_2028 = arith.minimumf %min3A_2026, %min3A_2027 : vector<128x128xf32>
    %max3A_2029 = vector.broadcast %slice3A_2016 : vector<128x1xf32> to vector<128x128xf32>
    %max3A_2030 = vector.broadcast %slice3A_2021 : vector<1x128xf32> to vector<128x128xf32>
    %max3A_2031 = arith.maximumf %max3A_2029, %max3A_2030 : vector<128x128xf32>
    %sub3A_2032 = arith.subf %min3A_2028, %max3A_2031 : vector<128x128xf32>
    %max3A_2033 = arith.constant 0.000000e+00 : f32
    %max3A_2034 = vector.broadcast %max3A_2033 : f32 to vector<128x128xf32>
    %max3A_2035 = arith.maximumf %sub3A_2032, %max3A_2034 : vector<128x128xf32>
    %min3A_2036 = vector.broadcast %slice3A_2019 : vector<128x1xf32> to vector<128x128xf32>
    %min3A_2037 = vector.broadcast %slice3A_2024 : vector<1x128xf32> to vector<128x128xf32>
    %min3A_2038 = arith.minimumf %min3A_2036, %min3A_2037 : vector<128x128xf32>
    %max3A_2039 = vector.broadcast %slice3A_2017 : vector<128x1xf32> to vector<128x128xf32>
    %max3A_2040 = vector.broadcast %slice3A_2022 : vector<1x128xf32> to vector<128x128xf32>
    %max3A_2041 = arith.maximumf %max3A_2039, %max3A_2040 : vector<128x128xf32>
    %sub3A_2042 = arith.subf %min3A_2038, %max3A_2041 : vector<128x128xf32>
    %max3A_2043 = arith.constant 0.000000e+00 : f32
    %max3A_2044 = vector.broadcast %max3A_2043 : f32 to vector<128x128xf32>
    %max3A_2045 = arith.maximumf %sub3A_2042, %max3A_2044 : vector<128x128xf32>
    %mul3A_2046 = arith.mulf %max3A_2035, %max3A_2045 : vector<128x128xf32>
    %mul3A_2047 = arith.constant 3.000000e+00 : f32
    %mul3A_2048 = vector.broadcast %mul3A_2047 : f32 to vector<128x128xf32>
    %mul3A_2049 = arith.mulf %mul3A_2046, %mul3A_2048 : vector<128x128xf32>
    %add3A_2050 = vector.broadcast %slice3A_2020 : vector<128x1xf32> to vector<128x128xf32>
    %add3A_2051 = vector.broadcast %slice3A_2025 : vector<1x128xf32> to vector<128x128xf32>
    %add3A_2052 = arith.addf %add3A_2050, %add3A_2051 : vector<128x128xf32>
    %gt3A_2053 = arith.cmpf ogt, %mul3A_2049, %add3A_2052 : vector<128x128xf32>
    %and3A_2054 = arith.andi %gt3A_2053, %gt3A : vector<128x128xi1>
    %jit3A_2055 = arith.constant 1.000000e+00 : f32
    %jit3A_2056 = arith.constant 0.000000e+00 : f32
    %broadcast_in_dim3A_2057 = vector.broadcast %jit3A_2055 : f32 to vector<128x128xf32>
    %broadcast_in_dim3A_2058 = vector.broadcast %jit3A_2056 : f32 to vector<128x128xf32>
    %select_n3A_2059 = arith.select %and3A_2054, %broadcast_in_dim3A_2057, %broadcast_in_dim3A_2058 : vector<128x128xi1>, vector<128x128xf32>
    %get3A_2060 = arith.constant 0 : index
    %get3A_2061 = arith.constant 2432 : index
    %get3A_2062 = vector.load %arg1[%get3A_2060, %get3A_2061] : memref<1x5120xf32, #tpu.memory_space<vmem>>, vector<1x128xf32>
    %while3A_2063 = arith.constant true
    %while3A_2064:2 = scf.while (%while3A_4188 = %get3A_2062, %while3A_4189 = %while3A_2063) : (vector<1x128xf32>, i1) -> (vector<1x128xf32>, i1) {
      scf.condition(%while3A_4189) %while3A_4188, %while3A_4189 : vector<1x128xf32>, i1
    } do {
    ^bb0(%while3A_4188: vector<1x128xf32>, %while3A_4189: i1):
      %dot_general3A_4190 = arith.constant dense<0.000000e+00> : vector<1x128xf32>
      %dot_general3A_4191 = tpu.matmul %while3A_4188, %select_n3A_2059, %dot_general3A_4190 {dimension_numbers = #tpu.dot_dimension_numbers<[1], [0], [0], [1], [0, 0, 1, 1], [], []>, transpose_lhs_hint = false} : vector<1x128xf32>, vector<128x128xf32>, vector<1x128xf32> -> vector<1x128xf32>
      %gt3A_4192 = arith.constant 5.000000e-01 : f32
      %gt3A_4193 = vector.broadcast %gt3A_4192 : f32 to vector<1x128xf32>
      %gt3A_4194 = arith.cmpf ogt, %dot_general3A_4191, %gt3A_4193 : vector<1x128xf32>
      %jit3A_4195 = arith.constant 0.000000e+00 : f32
      %broadcast_in_dim3A_4196 = vector.broadcast %jit3A_4195 : f32 to vector<1x128xf32>
      %select_n3A_4197 = arith.select %gt3A_4194, %broadcast_in_dim3A_4196, %get3A_2062 : vector<1x128xi1>, vector<1x128xf32>
      %dot_general3A_4198 = arith.constant dense<0.000000e+00> : vector<1x128xf32>
      %dot_general3A_4199 = tpu.matmul %select_n3A_4197, %select_n3A_2059, %dot_general3A_4198 {dimension_numbers = #tpu.dot_dimension_numbers<[1], [0], [0], [1], [0, 0, 1, 1], [], []>, transpose_lhs_hint = false} : vector<1x128xf32>, vector<128x128xf32>, vector<1x128xf32> -> vector<1x128xf32>
      %gt3A_4200 = arith.constant 5.000000e-01 : f32
      %gt3A_4201 = vector.broadcast %gt3A_4200 : f32 to vector<1x128xf32>
      %gt3A_4202 = arith.cmpf ogt, %dot_general3A_4199, %gt3A_4201 : vector<1x128xf32>
      %jit3A_4203 = arith.constant 0.000000e+00 : f32
      %broadcast_in_dim3A_4204 = vector.broadcast %jit3A_4203 : f32 to vector<1x128xf32>
      %select_n3A_4205 = arith.select %gt3A_4202, %broadcast_in_dim3A_4204, %get3A_2062 : vector<1x128xi1>, vector<1x128xf32>
      %sub3A_4206 = arith.subf %select_n3A_4205, %select_n3A_4197 : vector<1x128xf32>
      %abs3A = math.absf %sub3A_4206 : vector<1x128xf32>
      %reduce_sum3A = vector.shape_cast %abs3A : vector<1x128xf32> to vector<1x1x128xf32>
      %reduce_sum3A_4207 = arith.constant dense<0.000000e+00> : vector<1xf32>
      %reduce_sum3A_4208 = vector.multi_reduction <add>, %reduce_sum3A, %reduce_sum3A_4207 [1, 2] : vector<1x1x128xf32> to vector<1xf32>
      %reduce_sum3A_4209 = vector.shape_cast %reduce_sum3A_4208 : vector<1xf32> to vector<1x1x1xf32>
      %reduce_sum3A_4210 = vector.extract %reduce_sum3A_4209[0, 0, 0] : f32 from vector<1x1x1xf32>
      %gt3A_4211 = arith.constant 0.000000e+00 : f32
      %gt3A_4212 = arith.cmpf ogt, %reduce_sum3A_4210, %gt3A_4211 : f32
      scf.yield %select_n3A_4205, %gt3A_4212 : vector<1x128xf32>, i1
    }
    %swap3A_2065 = arith.constant 0 : index
    %swap3A_2066 = arith.constant 2432 : index
    %swap3A_2067 = vector.load %arg1[%swap3A_2065, %swap3A_2066] : memref<1x5120xf32, #tpu.memory_space<vmem>>, vector<1x128xf32>
    tpu.vector_store %arg1[%swap3A_2065, %swap3A_2066], %while3A_2064#0 {strides = array<i32>} : memref<1x5120xf32, #tpu.memory_space<vmem>>, vector<1x128xf32>,
    %slice3A_2068 = vector.extract_strided_slice %get3A_1 {offsets = [0, 2560], sizes = [1, 2560], strides = [1, 1]} : vector<8x5120xf32> to vector<1x2560xf32>
    %slice3A_2069 = vector.extract_strided_slice %get3A_1 {offsets = [1, 2560], sizes = [1, 2560], strides = [1, 1]} : vector<8x5120xf32> to vector<1x2560xf32>
    %slice3A_2070 = vector.extract_strided_slice %get3A_1 {offsets = [2, 2560], sizes = [1, 2560], strides = [1, 1]} : vector<8x5120xf32> to vector<1x2560xf32>
    %slice3A_2071 = vector.extract_strided_slice %get3A_1 {offsets = [3, 2560], sizes = [1, 2560], strides = [1, 1]} : vector<8x5120xf32> to vector<1x2560xf32>
    %slice3A_2072 = vector.extract_strided_slice %get3A_1 {offsets = [4, 2560], sizes = [1, 2560], strides = [1, 1]} : vector<8x5120xf32> to vector<1x2560xf32>
    %min3A_2073 = vector.broadcast %slice3A_2018 : vector<128x1xf32> to vector<128x2560xf32>
    %min3A_2074 = vector.broadcast %slice3A_2070 : vector<1x2560xf32> to vector<128x2560xf32>
    %min3A_2075 = arith.minimumf %min3A_2073, %min3A_2074 : vector<128x2560xf32>
    %max3A_2076 = vector.broadcast %slice3A_2016 : vector<128x1xf32> to vector<128x2560xf32>
    %max3A_2077 = vector.broadcast %slice3A_2068 : vector<1x2560xf32> to vector<128x2560xf32>
    %max3A_2078 = arith.maximumf %max3A_2076, %max3A_2077 : vector<128x2560xf32>
    %sub3A_2079 = arith.subf %min3A_2075, %max3A_2078 : vector<128x2560xf32>
    %max3A_2080 = arith.constant 0.000000e+00 : f32
    %max3A_2081 = vector.broadcast %max3A_2080 : f32 to vector<128x2560xf32>
    %max3A_2082 = arith.maximumf %sub3A_2079, %max3A_2081 : vector<128x2560xf32>
    %min3A_2083 = vector.broadcast %slice3A_2019 : vector<128x1xf32> to vector<128x2560xf32>
    %min3A_2084 = vector.broadcast %slice3A_2071 : vector<1x2560xf32> to vector<128x2560xf32>
    %min3A_2085 = arith.minimumf %min3A_2083, %min3A_2084 : vector<128x2560xf32>
    %max3A_2086 = vector.broadcast %slice3A_2017 : vector<128x1xf32> to vector<128x2560xf32>
    %max3A_2087 = vector.broadcast %slice3A_2069 : vector<1x2560xf32> to vector<128x2560xf32>
    %max3A_2088 = arith.maximumf %max3A_2086, %max3A_2087 : vector<128x2560xf32>
    %sub3A_2089 = arith.subf %min3A_2085, %max3A_2088 : vector<128x2560xf32>
    %max3A_2090 = arith.constant 0.000000e+00 : f32
    %max3A_2091 = vector.broadcast %max3A_2090 : f32 to vector<128x2560xf32>
    %max3A_2092 = arith.maximumf %sub3A_2089, %max3A_2091 : vector<128x2560xf32>
    %mul3A_2093 = arith.mulf %max3A_2082, %max3A_2092 : vector<128x2560xf32>
    %mul3A_2094 = arith.constant 3.000000e+00 : f32
    %mul3A_2095 = vector.broadcast %mul3A_2094 : f32 to vector<128x2560xf32>
    %mul3A_2096 = arith.mulf %mul3A_2093, %mul3A_2095 : vector<128x2560xf32>
    %add3A_2097 = vector.broadcast %slice3A_2020 : vector<128x1xf32> to vector<128x2560xf32>
    %add3A_2098 = vector.broadcast %slice3A_2072 : vector<1x2560xf32> to vector<128x2560xf32>
    %add3A_2099 = arith.addf %add3A_2097, %add3A_2098 : vector<128x2560xf32>
    %gt3A_2100 = arith.cmpf ogt, %mul3A_2096, %add3A_2099 : vector<128x2560xf32>
    %convert_element_type3A_2101 = arith.extui %gt3A_2100 : vector<128x2560xi1> to vector<128x2560xi32>
    %convert_element_type3A_2102 = arith.sitofp %convert_element_type3A_2101 : vector<128x2560xi32> to vector<128x2560xf32>
    %convert_element_type3A_2103 = arith.truncf %convert_element_type3A_2102 : vector<128x2560xf32> to vector<128x2560xbf16>
    %convert_element_type3A_2104 = arith.truncf %while3A_2064#0 : vector<1x128xf32> to vector<1x128xbf16>
    %dot_general3A_2105 = arith.constant dense<0.000000e+00> : vector<1x2560xf32>
    %dot_general3A_2106 = tpu.matmul %convert_element_type3A_2104, %convert_element_type3A_2103, %dot_general3A_2105 {dimension_numbers = #tpu.dot_dimension_numbers<[1], [0], [0], [1], [0, 0, 1, 1], [], []>, transpose_lhs_hint = false} : vector<1x128xbf16>, vector<128x2560xbf16>, vector<1x2560xf32> -> vector<1x2560xf32>
    %gt3A_2107 = arith.constant 5.000000e-01 : f32
    %gt3A_2108 = vector.broadcast %gt3A_2107 : f32 to vector<1x2560xf32>
    %gt3A_2109 = arith.cmpf ogt, %dot_general3A_2106, %gt3A_2108 : vector<1x2560xf32>
    %get3A_2110 = arith.constant 0 : index
    %get3A_2111 = arith.constant 2560 : index
    %get3A_2112 = vector.load %arg1[%get3A_2110, %get3A_2111] : memref<1x5120xf32, #tpu.memory_space<vmem>>, vector<1x2560xf32>
    %jit3A_2113 = arith.constant 0.000000e+00 : f32
    %broadcast_in_dim3A_2114 = vector.broadcast %jit3A_2113 : f32 to vector<1x2560xf32>
    %select_n3A_2115 = arith.select %gt3A_2109, %broadcast_in_dim3A_2114, %get3A_2112 : vector<1x2560xi1>, vector<1x2560xf32>
    %swap3A_2116 = arith.constant 0 : index
    %swap3A_2117 = arith.constant 2560 : index
    %swap3A_2118 = vector.load %arg1[%swap3A_2116, %swap3A_2117] : memref<1x5120xf32, #tpu.memory_space<vmem>>, vector<1x2560xf32>
    tpu.vector_store %arg1[%swap3A_2116, %swap3A_2117], %select_n3A_2115 {strides = array<i32>} : memref<1x5120xf32, #tpu.memory_space<vmem>>, vector<1x2560xf32>,
    %slice3A_2119 = vector.extract_strided_slice %get3A_1 {offsets = [0, 2560], sizes = [8, 128], strides = [1, 1]} : vector<8x5120xf32> to vector<8x128xf32>
    %dot_general3A_2120 = arith.constant dense<0.000000e+00> : vector<128x8xf32>
    %dot_general3A_2121 = tpu.matmul %select_n3A, %slice3A_2119, %dot_general3A_2120 {dimension_numbers = #tpu.dot_dimension_numbers<[1], [1], [0], [0], [0, 0, 1, 0], [], []>, precision = #tpu.contract_precision<fp32>, transpose_lhs_hint = false} : vector<128x128xf32>, vector<8x128xf32>, vector<128x8xf32> -> vector<128x8xf32>
    %slice3A_2122 = vector.extract_strided_slice %dot_general3A_2121 {offsets = [0, 0], sizes = [128, 1], strides = [1, 1]} : vector<128x8xf32> to vector<128x1xf32>
    %slice3A_2123 = vector.extract_strided_slice %dot_general3A_2121 {offsets = [0, 1], sizes = [128, 1], strides = [1, 1]} : vector<128x8xf32> to vector<128x1xf32>
    %slice3A_2124 = vector.extract_strided_slice %dot_general3A_2121 {offsets = [0, 2], sizes = [128, 1], strides = [1, 1]} : vector<128x8xf32> to vector<128x1xf32>
    %slice3A_2125 = vector.extract_strided_slice %dot_general3A_2121 {offsets = [0, 3], sizes = [128, 1], strides = [1, 1]} : vector<128x8xf32> to vector<128x1xf32>
    %slice3A_2126 = vector.extract_strided_slice %dot_general3A_2121 {offsets = [0, 4], sizes = [128, 1], strides = [1, 1]} : vector<128x8xf32> to vector<128x1xf32>
    %slice3A_2127 = vector.extract_strided_slice %get3A_1 {offsets = [0, 2560], sizes = [1, 128], strides = [1, 1]} : vector<8x5120xf32> to vector<1x128xf32>
    %slice3A_2128 = vector.extract_strided_slice %get3A_1 {offsets = [1, 2560], sizes = [1, 128], strides = [1, 1]} : vector<8x5120xf32> to vector<1x128xf32>
    %slice3A_2129 = vector.extract_strided_slice %get3A_1 {offsets = [2, 2560], sizes = [1, 128], strides = [1, 1]} : vector<8x5120xf32> to vector<1x128xf32>
    %slice3A_2130 = vector.extract_strided_slice %get3A_1 {offsets = [3, 2560], sizes = [1, 128], strides = [1, 1]} : vector<8x5120xf32> to vector<1x128xf32>
    %slice3A_2131 = vector.extract_strided_slice %get3A_1 {offsets = [4, 2560], sizes = [1, 128], strides = [1, 1]} : vector<8x5120xf32> to vector<1x128xf32>
    %min3A_2132 = vector.broadcast %slice3A_2124 : vector<128x1xf32> to vector<128x128xf32>
    %min3A_2133 = vector.broadcast %slice3A_2129 : vector<1x128xf32> to vector<128x128xf32>
    %min3A_2134 = arith.minimumf %min3A_2132, %min3A_2133 : vector<128x128xf32>
    %max3A_2135 = vector.broadcast %slice3A_2122 : vector<128x1xf32> to vector<128x128xf32>
    %max3A_2136 = vector.broadcast %slice3A_2127 : vector<1x128xf32> to vector<128x128xf32>
    %max3A_2137 = arith.maximumf %max3A_2135, %max3A_2136 : vector<128x128xf32>
    %sub3A_2138 = arith.subf %min3A_2134, %max3A_2137 : vector<128x128xf32>
    %max3A_2139 = arith.constant 0.000000e+00 : f32
    %max3A_2140 = vector.broadcast %max3A_2139 : f32 to vector<128x128xf32>
    %max3A_2141 = arith.maximumf %sub3A_2138, %max3A_2140 : vector<128x128xf32>
    %min3A_2142 = vector.broadcast %slice3A_2125 : vector<128x1xf32> to vector<128x128xf32>
    %min3A_2143 = vector.broadcast %slice3A_2130 : vector<1x128xf32> to vector<128x128xf32>
    %min3A_2144 = arith.minimumf %min3A_2142, %min3A_2143 : vector<128x128xf32>
    %max3A_2145 = vector.broadcast %slice3A_2123 : vector<128x1xf32> to vector<128x128xf32>
    %max3A_2146 = vector.broadcast %slice3A_2128 : vector<1x128xf32> to vector<128x128xf32>
    %max3A_2147 = arith.maximumf %max3A_2145, %max3A_2146 : vector<128x128xf32>
    %sub3A_2148 = arith.subf %min3A_2144, %max3A_2147 : vector<128x128xf32>
    %max3A_2149 = arith.constant 0.000000e+00 : f32
    %max3A_2150 = vector.broadcast %max3A_2149 : f32 to vector<128x128xf32>
    %max3A_2151 = arith.maximumf %sub3A_2148, %max3A_2150 : vector<128x128xf32>
    %mul3A_2152 = arith.mulf %max3A_2141, %max3A_2151 : vector<128x128xf32>
    %mul3A_2153 = arith.constant 3.000000e+00 : f32
    %mul3A_2154 = vector.broadcast %mul3A_2153 : f32 to vector<128x128xf32>
    %mul3A_2155 = arith.mulf %mul3A_2152, %mul3A_2154 : vector<128x128xf32>
    %add3A_2156 = vector.broadcast %slice3A_2126 : vector<128x1xf32> to vector<128x128xf32>
    %add3A_2157 = vector.broadcast %slice3A_2131 : vector<1x128xf32> to vector<128x128xf32>
    %add3A_2158 = arith.addf %add3A_2156, %add3A_2157 : vector<128x128xf32>
    %gt3A_2159 = arith.cmpf ogt, %mul3A_2155, %add3A_2158 : vector<128x128xf32>
    %and3A_2160 = arith.andi %gt3A_2159, %gt3A : vector<128x128xi1>
    %jit3A_2161 = arith.constant 1.000000e+00 : f32
    %jit3A_2162 = arith.constant 0.000000e+00 : f32
    %broadcast_in_dim3A_2163 = vector.broadcast %jit3A_2161 : f32 to vector<128x128xf32>
    %broadcast_in_dim3A_2164 = vector.broadcast %jit3A_2162 : f32 to vector<128x128xf32>
    %select_n3A_2165 = arith.select %and3A_2160, %broadcast_in_dim3A_2163, %broadcast_in_dim3A_2164 : vector<128x128xi1>, vector<128x128xf32>
    %get3A_2166 = arith.constant 0 : index
    %get3A_2167 = arith.constant 2560 : index
    %get3A_2168 = vector.load %arg1[%get3A_2166, %get3A_2167] : memref<1x5120xf32, #tpu.memory_space<vmem>>, vector<1x128xf32>
    %while3A_2169 = arith.constant true
    %while3A_2170:2 = scf.while (%while3A_4188 = %get3A_2168, %while3A_4189 = %while3A_2169) : (vector<1x128xf32>, i1) -> (vector<1x128xf32>, i1) {
      scf.condition(%while3A_4189) %while3A_4188, %while3A_4189 : vector<1x128xf32>, i1
    } do {
    ^bb0(%while3A_4188: vector<1x128xf32>, %while3A_4189: i1):
      %dot_general3A_4190 = arith.constant dense<0.000000e+00> : vector<1x128xf32>
      %dot_general3A_4191 = tpu.matmul %while3A_4188, %select_n3A_2165, %dot_general3A_4190 {dimension_numbers = #tpu.dot_dimension_numbers<[1], [0], [0], [1], [0, 0, 1, 1], [], []>, transpose_lhs_hint = false} : vector<1x128xf32>, vector<128x128xf32>, vector<1x128xf32> -> vector<1x128xf32>
      %gt3A_4192 = arith.constant 5.000000e-01 : f32
      %gt3A_4193 = vector.broadcast %gt3A_4192 : f32 to vector<1x128xf32>
      %gt3A_4194 = arith.cmpf ogt, %dot_general3A_4191, %gt3A_4193 : vector<1x128xf32>
      %jit3A_4195 = arith.constant 0.000000e+00 : f32
      %broadcast_in_dim3A_4196 = vector.broadcast %jit3A_4195 : f32 to vector<1x128xf32>
      %select_n3A_4197 = arith.select %gt3A_4194, %broadcast_in_dim3A_4196, %get3A_2168 : vector<1x128xi1>, vector<1x128xf32>
      %dot_general3A_4198 = arith.constant dense<0.000000e+00> : vector<1x128xf32>
      %dot_general3A_4199 = tpu.matmul %select_n3A_4197, %select_n3A_2165, %dot_general3A_4198 {dimension_numbers = #tpu.dot_dimension_numbers<[1], [0], [0], [1], [0, 0, 1, 1], [], []>, transpose_lhs_hint = false} : vector<1x128xf32>, vector<128x128xf32>, vector<1x128xf32> -> vector<1x128xf32>
      %gt3A_4200 = arith.constant 5.000000e-01 : f32
      %gt3A_4201 = vector.broadcast %gt3A_4200 : f32 to vector<1x128xf32>
      %gt3A_4202 = arith.cmpf ogt, %dot_general3A_4199, %gt3A_4201 : vector<1x128xf32>
      %jit3A_4203 = arith.constant 0.000000e+00 : f32
      %broadcast_in_dim3A_4204 = vector.broadcast %jit3A_4203 : f32 to vector<1x128xf32>
      %select_n3A_4205 = arith.select %gt3A_4202, %broadcast_in_dim3A_4204, %get3A_2168 : vector<1x128xi1>, vector<1x128xf32>
      %sub3A_4206 = arith.subf %select_n3A_4205, %select_n3A_4197 : vector<1x128xf32>
      %abs3A = math.absf %sub3A_4206 : vector<1x128xf32>
      %reduce_sum3A = vector.shape_cast %abs3A : vector<1x128xf32> to vector<1x1x128xf32>
      %reduce_sum3A_4207 = arith.constant dense<0.000000e+00> : vector<1xf32>
      %reduce_sum3A_4208 = vector.multi_reduction <add>, %reduce_sum3A, %reduce_sum3A_4207 [1, 2] : vector<1x1x128xf32> to vector<1xf32>
      %reduce_sum3A_4209 = vector.shape_cast %reduce_sum3A_4208 : vector<1xf32> to vector<1x1x1xf32>
      %reduce_sum3A_4210 = vector.extract %reduce_sum3A_4209[0, 0, 0] : f32 from vector<1x1x1xf32>
      %gt3A_4211 = arith.constant 0.000000e+00 : f32
      %gt3A_4212 = arith.cmpf ogt, %reduce_sum3A_4210, %gt3A_4211 : f32
      scf.yield %select_n3A_4205, %gt3A_4212 : vector<1x128xf32>, i1
    }
    %swap3A_2171 = arith.constant 0 : index
    %swap3A_2172 = arith.constant 2560 : index
    %swap3A_2173 = vector.load %arg1[%swap3A_2171, %swap3A_2172] : memref<1x5120xf32, #tpu.memory_space<vmem>>, vector<1x128xf32>
    tpu.vector_store %arg1[%swap3A_2171, %swap3A_2172], %while3A_2170#0 {strides = array<i32>} : memref<1x5120xf32, #tpu.memory_space<vmem>>, vector<1x128xf32>,
    %slice3A_2174 = vector.extract_strided_slice %get3A_1 {offsets = [0, 2688], sizes = [1, 2432], strides = [1, 1]} : vector<8x5120xf32> to vector<1x2432xf32>
    %slice3A_2175 = vector.extract_strided_slice %get3A_1 {offsets = [1, 2688], sizes = [1, 2432], strides = [1, 1]} : vector<8x5120xf32> to vector<1x2432xf32>
    %slice3A_2176 = vector.extract_strided_slice %get3A_1 {offsets = [2, 2688], sizes = [1, 2432], strides = [1, 1]} : vector<8x5120xf32> to vector<1x2432xf32>
    %slice3A_2177 = vector.extract_strided_slice %get3A_1 {offsets = [3, 2688], sizes = [1, 2432], strides = [1, 1]} : vector<8x5120xf32> to vector<1x2432xf32>
    %slice3A_2178 = vector.extract_strided_slice %get3A_1 {offsets = [4, 2688], sizes = [1, 2432], strides = [1, 1]} : vector<8x5120xf32> to vector<1x2432xf32>
    %min3A_2179 = vector.broadcast %slice3A_2124 : vector<128x1xf32> to vector<128x2432xf32>
    %min3A_2180 = vector.broadcast %slice3A_2176 : vector<1x2432xf32> to vector<128x2432xf32>
    %min3A_2181 = arith.minimumf %min3A_2179, %min3A_2180 : vector<128x2432xf32>
    %max3A_2182 = vector.broadcast %slice3A_2122 : vector<128x1xf32> to vector<128x2432xf32>
    %max3A_2183 = vector.broadcast %slice3A_2174 : vector<1x2432xf32> to vector<128x2432xf32>
    %max3A_2184 = arith.maximumf %max3A_2182, %max3A_2183 : vector<128x2432xf32>
    %sub3A_2185 = arith.subf %min3A_2181, %max3A_2184 : vector<128x2432xf32>
    %max3A_2186 = arith.constant 0.000000e+00 : f32
    %max3A_2187 = vector.broadcast %max3A_2186 : f32 to vector<128x2432xf32>
    %max3A_2188 = arith.maximumf %sub3A_2185, %max3A_2187 : vector<128x2432xf32>
    %min3A_2189 = vector.broadcast %slice3A_2125 : vector<128x1xf32> to vector<128x2432xf32>
    %min3A_2190 = vector.broadcast %slice3A_2177 : vector<1x2432xf32> to vector<128x2432xf32>
    %min3A_2191 = arith.minimumf %min3A_2189, %min3A_2190 : vector<128x2432xf32>
    %max3A_2192 = vector.broadcast %slice3A_2123 : vector<128x1xf32> to vector<128x2432xf32>
    %max3A_2193 = vector.broadcast %slice3A_2175 : vector<1x2432xf32> to vector<128x2432xf32>
    %max3A_2194 = arith.maximumf %max3A_2192, %max3A_2193 : vector<128x2432xf32>
    %sub3A_2195 = arith.subf %min3A_2191, %max3A_2194 : vector<128x2432xf32>
    %max3A_2196 = arith.constant 0.000000e+00 : f32
    %max3A_2197 = vector.broadcast %max3A_2196 : f32 to vector<128x2432xf32>
    %max3A_2198 = arith.maximumf %sub3A_2195, %max3A_2197 : vector<128x2432xf32>
    %mul3A_2199 = arith.mulf %max3A_2188, %max3A_2198 : vector<128x2432xf32>
    %mul3A_2200 = arith.constant 3.000000e+00 : f32
    %mul3A_2201 = vector.broadcast %mul3A_2200 : f32 to vector<128x2432xf32>
    %mul3A_2202 = arith.mulf %mul3A_2199, %mul3A_2201 : vector<128x2432xf32>
    %add3A_2203 = vector.broadcast %slice3A_2126 : vector<128x1xf32> to vector<128x2432xf32>
    %add3A_2204 = vector.broadcast %slice3A_2178 : vector<1x2432xf32> to vector<128x2432xf32>
    %add3A_2205 = arith.addf %add3A_2203, %add3A_2204 : vector<128x2432xf32>
    %gt3A_2206 = arith.cmpf ogt, %mul3A_2202, %add3A_2205 : vector<128x2432xf32>
    %convert_element_type3A_2207 = arith.extui %gt3A_2206 : vector<128x2432xi1> to vector<128x2432xi32>
    %convert_element_type3A_2208 = arith.sitofp %convert_element_type3A_2207 : vector<128x2432xi32> to vector<128x2432xf32>
    %convert_element_type3A_2209 = arith.truncf %convert_element_type3A_2208 : vector<128x2432xf32> to vector<128x2432xbf16>
    %convert_element_type3A_2210 = arith.truncf %while3A_2170#0 : vector<1x128xf32> to vector<1x128xbf16>
    %dot_general3A_2211 = arith.constant dense<0.000000e+00> : vector<1x2432xf32>
    %dot_general3A_2212 = tpu.matmul %convert_element_type3A_2210, %convert_element_type3A_2209, %dot_general3A_2211 {dimension_numbers = #tpu.dot_dimension_numbers<[1], [0], [0], [1], [0, 0, 1, 1], [], []>, transpose_lhs_hint = false} : vector<1x128xbf16>, vector<128x2432xbf16>, vector<1x2432xf32> -> vector<1x2432xf32>
    %gt3A_2213 = arith.constant 5.000000e-01 : f32
    %gt3A_2214 = vector.broadcast %gt3A_2213 : f32 to vector<1x2432xf32>
    %gt3A_2215 = arith.cmpf ogt, %dot_general3A_2212, %gt3A_2214 : vector<1x2432xf32>
    %get3A_2216 = arith.constant 0 : index
    %get3A_2217 = arith.constant 2688 : index
    %get3A_2218 = vector.load %arg1[%get3A_2216, %get3A_2217] : memref<1x5120xf32, #tpu.memory_space<vmem>>, vector<1x2432xf32>
    %jit3A_2219 = arith.constant 0.000000e+00 : f32
    %broadcast_in_dim3A_2220 = vector.broadcast %jit3A_2219 : f32 to vector<1x2432xf32>
    %select_n3A_2221 = arith.select %gt3A_2215, %broadcast_in_dim3A_2220, %get3A_2218 : vector<1x2432xi1>, vector<1x2432xf32>
    %swap3A_2222 = arith.constant 0 : index
    %swap3A_2223 = arith.constant 2688 : index
    %swap3A_2224 = vector.load %arg1[%swap3A_2222, %swap3A_2223] : memref<1x5120xf32, #tpu.memory_space<vmem>>, vector<1x2432xf32>
    tpu.vector_store %arg1[%swap3A_2222, %swap3A_2223], %select_n3A_2221 {strides = array<i32>} : memref<1x5120xf32, #tpu.memory_space<vmem>>, vector<1x2432xf32>,
    %slice3A_2225 = vector.extract_strided_slice %get3A_1 {offsets = [0, 2688], sizes = [8, 128], strides = [1, 1]} : vector<8x5120xf32> to vector<8x128xf32>
    %dot_general3A_2226 = arith.constant dense<0.000000e+00> : vector<128x8xf32>
    %dot_general3A_2227 = tpu.matmul %select_n3A, %slice3A_2225, %dot_general3A_2226 {dimension_numbers = #tpu.dot_dimension_numbers<[1], [1], [0], [0], [0, 0, 1, 0], [], []>, precision = #tpu.contract_precision<fp32>, transpose_lhs_hint = false} : vector<128x128xf32>, vector<8x128xf32>, vector<128x8xf32> -> vector<128x8xf32>
    %slice3A_2228 = vector.extract_strided_slice %dot_general3A_2227 {offsets = [0, 0], sizes = [128, 1], strides = [1, 1]} : vector<128x8xf32> to vector<128x1xf32>
    %slice3A_2229 = vector.extract_strided_slice %dot_general3A_2227 {offsets = [0, 1], sizes = [128, 1], strides = [1, 1]} : vector<128x8xf32> to vector<128x1xf32>
    %slice3A_2230 = vector.extract_strided_slice %dot_general3A_2227 {offsets = [0, 2], sizes = [128, 1], strides = [1, 1]} : vector<128x8xf32> to vector<128x1xf32>
    %slice3A_2231 = vector.extract_strided_slice %dot_general3A_2227 {offsets = [0, 3], sizes = [128, 1], strides = [1, 1]} : vector<128x8xf32> to vector<128x1xf32>
    %slice3A_2232 = vector.extract_strided_slice %dot_general3A_2227 {offsets = [0, 4], sizes = [128, 1], strides = [1, 1]} : vector<128x8xf32> to vector<128x1xf32>
    %slice3A_2233 = vector.extract_strided_slice %get3A_1 {offsets = [0, 2688], sizes = [1, 128], strides = [1, 1]} : vector<8x5120xf32> to vector<1x128xf32>
    %slice3A_2234 = vector.extract_strided_slice %get3A_1 {offsets = [1, 2688], sizes = [1, 128], strides = [1, 1]} : vector<8x5120xf32> to vector<1x128xf32>
    %slice3A_2235 = vector.extract_strided_slice %get3A_1 {offsets = [2, 2688], sizes = [1, 128], strides = [1, 1]} : vector<8x5120xf32> to vector<1x128xf32>
    %slice3A_2236 = vector.extract_strided_slice %get3A_1 {offsets = [3, 2688], sizes = [1, 128], strides = [1, 1]} : vector<8x5120xf32> to vector<1x128xf32>
    %slice3A_2237 = vector.extract_strided_slice %get3A_1 {offsets = [4, 2688], sizes = [1, 128], strides = [1, 1]} : vector<8x5120xf32> to vector<1x128xf32>
    %min3A_2238 = vector.broadcast %slice3A_2230 : vector<128x1xf32> to vector<128x128xf32>
    %min3A_2239 = vector.broadcast %slice3A_2235 : vector<1x128xf32> to vector<128x128xf32>
    %min3A_2240 = arith.minimumf %min3A_2238, %min3A_2239 : vector<128x128xf32>
    %max3A_2241 = vector.broadcast %slice3A_2228 : vector<128x1xf32> to vector<128x128xf32>
    %max3A_2242 = vector.broadcast %slice3A_2233 : vector<1x128xf32> to vector<128x128xf32>
    %max3A_2243 = arith.maximumf %max3A_2241, %max3A_2242 : vector<128x128xf32>
    %sub3A_2244 = arith.subf %min3A_2240, %max3A_2243 : vector<128x128xf32>
    %max3A_2245 = arith.constant 0.000000e+00 : f32
    %max3A_2246 = vector.broadcast %max3A_2245 : f32 to vector<128x128xf32>
    %max3A_2247 = arith.maximumf %sub3A_2244, %max3A_2246 : vector<128x128xf32>
    %min3A_2248 = vector.broadcast %slice3A_2231 : vector<128x1xf32> to vector<128x128xf32>
    %min3A_2249 = vector.broadcast %slice3A_2236 : vector<1x128xf32> to vector<128x128xf32>
    %min3A_2250 = arith.minimumf %min3A_2248, %min3A_2249 : vector<128x128xf32>
    %max3A_2251 = vector.broadcast %slice3A_2229 : vector<128x1xf32> to vector<128x128xf32>
    %max3A_2252 = vector.broadcast %slice3A_2234 : vector<1x128xf32> to vector<128x128xf32>
    %max3A_2253 = arith.maximumf %max3A_2251, %max3A_2252 : vector<128x128xf32>
    %sub3A_2254 = arith.subf %min3A_2250, %max3A_2253 : vector<128x128xf32>
    %max3A_2255 = arith.constant 0.000000e+00 : f32
    %max3A_2256 = vector.broadcast %max3A_2255 : f32 to vector<128x128xf32>
    %max3A_2257 = arith.maximumf %sub3A_2254, %max3A_2256 : vector<128x128xf32>
    %mul3A_2258 = arith.mulf %max3A_2247, %max3A_2257 : vector<128x128xf32>
    %mul3A_2259 = arith.constant 3.000000e+00 : f32
    %mul3A_2260 = vector.broadcast %mul3A_2259 : f32 to vector<128x128xf32>
    %mul3A_2261 = arith.mulf %mul3A_2258, %mul3A_2260 : vector<128x128xf32>
    %add3A_2262 = vector.broadcast %slice3A_2232 : vector<128x1xf32> to vector<128x128xf32>
    %add3A_2263 = vector.broadcast %slice3A_2237 : vector<1x128xf32> to vector<128x128xf32>
    %add3A_2264 = arith.addf %add3A_2262, %add3A_2263 : vector<128x128xf32>
    %gt3A_2265 = arith.cmpf ogt, %mul3A_2261, %add3A_2264 : vector<128x128xf32>
    %and3A_2266 = arith.andi %gt3A_2265, %gt3A : vector<128x128xi1>
    %jit3A_2267 = arith.constant 1.000000e+00 : f32
    %jit3A_2268 = arith.constant 0.000000e+00 : f32
    %broadcast_in_dim3A_2269 = vector.broadcast %jit3A_2267 : f32 to vector<128x128xf32>
    %broadcast_in_dim3A_2270 = vector.broadcast %jit3A_2268 : f32 to vector<128x128xf32>
    %select_n3A_2271 = arith.select %and3A_2266, %broadcast_in_dim3A_2269, %broadcast_in_dim3A_2270 : vector<128x128xi1>, vector<128x128xf32>
    %get3A_2272 = arith.constant 0 : index
    %get3A_2273 = arith.constant 2688 : index
    %get3A_2274 = vector.load %arg1[%get3A_2272, %get3A_2273] : memref<1x5120xf32, #tpu.memory_space<vmem>>, vector<1x128xf32>
    %while3A_2275 = arith.constant true
    %while3A_2276:2 = scf.while (%while3A_4188 = %get3A_2274, %while3A_4189 = %while3A_2275) : (vector<1x128xf32>, i1) -> (vector<1x128xf32>, i1) {
      scf.condition(%while3A_4189) %while3A_4188, %while3A_4189 : vector<1x128xf32>, i1
    } do {
    ^bb0(%while3A_4188: vector<1x128xf32>, %while3A_4189: i1):
      %dot_general3A_4190 = arith.constant dense<0.000000e+00> : vector<1x128xf32>
      %dot_general3A_4191 = tpu.matmul %while3A_4188, %select_n3A_2271, %dot_general3A_4190 {dimension_numbers = #tpu.dot_dimension_numbers<[1], [0], [0], [1], [0, 0, 1, 1], [], []>, transpose_lhs_hint = false} : vector<1x128xf32>, vector<128x128xf32>, vector<1x128xf32> -> vector<1x128xf32>
      %gt3A_4192 = arith.constant 5.000000e-01 : f32
      %gt3A_4193 = vector.broadcast %gt3A_4192 : f32 to vector<1x128xf32>
      %gt3A_4194 = arith.cmpf ogt, %dot_general3A_4191, %gt3A_4193 : vector<1x128xf32>
      %jit3A_4195 = arith.constant 0.000000e+00 : f32
      %broadcast_in_dim3A_4196 = vector.broadcast %jit3A_4195 : f32 to vector<1x128xf32>
      %select_n3A_4197 = arith.select %gt3A_4194, %broadcast_in_dim3A_4196, %get3A_2274 : vector<1x128xi1>, vector<1x128xf32>
      %dot_general3A_4198 = arith.constant dense<0.000000e+00> : vector<1x128xf32>
      %dot_general3A_4199 = tpu.matmul %select_n3A_4197, %select_n3A_2271, %dot_general3A_4198 {dimension_numbers = #tpu.dot_dimension_numbers<[1], [0], [0], [1], [0, 0, 1, 1], [], []>, transpose_lhs_hint = false} : vector<1x128xf32>, vector<128x128xf32>, vector<1x128xf32> -> vector<1x128xf32>
      %gt3A_4200 = arith.constant 5.000000e-01 : f32
      %gt3A_4201 = vector.broadcast %gt3A_4200 : f32 to vector<1x128xf32>
      %gt3A_4202 = arith.cmpf ogt, %dot_general3A_4199, %gt3A_4201 : vector<1x128xf32>
      %jit3A_4203 = arith.constant 0.000000e+00 : f32
      %broadcast_in_dim3A_4204 = vector.broadcast %jit3A_4203 : f32 to vector<1x128xf32>
      %select_n3A_4205 = arith.select %gt3A_4202, %broadcast_in_dim3A_4204, %get3A_2274 : vector<1x128xi1>, vector<1x128xf32>
      %sub3A_4206 = arith.subf %select_n3A_4205, %select_n3A_4197 : vector<1x128xf32>
      %abs3A = math.absf %sub3A_4206 : vector<1x128xf32>
      %reduce_sum3A = vector.shape_cast %abs3A : vector<1x128xf32> to vector<1x1x128xf32>
      %reduce_sum3A_4207 = arith.constant dense<0.000000e+00> : vector<1xf32>
      %reduce_sum3A_4208 = vector.multi_reduction <add>, %reduce_sum3A, %reduce_sum3A_4207 [1, 2] : vector<1x1x128xf32> to vector<1xf32>
      %reduce_sum3A_4209 = vector.shape_cast %reduce_sum3A_4208 : vector<1xf32> to vector<1x1x1xf32>
      %reduce_sum3A_4210 = vector.extract %reduce_sum3A_4209[0, 0, 0] : f32 from vector<1x1x1xf32>
      %gt3A_4211 = arith.constant 0.000000e+00 : f32
      %gt3A_4212 = arith.cmpf ogt, %reduce_sum3A_4210, %gt3A_4211 : f32
      scf.yield %select_n3A_4205, %gt3A_4212 : vector<1x128xf32>, i1
    }
    %swap3A_2277 = arith.constant 0 : index
    %swap3A_2278 = arith.constant 2688 : index
    %swap3A_2279 = vector.load %arg1[%swap3A_2277, %swap3A_2278] : memref<1x5120xf32, #tpu.memory_space<vmem>>, vector<1x128xf32>
    tpu.vector_store %arg1[%swap3A_2277, %swap3A_2278], %while3A_2276#0 {strides = array<i32>} : memref<1x5120xf32, #tpu.memory_space<vmem>>, vector<1x128xf32>,
    %slice3A_2280 = vector.extract_strided_slice %get3A_1 {offsets = [0, 2816], sizes = [1, 2304], strides = [1, 1]} : vector<8x5120xf32> to vector<1x2304xf32>
    %slice3A_2281 = vector.extract_strided_slice %get3A_1 {offsets = [1, 2816], sizes = [1, 2304], strides = [1, 1]} : vector<8x5120xf32> to vector<1x2304xf32>
    %slice3A_2282 = vector.extract_strided_slice %get3A_1 {offsets = [2, 2816], sizes = [1, 2304], strides = [1, 1]} : vector<8x5120xf32> to vector<1x2304xf32>
    %slice3A_2283 = vector.extract_strided_slice %get3A_1 {offsets = [3, 2816], sizes = [1, 2304], strides = [1, 1]} : vector<8x5120xf32> to vector<1x2304xf32>
    %slice3A_2284 = vector.extract_strided_slice %get3A_1 {offsets = [4, 2816], sizes = [1, 2304], strides = [1, 1]} : vector<8x5120xf32> to vector<1x2304xf32>
    %min3A_2285 = vector.broadcast %slice3A_2230 : vector<128x1xf32> to vector<128x2304xf32>
    %min3A_2286 = vector.broadcast %slice3A_2282 : vector<1x2304xf32> to vector<128x2304xf32>
    %min3A_2287 = arith.minimumf %min3A_2285, %min3A_2286 : vector<128x2304xf32>
    %max3A_2288 = vector.broadcast %slice3A_2228 : vector<128x1xf32> to vector<128x2304xf32>
    %max3A_2289 = vector.broadcast %slice3A_2280 : vector<1x2304xf32> to vector<128x2304xf32>
    %max3A_2290 = arith.maximumf %max3A_2288, %max3A_2289 : vector<128x2304xf32>
    %sub3A_2291 = arith.subf %min3A_2287, %max3A_2290 : vector<128x2304xf32>
    %max3A_2292 = arith.constant 0.000000e+00 : f32
    %max3A_2293 = vector.broadcast %max3A_2292 : f32 to vector<128x2304xf32>
    %max3A_2294 = arith.maximumf %sub3A_2291, %max3A_2293 : vector<128x2304xf32>
    %min3A_2295 = vector.broadcast %slice3A_2231 : vector<128x1xf32> to vector<128x2304xf32>
    %min3A_2296 = vector.broadcast %slice3A_2283 : vector<1x2304xf32> to vector<128x2304xf32>
    %min3A_2297 = arith.minimumf %min3A_2295, %min3A_2296 : vector<128x2304xf32>
    %max3A_2298 = vector.broadcast %slice3A_2229 : vector<128x1xf32> to vector<128x2304xf32>
    %max3A_2299 = vector.broadcast %slice3A_2281 : vector<1x2304xf32> to vector<128x2304xf32>
    %max3A_2300 = arith.maximumf %max3A_2298, %max3A_2299 : vector<128x2304xf32>
    %sub3A_2301 = arith.subf %min3A_2297, %max3A_2300 : vector<128x2304xf32>
    %max3A_2302 = arith.constant 0.000000e+00 : f32
    %max3A_2303 = vector.broadcast %max3A_2302 : f32 to vector<128x2304xf32>
    %max3A_2304 = arith.maximumf %sub3A_2301, %max3A_2303 : vector<128x2304xf32>
    %mul3A_2305 = arith.mulf %max3A_2294, %max3A_2304 : vector<128x2304xf32>
    %mul3A_2306 = arith.constant 3.000000e+00 : f32
    %mul3A_2307 = vector.broadcast %mul3A_2306 : f32 to vector<128x2304xf32>
    %mul3A_2308 = arith.mulf %mul3A_2305, %mul3A_2307 : vector<128x2304xf32>
    %add3A_2309 = vector.broadcast %slice3A_2232 : vector<128x1xf32> to vector<128x2304xf32>
    %add3A_2310 = vector.broadcast %slice3A_2284 : vector<1x2304xf32> to vector<128x2304xf32>
    %add3A_2311 = arith.addf %add3A_2309, %add3A_2310 : vector<128x2304xf32>
    %gt3A_2312 = arith.cmpf ogt, %mul3A_2308, %add3A_2311 : vector<128x2304xf32>
    %convert_element_type3A_2313 = arith.extui %gt3A_2312 : vector<128x2304xi1> to vector<128x2304xi32>
    %convert_element_type3A_2314 = arith.sitofp %convert_element_type3A_2313 : vector<128x2304xi32> to vector<128x2304xf32>
    %convert_element_type3A_2315 = arith.truncf %convert_element_type3A_2314 : vector<128x2304xf32> to vector<128x2304xbf16>
    %convert_element_type3A_2316 = arith.truncf %while3A_2276#0 : vector<1x128xf32> to vector<1x128xbf16>
    %dot_general3A_2317 = arith.constant dense<0.000000e+00> : vector<1x2304xf32>
    %dot_general3A_2318 = tpu.matmul %convert_element_type3A_2316, %convert_element_type3A_2315, %dot_general3A_2317 {dimension_numbers = #tpu.dot_dimension_numbers<[1], [0], [0], [1], [0, 0, 1, 1], [], []>, transpose_lhs_hint = false} : vector<1x128xbf16>, vector<128x2304xbf16>, vector<1x2304xf32> -> vector<1x2304xf32>
    %gt3A_2319 = arith.constant 5.000000e-01 : f32
    %gt3A_2320 = vector.broadcast %gt3A_2319 : f32 to vector<1x2304xf32>
    %gt3A_2321 = arith.cmpf ogt, %dot_general3A_2318, %gt3A_2320 : vector<1x2304xf32>
    %get3A_2322 = arith.constant 0 : index
    %get3A_2323 = arith.constant 2816 : index
    %get3A_2324 = vector.load %arg1[%get3A_2322, %get3A_2323] : memref<1x5120xf32, #tpu.memory_space<vmem>>, vector<1x2304xf32>
    %jit3A_2325 = arith.constant 0.000000e+00 : f32
    %broadcast_in_dim3A_2326 = vector.broadcast %jit3A_2325 : f32 to vector<1x2304xf32>
    %select_n3A_2327 = arith.select %gt3A_2321, %broadcast_in_dim3A_2326, %get3A_2324 : vector<1x2304xi1>, vector<1x2304xf32>
    %swap3A_2328 = arith.constant 0 : index
    %swap3A_2329 = arith.constant 2816 : index
    %swap3A_2330 = vector.load %arg1[%swap3A_2328, %swap3A_2329] : memref<1x5120xf32, #tpu.memory_space<vmem>>, vector<1x2304xf32>
    tpu.vector_store %arg1[%swap3A_2328, %swap3A_2329], %select_n3A_2327 {strides = array<i32>} : memref<1x5120xf32, #tpu.memory_space<vmem>>, vector<1x2304xf32>,
    %slice3A_2331 = vector.extract_strided_slice %get3A_1 {offsets = [0, 2816], sizes = [8, 128], strides = [1, 1]} : vector<8x5120xf32> to vector<8x128xf32>
    %dot_general3A_2332 = arith.constant dense<0.000000e+00> : vector<128x8xf32>
    %dot_general3A_2333 = tpu.matmul %select_n3A, %slice3A_2331, %dot_general3A_2332 {dimension_numbers = #tpu.dot_dimension_numbers<[1], [1], [0], [0], [0, 0, 1, 0], [], []>, precision = #tpu.contract_precision<fp32>, transpose_lhs_hint = false} : vector<128x128xf32>, vector<8x128xf32>, vector<128x8xf32> -> vector<128x8xf32>
    %slice3A_2334 = vector.extract_strided_slice %dot_general3A_2333 {offsets = [0, 0], sizes = [128, 1], strides = [1, 1]} : vector<128x8xf32> to vector<128x1xf32>
    %slice3A_2335 = vector.extract_strided_slice %dot_general3A_2333 {offsets = [0, 1], sizes = [128, 1], strides = [1, 1]} : vector<128x8xf32> to vector<128x1xf32>
    %slice3A_2336 = vector.extract_strided_slice %dot_general3A_2333 {offsets = [0, 2], sizes = [128, 1], strides = [1, 1]} : vector<128x8xf32> to vector<128x1xf32>
    %slice3A_2337 = vector.extract_strided_slice %dot_general3A_2333 {offsets = [0, 3], sizes = [128, 1], strides = [1, 1]} : vector<128x8xf32> to vector<128x1xf32>
    %slice3A_2338 = vector.extract_strided_slice %dot_general3A_2333 {offsets = [0, 4], sizes = [128, 1], strides = [1, 1]} : vector<128x8xf32> to vector<128x1xf32>
    %slice3A_2339 = vector.extract_strided_slice %get3A_1 {offsets = [0, 2816], sizes = [1, 128], strides = [1, 1]} : vector<8x5120xf32> to vector<1x128xf32>
    %slice3A_2340 = vector.extract_strided_slice %get3A_1 {offsets = [1, 2816], sizes = [1, 128], strides = [1, 1]} : vector<8x5120xf32> to vector<1x128xf32>
    %slice3A_2341 = vector.extract_strided_slice %get3A_1 {offsets = [2, 2816], sizes = [1, 128], strides = [1, 1]} : vector<8x5120xf32> to vector<1x128xf32>
    %slice3A_2342 = vector.extract_strided_slice %get3A_1 {offsets = [3, 2816], sizes = [1, 128], strides = [1, 1]} : vector<8x5120xf32> to vector<1x128xf32>
    %slice3A_2343 = vector.extract_strided_slice %get3A_1 {offsets = [4, 2816], sizes = [1, 128], strides = [1, 1]} : vector<8x5120xf32> to vector<1x128xf32>
    %min3A_2344 = vector.broadcast %slice3A_2336 : vector<128x1xf32> to vector<128x128xf32>
    %min3A_2345 = vector.broadcast %slice3A_2341 : vector<1x128xf32> to vector<128x128xf32>
    %min3A_2346 = arith.minimumf %min3A_2344, %min3A_2345 : vector<128x128xf32>
    %max3A_2347 = vector.broadcast %slice3A_2334 : vector<128x1xf32> to vector<128x128xf32>
    %max3A_2348 = vector.broadcast %slice3A_2339 : vector<1x128xf32> to vector<128x128xf32>
    %max3A_2349 = arith.maximumf %max3A_2347, %max3A_2348 : vector<128x128xf32>
    %sub3A_2350 = arith.subf %min3A_2346, %max3A_2349 : vector<128x128xf32>
    %max3A_2351 = arith.constant 0.000000e+00 : f32
    %max3A_2352 = vector.broadcast %max3A_2351 : f32 to vector<128x128xf32>
    %max3A_2353 = arith.maximumf %sub3A_2350, %max3A_2352 : vector<128x128xf32>
    %min3A_2354 = vector.broadcast %slice3A_2337 : vector<128x1xf32> to vector<128x128xf32>
    %min3A_2355 = vector.broadcast %slice3A_2342 : vector<1x128xf32> to vector<128x128xf32>
    %min3A_2356 = arith.minimumf %min3A_2354, %min3A_2355 : vector<128x128xf32>
    %max3A_2357 = vector.broadcast %slice3A_2335 : vector<128x1xf32> to vector<128x128xf32>
    %max3A_2358 = vector.broadcast %slice3A_2340 : vector<1x128xf32> to vector<128x128xf32>
    %max3A_2359 = arith.maximumf %max3A_2357, %max3A_2358 : vector<128x128xf32>
    %sub3A_2360 = arith.subf %min3A_2356, %max3A_2359 : vector<128x128xf32>
    %max3A_2361 = arith.constant 0.000000e+00 : f32
    %max3A_2362 = vector.broadcast %max3A_2361 : f32 to vector<128x128xf32>
    %max3A_2363 = arith.maximumf %sub3A_2360, %max3A_2362 : vector<128x128xf32>
    %mul3A_2364 = arith.mulf %max3A_2353, %max3A_2363 : vector<128x128xf32>
    %mul3A_2365 = arith.constant 3.000000e+00 : f32
    %mul3A_2366 = vector.broadcast %mul3A_2365 : f32 to vector<128x128xf32>
    %mul3A_2367 = arith.mulf %mul3A_2364, %mul3A_2366 : vector<128x128xf32>
    %add3A_2368 = vector.broadcast %slice3A_2338 : vector<128x1xf32> to vector<128x128xf32>
    %add3A_2369 = vector.broadcast %slice3A_2343 : vector<1x128xf32> to vector<128x128xf32>
    %add3A_2370 = arith.addf %add3A_2368, %add3A_2369 : vector<128x128xf32>
    %gt3A_2371 = arith.cmpf ogt, %mul3A_2367, %add3A_2370 : vector<128x128xf32>
    %and3A_2372 = arith.andi %gt3A_2371, %gt3A : vector<128x128xi1>
    %jit3A_2373 = arith.constant 1.000000e+00 : f32
    %jit3A_2374 = arith.constant 0.000000e+00 : f32
    %broadcast_in_dim3A_2375 = vector.broadcast %jit3A_2373 : f32 to vector<128x128xf32>
    %broadcast_in_dim3A_2376 = vector.broadcast %jit3A_2374 : f32 to vector<128x128xf32>
    %select_n3A_2377 = arith.select %and3A_2372, %broadcast_in_dim3A_2375, %broadcast_in_dim3A_2376 : vector<128x128xi1>, vector<128x128xf32>
    %get3A_2378 = arith.constant 0 : index
    %get3A_2379 = arith.constant 2816 : index
    %get3A_2380 = vector.load %arg1[%get3A_2378, %get3A_2379] : memref<1x5120xf32, #tpu.memory_space<vmem>>, vector<1x128xf32>
    %while3A_2381 = arith.constant true
    %while3A_2382:2 = scf.while (%while3A_4188 = %get3A_2380, %while3A_4189 = %while3A_2381) : (vector<1x128xf32>, i1) -> (vector<1x128xf32>, i1) {
      scf.condition(%while3A_4189) %while3A_4188, %while3A_4189 : vector<1x128xf32>, i1
    } do {
    ^bb0(%while3A_4188: vector<1x128xf32>, %while3A_4189: i1):
      %dot_general3A_4190 = arith.constant dense<0.000000e+00> : vector<1x128xf32>
      %dot_general3A_4191 = tpu.matmul %while3A_4188, %select_n3A_2377, %dot_general3A_4190 {dimension_numbers = #tpu.dot_dimension_numbers<[1], [0], [0], [1], [0, 0, 1, 1], [], []>, transpose_lhs_hint = false} : vector<1x128xf32>, vector<128x128xf32>, vector<1x128xf32> -> vector<1x128xf32>
      %gt3A_4192 = arith.constant 5.000000e-01 : f32
      %gt3A_4193 = vector.broadcast %gt3A_4192 : f32 to vector<1x128xf32>
      %gt3A_4194 = arith.cmpf ogt, %dot_general3A_4191, %gt3A_4193 : vector<1x128xf32>
      %jit3A_4195 = arith.constant 0.000000e+00 : f32
      %broadcast_in_dim3A_4196 = vector.broadcast %jit3A_4195 : f32 to vector<1x128xf32>
      %select_n3A_4197 = arith.select %gt3A_4194, %broadcast_in_dim3A_4196, %get3A_2380 : vector<1x128xi1>, vector<1x128xf32>
      %dot_general3A_4198 = arith.constant dense<0.000000e+00> : vector<1x128xf32>
      %dot_general3A_4199 = tpu.matmul %select_n3A_4197, %select_n3A_2377, %dot_general3A_4198 {dimension_numbers = #tpu.dot_dimension_numbers<[1], [0], [0], [1], [0, 0, 1, 1], [], []>, transpose_lhs_hint = false} : vector<1x128xf32>, vector<128x128xf32>, vector<1x128xf32> -> vector<1x128xf32>
      %gt3A_4200 = arith.constant 5.000000e-01 : f32
      %gt3A_4201 = vector.broadcast %gt3A_4200 : f32 to vector<1x128xf32>
      %gt3A_4202 = arith.cmpf ogt, %dot_general3A_4199, %gt3A_4201 : vector<1x128xf32>
      %jit3A_4203 = arith.constant 0.000000e+00 : f32
      %broadcast_in_dim3A_4204 = vector.broadcast %jit3A_4203 : f32 to vector<1x128xf32>
      %select_n3A_4205 = arith.select %gt3A_4202, %broadcast_in_dim3A_4204, %get3A_2380 : vector<1x128xi1>, vector<1x128xf32>
      %sub3A_4206 = arith.subf %select_n3A_4205, %select_n3A_4197 : vector<1x128xf32>
      %abs3A = math.absf %sub3A_4206 : vector<1x128xf32>
      %reduce_sum3A = vector.shape_cast %abs3A : vector<1x128xf32> to vector<1x1x128xf32>
      %reduce_sum3A_4207 = arith.constant dense<0.000000e+00> : vector<1xf32>
      %reduce_sum3A_4208 = vector.multi_reduction <add>, %reduce_sum3A, %reduce_sum3A_4207 [1, 2] : vector<1x1x128xf32> to vector<1xf32>
      %reduce_sum3A_4209 = vector.shape_cast %reduce_sum3A_4208 : vector<1xf32> to vector<1x1x1xf32>
      %reduce_sum3A_4210 = vector.extract %reduce_sum3A_4209[0, 0, 0] : f32 from vector<1x1x1xf32>
      %gt3A_4211 = arith.constant 0.000000e+00 : f32
      %gt3A_4212 = arith.cmpf ogt, %reduce_sum3A_4210, %gt3A_4211 : f32
      scf.yield %select_n3A_4205, %gt3A_4212 : vector<1x128xf32>, i1
    }
    %swap3A_2383 = arith.constant 0 : index
    %swap3A_2384 = arith.constant 2816 : index
    %swap3A_2385 = vector.load %arg1[%swap3A_2383, %swap3A_2384] : memref<1x5120xf32, #tpu.memory_space<vmem>>, vector<1x128xf32>
    tpu.vector_store %arg1[%swap3A_2383, %swap3A_2384], %while3A_2382#0 {strides = array<i32>} : memref<1x5120xf32, #tpu.memory_space<vmem>>, vector<1x128xf32>,
    %slice3A_2386 = vector.extract_strided_slice %get3A_1 {offsets = [0, 2944], sizes = [1, 2176], strides = [1, 1]} : vector<8x5120xf32> to vector<1x2176xf32>
    %slice3A_2387 = vector.extract_strided_slice %get3A_1 {offsets = [1, 2944], sizes = [1, 2176], strides = [1, 1]} : vector<8x5120xf32> to vector<1x2176xf32>
    %slice3A_2388 = vector.extract_strided_slice %get3A_1 {offsets = [2, 2944], sizes = [1, 2176], strides = [1, 1]} : vector<8x5120xf32> to vector<1x2176xf32>
    %slice3A_2389 = vector.extract_strided_slice %get3A_1 {offsets = [3, 2944], sizes = [1, 2176], strides = [1, 1]} : vector<8x5120xf32> to vector<1x2176xf32>
    %slice3A_2390 = vector.extract_strided_slice %get3A_1 {offsets = [4, 2944], sizes = [1, 2176], strides = [1, 1]} : vector<8x5120xf32> to vector<1x2176xf32>
    %min3A_2391 = vector.broadcast %slice3A_2336 : vector<128x1xf32> to vector<128x2176xf32>
    %min3A_2392 = vector.broadcast %slice3A_2388 : vector<1x2176xf32> to vector<128x2176xf32>
    %min3A_2393 = arith.minimumf %min3A_2391, %min3A_2392 : vector<128x2176xf32>
    %max3A_2394 = vector.broadcast %slice3A_2334 : vector<128x1xf32> to vector<128x2176xf32>
    %max3A_2395 = vector.broadcast %slice3A_2386 : vector<1x2176xf32> to vector<128x2176xf32>
    %max3A_2396 = arith.maximumf %max3A_2394, %max3A_2395 : vector<128x2176xf32>
    %sub3A_2397 = arith.subf %min3A_2393, %max3A_2396 : vector<128x2176xf32>
    %max3A_2398 = arith.constant 0.000000e+00 : f32
    %max3A_2399 = vector.broadcast %max3A_2398 : f32 to vector<128x2176xf32>
    %max3A_2400 = arith.maximumf %sub3A_2397, %max3A_2399 : vector<128x2176xf32>
    %min3A_2401 = vector.broadcast %slice3A_2337 : vector<128x1xf32> to vector<128x2176xf32>
    %min3A_2402 = vector.broadcast %slice3A_2389 : vector<1x2176xf32> to vector<128x2176xf32>
    %min3A_2403 = arith.minimumf %min3A_2401, %min3A_2402 : vector<128x2176xf32>
    %max3A_2404 = vector.broadcast %slice3A_2335 : vector<128x1xf32> to vector<128x2176xf32>
    %max3A_2405 = vector.broadcast %slice3A_2387 : vector<1x2176xf32> to vector<128x2176xf32>
    %max3A_2406 = arith.maximumf %max3A_2404, %max3A_2405 : vector<128x2176xf32>
    %sub3A_2407 = arith.subf %min3A_2403, %max3A_2406 : vector<128x2176xf32>
    %max3A_2408 = arith.constant 0.000000e+00 : f32
    %max3A_2409 = vector.broadcast %max3A_2408 : f32 to vector<128x2176xf32>
    %max3A_2410 = arith.maximumf %sub3A_2407, %max3A_2409 : vector<128x2176xf32>
    %mul3A_2411 = arith.mulf %max3A_2400, %max3A_2410 : vector<128x2176xf32>
    %mul3A_2412 = arith.constant 3.000000e+00 : f32
    %mul3A_2413 = vector.broadcast %mul3A_2412 : f32 to vector<128x2176xf32>
    %mul3A_2414 = arith.mulf %mul3A_2411, %mul3A_2413 : vector<128x2176xf32>
    %add3A_2415 = vector.broadcast %slice3A_2338 : vector<128x1xf32> to vector<128x2176xf32>
    %add3A_2416 = vector.broadcast %slice3A_2390 : vector<1x2176xf32> to vector<128x2176xf32>
    %add3A_2417 = arith.addf %add3A_2415, %add3A_2416 : vector<128x2176xf32>
    %gt3A_2418 = arith.cmpf ogt, %mul3A_2414, %add3A_2417 : vector<128x2176xf32>
    %convert_element_type3A_2419 = arith.extui %gt3A_2418 : vector<128x2176xi1> to vector<128x2176xi32>
    %convert_element_type3A_2420 = arith.sitofp %convert_element_type3A_2419 : vector<128x2176xi32> to vector<128x2176xf32>
    %convert_element_type3A_2421 = arith.truncf %convert_element_type3A_2420 : vector<128x2176xf32> to vector<128x2176xbf16>
    %convert_element_type3A_2422 = arith.truncf %while3A_2382#0 : vector<1x128xf32> to vector<1x128xbf16>
    %dot_general3A_2423 = arith.constant dense<0.000000e+00> : vector<1x2176xf32>
    %dot_general3A_2424 = tpu.matmul %convert_element_type3A_2422, %convert_element_type3A_2421, %dot_general3A_2423 {dimension_numbers = #tpu.dot_dimension_numbers<[1], [0], [0], [1], [0, 0, 1, 1], [], []>, transpose_lhs_hint = false} : vector<1x128xbf16>, vector<128x2176xbf16>, vector<1x2176xf32> -> vector<1x2176xf32>
    %gt3A_2425 = arith.constant 5.000000e-01 : f32
    %gt3A_2426 = vector.broadcast %gt3A_2425 : f32 to vector<1x2176xf32>
    %gt3A_2427 = arith.cmpf ogt, %dot_general3A_2424, %gt3A_2426 : vector<1x2176xf32>
    %get3A_2428 = arith.constant 0 : index
    %get3A_2429 = arith.constant 2944 : index
    %get3A_2430 = vector.load %arg1[%get3A_2428, %get3A_2429] : memref<1x5120xf32, #tpu.memory_space<vmem>>, vector<1x2176xf32>
    %jit3A_2431 = arith.constant 0.000000e+00 : f32
    %broadcast_in_dim3A_2432 = vector.broadcast %jit3A_2431 : f32 to vector<1x2176xf32>
    %select_n3A_2433 = arith.select %gt3A_2427, %broadcast_in_dim3A_2432, %get3A_2430 : vector<1x2176xi1>, vector<1x2176xf32>
    %swap3A_2434 = arith.constant 0 : index
    %swap3A_2435 = arith.constant 2944 : index
    %swap3A_2436 = vector.load %arg1[%swap3A_2434, %swap3A_2435] : memref<1x5120xf32, #tpu.memory_space<vmem>>, vector<1x2176xf32>
    tpu.vector_store %arg1[%swap3A_2434, %swap3A_2435], %select_n3A_2433 {strides = array<i32>} : memref<1x5120xf32, #tpu.memory_space<vmem>>, vector<1x2176xf32>,
    %slice3A_2437 = vector.extract_strided_slice %get3A_1 {offsets = [0, 2944], sizes = [8, 128], strides = [1, 1]} : vector<8x5120xf32> to vector<8x128xf32>
    %dot_general3A_2438 = arith.constant dense<0.000000e+00> : vector<128x8xf32>
    %dot_general3A_2439 = tpu.matmul %select_n3A, %slice3A_2437, %dot_general3A_2438 {dimension_numbers = #tpu.dot_dimension_numbers<[1], [1], [0], [0], [0, 0, 1, 0], [], []>, precision = #tpu.contract_precision<fp32>, transpose_lhs_hint = false} : vector<128x128xf32>, vector<8x128xf32>, vector<128x8xf32> -> vector<128x8xf32>
    %slice3A_2440 = vector.extract_strided_slice %dot_general3A_2439 {offsets = [0, 0], sizes = [128, 1], strides = [1, 1]} : vector<128x8xf32> to vector<128x1xf32>
    %slice3A_2441 = vector.extract_strided_slice %dot_general3A_2439 {offsets = [0, 1], sizes = [128, 1], strides = [1, 1]} : vector<128x8xf32> to vector<128x1xf32>
    %slice3A_2442 = vector.extract_strided_slice %dot_general3A_2439 {offsets = [0, 2], sizes = [128, 1], strides = [1, 1]} : vector<128x8xf32> to vector<128x1xf32>
    %slice3A_2443 = vector.extract_strided_slice %dot_general3A_2439 {offsets = [0, 3], sizes = [128, 1], strides = [1, 1]} : vector<128x8xf32> to vector<128x1xf32>
    %slice3A_2444 = vector.extract_strided_slice %dot_general3A_2439 {offsets = [0, 4], sizes = [128, 1], strides = [1, 1]} : vector<128x8xf32> to vector<128x1xf32>
    %slice3A_2445 = vector.extract_strided_slice %get3A_1 {offsets = [0, 2944], sizes = [1, 128], strides = [1, 1]} : vector<8x5120xf32> to vector<1x128xf32>
    %slice3A_2446 = vector.extract_strided_slice %get3A_1 {offsets = [1, 2944], sizes = [1, 128], strides = [1, 1]} : vector<8x5120xf32> to vector<1x128xf32>
    %slice3A_2447 = vector.extract_strided_slice %get3A_1 {offsets = [2, 2944], sizes = [1, 128], strides = [1, 1]} : vector<8x5120xf32> to vector<1x128xf32>
    %slice3A_2448 = vector.extract_strided_slice %get3A_1 {offsets = [3, 2944], sizes = [1, 128], strides = [1, 1]} : vector<8x5120xf32> to vector<1x128xf32>
    %slice3A_2449 = vector.extract_strided_slice %get3A_1 {offsets = [4, 2944], sizes = [1, 128], strides = [1, 1]} : vector<8x5120xf32> to vector<1x128xf32>
    %min3A_2450 = vector.broadcast %slice3A_2442 : vector<128x1xf32> to vector<128x128xf32>
    %min3A_2451 = vector.broadcast %slice3A_2447 : vector<1x128xf32> to vector<128x128xf32>
    %min3A_2452 = arith.minimumf %min3A_2450, %min3A_2451 : vector<128x128xf32>
    %max3A_2453 = vector.broadcast %slice3A_2440 : vector<128x1xf32> to vector<128x128xf32>
    %max3A_2454 = vector.broadcast %slice3A_2445 : vector<1x128xf32> to vector<128x128xf32>
    %max3A_2455 = arith.maximumf %max3A_2453, %max3A_2454 : vector<128x128xf32>
    %sub3A_2456 = arith.subf %min3A_2452, %max3A_2455 : vector<128x128xf32>
    %max3A_2457 = arith.constant 0.000000e+00 : f32
    %max3A_2458 = vector.broadcast %max3A_2457 : f32 to vector<128x128xf32>
    %max3A_2459 = arith.maximumf %sub3A_2456, %max3A_2458 : vector<128x128xf32>
    %min3A_2460 = vector.broadcast %slice3A_2443 : vector<128x1xf32> to vector<128x128xf32>
    %min3A_2461 = vector.broadcast %slice3A_2448 : vector<1x128xf32> to vector<128x128xf32>
    %min3A_2462 = arith.minimumf %min3A_2460, %min3A_2461 : vector<128x128xf32>
    %max3A_2463 = vector.broadcast %slice3A_2441 : vector<128x1xf32> to vector<128x128xf32>
    %max3A_2464 = vector.broadcast %slice3A_2446 : vector<1x128xf32> to vector<128x128xf32>
    %max3A_2465 = arith.maximumf %max3A_2463, %max3A_2464 : vector<128x128xf32>
    %sub3A_2466 = arith.subf %min3A_2462, %max3A_2465 : vector<128x128xf32>
    %max3A_2467 = arith.constant 0.000000e+00 : f32
    %max3A_2468 = vector.broadcast %max3A_2467 : f32 to vector<128x128xf32>
    %max3A_2469 = arith.maximumf %sub3A_2466, %max3A_2468 : vector<128x128xf32>
    %mul3A_2470 = arith.mulf %max3A_2459, %max3A_2469 : vector<128x128xf32>
    %mul3A_2471 = arith.constant 3.000000e+00 : f32
    %mul3A_2472 = vector.broadcast %mul3A_2471 : f32 to vector<128x128xf32>
    %mul3A_2473 = arith.mulf %mul3A_2470, %mul3A_2472 : vector<128x128xf32>
    %add3A_2474 = vector.broadcast %slice3A_2444 : vector<128x1xf32> to vector<128x128xf32>
    %add3A_2475 = vector.broadcast %slice3A_2449 : vector<1x128xf32> to vector<128x128xf32>
    %add3A_2476 = arith.addf %add3A_2474, %add3A_2475 : vector<128x128xf32>
    %gt3A_2477 = arith.cmpf ogt, %mul3A_2473, %add3A_2476 : vector<128x128xf32>
    %and3A_2478 = arith.andi %gt3A_2477, %gt3A : vector<128x128xi1>
    %jit3A_2479 = arith.constant 1.000000e+00 : f32
    %jit3A_2480 = arith.constant 0.000000e+00 : f32
    %broadcast_in_dim3A_2481 = vector.broadcast %jit3A_2479 : f32 to vector<128x128xf32>
    %broadcast_in_dim3A_2482 = vector.broadcast %jit3A_2480 : f32 to vector<128x128xf32>
    %select_n3A_2483 = arith.select %and3A_2478, %broadcast_in_dim3A_2481, %broadcast_in_dim3A_2482 : vector<128x128xi1>, vector<128x128xf32>
    %get3A_2484 = arith.constant 0 : index
    %get3A_2485 = arith.constant 2944 : index
    %get3A_2486 = vector.load %arg1[%get3A_2484, %get3A_2485] : memref<1x5120xf32, #tpu.memory_space<vmem>>, vector<1x128xf32>
    %while3A_2487 = arith.constant true
    %while3A_2488:2 = scf.while (%while3A_4188 = %get3A_2486, %while3A_4189 = %while3A_2487) : (vector<1x128xf32>, i1) -> (vector<1x128xf32>, i1) {
      scf.condition(%while3A_4189) %while3A_4188, %while3A_4189 : vector<1x128xf32>, i1
    } do {
    ^bb0(%while3A_4188: vector<1x128xf32>, %while3A_4189: i1):
      %dot_general3A_4190 = arith.constant dense<0.000000e+00> : vector<1x128xf32>
      %dot_general3A_4191 = tpu.matmul %while3A_4188, %select_n3A_2483, %dot_general3A_4190 {dimension_numbers = #tpu.dot_dimension_numbers<[1], [0], [0], [1], [0, 0, 1, 1], [], []>, transpose_lhs_hint = false} : vector<1x128xf32>, vector<128x128xf32>, vector<1x128xf32> -> vector<1x128xf32>
      %gt3A_4192 = arith.constant 5.000000e-01 : f32
      %gt3A_4193 = vector.broadcast %gt3A_4192 : f32 to vector<1x128xf32>
      %gt3A_4194 = arith.cmpf ogt, %dot_general3A_4191, %gt3A_4193 : vector<1x128xf32>
      %jit3A_4195 = arith.constant 0.000000e+00 : f32
      %broadcast_in_dim3A_4196 = vector.broadcast %jit3A_4195 : f32 to vector<1x128xf32>
      %select_n3A_4197 = arith.select %gt3A_4194, %broadcast_in_dim3A_4196, %get3A_2486 : vector<1x128xi1>, vector<1x128xf32>
      %dot_general3A_4198 = arith.constant dense<0.000000e+00> : vector<1x128xf32>
      %dot_general3A_4199 = tpu.matmul %select_n3A_4197, %select_n3A_2483, %dot_general3A_4198 {dimension_numbers = #tpu.dot_dimension_numbers<[1], [0], [0], [1], [0, 0, 1, 1], [], []>, transpose_lhs_hint = false} : vector<1x128xf32>, vector<128x128xf32>, vector<1x128xf32> -> vector<1x128xf32>
      %gt3A_4200 = arith.constant 5.000000e-01 : f32
      %gt3A_4201 = vector.broadcast %gt3A_4200 : f32 to vector<1x128xf32>
      %gt3A_4202 = arith.cmpf ogt, %dot_general3A_4199, %gt3A_4201 : vector<1x128xf32>
      %jit3A_4203 = arith.constant 0.000000e+00 : f32
      %broadcast_in_dim3A_4204 = vector.broadcast %jit3A_4203 : f32 to vector<1x128xf32>
      %select_n3A_4205 = arith.select %gt3A_4202, %broadcast_in_dim3A_4204, %get3A_2486 : vector<1x128xi1>, vector<1x128xf32>
      %sub3A_4206 = arith.subf %select_n3A_4205, %select_n3A_4197 : vector<1x128xf32>
      %abs3A = math.absf %sub3A_4206 : vector<1x128xf32>
      %reduce_sum3A = vector.shape_cast %abs3A : vector<1x128xf32> to vector<1x1x128xf32>
      %reduce_sum3A_4207 = arith.constant dense<0.000000e+00> : vector<1xf32>
      %reduce_sum3A_4208 = vector.multi_reduction <add>, %reduce_sum3A, %reduce_sum3A_4207 [1, 2] : vector<1x1x128xf32> to vector<1xf32>
      %reduce_sum3A_4209 = vector.shape_cast %reduce_sum3A_4208 : vector<1xf32> to vector<1x1x1xf32>
      %reduce_sum3A_4210 = vector.extract %reduce_sum3A_4209[0, 0, 0] : f32 from vector<1x1x1xf32>
      %gt3A_4211 = arith.constant 0.000000e+00 : f32
      %gt3A_4212 = arith.cmpf ogt, %reduce_sum3A_4210, %gt3A_4211 : f32
      scf.yield %select_n3A_4205, %gt3A_4212 : vector<1x128xf32>, i1
    }
    %swap3A_2489 = arith.constant 0 : index
    %swap3A_2490 = arith.constant 2944 : index
    %swap3A_2491 = vector.load %arg1[%swap3A_2489, %swap3A_2490] : memref<1x5120xf32, #tpu.memory_space<vmem>>, vector<1x128xf32>
    tpu.vector_store %arg1[%swap3A_2489, %swap3A_2490], %while3A_2488#0 {strides = array<i32>} : memref<1x5120xf32, #tpu.memory_space<vmem>>, vector<1x128xf32>,
    %slice3A_2492 = vector.extract_strided_slice %get3A_1 {offsets = [0, 3072], sizes = [1, 2048], strides = [1, 1]} : vector<8x5120xf32> to vector<1x2048xf32>
    %slice3A_2493 = vector.extract_strided_slice %get3A_1 {offsets = [1, 3072], sizes = [1, 2048], strides = [1, 1]} : vector<8x5120xf32> to vector<1x2048xf32>
    %slice3A_2494 = vector.extract_strided_slice %get3A_1 {offsets = [2, 3072], sizes = [1, 2048], strides = [1, 1]} : vector<8x5120xf32> to vector<1x2048xf32>
    %slice3A_2495 = vector.extract_strided_slice %get3A_1 {offsets = [3, 3072], sizes = [1, 2048], strides = [1, 1]} : vector<8x5120xf32> to vector<1x2048xf32>
    %slice3A_2496 = vector.extract_strided_slice %get3A_1 {offsets = [4, 3072], sizes = [1, 2048], strides = [1, 1]} : vector<8x5120xf32> to vector<1x2048xf32>
    %min3A_2497 = vector.broadcast %slice3A_2442 : vector<128x1xf32> to vector<128x2048xf32>
    %min3A_2498 = vector.broadcast %slice3A_2494 : vector<1x2048xf32> to vector<128x2048xf32>
    %min3A_2499 = arith.minimumf %min3A_2497, %min3A_2498 : vector<128x2048xf32>
    %max3A_2500 = vector.broadcast %slice3A_2440 : vector<128x1xf32> to vector<128x2048xf32>
    %max3A_2501 = vector.broadcast %slice3A_2492 : vector<1x2048xf32> to vector<128x2048xf32>
    %max3A_2502 = arith.maximumf %max3A_2500, %max3A_2501 : vector<128x2048xf32>
    %sub3A_2503 = arith.subf %min3A_2499, %max3A_2502 : vector<128x2048xf32>
    %max3A_2504 = arith.constant 0.000000e+00 : f32
    %max3A_2505 = vector.broadcast %max3A_2504 : f32 to vector<128x2048xf32>
    %max3A_2506 = arith.maximumf %sub3A_2503, %max3A_2505 : vector<128x2048xf32>
    %min3A_2507 = vector.broadcast %slice3A_2443 : vector<128x1xf32> to vector<128x2048xf32>
    %min3A_2508 = vector.broadcast %slice3A_2495 : vector<1x2048xf32> to vector<128x2048xf32>
    %min3A_2509 = arith.minimumf %min3A_2507, %min3A_2508 : vector<128x2048xf32>
    %max3A_2510 = vector.broadcast %slice3A_2441 : vector<128x1xf32> to vector<128x2048xf32>
    %max3A_2511 = vector.broadcast %slice3A_2493 : vector<1x2048xf32> to vector<128x2048xf32>
    %max3A_2512 = arith.maximumf %max3A_2510, %max3A_2511 : vector<128x2048xf32>
    %sub3A_2513 = arith.subf %min3A_2509, %max3A_2512 : vector<128x2048xf32>
    %max3A_2514 = arith.constant 0.000000e+00 : f32
    %max3A_2515 = vector.broadcast %max3A_2514 : f32 to vector<128x2048xf32>
    %max3A_2516 = arith.maximumf %sub3A_2513, %max3A_2515 : vector<128x2048xf32>
    %mul3A_2517 = arith.mulf %max3A_2506, %max3A_2516 : vector<128x2048xf32>
    %mul3A_2518 = arith.constant 3.000000e+00 : f32
    %mul3A_2519 = vector.broadcast %mul3A_2518 : f32 to vector<128x2048xf32>
    %mul3A_2520 = arith.mulf %mul3A_2517, %mul3A_2519 : vector<128x2048xf32>
    %add3A_2521 = vector.broadcast %slice3A_2444 : vector<128x1xf32> to vector<128x2048xf32>
    %add3A_2522 = vector.broadcast %slice3A_2496 : vector<1x2048xf32> to vector<128x2048xf32>
    %add3A_2523 = arith.addf %add3A_2521, %add3A_2522 : vector<128x2048xf32>
    %gt3A_2524 = arith.cmpf ogt, %mul3A_2520, %add3A_2523 : vector<128x2048xf32>
    %convert_element_type3A_2525 = arith.extui %gt3A_2524 : vector<128x2048xi1> to vector<128x2048xi32>
    %convert_element_type3A_2526 = arith.sitofp %convert_element_type3A_2525 : vector<128x2048xi32> to vector<128x2048xf32>
    %convert_element_type3A_2527 = arith.truncf %convert_element_type3A_2526 : vector<128x2048xf32> to vector<128x2048xbf16>
    %convert_element_type3A_2528 = arith.truncf %while3A_2488#0 : vector<1x128xf32> to vector<1x128xbf16>
    %dot_general3A_2529 = arith.constant dense<0.000000e+00> : vector<1x2048xf32>
    %dot_general3A_2530 = tpu.matmul %convert_element_type3A_2528, %convert_element_type3A_2527, %dot_general3A_2529 {dimension_numbers = #tpu.dot_dimension_numbers<[1], [0], [0], [1], [0, 0, 1, 1], [], []>, transpose_lhs_hint = false} : vector<1x128xbf16>, vector<128x2048xbf16>, vector<1x2048xf32> -> vector<1x2048xf32>
    %gt3A_2531 = arith.constant 5.000000e-01 : f32
    %gt3A_2532 = vector.broadcast %gt3A_2531 : f32 to vector<1x2048xf32>
    %gt3A_2533 = arith.cmpf ogt, %dot_general3A_2530, %gt3A_2532 : vector<1x2048xf32>
    %get3A_2534 = arith.constant 0 : index
    %get3A_2535 = arith.constant 3072 : index
    %get3A_2536 = vector.load %arg1[%get3A_2534, %get3A_2535] : memref<1x5120xf32, #tpu.memory_space<vmem>>, vector<1x2048xf32>
    %jit3A_2537 = arith.constant 0.000000e+00 : f32
    %broadcast_in_dim3A_2538 = vector.broadcast %jit3A_2537 : f32 to vector<1x2048xf32>
    %select_n3A_2539 = arith.select %gt3A_2533, %broadcast_in_dim3A_2538, %get3A_2536 : vector<1x2048xi1>, vector<1x2048xf32>
    %swap3A_2540 = arith.constant 0 : index
    %swap3A_2541 = arith.constant 3072 : index
    %swap3A_2542 = vector.load %arg1[%swap3A_2540, %swap3A_2541] : memref<1x5120xf32, #tpu.memory_space<vmem>>, vector<1x2048xf32>
    tpu.vector_store %arg1[%swap3A_2540, %swap3A_2541], %select_n3A_2539 {strides = array<i32>} : memref<1x5120xf32, #tpu.memory_space<vmem>>, vector<1x2048xf32>,
    %slice3A_2543 = vector.extract_strided_slice %get3A_1 {offsets = [0, 3072], sizes = [8, 128], strides = [1, 1]} : vector<8x5120xf32> to vector<8x128xf32>
    %dot_general3A_2544 = arith.constant dense<0.000000e+00> : vector<128x8xf32>
    %dot_general3A_2545 = tpu.matmul %select_n3A, %slice3A_2543, %dot_general3A_2544 {dimension_numbers = #tpu.dot_dimension_numbers<[1], [1], [0], [0], [0, 0, 1, 0], [], []>, precision = #tpu.contract_precision<fp32>, transpose_lhs_hint = false} : vector<128x128xf32>, vector<8x128xf32>, vector<128x8xf32> -> vector<128x8xf32>
    %slice3A_2546 = vector.extract_strided_slice %dot_general3A_2545 {offsets = [0, 0], sizes = [128, 1], strides = [1, 1]} : vector<128x8xf32> to vector<128x1xf32>
    %slice3A_2547 = vector.extract_strided_slice %dot_general3A_2545 {offsets = [0, 1], sizes = [128, 1], strides = [1, 1]} : vector<128x8xf32> to vector<128x1xf32>
    %slice3A_2548 = vector.extract_strided_slice %dot_general3A_2545 {offsets = [0, 2], sizes = [128, 1], strides = [1, 1]} : vector<128x8xf32> to vector<128x1xf32>
    %slice3A_2549 = vector.extract_strided_slice %dot_general3A_2545 {offsets = [0, 3], sizes = [128, 1], strides = [1, 1]} : vector<128x8xf32> to vector<128x1xf32>
    %slice3A_2550 = vector.extract_strided_slice %dot_general3A_2545 {offsets = [0, 4], sizes = [128, 1], strides = [1, 1]} : vector<128x8xf32> to vector<128x1xf32>
    %slice3A_2551 = vector.extract_strided_slice %get3A_1 {offsets = [0, 3072], sizes = [1, 128], strides = [1, 1]} : vector<8x5120xf32> to vector<1x128xf32>
    %slice3A_2552 = vector.extract_strided_slice %get3A_1 {offsets = [1, 3072], sizes = [1, 128], strides = [1, 1]} : vector<8x5120xf32> to vector<1x128xf32>
    %slice3A_2553 = vector.extract_strided_slice %get3A_1 {offsets = [2, 3072], sizes = [1, 128], strides = [1, 1]} : vector<8x5120xf32> to vector<1x128xf32>
    %slice3A_2554 = vector.extract_strided_slice %get3A_1 {offsets = [3, 3072], sizes = [1, 128], strides = [1, 1]} : vector<8x5120xf32> to vector<1x128xf32>
    %slice3A_2555 = vector.extract_strided_slice %get3A_1 {offsets = [4, 3072], sizes = [1, 128], strides = [1, 1]} : vector<8x5120xf32> to vector<1x128xf32>
    %min3A_2556 = vector.broadcast %slice3A_2548 : vector<128x1xf32> to vector<128x128xf32>
    %min3A_2557 = vector.broadcast %slice3A_2553 : vector<1x128xf32> to vector<128x128xf32>
    %min3A_2558 = arith.minimumf %min3A_2556, %min3A_2557 : vector<128x128xf32>
    %max3A_2559 = vector.broadcast %slice3A_2546 : vector<128x1xf32> to vector<128x128xf32>
    %max3A_2560 = vector.broadcast %slice3A_2551 : vector<1x128xf32> to vector<128x128xf32>
    %max3A_2561 = arith.maximumf %max3A_2559, %max3A_2560 : vector<128x128xf32>
    %sub3A_2562 = arith.subf %min3A_2558, %max3A_2561 : vector<128x128xf32>
    %max3A_2563 = arith.constant 0.000000e+00 : f32
    %max3A_2564 = vector.broadcast %max3A_2563 : f32 to vector<128x128xf32>
    %max3A_2565 = arith.maximumf %sub3A_2562, %max3A_2564 : vector<128x128xf32>
    %min3A_2566 = vector.broadcast %slice3A_2549 : vector<128x1xf32> to vector<128x128xf32>
    %min3A_2567 = vector.broadcast %slice3A_2554 : vector<1x128xf32> to vector<128x128xf32>
    %min3A_2568 = arith.minimumf %min3A_2566, %min3A_2567 : vector<128x128xf32>
    %max3A_2569 = vector.broadcast %slice3A_2547 : vector<128x1xf32> to vector<128x128xf32>
    %max3A_2570 = vector.broadcast %slice3A_2552 : vector<1x128xf32> to vector<128x128xf32>
    %max3A_2571 = arith.maximumf %max3A_2569, %max3A_2570 : vector<128x128xf32>
    %sub3A_2572 = arith.subf %min3A_2568, %max3A_2571 : vector<128x128xf32>
    %max3A_2573 = arith.constant 0.000000e+00 : f32
    %max3A_2574 = vector.broadcast %max3A_2573 : f32 to vector<128x128xf32>
    %max3A_2575 = arith.maximumf %sub3A_2572, %max3A_2574 : vector<128x128xf32>
    %mul3A_2576 = arith.mulf %max3A_2565, %max3A_2575 : vector<128x128xf32>
    %mul3A_2577 = arith.constant 3.000000e+00 : f32
    %mul3A_2578 = vector.broadcast %mul3A_2577 : f32 to vector<128x128xf32>
    %mul3A_2579 = arith.mulf %mul3A_2576, %mul3A_2578 : vector<128x128xf32>
    %add3A_2580 = vector.broadcast %slice3A_2550 : vector<128x1xf32> to vector<128x128xf32>
    %add3A_2581 = vector.broadcast %slice3A_2555 : vector<1x128xf32> to vector<128x128xf32>
    %add3A_2582 = arith.addf %add3A_2580, %add3A_2581 : vector<128x128xf32>
    %gt3A_2583 = arith.cmpf ogt, %mul3A_2579, %add3A_2582 : vector<128x128xf32>
    %and3A_2584 = arith.andi %gt3A_2583, %gt3A : vector<128x128xi1>
    %jit3A_2585 = arith.constant 1.000000e+00 : f32
    %jit3A_2586 = arith.constant 0.000000e+00 : f32
    %broadcast_in_dim3A_2587 = vector.broadcast %jit3A_2585 : f32 to vector<128x128xf32>
    %broadcast_in_dim3A_2588 = vector.broadcast %jit3A_2586 : f32 to vector<128x128xf32>
    %select_n3A_2589 = arith.select %and3A_2584, %broadcast_in_dim3A_2587, %broadcast_in_dim3A_2588 : vector<128x128xi1>, vector<128x128xf32>
    %get3A_2590 = arith.constant 0 : index
    %get3A_2591 = arith.constant 3072 : index
    %get3A_2592 = vector.load %arg1[%get3A_2590, %get3A_2591] : memref<1x5120xf32, #tpu.memory_space<vmem>>, vector<1x128xf32>
    %while3A_2593 = arith.constant true
    %while3A_2594:2 = scf.while (%while3A_4188 = %get3A_2592, %while3A_4189 = %while3A_2593) : (vector<1x128xf32>, i1) -> (vector<1x128xf32>, i1) {
      scf.condition(%while3A_4189) %while3A_4188, %while3A_4189 : vector<1x128xf32>, i1
    } do {
    ^bb0(%while3A_4188: vector<1x128xf32>, %while3A_4189: i1):
      %dot_general3A_4190 = arith.constant dense<0.000000e+00> : vector<1x128xf32>
      %dot_general3A_4191 = tpu.matmul %while3A_4188, %select_n3A_2589, %dot_general3A_4190 {dimension_numbers = #tpu.dot_dimension_numbers<[1], [0], [0], [1], [0, 0, 1, 1], [], []>, transpose_lhs_hint = false} : vector<1x128xf32>, vector<128x128xf32>, vector<1x128xf32> -> vector<1x128xf32>
      %gt3A_4192 = arith.constant 5.000000e-01 : f32
      %gt3A_4193 = vector.broadcast %gt3A_4192 : f32 to vector<1x128xf32>
      %gt3A_4194 = arith.cmpf ogt, %dot_general3A_4191, %gt3A_4193 : vector<1x128xf32>
      %jit3A_4195 = arith.constant 0.000000e+00 : f32
      %broadcast_in_dim3A_4196 = vector.broadcast %jit3A_4195 : f32 to vector<1x128xf32>
      %select_n3A_4197 = arith.select %gt3A_4194, %broadcast_in_dim3A_4196, %get3A_2592 : vector<1x128xi1>, vector<1x128xf32>
      %dot_general3A_4198 = arith.constant dense<0.000000e+00> : vector<1x128xf32>
      %dot_general3A_4199 = tpu.matmul %select_n3A_4197, %select_n3A_2589, %dot_general3A_4198 {dimension_numbers = #tpu.dot_dimension_numbers<[1], [0], [0], [1], [0, 0, 1, 1], [], []>, transpose_lhs_hint = false} : vector<1x128xf32>, vector<128x128xf32>, vector<1x128xf32> -> vector<1x128xf32>
      %gt3A_4200 = arith.constant 5.000000e-01 : f32
      %gt3A_4201 = vector.broadcast %gt3A_4200 : f32 to vector<1x128xf32>
      %gt3A_4202 = arith.cmpf ogt, %dot_general3A_4199, %gt3A_4201 : vector<1x128xf32>
      %jit3A_4203 = arith.constant 0.000000e+00 : f32
      %broadcast_in_dim3A_4204 = vector.broadcast %jit3A_4203 : f32 to vector<1x128xf32>
      %select_n3A_4205 = arith.select %gt3A_4202, %broadcast_in_dim3A_4204, %get3A_2592 : vector<1x128xi1>, vector<1x128xf32>
      %sub3A_4206 = arith.subf %select_n3A_4205, %select_n3A_4197 : vector<1x128xf32>
      %abs3A = math.absf %sub3A_4206 : vector<1x128xf32>
      %reduce_sum3A = vector.shape_cast %abs3A : vector<1x128xf32> to vector<1x1x128xf32>
      %reduce_sum3A_4207 = arith.constant dense<0.000000e+00> : vector<1xf32>
      %reduce_sum3A_4208 = vector.multi_reduction <add>, %reduce_sum3A, %reduce_sum3A_4207 [1, 2] : vector<1x1x128xf32> to vector<1xf32>
      %reduce_sum3A_4209 = vector.shape_cast %reduce_sum3A_4208 : vector<1xf32> to vector<1x1x1xf32>
      %reduce_sum3A_4210 = vector.extract %reduce_sum3A_4209[0, 0, 0] : f32 from vector<1x1x1xf32>
      %gt3A_4211 = arith.constant 0.000000e+00 : f32
      %gt3A_4212 = arith.cmpf ogt, %reduce_sum3A_4210, %gt3A_4211 : f32
      scf.yield %select_n3A_4205, %gt3A_4212 : vector<1x128xf32>, i1
    }
    %swap3A_2595 = arith.constant 0 : index
    %swap3A_2596 = arith.constant 3072 : index
    %swap3A_2597 = vector.load %arg1[%swap3A_2595, %swap3A_2596] : memref<1x5120xf32, #tpu.memory_space<vmem>>, vector<1x128xf32>
    tpu.vector_store %arg1[%swap3A_2595, %swap3A_2596], %while3A_2594#0 {strides = array<i32>} : memref<1x5120xf32, #tpu.memory_space<vmem>>, vector<1x128xf32>,
    %slice3A_2598 = vector.extract_strided_slice %get3A_1 {offsets = [0, 3200], sizes = [1, 1920], strides = [1, 1]} : vector<8x5120xf32> to vector<1x1920xf32>
    %slice3A_2599 = vector.extract_strided_slice %get3A_1 {offsets = [1, 3200], sizes = [1, 1920], strides = [1, 1]} : vector<8x5120xf32> to vector<1x1920xf32>
    %slice3A_2600 = vector.extract_strided_slice %get3A_1 {offsets = [2, 3200], sizes = [1, 1920], strides = [1, 1]} : vector<8x5120xf32> to vector<1x1920xf32>
    %slice3A_2601 = vector.extract_strided_slice %get3A_1 {offsets = [3, 3200], sizes = [1, 1920], strides = [1, 1]} : vector<8x5120xf32> to vector<1x1920xf32>
    %slice3A_2602 = vector.extract_strided_slice %get3A_1 {offsets = [4, 3200], sizes = [1, 1920], strides = [1, 1]} : vector<8x5120xf32> to vector<1x1920xf32>
    %min3A_2603 = vector.broadcast %slice3A_2548 : vector<128x1xf32> to vector<128x1920xf32>
    %min3A_2604 = vector.broadcast %slice3A_2600 : vector<1x1920xf32> to vector<128x1920xf32>
    %min3A_2605 = arith.minimumf %min3A_2603, %min3A_2604 : vector<128x1920xf32>
    %max3A_2606 = vector.broadcast %slice3A_2546 : vector<128x1xf32> to vector<128x1920xf32>
    %max3A_2607 = vector.broadcast %slice3A_2598 : vector<1x1920xf32> to vector<128x1920xf32>
    %max3A_2608 = arith.maximumf %max3A_2606, %max3A_2607 : vector<128x1920xf32>
    %sub3A_2609 = arith.subf %min3A_2605, %max3A_2608 : vector<128x1920xf32>
    %max3A_2610 = arith.constant 0.000000e+00 : f32
    %max3A_2611 = vector.broadcast %max3A_2610 : f32 to vector<128x1920xf32>
    %max3A_2612 = arith.maximumf %sub3A_2609, %max3A_2611 : vector<128x1920xf32>
    %min3A_2613 = vector.broadcast %slice3A_2549 : vector<128x1xf32> to vector<128x1920xf32>
    %min3A_2614 = vector.broadcast %slice3A_2601 : vector<1x1920xf32> to vector<128x1920xf32>
    %min3A_2615 = arith.minimumf %min3A_2613, %min3A_2614 : vector<128x1920xf32>
    %max3A_2616 = vector.broadcast %slice3A_2547 : vector<128x1xf32> to vector<128x1920xf32>
    %max3A_2617 = vector.broadcast %slice3A_2599 : vector<1x1920xf32> to vector<128x1920xf32>
    %max3A_2618 = arith.maximumf %max3A_2616, %max3A_2617 : vector<128x1920xf32>
    %sub3A_2619 = arith.subf %min3A_2615, %max3A_2618 : vector<128x1920xf32>
    %max3A_2620 = arith.constant 0.000000e+00 : f32
    %max3A_2621 = vector.broadcast %max3A_2620 : f32 to vector<128x1920xf32>
    %max3A_2622 = arith.maximumf %sub3A_2619, %max3A_2621 : vector<128x1920xf32>
    %mul3A_2623 = arith.mulf %max3A_2612, %max3A_2622 : vector<128x1920xf32>
    %mul3A_2624 = arith.constant 3.000000e+00 : f32
    %mul3A_2625 = vector.broadcast %mul3A_2624 : f32 to vector<128x1920xf32>
    %mul3A_2626 = arith.mulf %mul3A_2623, %mul3A_2625 : vector<128x1920xf32>
    %add3A_2627 = vector.broadcast %slice3A_2550 : vector<128x1xf32> to vector<128x1920xf32>
    %add3A_2628 = vector.broadcast %slice3A_2602 : vector<1x1920xf32> to vector<128x1920xf32>
    %add3A_2629 = arith.addf %add3A_2627, %add3A_2628 : vector<128x1920xf32>
    %gt3A_2630 = arith.cmpf ogt, %mul3A_2626, %add3A_2629 : vector<128x1920xf32>
    %convert_element_type3A_2631 = arith.extui %gt3A_2630 : vector<128x1920xi1> to vector<128x1920xi32>
    %convert_element_type3A_2632 = arith.sitofp %convert_element_type3A_2631 : vector<128x1920xi32> to vector<128x1920xf32>
    %convert_element_type3A_2633 = arith.truncf %convert_element_type3A_2632 : vector<128x1920xf32> to vector<128x1920xbf16>
    %convert_element_type3A_2634 = arith.truncf %while3A_2594#0 : vector<1x128xf32> to vector<1x128xbf16>
    %dot_general3A_2635 = arith.constant dense<0.000000e+00> : vector<1x1920xf32>
    %dot_general3A_2636 = tpu.matmul %convert_element_type3A_2634, %convert_element_type3A_2633, %dot_general3A_2635 {dimension_numbers = #tpu.dot_dimension_numbers<[1], [0], [0], [1], [0, 0, 1, 1], [], []>, transpose_lhs_hint = false} : vector<1x128xbf16>, vector<128x1920xbf16>, vector<1x1920xf32> -> vector<1x1920xf32>
    %gt3A_2637 = arith.constant 5.000000e-01 : f32
    %gt3A_2638 = vector.broadcast %gt3A_2637 : f32 to vector<1x1920xf32>
    %gt3A_2639 = arith.cmpf ogt, %dot_general3A_2636, %gt3A_2638 : vector<1x1920xf32>
    %get3A_2640 = arith.constant 0 : index
    %get3A_2641 = arith.constant 3200 : index
    %get3A_2642 = vector.load %arg1[%get3A_2640, %get3A_2641] : memref<1x5120xf32, #tpu.memory_space<vmem>>, vector<1x1920xf32>
    %jit3A_2643 = arith.constant 0.000000e+00 : f32
    %broadcast_in_dim3A_2644 = vector.broadcast %jit3A_2643 : f32 to vector<1x1920xf32>
    %select_n3A_2645 = arith.select %gt3A_2639, %broadcast_in_dim3A_2644, %get3A_2642 : vector<1x1920xi1>, vector<1x1920xf32>
    %swap3A_2646 = arith.constant 0 : index
    %swap3A_2647 = arith.constant 3200 : index
    %swap3A_2648 = vector.load %arg1[%swap3A_2646, %swap3A_2647] : memref<1x5120xf32, #tpu.memory_space<vmem>>, vector<1x1920xf32>
    tpu.vector_store %arg1[%swap3A_2646, %swap3A_2647], %select_n3A_2645 {strides = array<i32>} : memref<1x5120xf32, #tpu.memory_space<vmem>>, vector<1x1920xf32>,
    %slice3A_2649 = vector.extract_strided_slice %get3A_1 {offsets = [0, 3200], sizes = [8, 128], strides = [1, 1]} : vector<8x5120xf32> to vector<8x128xf32>
    %dot_general3A_2650 = arith.constant dense<0.000000e+00> : vector<128x8xf32>
    %dot_general3A_2651 = tpu.matmul %select_n3A, %slice3A_2649, %dot_general3A_2650 {dimension_numbers = #tpu.dot_dimension_numbers<[1], [1], [0], [0], [0, 0, 1, 0], [], []>, precision = #tpu.contract_precision<fp32>, transpose_lhs_hint = false} : vector<128x128xf32>, vector<8x128xf32>, vector<128x8xf32> -> vector<128x8xf32>
    %slice3A_2652 = vector.extract_strided_slice %dot_general3A_2651 {offsets = [0, 0], sizes = [128, 1], strides = [1, 1]} : vector<128x8xf32> to vector<128x1xf32>
    %slice3A_2653 = vector.extract_strided_slice %dot_general3A_2651 {offsets = [0, 1], sizes = [128, 1], strides = [1, 1]} : vector<128x8xf32> to vector<128x1xf32>
    %slice3A_2654 = vector.extract_strided_slice %dot_general3A_2651 {offsets = [0, 2], sizes = [128, 1], strides = [1, 1]} : vector<128x8xf32> to vector<128x1xf32>
    %slice3A_2655 = vector.extract_strided_slice %dot_general3A_2651 {offsets = [0, 3], sizes = [128, 1], strides = [1, 1]} : vector<128x8xf32> to vector<128x1xf32>
    %slice3A_2656 = vector.extract_strided_slice %dot_general3A_2651 {offsets = [0, 4], sizes = [128, 1], strides = [1, 1]} : vector<128x8xf32> to vector<128x1xf32>
    %slice3A_2657 = vector.extract_strided_slice %get3A_1 {offsets = [0, 3200], sizes = [1, 128], strides = [1, 1]} : vector<8x5120xf32> to vector<1x128xf32>
    %slice3A_2658 = vector.extract_strided_slice %get3A_1 {offsets = [1, 3200], sizes = [1, 128], strides = [1, 1]} : vector<8x5120xf32> to vector<1x128xf32>
    %slice3A_2659 = vector.extract_strided_slice %get3A_1 {offsets = [2, 3200], sizes = [1, 128], strides = [1, 1]} : vector<8x5120xf32> to vector<1x128xf32>
    %slice3A_2660 = vector.extract_strided_slice %get3A_1 {offsets = [3, 3200], sizes = [1, 128], strides = [1, 1]} : vector<8x5120xf32> to vector<1x128xf32>
    %slice3A_2661 = vector.extract_strided_slice %get3A_1 {offsets = [4, 3200], sizes = [1, 128], strides = [1, 1]} : vector<8x5120xf32> to vector<1x128xf32>
    %min3A_2662 = vector.broadcast %slice3A_2654 : vector<128x1xf32> to vector<128x128xf32>
    %min3A_2663 = vector.broadcast %slice3A_2659 : vector<1x128xf32> to vector<128x128xf32>
    %min3A_2664 = arith.minimumf %min3A_2662, %min3A_2663 : vector<128x128xf32>
    %max3A_2665 = vector.broadcast %slice3A_2652 : vector<128x1xf32> to vector<128x128xf32>
    %max3A_2666 = vector.broadcast %slice3A_2657 : vector<1x128xf32> to vector<128x128xf32>
    %max3A_2667 = arith.maximumf %max3A_2665, %max3A_2666 : vector<128x128xf32>
    %sub3A_2668 = arith.subf %min3A_2664, %max3A_2667 : vector<128x128xf32>
    %max3A_2669 = arith.constant 0.000000e+00 : f32
    %max3A_2670 = vector.broadcast %max3A_2669 : f32 to vector<128x128xf32>
    %max3A_2671 = arith.maximumf %sub3A_2668, %max3A_2670 : vector<128x128xf32>
    %min3A_2672 = vector.broadcast %slice3A_2655 : vector<128x1xf32> to vector<128x128xf32>
    %min3A_2673 = vector.broadcast %slice3A_2660 : vector<1x128xf32> to vector<128x128xf32>
    %min3A_2674 = arith.minimumf %min3A_2672, %min3A_2673 : vector<128x128xf32>
    %max3A_2675 = vector.broadcast %slice3A_2653 : vector<128x1xf32> to vector<128x128xf32>
    %max3A_2676 = vector.broadcast %slice3A_2658 : vector<1x128xf32> to vector<128x128xf32>
    %max3A_2677 = arith.maximumf %max3A_2675, %max3A_2676 : vector<128x128xf32>
    %sub3A_2678 = arith.subf %min3A_2674, %max3A_2677 : vector<128x128xf32>
    %max3A_2679 = arith.constant 0.000000e+00 : f32
    %max3A_2680 = vector.broadcast %max3A_2679 : f32 to vector<128x128xf32>
    %max3A_2681 = arith.maximumf %sub3A_2678, %max3A_2680 : vector<128x128xf32>
    %mul3A_2682 = arith.mulf %max3A_2671, %max3A_2681 : vector<128x128xf32>
    %mul3A_2683 = arith.constant 3.000000e+00 : f32
    %mul3A_2684 = vector.broadcast %mul3A_2683 : f32 to vector<128x128xf32>
    %mul3A_2685 = arith.mulf %mul3A_2682, %mul3A_2684 : vector<128x128xf32>
    %add3A_2686 = vector.broadcast %slice3A_2656 : vector<128x1xf32> to vector<128x128xf32>
    %add3A_2687 = vector.broadcast %slice3A_2661 : vector<1x128xf32> to vector<128x128xf32>
    %add3A_2688 = arith.addf %add3A_2686, %add3A_2687 : vector<128x128xf32>
    %gt3A_2689 = arith.cmpf ogt, %mul3A_2685, %add3A_2688 : vector<128x128xf32>
    %and3A_2690 = arith.andi %gt3A_2689, %gt3A : vector<128x128xi1>
    %jit3A_2691 = arith.constant 1.000000e+00 : f32
    %jit3A_2692 = arith.constant 0.000000e+00 : f32
    %broadcast_in_dim3A_2693 = vector.broadcast %jit3A_2691 : f32 to vector<128x128xf32>
    %broadcast_in_dim3A_2694 = vector.broadcast %jit3A_2692 : f32 to vector<128x128xf32>
    %select_n3A_2695 = arith.select %and3A_2690, %broadcast_in_dim3A_2693, %broadcast_in_dim3A_2694 : vector<128x128xi1>, vector<128x128xf32>
    %get3A_2696 = arith.constant 0 : index
    %get3A_2697 = arith.constant 3200 : index
    %get3A_2698 = vector.load %arg1[%get3A_2696, %get3A_2697] : memref<1x5120xf32, #tpu.memory_space<vmem>>, vector<1x128xf32>
    %while3A_2699 = arith.constant true
    %while3A_2700:2 = scf.while (%while3A_4188 = %get3A_2698, %while3A_4189 = %while3A_2699) : (vector<1x128xf32>, i1) -> (vector<1x128xf32>, i1) {
      scf.condition(%while3A_4189) %while3A_4188, %while3A_4189 : vector<1x128xf32>, i1
    } do {
    ^bb0(%while3A_4188: vector<1x128xf32>, %while3A_4189: i1):
      %dot_general3A_4190 = arith.constant dense<0.000000e+00> : vector<1x128xf32>
      %dot_general3A_4191 = tpu.matmul %while3A_4188, %select_n3A_2695, %dot_general3A_4190 {dimension_numbers = #tpu.dot_dimension_numbers<[1], [0], [0], [1], [0, 0, 1, 1], [], []>, transpose_lhs_hint = false} : vector<1x128xf32>, vector<128x128xf32>, vector<1x128xf32> -> vector<1x128xf32>
      %gt3A_4192 = arith.constant 5.000000e-01 : f32
      %gt3A_4193 = vector.broadcast %gt3A_4192 : f32 to vector<1x128xf32>
      %gt3A_4194 = arith.cmpf ogt, %dot_general3A_4191, %gt3A_4193 : vector<1x128xf32>
      %jit3A_4195 = arith.constant 0.000000e+00 : f32
      %broadcast_in_dim3A_4196 = vector.broadcast %jit3A_4195 : f32 to vector<1x128xf32>
      %select_n3A_4197 = arith.select %gt3A_4194, %broadcast_in_dim3A_4196, %get3A_2698 : vector<1x128xi1>, vector<1x128xf32>
      %dot_general3A_4198 = arith.constant dense<0.000000e+00> : vector<1x128xf32>
      %dot_general3A_4199 = tpu.matmul %select_n3A_4197, %select_n3A_2695, %dot_general3A_4198 {dimension_numbers = #tpu.dot_dimension_numbers<[1], [0], [0], [1], [0, 0, 1, 1], [], []>, transpose_lhs_hint = false} : vector<1x128xf32>, vector<128x128xf32>, vector<1x128xf32> -> vector<1x128xf32>
      %gt3A_4200 = arith.constant 5.000000e-01 : f32
      %gt3A_4201 = vector.broadcast %gt3A_4200 : f32 to vector<1x128xf32>
      %gt3A_4202 = arith.cmpf ogt, %dot_general3A_4199, %gt3A_4201 : vector<1x128xf32>
      %jit3A_4203 = arith.constant 0.000000e+00 : f32
      %broadcast_in_dim3A_4204 = vector.broadcast %jit3A_4203 : f32 to vector<1x128xf32>
      %select_n3A_4205 = arith.select %gt3A_4202, %broadcast_in_dim3A_4204, %get3A_2698 : vector<1x128xi1>, vector<1x128xf32>
      %sub3A_4206 = arith.subf %select_n3A_4205, %select_n3A_4197 : vector<1x128xf32>
      %abs3A = math.absf %sub3A_4206 : vector<1x128xf32>
      %reduce_sum3A = vector.shape_cast %abs3A : vector<1x128xf32> to vector<1x1x128xf32>
      %reduce_sum3A_4207 = arith.constant dense<0.000000e+00> : vector<1xf32>
      %reduce_sum3A_4208 = vector.multi_reduction <add>, %reduce_sum3A, %reduce_sum3A_4207 [1, 2] : vector<1x1x128xf32> to vector<1xf32>
      %reduce_sum3A_4209 = vector.shape_cast %reduce_sum3A_4208 : vector<1xf32> to vector<1x1x1xf32>
      %reduce_sum3A_4210 = vector.extract %reduce_sum3A_4209[0, 0, 0] : f32 from vector<1x1x1xf32>
      %gt3A_4211 = arith.constant 0.000000e+00 : f32
      %gt3A_4212 = arith.cmpf ogt, %reduce_sum3A_4210, %gt3A_4211 : f32
      scf.yield %select_n3A_4205, %gt3A_4212 : vector<1x128xf32>, i1
    }
    %swap3A_2701 = arith.constant 0 : index
    %swap3A_2702 = arith.constant 3200 : index
    %swap3A_2703 = vector.load %arg1[%swap3A_2701, %swap3A_2702] : memref<1x5120xf32, #tpu.memory_space<vmem>>, vector<1x128xf32>
    tpu.vector_store %arg1[%swap3A_2701, %swap3A_2702], %while3A_2700#0 {strides = array<i32>} : memref<1x5120xf32, #tpu.memory_space<vmem>>, vector<1x128xf32>,
    %slice3A_2704 = vector.extract_strided_slice %get3A_1 {offsets = [0, 3328], sizes = [1, 1792], strides = [1, 1]} : vector<8x5120xf32> to vector<1x1792xf32>
    %slice3A_2705 = vector.extract_strided_slice %get3A_1 {offsets = [1, 3328], sizes = [1, 1792], strides = [1, 1]} : vector<8x5120xf32> to vector<1x1792xf32>
    %slice3A_2706 = vector.extract_strided_slice %get3A_1 {offsets = [2, 3328], sizes = [1, 1792], strides = [1, 1]} : vector<8x5120xf32> to vector<1x1792xf32>
    %slice3A_2707 = vector.extract_strided_slice %get3A_1 {offsets = [3, 3328], sizes = [1, 1792], strides = [1, 1]} : vector<8x5120xf32> to vector<1x1792xf32>
    %slice3A_2708 = vector.extract_strided_slice %get3A_1 {offsets = [4, 3328], sizes = [1, 1792], strides = [1, 1]} : vector<8x5120xf32> to vector<1x1792xf32>
    %min3A_2709 = vector.broadcast %slice3A_2654 : vector<128x1xf32> to vector<128x1792xf32>
    %min3A_2710 = vector.broadcast %slice3A_2706 : vector<1x1792xf32> to vector<128x1792xf32>
    %min3A_2711 = arith.minimumf %min3A_2709, %min3A_2710 : vector<128x1792xf32>
    %max3A_2712 = vector.broadcast %slice3A_2652 : vector<128x1xf32> to vector<128x1792xf32>
    %max3A_2713 = vector.broadcast %slice3A_2704 : vector<1x1792xf32> to vector<128x1792xf32>
    %max3A_2714 = arith.maximumf %max3A_2712, %max3A_2713 : vector<128x1792xf32>
    %sub3A_2715 = arith.subf %min3A_2711, %max3A_2714 : vector<128x1792xf32>
    %max3A_2716 = arith.constant 0.000000e+00 : f32
    %max3A_2717 = vector.broadcast %max3A_2716 : f32 to vector<128x1792xf32>
    %max3A_2718 = arith.maximumf %sub3A_2715, %max3A_2717 : vector<128x1792xf32>
    %min3A_2719 = vector.broadcast %slice3A_2655 : vector<128x1xf32> to vector<128x1792xf32>
    %min3A_2720 = vector.broadcast %slice3A_2707 : vector<1x1792xf32> to vector<128x1792xf32>
    %min3A_2721 = arith.minimumf %min3A_2719, %min3A_2720 : vector<128x1792xf32>
    %max3A_2722 = vector.broadcast %slice3A_2653 : vector<128x1xf32> to vector<128x1792xf32>
    %max3A_2723 = vector.broadcast %slice3A_2705 : vector<1x1792xf32> to vector<128x1792xf32>
    %max3A_2724 = arith.maximumf %max3A_2722, %max3A_2723 : vector<128x1792xf32>
    %sub3A_2725 = arith.subf %min3A_2721, %max3A_2724 : vector<128x1792xf32>
    %max3A_2726 = arith.constant 0.000000e+00 : f32
    %max3A_2727 = vector.broadcast %max3A_2726 : f32 to vector<128x1792xf32>
    %max3A_2728 = arith.maximumf %sub3A_2725, %max3A_2727 : vector<128x1792xf32>
    %mul3A_2729 = arith.mulf %max3A_2718, %max3A_2728 : vector<128x1792xf32>
    %mul3A_2730 = arith.constant 3.000000e+00 : f32
    %mul3A_2731 = vector.broadcast %mul3A_2730 : f32 to vector<128x1792xf32>
    %mul3A_2732 = arith.mulf %mul3A_2729, %mul3A_2731 : vector<128x1792xf32>
    %add3A_2733 = vector.broadcast %slice3A_2656 : vector<128x1xf32> to vector<128x1792xf32>
    %add3A_2734 = vector.broadcast %slice3A_2708 : vector<1x1792xf32> to vector<128x1792xf32>
    %add3A_2735 = arith.addf %add3A_2733, %add3A_2734 : vector<128x1792xf32>
    %gt3A_2736 = arith.cmpf ogt, %mul3A_2732, %add3A_2735 : vector<128x1792xf32>
    %convert_element_type3A_2737 = arith.extui %gt3A_2736 : vector<128x1792xi1> to vector<128x1792xi32>
    %convert_element_type3A_2738 = arith.sitofp %convert_element_type3A_2737 : vector<128x1792xi32> to vector<128x1792xf32>
    %convert_element_type3A_2739 = arith.truncf %convert_element_type3A_2738 : vector<128x1792xf32> to vector<128x1792xbf16>
    %convert_element_type3A_2740 = arith.truncf %while3A_2700#0 : vector<1x128xf32> to vector<1x128xbf16>
    %dot_general3A_2741 = arith.constant dense<0.000000e+00> : vector<1x1792xf32>
    %dot_general3A_2742 = tpu.matmul %convert_element_type3A_2740, %convert_element_type3A_2739, %dot_general3A_2741 {dimension_numbers = #tpu.dot_dimension_numbers<[1], [0], [0], [1], [0, 0, 1, 1], [], []>, transpose_lhs_hint = false} : vector<1x128xbf16>, vector<128x1792xbf16>, vector<1x1792xf32> -> vector<1x1792xf32>
    %gt3A_2743 = arith.constant 5.000000e-01 : f32
    %gt3A_2744 = vector.broadcast %gt3A_2743 : f32 to vector<1x1792xf32>
    %gt3A_2745 = arith.cmpf ogt, %dot_general3A_2742, %gt3A_2744 : vector<1x1792xf32>
    %get3A_2746 = arith.constant 0 : index
    %get3A_2747 = arith.constant 3328 : index
    %get3A_2748 = vector.load %arg1[%get3A_2746, %get3A_2747] : memref<1x5120xf32, #tpu.memory_space<vmem>>, vector<1x1792xf32>
    %jit3A_2749 = arith.constant 0.000000e+00 : f32
    %broadcast_in_dim3A_2750 = vector.broadcast %jit3A_2749 : f32 to vector<1x1792xf32>
    %select_n3A_2751 = arith.select %gt3A_2745, %broadcast_in_dim3A_2750, %get3A_2748 : vector<1x1792xi1>, vector<1x1792xf32>
    %swap3A_2752 = arith.constant 0 : index
    %swap3A_2753 = arith.constant 3328 : index
    %swap3A_2754 = vector.load %arg1[%swap3A_2752, %swap3A_2753] : memref<1x5120xf32, #tpu.memory_space<vmem>>, vector<1x1792xf32>
    tpu.vector_store %arg1[%swap3A_2752, %swap3A_2753], %select_n3A_2751 {strides = array<i32>} : memref<1x5120xf32, #tpu.memory_space<vmem>>, vector<1x1792xf32>,
    %slice3A_2755 = vector.extract_strided_slice %get3A_1 {offsets = [0, 3328], sizes = [8, 128], strides = [1, 1]} : vector<8x5120xf32> to vector<8x128xf32>
    %dot_general3A_2756 = arith.constant dense<0.000000e+00> : vector<128x8xf32>
    %dot_general3A_2757 = tpu.matmul %select_n3A, %slice3A_2755, %dot_general3A_2756 {dimension_numbers = #tpu.dot_dimension_numbers<[1], [1], [0], [0], [0, 0, 1, 0], [], []>, precision = #tpu.contract_precision<fp32>, transpose_lhs_hint = false} : vector<128x128xf32>, vector<8x128xf32>, vector<128x8xf32> -> vector<128x8xf32>
    %slice3A_2758 = vector.extract_strided_slice %dot_general3A_2757 {offsets = [0, 0], sizes = [128, 1], strides = [1, 1]} : vector<128x8xf32> to vector<128x1xf32>
    %slice3A_2759 = vector.extract_strided_slice %dot_general3A_2757 {offsets = [0, 1], sizes = [128, 1], strides = [1, 1]} : vector<128x8xf32> to vector<128x1xf32>
    %slice3A_2760 = vector.extract_strided_slice %dot_general3A_2757 {offsets = [0, 2], sizes = [128, 1], strides = [1, 1]} : vector<128x8xf32> to vector<128x1xf32>
    %slice3A_2761 = vector.extract_strided_slice %dot_general3A_2757 {offsets = [0, 3], sizes = [128, 1], strides = [1, 1]} : vector<128x8xf32> to vector<128x1xf32>
    %slice3A_2762 = vector.extract_strided_slice %dot_general3A_2757 {offsets = [0, 4], sizes = [128, 1], strides = [1, 1]} : vector<128x8xf32> to vector<128x1xf32>
    %slice3A_2763 = vector.extract_strided_slice %get3A_1 {offsets = [0, 3328], sizes = [1, 128], strides = [1, 1]} : vector<8x5120xf32> to vector<1x128xf32>
    %slice3A_2764 = vector.extract_strided_slice %get3A_1 {offsets = [1, 3328], sizes = [1, 128], strides = [1, 1]} : vector<8x5120xf32> to vector<1x128xf32>
    %slice3A_2765 = vector.extract_strided_slice %get3A_1 {offsets = [2, 3328], sizes = [1, 128], strides = [1, 1]} : vector<8x5120xf32> to vector<1x128xf32>
    %slice3A_2766 = vector.extract_strided_slice %get3A_1 {offsets = [3, 3328], sizes = [1, 128], strides = [1, 1]} : vector<8x5120xf32> to vector<1x128xf32>
    %slice3A_2767 = vector.extract_strided_slice %get3A_1 {offsets = [4, 3328], sizes = [1, 128], strides = [1, 1]} : vector<8x5120xf32> to vector<1x128xf32>
    %min3A_2768 = vector.broadcast %slice3A_2760 : vector<128x1xf32> to vector<128x128xf32>
    %min3A_2769 = vector.broadcast %slice3A_2765 : vector<1x128xf32> to vector<128x128xf32>
    %min3A_2770 = arith.minimumf %min3A_2768, %min3A_2769 : vector<128x128xf32>
    %max3A_2771 = vector.broadcast %slice3A_2758 : vector<128x1xf32> to vector<128x128xf32>
    %max3A_2772 = vector.broadcast %slice3A_2763 : vector<1x128xf32> to vector<128x128xf32>
    %max3A_2773 = arith.maximumf %max3A_2771, %max3A_2772 : vector<128x128xf32>
    %sub3A_2774 = arith.subf %min3A_2770, %max3A_2773 : vector<128x128xf32>
    %max3A_2775 = arith.constant 0.000000e+00 : f32
    %max3A_2776 = vector.broadcast %max3A_2775 : f32 to vector<128x128xf32>
    %max3A_2777 = arith.maximumf %sub3A_2774, %max3A_2776 : vector<128x128xf32>
    %min3A_2778 = vector.broadcast %slice3A_2761 : vector<128x1xf32> to vector<128x128xf32>
    %min3A_2779 = vector.broadcast %slice3A_2766 : vector<1x128xf32> to vector<128x128xf32>
    %min3A_2780 = arith.minimumf %min3A_2778, %min3A_2779 : vector<128x128xf32>
    %max3A_2781 = vector.broadcast %slice3A_2759 : vector<128x1xf32> to vector<128x128xf32>
    %max3A_2782 = vector.broadcast %slice3A_2764 : vector<1x128xf32> to vector<128x128xf32>
    %max3A_2783 = arith.maximumf %max3A_2781, %max3A_2782 : vector<128x128xf32>
    %sub3A_2784 = arith.subf %min3A_2780, %max3A_2783 : vector<128x128xf32>
    %max3A_2785 = arith.constant 0.000000e+00 : f32
    %max3A_2786 = vector.broadcast %max3A_2785 : f32 to vector<128x128xf32>
    %max3A_2787 = arith.maximumf %sub3A_2784, %max3A_2786 : vector<128x128xf32>
    %mul3A_2788 = arith.mulf %max3A_2777, %max3A_2787 : vector<128x128xf32>
    %mul3A_2789 = arith.constant 3.000000e+00 : f32
    %mul3A_2790 = vector.broadcast %mul3A_2789 : f32 to vector<128x128xf32>
    %mul3A_2791 = arith.mulf %mul3A_2788, %mul3A_2790 : vector<128x128xf32>
    %add3A_2792 = vector.broadcast %slice3A_2762 : vector<128x1xf32> to vector<128x128xf32>
    %add3A_2793 = vector.broadcast %slice3A_2767 : vector<1x128xf32> to vector<128x128xf32>
    %add3A_2794 = arith.addf %add3A_2792, %add3A_2793 : vector<128x128xf32>
    %gt3A_2795 = arith.cmpf ogt, %mul3A_2791, %add3A_2794 : vector<128x128xf32>
    %and3A_2796 = arith.andi %gt3A_2795, %gt3A : vector<128x128xi1>
    %jit3A_2797 = arith.constant 1.000000e+00 : f32
    %jit3A_2798 = arith.constant 0.000000e+00 : f32
    %broadcast_in_dim3A_2799 = vector.broadcast %jit3A_2797 : f32 to vector<128x128xf32>
    %broadcast_in_dim3A_2800 = vector.broadcast %jit3A_2798 : f32 to vector<128x128xf32>
    %select_n3A_2801 = arith.select %and3A_2796, %broadcast_in_dim3A_2799, %broadcast_in_dim3A_2800 : vector<128x128xi1>, vector<128x128xf32>
    %get3A_2802 = arith.constant 0 : index
    %get3A_2803 = arith.constant 3328 : index
    %get3A_2804 = vector.load %arg1[%get3A_2802, %get3A_2803] : memref<1x5120xf32, #tpu.memory_space<vmem>>, vector<1x128xf32>
    %while3A_2805 = arith.constant true
    %while3A_2806:2 = scf.while (%while3A_4188 = %get3A_2804, %while3A_4189 = %while3A_2805) : (vector<1x128xf32>, i1) -> (vector<1x128xf32>, i1) {
      scf.condition(%while3A_4189) %while3A_4188, %while3A_4189 : vector<1x128xf32>, i1
    } do {
    ^bb0(%while3A_4188: vector<1x128xf32>, %while3A_4189: i1):
      %dot_general3A_4190 = arith.constant dense<0.000000e+00> : vector<1x128xf32>
      %dot_general3A_4191 = tpu.matmul %while3A_4188, %select_n3A_2801, %dot_general3A_4190 {dimension_numbers = #tpu.dot_dimension_numbers<[1], [0], [0], [1], [0, 0, 1, 1], [], []>, transpose_lhs_hint = false} : vector<1x128xf32>, vector<128x128xf32>, vector<1x128xf32> -> vector<1x128xf32>
      %gt3A_4192 = arith.constant 5.000000e-01 : f32
      %gt3A_4193 = vector.broadcast %gt3A_4192 : f32 to vector<1x128xf32>
      %gt3A_4194 = arith.cmpf ogt, %dot_general3A_4191, %gt3A_4193 : vector<1x128xf32>
      %jit3A_4195 = arith.constant 0.000000e+00 : f32
      %broadcast_in_dim3A_4196 = vector.broadcast %jit3A_4195 : f32 to vector<1x128xf32>
      %select_n3A_4197 = arith.select %gt3A_4194, %broadcast_in_dim3A_4196, %get3A_2804 : vector<1x128xi1>, vector<1x128xf32>
      %dot_general3A_4198 = arith.constant dense<0.000000e+00> : vector<1x128xf32>
      %dot_general3A_4199 = tpu.matmul %select_n3A_4197, %select_n3A_2801, %dot_general3A_4198 {dimension_numbers = #tpu.dot_dimension_numbers<[1], [0], [0], [1], [0, 0, 1, 1], [], []>, transpose_lhs_hint = false} : vector<1x128xf32>, vector<128x128xf32>, vector<1x128xf32> -> vector<1x128xf32>
      %gt3A_4200 = arith.constant 5.000000e-01 : f32
      %gt3A_4201 = vector.broadcast %gt3A_4200 : f32 to vector<1x128xf32>
      %gt3A_4202 = arith.cmpf ogt, %dot_general3A_4199, %gt3A_4201 : vector<1x128xf32>
      %jit3A_4203 = arith.constant 0.000000e+00 : f32
      %broadcast_in_dim3A_4204 = vector.broadcast %jit3A_4203 : f32 to vector<1x128xf32>
      %select_n3A_4205 = arith.select %gt3A_4202, %broadcast_in_dim3A_4204, %get3A_2804 : vector<1x128xi1>, vector<1x128xf32>
      %sub3A_4206 = arith.subf %select_n3A_4205, %select_n3A_4197 : vector<1x128xf32>
      %abs3A = math.absf %sub3A_4206 : vector<1x128xf32>
      %reduce_sum3A = vector.shape_cast %abs3A : vector<1x128xf32> to vector<1x1x128xf32>
      %reduce_sum3A_4207 = arith.constant dense<0.000000e+00> : vector<1xf32>
      %reduce_sum3A_4208 = vector.multi_reduction <add>, %reduce_sum3A, %reduce_sum3A_4207 [1, 2] : vector<1x1x128xf32> to vector<1xf32>
      %reduce_sum3A_4209 = vector.shape_cast %reduce_sum3A_4208 : vector<1xf32> to vector<1x1x1xf32>
      %reduce_sum3A_4210 = vector.extract %reduce_sum3A_4209[0, 0, 0] : f32 from vector<1x1x1xf32>
      %gt3A_4211 = arith.constant 0.000000e+00 : f32
      %gt3A_4212 = arith.cmpf ogt, %reduce_sum3A_4210, %gt3A_4211 : f32
      scf.yield %select_n3A_4205, %gt3A_4212 : vector<1x128xf32>, i1
    }
    %swap3A_2807 = arith.constant 0 : index
    %swap3A_2808 = arith.constant 3328 : index
    %swap3A_2809 = vector.load %arg1[%swap3A_2807, %swap3A_2808] : memref<1x5120xf32, #tpu.memory_space<vmem>>, vector<1x128xf32>
    tpu.vector_store %arg1[%swap3A_2807, %swap3A_2808], %while3A_2806#0 {strides = array<i32>} : memref<1x5120xf32, #tpu.memory_space<vmem>>, vector<1x128xf32>,
    %slice3A_2810 = vector.extract_strided_slice %get3A_1 {offsets = [0, 3456], sizes = [1, 1664], strides = [1, 1]} : vector<8x5120xf32> to vector<1x1664xf32>
    %slice3A_2811 = vector.extract_strided_slice %get3A_1 {offsets = [1, 3456], sizes = [1, 1664], strides = [1, 1]} : vector<8x5120xf32> to vector<1x1664xf32>
    %slice3A_2812 = vector.extract_strided_slice %get3A_1 {offsets = [2, 3456], sizes = [1, 1664], strides = [1, 1]} : vector<8x5120xf32> to vector<1x1664xf32>
    %slice3A_2813 = vector.extract_strided_slice %get3A_1 {offsets = [3, 3456], sizes = [1, 1664], strides = [1, 1]} : vector<8x5120xf32> to vector<1x1664xf32>
    %slice3A_2814 = vector.extract_strided_slice %get3A_1 {offsets = [4, 3456], sizes = [1, 1664], strides = [1, 1]} : vector<8x5120xf32> to vector<1x1664xf32>
    %min3A_2815 = vector.broadcast %slice3A_2760 : vector<128x1xf32> to vector<128x1664xf32>
    %min3A_2816 = vector.broadcast %slice3A_2812 : vector<1x1664xf32> to vector<128x1664xf32>
    %min3A_2817 = arith.minimumf %min3A_2815, %min3A_2816 : vector<128x1664xf32>
    %max3A_2818 = vector.broadcast %slice3A_2758 : vector<128x1xf32> to vector<128x1664xf32>
    %max3A_2819 = vector.broadcast %slice3A_2810 : vector<1x1664xf32> to vector<128x1664xf32>
    %max3A_2820 = arith.maximumf %max3A_2818, %max3A_2819 : vector<128x1664xf32>
    %sub3A_2821 = arith.subf %min3A_2817, %max3A_2820 : vector<128x1664xf32>
    %max3A_2822 = arith.constant 0.000000e+00 : f32
    %max3A_2823 = vector.broadcast %max3A_2822 : f32 to vector<128x1664xf32>
    %max3A_2824 = arith.maximumf %sub3A_2821, %max3A_2823 : vector<128x1664xf32>
    %min3A_2825 = vector.broadcast %slice3A_2761 : vector<128x1xf32> to vector<128x1664xf32>
    %min3A_2826 = vector.broadcast %slice3A_2813 : vector<1x1664xf32> to vector<128x1664xf32>
    %min3A_2827 = arith.minimumf %min3A_2825, %min3A_2826 : vector<128x1664xf32>
    %max3A_2828 = vector.broadcast %slice3A_2759 : vector<128x1xf32> to vector<128x1664xf32>
    %max3A_2829 = vector.broadcast %slice3A_2811 : vector<1x1664xf32> to vector<128x1664xf32>
    %max3A_2830 = arith.maximumf %max3A_2828, %max3A_2829 : vector<128x1664xf32>
    %sub3A_2831 = arith.subf %min3A_2827, %max3A_2830 : vector<128x1664xf32>
    %max3A_2832 = arith.constant 0.000000e+00 : f32
    %max3A_2833 = vector.broadcast %max3A_2832 : f32 to vector<128x1664xf32>
    %max3A_2834 = arith.maximumf %sub3A_2831, %max3A_2833 : vector<128x1664xf32>
    %mul3A_2835 = arith.mulf %max3A_2824, %max3A_2834 : vector<128x1664xf32>
    %mul3A_2836 = arith.constant 3.000000e+00 : f32
    %mul3A_2837 = vector.broadcast %mul3A_2836 : f32 to vector<128x1664xf32>
    %mul3A_2838 = arith.mulf %mul3A_2835, %mul3A_2837 : vector<128x1664xf32>
    %add3A_2839 = vector.broadcast %slice3A_2762 : vector<128x1xf32> to vector<128x1664xf32>
    %add3A_2840 = vector.broadcast %slice3A_2814 : vector<1x1664xf32> to vector<128x1664xf32>
    %add3A_2841 = arith.addf %add3A_2839, %add3A_2840 : vector<128x1664xf32>
    %gt3A_2842 = arith.cmpf ogt, %mul3A_2838, %add3A_2841 : vector<128x1664xf32>
    %convert_element_type3A_2843 = arith.extui %gt3A_2842 : vector<128x1664xi1> to vector<128x1664xi32>
    %convert_element_type3A_2844 = arith.sitofp %convert_element_type3A_2843 : vector<128x1664xi32> to vector<128x1664xf32>
    %convert_element_type3A_2845 = arith.truncf %convert_element_type3A_2844 : vector<128x1664xf32> to vector<128x1664xbf16>
    %convert_element_type3A_2846 = arith.truncf %while3A_2806#0 : vector<1x128xf32> to vector<1x128xbf16>
    %dot_general3A_2847 = arith.constant dense<0.000000e+00> : vector<1x1664xf32>
    %dot_general3A_2848 = tpu.matmul %convert_element_type3A_2846, %convert_element_type3A_2845, %dot_general3A_2847 {dimension_numbers = #tpu.dot_dimension_numbers<[1], [0], [0], [1], [0, 0, 1, 1], [], []>, transpose_lhs_hint = false} : vector<1x128xbf16>, vector<128x1664xbf16>, vector<1x1664xf32> -> vector<1x1664xf32>
    %gt3A_2849 = arith.constant 5.000000e-01 : f32
    %gt3A_2850 = vector.broadcast %gt3A_2849 : f32 to vector<1x1664xf32>
    %gt3A_2851 = arith.cmpf ogt, %dot_general3A_2848, %gt3A_2850 : vector<1x1664xf32>
    %get3A_2852 = arith.constant 0 : index
    %get3A_2853 = arith.constant 3456 : index
    %get3A_2854 = vector.load %arg1[%get3A_2852, %get3A_2853] : memref<1x5120xf32, #tpu.memory_space<vmem>>, vector<1x1664xf32>
    %jit3A_2855 = arith.constant 0.000000e+00 : f32
    %broadcast_in_dim3A_2856 = vector.broadcast %jit3A_2855 : f32 to vector<1x1664xf32>
    %select_n3A_2857 = arith.select %gt3A_2851, %broadcast_in_dim3A_2856, %get3A_2854 : vector<1x1664xi1>, vector<1x1664xf32>
    %swap3A_2858 = arith.constant 0 : index
    %swap3A_2859 = arith.constant 3456 : index
    %swap3A_2860 = vector.load %arg1[%swap3A_2858, %swap3A_2859] : memref<1x5120xf32, #tpu.memory_space<vmem>>, vector<1x1664xf32>
    tpu.vector_store %arg1[%swap3A_2858, %swap3A_2859], %select_n3A_2857 {strides = array<i32>} : memref<1x5120xf32, #tpu.memory_space<vmem>>, vector<1x1664xf32>,
    %slice3A_2861 = vector.extract_strided_slice %get3A_1 {offsets = [0, 3456], sizes = [8, 128], strides = [1, 1]} : vector<8x5120xf32> to vector<8x128xf32>
    %dot_general3A_2862 = arith.constant dense<0.000000e+00> : vector<128x8xf32>
    %dot_general3A_2863 = tpu.matmul %select_n3A, %slice3A_2861, %dot_general3A_2862 {dimension_numbers = #tpu.dot_dimension_numbers<[1], [1], [0], [0], [0, 0, 1, 0], [], []>, precision = #tpu.contract_precision<fp32>, transpose_lhs_hint = false} : vector<128x128xf32>, vector<8x128xf32>, vector<128x8xf32> -> vector<128x8xf32>
    %slice3A_2864 = vector.extract_strided_slice %dot_general3A_2863 {offsets = [0, 0], sizes = [128, 1], strides = [1, 1]} : vector<128x8xf32> to vector<128x1xf32>
    %slice3A_2865 = vector.extract_strided_slice %dot_general3A_2863 {offsets = [0, 1], sizes = [128, 1], strides = [1, 1]} : vector<128x8xf32> to vector<128x1xf32>
    %slice3A_2866 = vector.extract_strided_slice %dot_general3A_2863 {offsets = [0, 2], sizes = [128, 1], strides = [1, 1]} : vector<128x8xf32> to vector<128x1xf32>
    %slice3A_2867 = vector.extract_strided_slice %dot_general3A_2863 {offsets = [0, 3], sizes = [128, 1], strides = [1, 1]} : vector<128x8xf32> to vector<128x1xf32>
    %slice3A_2868 = vector.extract_strided_slice %dot_general3A_2863 {offsets = [0, 4], sizes = [128, 1], strides = [1, 1]} : vector<128x8xf32> to vector<128x1xf32>
    %slice3A_2869 = vector.extract_strided_slice %get3A_1 {offsets = [0, 3456], sizes = [1, 128], strides = [1, 1]} : vector<8x5120xf32> to vector<1x128xf32>
    %slice3A_2870 = vector.extract_strided_slice %get3A_1 {offsets = [1, 3456], sizes = [1, 128], strides = [1, 1]} : vector<8x5120xf32> to vector<1x128xf32>
    %slice3A_2871 = vector.extract_strided_slice %get3A_1 {offsets = [2, 3456], sizes = [1, 128], strides = [1, 1]} : vector<8x5120xf32> to vector<1x128xf32>
    %slice3A_2872 = vector.extract_strided_slice %get3A_1 {offsets = [3, 3456], sizes = [1, 128], strides = [1, 1]} : vector<8x5120xf32> to vector<1x128xf32>
    %slice3A_2873 = vector.extract_strided_slice %get3A_1 {offsets = [4, 3456], sizes = [1, 128], strides = [1, 1]} : vector<8x5120xf32> to vector<1x128xf32>
    %min3A_2874 = vector.broadcast %slice3A_2866 : vector<128x1xf32> to vector<128x128xf32>
    %min3A_2875 = vector.broadcast %slice3A_2871 : vector<1x128xf32> to vector<128x128xf32>
    %min3A_2876 = arith.minimumf %min3A_2874, %min3A_2875 : vector<128x128xf32>
    %max3A_2877 = vector.broadcast %slice3A_2864 : vector<128x1xf32> to vector<128x128xf32>
    %max3A_2878 = vector.broadcast %slice3A_2869 : vector<1x128xf32> to vector<128x128xf32>
    %max3A_2879 = arith.maximumf %max3A_2877, %max3A_2878 : vector<128x128xf32>
    %sub3A_2880 = arith.subf %min3A_2876, %max3A_2879 : vector<128x128xf32>
    %max3A_2881 = arith.constant 0.000000e+00 : f32
    %max3A_2882 = vector.broadcast %max3A_2881 : f32 to vector<128x128xf32>
    %max3A_2883 = arith.maximumf %sub3A_2880, %max3A_2882 : vector<128x128xf32>
    %min3A_2884 = vector.broadcast %slice3A_2867 : vector<128x1xf32> to vector<128x128xf32>
    %min3A_2885 = vector.broadcast %slice3A_2872 : vector<1x128xf32> to vector<128x128xf32>
    %min3A_2886 = arith.minimumf %min3A_2884, %min3A_2885 : vector<128x128xf32>
    %max3A_2887 = vector.broadcast %slice3A_2865 : vector<128x1xf32> to vector<128x128xf32>
    %max3A_2888 = vector.broadcast %slice3A_2870 : vector<1x128xf32> to vector<128x128xf32>
    %max3A_2889 = arith.maximumf %max3A_2887, %max3A_2888 : vector<128x128xf32>
    %sub3A_2890 = arith.subf %min3A_2886, %max3A_2889 : vector<128x128xf32>
    %max3A_2891 = arith.constant 0.000000e+00 : f32
    %max3A_2892 = vector.broadcast %max3A_2891 : f32 to vector<128x128xf32>
    %max3A_2893 = arith.maximumf %sub3A_2890, %max3A_2892 : vector<128x128xf32>
    %mul3A_2894 = arith.mulf %max3A_2883, %max3A_2893 : vector<128x128xf32>
    %mul3A_2895 = arith.constant 3.000000e+00 : f32
    %mul3A_2896 = vector.broadcast %mul3A_2895 : f32 to vector<128x128xf32>
    %mul3A_2897 = arith.mulf %mul3A_2894, %mul3A_2896 : vector<128x128xf32>
    %add3A_2898 = vector.broadcast %slice3A_2868 : vector<128x1xf32> to vector<128x128xf32>
    %add3A_2899 = vector.broadcast %slice3A_2873 : vector<1x128xf32> to vector<128x128xf32>
    %add3A_2900 = arith.addf %add3A_2898, %add3A_2899 : vector<128x128xf32>
    %gt3A_2901 = arith.cmpf ogt, %mul3A_2897, %add3A_2900 : vector<128x128xf32>
    %and3A_2902 = arith.andi %gt3A_2901, %gt3A : vector<128x128xi1>
    %jit3A_2903 = arith.constant 1.000000e+00 : f32
    %jit3A_2904 = arith.constant 0.000000e+00 : f32
    %broadcast_in_dim3A_2905 = vector.broadcast %jit3A_2903 : f32 to vector<128x128xf32>
    %broadcast_in_dim3A_2906 = vector.broadcast %jit3A_2904 : f32 to vector<128x128xf32>
    %select_n3A_2907 = arith.select %and3A_2902, %broadcast_in_dim3A_2905, %broadcast_in_dim3A_2906 : vector<128x128xi1>, vector<128x128xf32>
    %get3A_2908 = arith.constant 0 : index
    %get3A_2909 = arith.constant 3456 : index
    %get3A_2910 = vector.load %arg1[%get3A_2908, %get3A_2909] : memref<1x5120xf32, #tpu.memory_space<vmem>>, vector<1x128xf32>
    %while3A_2911 = arith.constant true
    %while3A_2912:2 = scf.while (%while3A_4188 = %get3A_2910, %while3A_4189 = %while3A_2911) : (vector<1x128xf32>, i1) -> (vector<1x128xf32>, i1) {
      scf.condition(%while3A_4189) %while3A_4188, %while3A_4189 : vector<1x128xf32>, i1
    } do {
    ^bb0(%while3A_4188: vector<1x128xf32>, %while3A_4189: i1):
      %dot_general3A_4190 = arith.constant dense<0.000000e+00> : vector<1x128xf32>
      %dot_general3A_4191 = tpu.matmul %while3A_4188, %select_n3A_2907, %dot_general3A_4190 {dimension_numbers = #tpu.dot_dimension_numbers<[1], [0], [0], [1], [0, 0, 1, 1], [], []>, transpose_lhs_hint = false} : vector<1x128xf32>, vector<128x128xf32>, vector<1x128xf32> -> vector<1x128xf32>
      %gt3A_4192 = arith.constant 5.000000e-01 : f32
      %gt3A_4193 = vector.broadcast %gt3A_4192 : f32 to vector<1x128xf32>
      %gt3A_4194 = arith.cmpf ogt, %dot_general3A_4191, %gt3A_4193 : vector<1x128xf32>
      %jit3A_4195 = arith.constant 0.000000e+00 : f32
      %broadcast_in_dim3A_4196 = vector.broadcast %jit3A_4195 : f32 to vector<1x128xf32>
      %select_n3A_4197 = arith.select %gt3A_4194, %broadcast_in_dim3A_4196, %get3A_2910 : vector<1x128xi1>, vector<1x128xf32>
      %dot_general3A_4198 = arith.constant dense<0.000000e+00> : vector<1x128xf32>
      %dot_general3A_4199 = tpu.matmul %select_n3A_4197, %select_n3A_2907, %dot_general3A_4198 {dimension_numbers = #tpu.dot_dimension_numbers<[1], [0], [0], [1], [0, 0, 1, 1], [], []>, transpose_lhs_hint = false} : vector<1x128xf32>, vector<128x128xf32>, vector<1x128xf32> -> vector<1x128xf32>
      %gt3A_4200 = arith.constant 5.000000e-01 : f32
      %gt3A_4201 = vector.broadcast %gt3A_4200 : f32 to vector<1x128xf32>
      %gt3A_4202 = arith.cmpf ogt, %dot_general3A_4199, %gt3A_4201 : vector<1x128xf32>
      %jit3A_4203 = arith.constant 0.000000e+00 : f32
      %broadcast_in_dim3A_4204 = vector.broadcast %jit3A_4203 : f32 to vector<1x128xf32>
      %select_n3A_4205 = arith.select %gt3A_4202, %broadcast_in_dim3A_4204, %get3A_2910 : vector<1x128xi1>, vector<1x128xf32>
      %sub3A_4206 = arith.subf %select_n3A_4205, %select_n3A_4197 : vector<1x128xf32>
      %abs3A = math.absf %sub3A_4206 : vector<1x128xf32>
      %reduce_sum3A = vector.shape_cast %abs3A : vector<1x128xf32> to vector<1x1x128xf32>
      %reduce_sum3A_4207 = arith.constant dense<0.000000e+00> : vector<1xf32>
      %reduce_sum3A_4208 = vector.multi_reduction <add>, %reduce_sum3A, %reduce_sum3A_4207 [1, 2] : vector<1x1x128xf32> to vector<1xf32>
      %reduce_sum3A_4209 = vector.shape_cast %reduce_sum3A_4208 : vector<1xf32> to vector<1x1x1xf32>
      %reduce_sum3A_4210 = vector.extract %reduce_sum3A_4209[0, 0, 0] : f32 from vector<1x1x1xf32>
      %gt3A_4211 = arith.constant 0.000000e+00 : f32
      %gt3A_4212 = arith.cmpf ogt, %reduce_sum3A_4210, %gt3A_4211 : f32
      scf.yield %select_n3A_4205, %gt3A_4212 : vector<1x128xf32>, i1
    }
    %swap3A_2913 = arith.constant 0 : index
    %swap3A_2914 = arith.constant 3456 : index
    %swap3A_2915 = vector.load %arg1[%swap3A_2913, %swap3A_2914] : memref<1x5120xf32, #tpu.memory_space<vmem>>, vector<1x128xf32>
    tpu.vector_store %arg1[%swap3A_2913, %swap3A_2914], %while3A_2912#0 {strides = array<i32>} : memref<1x5120xf32, #tpu.memory_space<vmem>>, vector<1x128xf32>,
    %slice3A_2916 = vector.extract_strided_slice %get3A_1 {offsets = [0, 3584], sizes = [1, 1536], strides = [1, 1]} : vector<8x5120xf32> to vector<1x1536xf32>
    %slice3A_2917 = vector.extract_strided_slice %get3A_1 {offsets = [1, 3584], sizes = [1, 1536], strides = [1, 1]} : vector<8x5120xf32> to vector<1x1536xf32>
    %slice3A_2918 = vector.extract_strided_slice %get3A_1 {offsets = [2, 3584], sizes = [1, 1536], strides = [1, 1]} : vector<8x5120xf32> to vector<1x1536xf32>
    %slice3A_2919 = vector.extract_strided_slice %get3A_1 {offsets = [3, 3584], sizes = [1, 1536], strides = [1, 1]} : vector<8x5120xf32> to vector<1x1536xf32>
    %slice3A_2920 = vector.extract_strided_slice %get3A_1 {offsets = [4, 3584], sizes = [1, 1536], strides = [1, 1]} : vector<8x5120xf32> to vector<1x1536xf32>
    %min3A_2921 = vector.broadcast %slice3A_2866 : vector<128x1xf32> to vector<128x1536xf32>
    %min3A_2922 = vector.broadcast %slice3A_2918 : vector<1x1536xf32> to vector<128x1536xf32>
    %min3A_2923 = arith.minimumf %min3A_2921, %min3A_2922 : vector<128x1536xf32>
    %max3A_2924 = vector.broadcast %slice3A_2864 : vector<128x1xf32> to vector<128x1536xf32>
    %max3A_2925 = vector.broadcast %slice3A_2916 : vector<1x1536xf32> to vector<128x1536xf32>
    %max3A_2926 = arith.maximumf %max3A_2924, %max3A_2925 : vector<128x1536xf32>
    %sub3A_2927 = arith.subf %min3A_2923, %max3A_2926 : vector<128x1536xf32>
    %max3A_2928 = arith.constant 0.000000e+00 : f32
    %max3A_2929 = vector.broadcast %max3A_2928 : f32 to vector<128x1536xf32>
    %max3A_2930 = arith.maximumf %sub3A_2927, %max3A_2929 : vector<128x1536xf32>
    %min3A_2931 = vector.broadcast %slice3A_2867 : vector<128x1xf32> to vector<128x1536xf32>
    %min3A_2932 = vector.broadcast %slice3A_2919 : vector<1x1536xf32> to vector<128x1536xf32>
    %min3A_2933 = arith.minimumf %min3A_2931, %min3A_2932 : vector<128x1536xf32>
    %max3A_2934 = vector.broadcast %slice3A_2865 : vector<128x1xf32> to vector<128x1536xf32>
    %max3A_2935 = vector.broadcast %slice3A_2917 : vector<1x1536xf32> to vector<128x1536xf32>
    %max3A_2936 = arith.maximumf %max3A_2934, %max3A_2935 : vector<128x1536xf32>
    %sub3A_2937 = arith.subf %min3A_2933, %max3A_2936 : vector<128x1536xf32>
    %max3A_2938 = arith.constant 0.000000e+00 : f32
    %max3A_2939 = vector.broadcast %max3A_2938 : f32 to vector<128x1536xf32>
    %max3A_2940 = arith.maximumf %sub3A_2937, %max3A_2939 : vector<128x1536xf32>
    %mul3A_2941 = arith.mulf %max3A_2930, %max3A_2940 : vector<128x1536xf32>
    %mul3A_2942 = arith.constant 3.000000e+00 : f32
    %mul3A_2943 = vector.broadcast %mul3A_2942 : f32 to vector<128x1536xf32>
    %mul3A_2944 = arith.mulf %mul3A_2941, %mul3A_2943 : vector<128x1536xf32>
    %add3A_2945 = vector.broadcast %slice3A_2868 : vector<128x1xf32> to vector<128x1536xf32>
    %add3A_2946 = vector.broadcast %slice3A_2920 : vector<1x1536xf32> to vector<128x1536xf32>
    %add3A_2947 = arith.addf %add3A_2945, %add3A_2946 : vector<128x1536xf32>
    %gt3A_2948 = arith.cmpf ogt, %mul3A_2944, %add3A_2947 : vector<128x1536xf32>
    %convert_element_type3A_2949 = arith.extui %gt3A_2948 : vector<128x1536xi1> to vector<128x1536xi32>
    %convert_element_type3A_2950 = arith.sitofp %convert_element_type3A_2949 : vector<128x1536xi32> to vector<128x1536xf32>
    %convert_element_type3A_2951 = arith.truncf %convert_element_type3A_2950 : vector<128x1536xf32> to vector<128x1536xbf16>
    %convert_element_type3A_2952 = arith.truncf %while3A_2912#0 : vector<1x128xf32> to vector<1x128xbf16>
    %dot_general3A_2953 = arith.constant dense<0.000000e+00> : vector<1x1536xf32>
    %dot_general3A_2954 = tpu.matmul %convert_element_type3A_2952, %convert_element_type3A_2951, %dot_general3A_2953 {dimension_numbers = #tpu.dot_dimension_numbers<[1], [0], [0], [1], [0, 0, 1, 1], [], []>, transpose_lhs_hint = false} : vector<1x128xbf16>, vector<128x1536xbf16>, vector<1x1536xf32> -> vector<1x1536xf32>
    %gt3A_2955 = arith.constant 5.000000e-01 : f32
    %gt3A_2956 = vector.broadcast %gt3A_2955 : f32 to vector<1x1536xf32>
    %gt3A_2957 = arith.cmpf ogt, %dot_general3A_2954, %gt3A_2956 : vector<1x1536xf32>
    %get3A_2958 = arith.constant 0 : index
    %get3A_2959 = arith.constant 3584 : index
    %get3A_2960 = vector.load %arg1[%get3A_2958, %get3A_2959] : memref<1x5120xf32, #tpu.memory_space<vmem>>, vector<1x1536xf32>
    %jit3A_2961 = arith.constant 0.000000e+00 : f32
    %broadcast_in_dim3A_2962 = vector.broadcast %jit3A_2961 : f32 to vector<1x1536xf32>
    %select_n3A_2963 = arith.select %gt3A_2957, %broadcast_in_dim3A_2962, %get3A_2960 : vector<1x1536xi1>, vector<1x1536xf32>
    %swap3A_2964 = arith.constant 0 : index
    %swap3A_2965 = arith.constant 3584 : index
    %swap3A_2966 = vector.load %arg1[%swap3A_2964, %swap3A_2965] : memref<1x5120xf32, #tpu.memory_space<vmem>>, vector<1x1536xf32>
    tpu.vector_store %arg1[%swap3A_2964, %swap3A_2965], %select_n3A_2963 {strides = array<i32>} : memref<1x5120xf32, #tpu.memory_space<vmem>>, vector<1x1536xf32>,
    %slice3A_2967 = vector.extract_strided_slice %get3A_1 {offsets = [0, 3584], sizes = [8, 128], strides = [1, 1]} : vector<8x5120xf32> to vector<8x128xf32>
    %dot_general3A_2968 = arith.constant dense<0.000000e+00> : vector<128x8xf32>
    %dot_general3A_2969 = tpu.matmul %select_n3A, %slice3A_2967, %dot_general3A_2968 {dimension_numbers = #tpu.dot_dimension_numbers<[1], [1], [0], [0], [0, 0, 1, 0], [], []>, precision = #tpu.contract_precision<fp32>, transpose_lhs_hint = false} : vector<128x128xf32>, vector<8x128xf32>, vector<128x8xf32> -> vector<128x8xf32>
    %slice3A_2970 = vector.extract_strided_slice %dot_general3A_2969 {offsets = [0, 0], sizes = [128, 1], strides = [1, 1]} : vector<128x8xf32> to vector<128x1xf32>
    %slice3A_2971 = vector.extract_strided_slice %dot_general3A_2969 {offsets = [0, 1], sizes = [128, 1], strides = [1, 1]} : vector<128x8xf32> to vector<128x1xf32>
    %slice3A_2972 = vector.extract_strided_slice %dot_general3A_2969 {offsets = [0, 2], sizes = [128, 1], strides = [1, 1]} : vector<128x8xf32> to vector<128x1xf32>
    %slice3A_2973 = vector.extract_strided_slice %dot_general3A_2969 {offsets = [0, 3], sizes = [128, 1], strides = [1, 1]} : vector<128x8xf32> to vector<128x1xf32>
    %slice3A_2974 = vector.extract_strided_slice %dot_general3A_2969 {offsets = [0, 4], sizes = [128, 1], strides = [1, 1]} : vector<128x8xf32> to vector<128x1xf32>
    %slice3A_2975 = vector.extract_strided_slice %get3A_1 {offsets = [0, 3584], sizes = [1, 128], strides = [1, 1]} : vector<8x5120xf32> to vector<1x128xf32>
    %slice3A_2976 = vector.extract_strided_slice %get3A_1 {offsets = [1, 3584], sizes = [1, 128], strides = [1, 1]} : vector<8x5120xf32> to vector<1x128xf32>
    %slice3A_2977 = vector.extract_strided_slice %get3A_1 {offsets = [2, 3584], sizes = [1, 128], strides = [1, 1]} : vector<8x5120xf32> to vector<1x128xf32>
    %slice3A_2978 = vector.extract_strided_slice %get3A_1 {offsets = [3, 3584], sizes = [1, 128], strides = [1, 1]} : vector<8x5120xf32> to vector<1x128xf32>
    %slice3A_2979 = vector.extract_strided_slice %get3A_1 {offsets = [4, 3584], sizes = [1, 128], strides = [1, 1]} : vector<8x5120xf32> to vector<1x128xf32>
    %min3A_2980 = vector.broadcast %slice3A_2972 : vector<128x1xf32> to vector<128x128xf32>
    %min3A_2981 = vector.broadcast %slice3A_2977 : vector<1x128xf32> to vector<128x128xf32>
    %min3A_2982 = arith.minimumf %min3A_2980, %min3A_2981 : vector<128x128xf32>
    %max3A_2983 = vector.broadcast %slice3A_2970 : vector<128x1xf32> to vector<128x128xf32>
    %max3A_2984 = vector.broadcast %slice3A_2975 : vector<1x128xf32> to vector<128x128xf32>
    %max3A_2985 = arith.maximumf %max3A_2983, %max3A_2984 : vector<128x128xf32>
    %sub3A_2986 = arith.subf %min3A_2982, %max3A_2985 : vector<128x128xf32>
    %max3A_2987 = arith.constant 0.000000e+00 : f32
    %max3A_2988 = vector.broadcast %max3A_2987 : f32 to vector<128x128xf32>
    %max3A_2989 = arith.maximumf %sub3A_2986, %max3A_2988 : vector<128x128xf32>
    %min3A_2990 = vector.broadcast %slice3A_2973 : vector<128x1xf32> to vector<128x128xf32>
    %min3A_2991 = vector.broadcast %slice3A_2978 : vector<1x128xf32> to vector<128x128xf32>
    %min3A_2992 = arith.minimumf %min3A_2990, %min3A_2991 : vector<128x128xf32>
    %max3A_2993 = vector.broadcast %slice3A_2971 : vector<128x1xf32> to vector<128x128xf32>
    %max3A_2994 = vector.broadcast %slice3A_2976 : vector<1x128xf32> to vector<128x128xf32>
    %max3A_2995 = arith.maximumf %max3A_2993, %max3A_2994 : vector<128x128xf32>
    %sub3A_2996 = arith.subf %min3A_2992, %max3A_2995 : vector<128x128xf32>
    %max3A_2997 = arith.constant 0.000000e+00 : f32
    %max3A_2998 = vector.broadcast %max3A_2997 : f32 to vector<128x128xf32>
    %max3A_2999 = arith.maximumf %sub3A_2996, %max3A_2998 : vector<128x128xf32>
    %mul3A_3000 = arith.mulf %max3A_2989, %max3A_2999 : vector<128x128xf32>
    %mul3A_3001 = arith.constant 3.000000e+00 : f32
    %mul3A_3002 = vector.broadcast %mul3A_3001 : f32 to vector<128x128xf32>
    %mul3A_3003 = arith.mulf %mul3A_3000, %mul3A_3002 : vector<128x128xf32>
    %add3A_3004 = vector.broadcast %slice3A_2974 : vector<128x1xf32> to vector<128x128xf32>
    %add3A_3005 = vector.broadcast %slice3A_2979 : vector<1x128xf32> to vector<128x128xf32>
    %add3A_3006 = arith.addf %add3A_3004, %add3A_3005 : vector<128x128xf32>
    %gt3A_3007 = arith.cmpf ogt, %mul3A_3003, %add3A_3006 : vector<128x128xf32>
    %and3A_3008 = arith.andi %gt3A_3007, %gt3A : vector<128x128xi1>
    %jit3A_3009 = arith.constant 1.000000e+00 : f32
    %jit3A_3010 = arith.constant 0.000000e+00 : f32
    %broadcast_in_dim3A_3011 = vector.broadcast %jit3A_3009 : f32 to vector<128x128xf32>
    %broadcast_in_dim3A_3012 = vector.broadcast %jit3A_3010 : f32 to vector<128x128xf32>
    %select_n3A_3013 = arith.select %and3A_3008, %broadcast_in_dim3A_3011, %broadcast_in_dim3A_3012 : vector<128x128xi1>, vector<128x128xf32>
    %get3A_3014 = arith.constant 0 : index
    %get3A_3015 = arith.constant 3584 : index
    %get3A_3016 = vector.load %arg1[%get3A_3014, %get3A_3015] : memref<1x5120xf32, #tpu.memory_space<vmem>>, vector<1x128xf32>
    %while3A_3017 = arith.constant true
    %while3A_3018:2 = scf.while (%while3A_4188 = %get3A_3016, %while3A_4189 = %while3A_3017) : (vector<1x128xf32>, i1) -> (vector<1x128xf32>, i1) {
      scf.condition(%while3A_4189) %while3A_4188, %while3A_4189 : vector<1x128xf32>, i1
    } do {
    ^bb0(%while3A_4188: vector<1x128xf32>, %while3A_4189: i1):
      %dot_general3A_4190 = arith.constant dense<0.000000e+00> : vector<1x128xf32>
      %dot_general3A_4191 = tpu.matmul %while3A_4188, %select_n3A_3013, %dot_general3A_4190 {dimension_numbers = #tpu.dot_dimension_numbers<[1], [0], [0], [1], [0, 0, 1, 1], [], []>, transpose_lhs_hint = false} : vector<1x128xf32>, vector<128x128xf32>, vector<1x128xf32> -> vector<1x128xf32>
      %gt3A_4192 = arith.constant 5.000000e-01 : f32
      %gt3A_4193 = vector.broadcast %gt3A_4192 : f32 to vector<1x128xf32>
      %gt3A_4194 = arith.cmpf ogt, %dot_general3A_4191, %gt3A_4193 : vector<1x128xf32>
      %jit3A_4195 = arith.constant 0.000000e+00 : f32
      %broadcast_in_dim3A_4196 = vector.broadcast %jit3A_4195 : f32 to vector<1x128xf32>
      %select_n3A_4197 = arith.select %gt3A_4194, %broadcast_in_dim3A_4196, %get3A_3016 : vector<1x128xi1>, vector<1x128xf32>
      %dot_general3A_4198 = arith.constant dense<0.000000e+00> : vector<1x128xf32>
      %dot_general3A_4199 = tpu.matmul %select_n3A_4197, %select_n3A_3013, %dot_general3A_4198 {dimension_numbers = #tpu.dot_dimension_numbers<[1], [0], [0], [1], [0, 0, 1, 1], [], []>, transpose_lhs_hint = false} : vector<1x128xf32>, vector<128x128xf32>, vector<1x128xf32> -> vector<1x128xf32>
      %gt3A_4200 = arith.constant 5.000000e-01 : f32
      %gt3A_4201 = vector.broadcast %gt3A_4200 : f32 to vector<1x128xf32>
      %gt3A_4202 = arith.cmpf ogt, %dot_general3A_4199, %gt3A_4201 : vector<1x128xf32>
      %jit3A_4203 = arith.constant 0.000000e+00 : f32
      %broadcast_in_dim3A_4204 = vector.broadcast %jit3A_4203 : f32 to vector<1x128xf32>
      %select_n3A_4205 = arith.select %gt3A_4202, %broadcast_in_dim3A_4204, %get3A_3016 : vector<1x128xi1>, vector<1x128xf32>
      %sub3A_4206 = arith.subf %select_n3A_4205, %select_n3A_4197 : vector<1x128xf32>
      %abs3A = math.absf %sub3A_4206 : vector<1x128xf32>
      %reduce_sum3A = vector.shape_cast %abs3A : vector<1x128xf32> to vector<1x1x128xf32>
      %reduce_sum3A_4207 = arith.constant dense<0.000000e+00> : vector<1xf32>
      %reduce_sum3A_4208 = vector.multi_reduction <add>, %reduce_sum3A, %reduce_sum3A_4207 [1, 2] : vector<1x1x128xf32> to vector<1xf32>
      %reduce_sum3A_4209 = vector.shape_cast %reduce_sum3A_4208 : vector<1xf32> to vector<1x1x1xf32>
      %reduce_sum3A_4210 = vector.extract %reduce_sum3A_4209[0, 0, 0] : f32 from vector<1x1x1xf32>
      %gt3A_4211 = arith.constant 0.000000e+00 : f32
      %gt3A_4212 = arith.cmpf ogt, %reduce_sum3A_4210, %gt3A_4211 : f32
      scf.yield %select_n3A_4205, %gt3A_4212 : vector<1x128xf32>, i1
    }
    %swap3A_3019 = arith.constant 0 : index
    %swap3A_3020 = arith.constant 3584 : index
    %swap3A_3021 = vector.load %arg1[%swap3A_3019, %swap3A_3020] : memref<1x5120xf32, #tpu.memory_space<vmem>>, vector<1x128xf32>
    tpu.vector_store %arg1[%swap3A_3019, %swap3A_3020], %while3A_3018#0 {strides = array<i32>} : memref<1x5120xf32, #tpu.memory_space<vmem>>, vector<1x128xf32>,
    %slice3A_3022 = vector.extract_strided_slice %get3A_1 {offsets = [0, 3712], sizes = [1, 1408], strides = [1, 1]} : vector<8x5120xf32> to vector<1x1408xf32>
    %slice3A_3023 = vector.extract_strided_slice %get3A_1 {offsets = [1, 3712], sizes = [1, 1408], strides = [1, 1]} : vector<8x5120xf32> to vector<1x1408xf32>
    %slice3A_3024 = vector.extract_strided_slice %get3A_1 {offsets = [2, 3712], sizes = [1, 1408], strides = [1, 1]} : vector<8x5120xf32> to vector<1x1408xf32>
    %slice3A_3025 = vector.extract_strided_slice %get3A_1 {offsets = [3, 3712], sizes = [1, 1408], strides = [1, 1]} : vector<8x5120xf32> to vector<1x1408xf32>
    %slice3A_3026 = vector.extract_strided_slice %get3A_1 {offsets = [4, 3712], sizes = [1, 1408], strides = [1, 1]} : vector<8x5120xf32> to vector<1x1408xf32>
    %min3A_3027 = vector.broadcast %slice3A_2972 : vector<128x1xf32> to vector<128x1408xf32>
    %min3A_3028 = vector.broadcast %slice3A_3024 : vector<1x1408xf32> to vector<128x1408xf32>
    %min3A_3029 = arith.minimumf %min3A_3027, %min3A_3028 : vector<128x1408xf32>
    %max3A_3030 = vector.broadcast %slice3A_2970 : vector<128x1xf32> to vector<128x1408xf32>
    %max3A_3031 = vector.broadcast %slice3A_3022 : vector<1x1408xf32> to vector<128x1408xf32>
    %max3A_3032 = arith.maximumf %max3A_3030, %max3A_3031 : vector<128x1408xf32>
    %sub3A_3033 = arith.subf %min3A_3029, %max3A_3032 : vector<128x1408xf32>
    %max3A_3034 = arith.constant 0.000000e+00 : f32
    %max3A_3035 = vector.broadcast %max3A_3034 : f32 to vector<128x1408xf32>
    %max3A_3036 = arith.maximumf %sub3A_3033, %max3A_3035 : vector<128x1408xf32>
    %min3A_3037 = vector.broadcast %slice3A_2973 : vector<128x1xf32> to vector<128x1408xf32>
    %min3A_3038 = vector.broadcast %slice3A_3025 : vector<1x1408xf32> to vector<128x1408xf32>
    %min3A_3039 = arith.minimumf %min3A_3037, %min3A_3038 : vector<128x1408xf32>
    %max3A_3040 = vector.broadcast %slice3A_2971 : vector<128x1xf32> to vector<128x1408xf32>
    %max3A_3041 = vector.broadcast %slice3A_3023 : vector<1x1408xf32> to vector<128x1408xf32>
    %max3A_3042 = arith.maximumf %max3A_3040, %max3A_3041 : vector<128x1408xf32>
    %sub3A_3043 = arith.subf %min3A_3039, %max3A_3042 : vector<128x1408xf32>
    %max3A_3044 = arith.constant 0.000000e+00 : f32
    %max3A_3045 = vector.broadcast %max3A_3044 : f32 to vector<128x1408xf32>
    %max3A_3046 = arith.maximumf %sub3A_3043, %max3A_3045 : vector<128x1408xf32>
    %mul3A_3047 = arith.mulf %max3A_3036, %max3A_3046 : vector<128x1408xf32>
    %mul3A_3048 = arith.constant 3.000000e+00 : f32
    %mul3A_3049 = vector.broadcast %mul3A_3048 : f32 to vector<128x1408xf32>
    %mul3A_3050 = arith.mulf %mul3A_3047, %mul3A_3049 : vector<128x1408xf32>
    %add3A_3051 = vector.broadcast %slice3A_2974 : vector<128x1xf32> to vector<128x1408xf32>
    %add3A_3052 = vector.broadcast %slice3A_3026 : vector<1x1408xf32> to vector<128x1408xf32>
    %add3A_3053 = arith.addf %add3A_3051, %add3A_3052 : vector<128x1408xf32>
    %gt3A_3054 = arith.cmpf ogt, %mul3A_3050, %add3A_3053 : vector<128x1408xf32>
    %convert_element_type3A_3055 = arith.extui %gt3A_3054 : vector<128x1408xi1> to vector<128x1408xi32>
    %convert_element_type3A_3056 = arith.sitofp %convert_element_type3A_3055 : vector<128x1408xi32> to vector<128x1408xf32>
    %convert_element_type3A_3057 = arith.truncf %convert_element_type3A_3056 : vector<128x1408xf32> to vector<128x1408xbf16>
    %convert_element_type3A_3058 = arith.truncf %while3A_3018#0 : vector<1x128xf32> to vector<1x128xbf16>
    %dot_general3A_3059 = arith.constant dense<0.000000e+00> : vector<1x1408xf32>
    %dot_general3A_3060 = tpu.matmul %convert_element_type3A_3058, %convert_element_type3A_3057, %dot_general3A_3059 {dimension_numbers = #tpu.dot_dimension_numbers<[1], [0], [0], [1], [0, 0, 1, 1], [], []>, transpose_lhs_hint = false} : vector<1x128xbf16>, vector<128x1408xbf16>, vector<1x1408xf32> -> vector<1x1408xf32>
    %gt3A_3061 = arith.constant 5.000000e-01 : f32
    %gt3A_3062 = vector.broadcast %gt3A_3061 : f32 to vector<1x1408xf32>
    %gt3A_3063 = arith.cmpf ogt, %dot_general3A_3060, %gt3A_3062 : vector<1x1408xf32>
    %get3A_3064 = arith.constant 0 : index
    %get3A_3065 = arith.constant 3712 : index
    %get3A_3066 = vector.load %arg1[%get3A_3064, %get3A_3065] : memref<1x5120xf32, #tpu.memory_space<vmem>>, vector<1x1408xf32>
    %jit3A_3067 = arith.constant 0.000000e+00 : f32
    %broadcast_in_dim3A_3068 = vector.broadcast %jit3A_3067 : f32 to vector<1x1408xf32>
    %select_n3A_3069 = arith.select %gt3A_3063, %broadcast_in_dim3A_3068, %get3A_3066 : vector<1x1408xi1>, vector<1x1408xf32>
    %swap3A_3070 = arith.constant 0 : index
    %swap3A_3071 = arith.constant 3712 : index
    %swap3A_3072 = vector.load %arg1[%swap3A_3070, %swap3A_3071] : memref<1x5120xf32, #tpu.memory_space<vmem>>, vector<1x1408xf32>
    tpu.vector_store %arg1[%swap3A_3070, %swap3A_3071], %select_n3A_3069 {strides = array<i32>} : memref<1x5120xf32, #tpu.memory_space<vmem>>, vector<1x1408xf32>,
    %slice3A_3073 = vector.extract_strided_slice %get3A_1 {offsets = [0, 3712], sizes = [8, 128], strides = [1, 1]} : vector<8x5120xf32> to vector<8x128xf32>
    %dot_general3A_3074 = arith.constant dense<0.000000e+00> : vector<128x8xf32>
    %dot_general3A_3075 = tpu.matmul %select_n3A, %slice3A_3073, %dot_general3A_3074 {dimension_numbers = #tpu.dot_dimension_numbers<[1], [1], [0], [0], [0, 0, 1, 0], [], []>, precision = #tpu.contract_precision<fp32>, transpose_lhs_hint = false} : vector<128x128xf32>, vector<8x128xf32>, vector<128x8xf32> -> vector<128x8xf32>
    %slice3A_3076 = vector.extract_strided_slice %dot_general3A_3075 {offsets = [0, 0], sizes = [128, 1], strides = [1, 1]} : vector<128x8xf32> to vector<128x1xf32>
    %slice3A_3077 = vector.extract_strided_slice %dot_general3A_3075 {offsets = [0, 1], sizes = [128, 1], strides = [1, 1]} : vector<128x8xf32> to vector<128x1xf32>
    %slice3A_3078 = vector.extract_strided_slice %dot_general3A_3075 {offsets = [0, 2], sizes = [128, 1], strides = [1, 1]} : vector<128x8xf32> to vector<128x1xf32>
    %slice3A_3079 = vector.extract_strided_slice %dot_general3A_3075 {offsets = [0, 3], sizes = [128, 1], strides = [1, 1]} : vector<128x8xf32> to vector<128x1xf32>
    %slice3A_3080 = vector.extract_strided_slice %dot_general3A_3075 {offsets = [0, 4], sizes = [128, 1], strides = [1, 1]} : vector<128x8xf32> to vector<128x1xf32>
    %slice3A_3081 = vector.extract_strided_slice %get3A_1 {offsets = [0, 3712], sizes = [1, 128], strides = [1, 1]} : vector<8x5120xf32> to vector<1x128xf32>
    %slice3A_3082 = vector.extract_strided_slice %get3A_1 {offsets = [1, 3712], sizes = [1, 128], strides = [1, 1]} : vector<8x5120xf32> to vector<1x128xf32>
    %slice3A_3083 = vector.extract_strided_slice %get3A_1 {offsets = [2, 3712], sizes = [1, 128], strides = [1, 1]} : vector<8x5120xf32> to vector<1x128xf32>
    %slice3A_3084 = vector.extract_strided_slice %get3A_1 {offsets = [3, 3712], sizes = [1, 128], strides = [1, 1]} : vector<8x5120xf32> to vector<1x128xf32>
    %slice3A_3085 = vector.extract_strided_slice %get3A_1 {offsets = [4, 3712], sizes = [1, 128], strides = [1, 1]} : vector<8x5120xf32> to vector<1x128xf32>
    %min3A_3086 = vector.broadcast %slice3A_3078 : vector<128x1xf32> to vector<128x128xf32>
    %min3A_3087 = vector.broadcast %slice3A_3083 : vector<1x128xf32> to vector<128x128xf32>
    %min3A_3088 = arith.minimumf %min3A_3086, %min3A_3087 : vector<128x128xf32>
    %max3A_3089 = vector.broadcast %slice3A_3076 : vector<128x1xf32> to vector<128x128xf32>
    %max3A_3090 = vector.broadcast %slice3A_3081 : vector<1x128xf32> to vector<128x128xf32>
    %max3A_3091 = arith.maximumf %max3A_3089, %max3A_3090 : vector<128x128xf32>
    %sub3A_3092 = arith.subf %min3A_3088, %max3A_3091 : vector<128x128xf32>
    %max3A_3093 = arith.constant 0.000000e+00 : f32
    %max3A_3094 = vector.broadcast %max3A_3093 : f32 to vector<128x128xf32>
    %max3A_3095 = arith.maximumf %sub3A_3092, %max3A_3094 : vector<128x128xf32>
    %min3A_3096 = vector.broadcast %slice3A_3079 : vector<128x1xf32> to vector<128x128xf32>
    %min3A_3097 = vector.broadcast %slice3A_3084 : vector<1x128xf32> to vector<128x128xf32>
    %min3A_3098 = arith.minimumf %min3A_3096, %min3A_3097 : vector<128x128xf32>
    %max3A_3099 = vector.broadcast %slice3A_3077 : vector<128x1xf32> to vector<128x128xf32>
    %max3A_3100 = vector.broadcast %slice3A_3082 : vector<1x128xf32> to vector<128x128xf32>
    %max3A_3101 = arith.maximumf %max3A_3099, %max3A_3100 : vector<128x128xf32>
    %sub3A_3102 = arith.subf %min3A_3098, %max3A_3101 : vector<128x128xf32>
    %max3A_3103 = arith.constant 0.000000e+00 : f32
    %max3A_3104 = vector.broadcast %max3A_3103 : f32 to vector<128x128xf32>
    %max3A_3105 = arith.maximumf %sub3A_3102, %max3A_3104 : vector<128x128xf32>
    %mul3A_3106 = arith.mulf %max3A_3095, %max3A_3105 : vector<128x128xf32>
    %mul3A_3107 = arith.constant 3.000000e+00 : f32
    %mul3A_3108 = vector.broadcast %mul3A_3107 : f32 to vector<128x128xf32>
    %mul3A_3109 = arith.mulf %mul3A_3106, %mul3A_3108 : vector<128x128xf32>
    %add3A_3110 = vector.broadcast %slice3A_3080 : vector<128x1xf32> to vector<128x128xf32>
    %add3A_3111 = vector.broadcast %slice3A_3085 : vector<1x128xf32> to vector<128x128xf32>
    %add3A_3112 = arith.addf %add3A_3110, %add3A_3111 : vector<128x128xf32>
    %gt3A_3113 = arith.cmpf ogt, %mul3A_3109, %add3A_3112 : vector<128x128xf32>
    %and3A_3114 = arith.andi %gt3A_3113, %gt3A : vector<128x128xi1>
    %jit3A_3115 = arith.constant 1.000000e+00 : f32
    %jit3A_3116 = arith.constant 0.000000e+00 : f32
    %broadcast_in_dim3A_3117 = vector.broadcast %jit3A_3115 : f32 to vector<128x128xf32>
    %broadcast_in_dim3A_3118 = vector.broadcast %jit3A_3116 : f32 to vector<128x128xf32>
    %select_n3A_3119 = arith.select %and3A_3114, %broadcast_in_dim3A_3117, %broadcast_in_dim3A_3118 : vector<128x128xi1>, vector<128x128xf32>
    %get3A_3120 = arith.constant 0 : index
    %get3A_3121 = arith.constant 3712 : index
    %get3A_3122 = vector.load %arg1[%get3A_3120, %get3A_3121] : memref<1x5120xf32, #tpu.memory_space<vmem>>, vector<1x128xf32>
    %while3A_3123 = arith.constant true
    %while3A_3124:2 = scf.while (%while3A_4188 = %get3A_3122, %while3A_4189 = %while3A_3123) : (vector<1x128xf32>, i1) -> (vector<1x128xf32>, i1) {
      scf.condition(%while3A_4189) %while3A_4188, %while3A_4189 : vector<1x128xf32>, i1
    } do {
    ^bb0(%while3A_4188: vector<1x128xf32>, %while3A_4189: i1):
      %dot_general3A_4190 = arith.constant dense<0.000000e+00> : vector<1x128xf32>
      %dot_general3A_4191 = tpu.matmul %while3A_4188, %select_n3A_3119, %dot_general3A_4190 {dimension_numbers = #tpu.dot_dimension_numbers<[1], [0], [0], [1], [0, 0, 1, 1], [], []>, transpose_lhs_hint = false} : vector<1x128xf32>, vector<128x128xf32>, vector<1x128xf32> -> vector<1x128xf32>
      %gt3A_4192 = arith.constant 5.000000e-01 : f32
      %gt3A_4193 = vector.broadcast %gt3A_4192 : f32 to vector<1x128xf32>
      %gt3A_4194 = arith.cmpf ogt, %dot_general3A_4191, %gt3A_4193 : vector<1x128xf32>
      %jit3A_4195 = arith.constant 0.000000e+00 : f32
      %broadcast_in_dim3A_4196 = vector.broadcast %jit3A_4195 : f32 to vector<1x128xf32>
      %select_n3A_4197 = arith.select %gt3A_4194, %broadcast_in_dim3A_4196, %get3A_3122 : vector<1x128xi1>, vector<1x128xf32>
      %dot_general3A_4198 = arith.constant dense<0.000000e+00> : vector<1x128xf32>
      %dot_general3A_4199 = tpu.matmul %select_n3A_4197, %select_n3A_3119, %dot_general3A_4198 {dimension_numbers = #tpu.dot_dimension_numbers<[1], [0], [0], [1], [0, 0, 1, 1], [], []>, transpose_lhs_hint = false} : vector<1x128xf32>, vector<128x128xf32>, vector<1x128xf32> -> vector<1x128xf32>
      %gt3A_4200 = arith.constant 5.000000e-01 : f32
      %gt3A_4201 = vector.broadcast %gt3A_4200 : f32 to vector<1x128xf32>
      %gt3A_4202 = arith.cmpf ogt, %dot_general3A_4199, %gt3A_4201 : vector<1x128xf32>
      %jit3A_4203 = arith.constant 0.000000e+00 : f32
      %broadcast_in_dim3A_4204 = vector.broadcast %jit3A_4203 : f32 to vector<1x128xf32>
      %select_n3A_4205 = arith.select %gt3A_4202, %broadcast_in_dim3A_4204, %get3A_3122 : vector<1x128xi1>, vector<1x128xf32>
      %sub3A_4206 = arith.subf %select_n3A_4205, %select_n3A_4197 : vector<1x128xf32>
      %abs3A = math.absf %sub3A_4206 : vector<1x128xf32>
      %reduce_sum3A = vector.shape_cast %abs3A : vector<1x128xf32> to vector<1x1x128xf32>
      %reduce_sum3A_4207 = arith.constant dense<0.000000e+00> : vector<1xf32>
      %reduce_sum3A_4208 = vector.multi_reduction <add>, %reduce_sum3A, %reduce_sum3A_4207 [1, 2] : vector<1x1x128xf32> to vector<1xf32>
      %reduce_sum3A_4209 = vector.shape_cast %reduce_sum3A_4208 : vector<1xf32> to vector<1x1x1xf32>
      %reduce_sum3A_4210 = vector.extract %reduce_sum3A_4209[0, 0, 0] : f32 from vector<1x1x1xf32>
      %gt3A_4211 = arith.constant 0.000000e+00 : f32
      %gt3A_4212 = arith.cmpf ogt, %reduce_sum3A_4210, %gt3A_4211 : f32
      scf.yield %select_n3A_4205, %gt3A_4212 : vector<1x128xf32>, i1
    }
    %swap3A_3125 = arith.constant 0 : index
    %swap3A_3126 = arith.constant 3712 : index
    %swap3A_3127 = vector.load %arg1[%swap3A_3125, %swap3A_3126] : memref<1x5120xf32, #tpu.memory_space<vmem>>, vector<1x128xf32>
    tpu.vector_store %arg1[%swap3A_3125, %swap3A_3126], %while3A_3124#0 {strides = array<i32>} : memref<1x5120xf32, #tpu.memory_space<vmem>>, vector<1x128xf32>,
    %slice3A_3128 = vector.extract_strided_slice %get3A_1 {offsets = [0, 3840], sizes = [1, 1280], strides = [1, 1]} : vector<8x5120xf32> to vector<1x1280xf32>
    %slice3A_3129 = vector.extract_strided_slice %get3A_1 {offsets = [1, 3840], sizes = [1, 1280], strides = [1, 1]} : vector<8x5120xf32> to vector<1x1280xf32>
    %slice3A_3130 = vector.extract_strided_slice %get3A_1 {offsets = [2, 3840], sizes = [1, 1280], strides = [1, 1]} : vector<8x5120xf32> to vector<1x1280xf32>
    %slice3A_3131 = vector.extract_strided_slice %get3A_1 {offsets = [3, 3840], sizes = [1, 1280], strides = [1, 1]} : vector<8x5120xf32> to vector<1x1280xf32>
    %slice3A_3132 = vector.extract_strided_slice %get3A_1 {offsets = [4, 3840], sizes = [1, 1280], strides = [1, 1]} : vector<8x5120xf32> to vector<1x1280xf32>
    %min3A_3133 = vector.broadcast %slice3A_3078 : vector<128x1xf32> to vector<128x1280xf32>
    %min3A_3134 = vector.broadcast %slice3A_3130 : vector<1x1280xf32> to vector<128x1280xf32>
    %min3A_3135 = arith.minimumf %min3A_3133, %min3A_3134 : vector<128x1280xf32>
    %max3A_3136 = vector.broadcast %slice3A_3076 : vector<128x1xf32> to vector<128x1280xf32>
    %max3A_3137 = vector.broadcast %slice3A_3128 : vector<1x1280xf32> to vector<128x1280xf32>
    %max3A_3138 = arith.maximumf %max3A_3136, %max3A_3137 : vector<128x1280xf32>
    %sub3A_3139 = arith.subf %min3A_3135, %max3A_3138 : vector<128x1280xf32>
    %max3A_3140 = arith.constant 0.000000e+00 : f32
    %max3A_3141 = vector.broadcast %max3A_3140 : f32 to vector<128x1280xf32>
    %max3A_3142 = arith.maximumf %sub3A_3139, %max3A_3141 : vector<128x1280xf32>
    %min3A_3143 = vector.broadcast %slice3A_3079 : vector<128x1xf32> to vector<128x1280xf32>
    %min3A_3144 = vector.broadcast %slice3A_3131 : vector<1x1280xf32> to vector<128x1280xf32>
    %min3A_3145 = arith.minimumf %min3A_3143, %min3A_3144 : vector<128x1280xf32>
    %max3A_3146 = vector.broadcast %slice3A_3077 : vector<128x1xf32> to vector<128x1280xf32>
    %max3A_3147 = vector.broadcast %slice3A_3129 : vector<1x1280xf32> to vector<128x1280xf32>
    %max3A_3148 = arith.maximumf %max3A_3146, %max3A_3147 : vector<128x1280xf32>
    %sub3A_3149 = arith.subf %min3A_3145, %max3A_3148 : vector<128x1280xf32>
    %max3A_3150 = arith.constant 0.000000e+00 : f32
    %max3A_3151 = vector.broadcast %max3A_3150 : f32 to vector<128x1280xf32>
    %max3A_3152 = arith.maximumf %sub3A_3149, %max3A_3151 : vector<128x1280xf32>
    %mul3A_3153 = arith.mulf %max3A_3142, %max3A_3152 : vector<128x1280xf32>
    %mul3A_3154 = arith.constant 3.000000e+00 : f32
    %mul3A_3155 = vector.broadcast %mul3A_3154 : f32 to vector<128x1280xf32>
    %mul3A_3156 = arith.mulf %mul3A_3153, %mul3A_3155 : vector<128x1280xf32>
    %add3A_3157 = vector.broadcast %slice3A_3080 : vector<128x1xf32> to vector<128x1280xf32>
    %add3A_3158 = vector.broadcast %slice3A_3132 : vector<1x1280xf32> to vector<128x1280xf32>
    %add3A_3159 = arith.addf %add3A_3157, %add3A_3158 : vector<128x1280xf32>
    %gt3A_3160 = arith.cmpf ogt, %mul3A_3156, %add3A_3159 : vector<128x1280xf32>
    %convert_element_type3A_3161 = arith.extui %gt3A_3160 : vector<128x1280xi1> to vector<128x1280xi32>
    %convert_element_type3A_3162 = arith.sitofp %convert_element_type3A_3161 : vector<128x1280xi32> to vector<128x1280xf32>
    %convert_element_type3A_3163 = arith.truncf %convert_element_type3A_3162 : vector<128x1280xf32> to vector<128x1280xbf16>
    %convert_element_type3A_3164 = arith.truncf %while3A_3124#0 : vector<1x128xf32> to vector<1x128xbf16>
    %dot_general3A_3165 = arith.constant dense<0.000000e+00> : vector<1x1280xf32>
    %dot_general3A_3166 = tpu.matmul %convert_element_type3A_3164, %convert_element_type3A_3163, %dot_general3A_3165 {dimension_numbers = #tpu.dot_dimension_numbers<[1], [0], [0], [1], [0, 0, 1, 1], [], []>, transpose_lhs_hint = false} : vector<1x128xbf16>, vector<128x1280xbf16>, vector<1x1280xf32> -> vector<1x1280xf32>
    %gt3A_3167 = arith.constant 5.000000e-01 : f32
    %gt3A_3168 = vector.broadcast %gt3A_3167 : f32 to vector<1x1280xf32>
    %gt3A_3169 = arith.cmpf ogt, %dot_general3A_3166, %gt3A_3168 : vector<1x1280xf32>
    %get3A_3170 = arith.constant 0 : index
    %get3A_3171 = arith.constant 3840 : index
    %get3A_3172 = vector.load %arg1[%get3A_3170, %get3A_3171] : memref<1x5120xf32, #tpu.memory_space<vmem>>, vector<1x1280xf32>
    %jit3A_3173 = arith.constant 0.000000e+00 : f32
    %broadcast_in_dim3A_3174 = vector.broadcast %jit3A_3173 : f32 to vector<1x1280xf32>
    %select_n3A_3175 = arith.select %gt3A_3169, %broadcast_in_dim3A_3174, %get3A_3172 : vector<1x1280xi1>, vector<1x1280xf32>
    %swap3A_3176 = arith.constant 0 : index
    %swap3A_3177 = arith.constant 3840 : index
    %swap3A_3178 = vector.load %arg1[%swap3A_3176, %swap3A_3177] : memref<1x5120xf32, #tpu.memory_space<vmem>>, vector<1x1280xf32>
    tpu.vector_store %arg1[%swap3A_3176, %swap3A_3177], %select_n3A_3175 {strides = array<i32>} : memref<1x5120xf32, #tpu.memory_space<vmem>>, vector<1x1280xf32>,
    %slice3A_3179 = vector.extract_strided_slice %get3A_1 {offsets = [0, 3840], sizes = [8, 128], strides = [1, 1]} : vector<8x5120xf32> to vector<8x128xf32>
    %dot_general3A_3180 = arith.constant dense<0.000000e+00> : vector<128x8xf32>
    %dot_general3A_3181 = tpu.matmul %select_n3A, %slice3A_3179, %dot_general3A_3180 {dimension_numbers = #tpu.dot_dimension_numbers<[1], [1], [0], [0], [0, 0, 1, 0], [], []>, precision = #tpu.contract_precision<fp32>, transpose_lhs_hint = false} : vector<128x128xf32>, vector<8x128xf32>, vector<128x8xf32> -> vector<128x8xf32>
    %slice3A_3182 = vector.extract_strided_slice %dot_general3A_3181 {offsets = [0, 0], sizes = [128, 1], strides = [1, 1]} : vector<128x8xf32> to vector<128x1xf32>
    %slice3A_3183 = vector.extract_strided_slice %dot_general3A_3181 {offsets = [0, 1], sizes = [128, 1], strides = [1, 1]} : vector<128x8xf32> to vector<128x1xf32>
    %slice3A_3184 = vector.extract_strided_slice %dot_general3A_3181 {offsets = [0, 2], sizes = [128, 1], strides = [1, 1]} : vector<128x8xf32> to vector<128x1xf32>
    %slice3A_3185 = vector.extract_strided_slice %dot_general3A_3181 {offsets = [0, 3], sizes = [128, 1], strides = [1, 1]} : vector<128x8xf32> to vector<128x1xf32>
    %slice3A_3186 = vector.extract_strided_slice %dot_general3A_3181 {offsets = [0, 4], sizes = [128, 1], strides = [1, 1]} : vector<128x8xf32> to vector<128x1xf32>
    %slice3A_3187 = vector.extract_strided_slice %get3A_1 {offsets = [0, 3840], sizes = [1, 128], strides = [1, 1]} : vector<8x5120xf32> to vector<1x128xf32>
    %slice3A_3188 = vector.extract_strided_slice %get3A_1 {offsets = [1, 3840], sizes = [1, 128], strides = [1, 1]} : vector<8x5120xf32> to vector<1x128xf32>
    %slice3A_3189 = vector.extract_strided_slice %get3A_1 {offsets = [2, 3840], sizes = [1, 128], strides = [1, 1]} : vector<8x5120xf32> to vector<1x128xf32>
    %slice3A_3190 = vector.extract_strided_slice %get3A_1 {offsets = [3, 3840], sizes = [1, 128], strides = [1, 1]} : vector<8x5120xf32> to vector<1x128xf32>
    %slice3A_3191 = vector.extract_strided_slice %get3A_1 {offsets = [4, 3840], sizes = [1, 128], strides = [1, 1]} : vector<8x5120xf32> to vector<1x128xf32>
    %min3A_3192 = vector.broadcast %slice3A_3184 : vector<128x1xf32> to vector<128x128xf32>
    %min3A_3193 = vector.broadcast %slice3A_3189 : vector<1x128xf32> to vector<128x128xf32>
    %min3A_3194 = arith.minimumf %min3A_3192, %min3A_3193 : vector<128x128xf32>
    %max3A_3195 = vector.broadcast %slice3A_3182 : vector<128x1xf32> to vector<128x128xf32>
    %max3A_3196 = vector.broadcast %slice3A_3187 : vector<1x128xf32> to vector<128x128xf32>
    %max3A_3197 = arith.maximumf %max3A_3195, %max3A_3196 : vector<128x128xf32>
    %sub3A_3198 = arith.subf %min3A_3194, %max3A_3197 : vector<128x128xf32>
    %max3A_3199 = arith.constant 0.000000e+00 : f32
    %max3A_3200 = vector.broadcast %max3A_3199 : f32 to vector<128x128xf32>
    %max3A_3201 = arith.maximumf %sub3A_3198, %max3A_3200 : vector<128x128xf32>
    %min3A_3202 = vector.broadcast %slice3A_3185 : vector<128x1xf32> to vector<128x128xf32>
    %min3A_3203 = vector.broadcast %slice3A_3190 : vector<1x128xf32> to vector<128x128xf32>
    %min3A_3204 = arith.minimumf %min3A_3202, %min3A_3203 : vector<128x128xf32>
    %max3A_3205 = vector.broadcast %slice3A_3183 : vector<128x1xf32> to vector<128x128xf32>
    %max3A_3206 = vector.broadcast %slice3A_3188 : vector<1x128xf32> to vector<128x128xf32>
    %max3A_3207 = arith.maximumf %max3A_3205, %max3A_3206 : vector<128x128xf32>
    %sub3A_3208 = arith.subf %min3A_3204, %max3A_3207 : vector<128x128xf32>
    %max3A_3209 = arith.constant 0.000000e+00 : f32
    %max3A_3210 = vector.broadcast %max3A_3209 : f32 to vector<128x128xf32>
    %max3A_3211 = arith.maximumf %sub3A_3208, %max3A_3210 : vector<128x128xf32>
    %mul3A_3212 = arith.mulf %max3A_3201, %max3A_3211 : vector<128x128xf32>
    %mul3A_3213 = arith.constant 3.000000e+00 : f32
    %mul3A_3214 = vector.broadcast %mul3A_3213 : f32 to vector<128x128xf32>
    %mul3A_3215 = arith.mulf %mul3A_3212, %mul3A_3214 : vector<128x128xf32>
    %add3A_3216 = vector.broadcast %slice3A_3186 : vector<128x1xf32> to vector<128x128xf32>
    %add3A_3217 = vector.broadcast %slice3A_3191 : vector<1x128xf32> to vector<128x128xf32>
    %add3A_3218 = arith.addf %add3A_3216, %add3A_3217 : vector<128x128xf32>
    %gt3A_3219 = arith.cmpf ogt, %mul3A_3215, %add3A_3218 : vector<128x128xf32>
    %and3A_3220 = arith.andi %gt3A_3219, %gt3A : vector<128x128xi1>
    %jit3A_3221 = arith.constant 1.000000e+00 : f32
    %jit3A_3222 = arith.constant 0.000000e+00 : f32
    %broadcast_in_dim3A_3223 = vector.broadcast %jit3A_3221 : f32 to vector<128x128xf32>
    %broadcast_in_dim3A_3224 = vector.broadcast %jit3A_3222 : f32 to vector<128x128xf32>
    %select_n3A_3225 = arith.select %and3A_3220, %broadcast_in_dim3A_3223, %broadcast_in_dim3A_3224 : vector<128x128xi1>, vector<128x128xf32>
    %get3A_3226 = arith.constant 0 : index
    %get3A_3227 = arith.constant 3840 : index
    %get3A_3228 = vector.load %arg1[%get3A_3226, %get3A_3227] : memref<1x5120xf32, #tpu.memory_space<vmem>>, vector<1x128xf32>
    %while3A_3229 = arith.constant true
    %while3A_3230:2 = scf.while (%while3A_4188 = %get3A_3228, %while3A_4189 = %while3A_3229) : (vector<1x128xf32>, i1) -> (vector<1x128xf32>, i1) {
      scf.condition(%while3A_4189) %while3A_4188, %while3A_4189 : vector<1x128xf32>, i1
    } do {
    ^bb0(%while3A_4188: vector<1x128xf32>, %while3A_4189: i1):
      %dot_general3A_4190 = arith.constant dense<0.000000e+00> : vector<1x128xf32>
      %dot_general3A_4191 = tpu.matmul %while3A_4188, %select_n3A_3225, %dot_general3A_4190 {dimension_numbers = #tpu.dot_dimension_numbers<[1], [0], [0], [1], [0, 0, 1, 1], [], []>, transpose_lhs_hint = false} : vector<1x128xf32>, vector<128x128xf32>, vector<1x128xf32> -> vector<1x128xf32>
      %gt3A_4192 = arith.constant 5.000000e-01 : f32
      %gt3A_4193 = vector.broadcast %gt3A_4192 : f32 to vector<1x128xf32>
      %gt3A_4194 = arith.cmpf ogt, %dot_general3A_4191, %gt3A_4193 : vector<1x128xf32>
      %jit3A_4195 = arith.constant 0.000000e+00 : f32
      %broadcast_in_dim3A_4196 = vector.broadcast %jit3A_4195 : f32 to vector<1x128xf32>
      %select_n3A_4197 = arith.select %gt3A_4194, %broadcast_in_dim3A_4196, %get3A_3228 : vector<1x128xi1>, vector<1x128xf32>
      %dot_general3A_4198 = arith.constant dense<0.000000e+00> : vector<1x128xf32>
      %dot_general3A_4199 = tpu.matmul %select_n3A_4197, %select_n3A_3225, %dot_general3A_4198 {dimension_numbers = #tpu.dot_dimension_numbers<[1], [0], [0], [1], [0, 0, 1, 1], [], []>, transpose_lhs_hint = false} : vector<1x128xf32>, vector<128x128xf32>, vector<1x128xf32> -> vector<1x128xf32>
      %gt3A_4200 = arith.constant 5.000000e-01 : f32
      %gt3A_4201 = vector.broadcast %gt3A_4200 : f32 to vector<1x128xf32>
      %gt3A_4202 = arith.cmpf ogt, %dot_general3A_4199, %gt3A_4201 : vector<1x128xf32>
      %jit3A_4203 = arith.constant 0.000000e+00 : f32
      %broadcast_in_dim3A_4204 = vector.broadcast %jit3A_4203 : f32 to vector<1x128xf32>
      %select_n3A_4205 = arith.select %gt3A_4202, %broadcast_in_dim3A_4204, %get3A_3228 : vector<1x128xi1>, vector<1x128xf32>
      %sub3A_4206 = arith.subf %select_n3A_4205, %select_n3A_4197 : vector<1x128xf32>
      %abs3A = math.absf %sub3A_4206 : vector<1x128xf32>
      %reduce_sum3A = vector.shape_cast %abs3A : vector<1x128xf32> to vector<1x1x128xf32>
      %reduce_sum3A_4207 = arith.constant dense<0.000000e+00> : vector<1xf32>
      %reduce_sum3A_4208 = vector.multi_reduction <add>, %reduce_sum3A, %reduce_sum3A_4207 [1, 2] : vector<1x1x128xf32> to vector<1xf32>
      %reduce_sum3A_4209 = vector.shape_cast %reduce_sum3A_4208 : vector<1xf32> to vector<1x1x1xf32>
      %reduce_sum3A_4210 = vector.extract %reduce_sum3A_4209[0, 0, 0] : f32 from vector<1x1x1xf32>
      %gt3A_4211 = arith.constant 0.000000e+00 : f32
      %gt3A_4212 = arith.cmpf ogt, %reduce_sum3A_4210, %gt3A_4211 : f32
      scf.yield %select_n3A_4205, %gt3A_4212 : vector<1x128xf32>, i1
    }
    %swap3A_3231 = arith.constant 0 : index
    %swap3A_3232 = arith.constant 3840 : index
    %swap3A_3233 = vector.load %arg1[%swap3A_3231, %swap3A_3232] : memref<1x5120xf32, #tpu.memory_space<vmem>>, vector<1x128xf32>
    tpu.vector_store %arg1[%swap3A_3231, %swap3A_3232], %while3A_3230#0 {strides = array<i32>} : memref<1x5120xf32, #tpu.memory_space<vmem>>, vector<1x128xf32>,
    %slice3A_3234 = vector.extract_strided_slice %get3A_1 {offsets = [0, 3968], sizes = [1, 1152], strides = [1, 1]} : vector<8x5120xf32> to vector<1x1152xf32>
    %slice3A_3235 = vector.extract_strided_slice %get3A_1 {offsets = [1, 3968], sizes = [1, 1152], strides = [1, 1]} : vector<8x5120xf32> to vector<1x1152xf32>
    %slice3A_3236 = vector.extract_strided_slice %get3A_1 {offsets = [2, 3968], sizes = [1, 1152], strides = [1, 1]} : vector<8x5120xf32> to vector<1x1152xf32>
    %slice3A_3237 = vector.extract_strided_slice %get3A_1 {offsets = [3, 3968], sizes = [1, 1152], strides = [1, 1]} : vector<8x5120xf32> to vector<1x1152xf32>
    %slice3A_3238 = vector.extract_strided_slice %get3A_1 {offsets = [4, 3968], sizes = [1, 1152], strides = [1, 1]} : vector<8x5120xf32> to vector<1x1152xf32>
    %min3A_3239 = vector.broadcast %slice3A_3184 : vector<128x1xf32> to vector<128x1152xf32>
    %min3A_3240 = vector.broadcast %slice3A_3236 : vector<1x1152xf32> to vector<128x1152xf32>
    %min3A_3241 = arith.minimumf %min3A_3239, %min3A_3240 : vector<128x1152xf32>
    %max3A_3242 = vector.broadcast %slice3A_3182 : vector<128x1xf32> to vector<128x1152xf32>
    %max3A_3243 = vector.broadcast %slice3A_3234 : vector<1x1152xf32> to vector<128x1152xf32>
    %max3A_3244 = arith.maximumf %max3A_3242, %max3A_3243 : vector<128x1152xf32>
    %sub3A_3245 = arith.subf %min3A_3241, %max3A_3244 : vector<128x1152xf32>
    %max3A_3246 = arith.constant 0.000000e+00 : f32
    %max3A_3247 = vector.broadcast %max3A_3246 : f32 to vector<128x1152xf32>
    %max3A_3248 = arith.maximumf %sub3A_3245, %max3A_3247 : vector<128x1152xf32>
    %min3A_3249 = vector.broadcast %slice3A_3185 : vector<128x1xf32> to vector<128x1152xf32>
    %min3A_3250 = vector.broadcast %slice3A_3237 : vector<1x1152xf32> to vector<128x1152xf32>
    %min3A_3251 = arith.minimumf %min3A_3249, %min3A_3250 : vector<128x1152xf32>
    %max3A_3252 = vector.broadcast %slice3A_3183 : vector<128x1xf32> to vector<128x1152xf32>
    %max3A_3253 = vector.broadcast %slice3A_3235 : vector<1x1152xf32> to vector<128x1152xf32>
    %max3A_3254 = arith.maximumf %max3A_3252, %max3A_3253 : vector<128x1152xf32>
    %sub3A_3255 = arith.subf %min3A_3251, %max3A_3254 : vector<128x1152xf32>
    %max3A_3256 = arith.constant 0.000000e+00 : f32
    %max3A_3257 = vector.broadcast %max3A_3256 : f32 to vector<128x1152xf32>
    %max3A_3258 = arith.maximumf %sub3A_3255, %max3A_3257 : vector<128x1152xf32>
    %mul3A_3259 = arith.mulf %max3A_3248, %max3A_3258 : vector<128x1152xf32>
    %mul3A_3260 = arith.constant 3.000000e+00 : f32
    %mul3A_3261 = vector.broadcast %mul3A_3260 : f32 to vector<128x1152xf32>
    %mul3A_3262 = arith.mulf %mul3A_3259, %mul3A_3261 : vector<128x1152xf32>
    %add3A_3263 = vector.broadcast %slice3A_3186 : vector<128x1xf32> to vector<128x1152xf32>
    %add3A_3264 = vector.broadcast %slice3A_3238 : vector<1x1152xf32> to vector<128x1152xf32>
    %add3A_3265 = arith.addf %add3A_3263, %add3A_3264 : vector<128x1152xf32>
    %gt3A_3266 = arith.cmpf ogt, %mul3A_3262, %add3A_3265 : vector<128x1152xf32>
    %convert_element_type3A_3267 = arith.extui %gt3A_3266 : vector<128x1152xi1> to vector<128x1152xi32>
    %convert_element_type3A_3268 = arith.sitofp %convert_element_type3A_3267 : vector<128x1152xi32> to vector<128x1152xf32>
    %convert_element_type3A_3269 = arith.truncf %convert_element_type3A_3268 : vector<128x1152xf32> to vector<128x1152xbf16>
    %convert_element_type3A_3270 = arith.truncf %while3A_3230#0 : vector<1x128xf32> to vector<1x128xbf16>
    %dot_general3A_3271 = arith.constant dense<0.000000e+00> : vector<1x1152xf32>
    %dot_general3A_3272 = tpu.matmul %convert_element_type3A_3270, %convert_element_type3A_3269, %dot_general3A_3271 {dimension_numbers = #tpu.dot_dimension_numbers<[1], [0], [0], [1], [0, 0, 1, 1], [], []>, transpose_lhs_hint = false} : vector<1x128xbf16>, vector<128x1152xbf16>, vector<1x1152xf32> -> vector<1x1152xf32>
    %gt3A_3273 = arith.constant 5.000000e-01 : f32
    %gt3A_3274 = vector.broadcast %gt3A_3273 : f32 to vector<1x1152xf32>
    %gt3A_3275 = arith.cmpf ogt, %dot_general3A_3272, %gt3A_3274 : vector<1x1152xf32>
    %get3A_3276 = arith.constant 0 : index
    %get3A_3277 = arith.constant 3968 : index
    %get3A_3278 = vector.load %arg1[%get3A_3276, %get3A_3277] : memref<1x5120xf32, #tpu.memory_space<vmem>>, vector<1x1152xf32>
    %jit3A_3279 = arith.constant 0.000000e+00 : f32
    %broadcast_in_dim3A_3280 = vector.broadcast %jit3A_3279 : f32 to vector<1x1152xf32>
    %select_n3A_3281 = arith.select %gt3A_3275, %broadcast_in_dim3A_3280, %get3A_3278 : vector<1x1152xi1>, vector<1x1152xf32>
    %swap3A_3282 = arith.constant 0 : index
    %swap3A_3283 = arith.constant 3968 : index
    %swap3A_3284 = vector.load %arg1[%swap3A_3282, %swap3A_3283] : memref<1x5120xf32, #tpu.memory_space<vmem>>, vector<1x1152xf32>
    tpu.vector_store %arg1[%swap3A_3282, %swap3A_3283], %select_n3A_3281 {strides = array<i32>} : memref<1x5120xf32, #tpu.memory_space<vmem>>, vector<1x1152xf32>,
    %slice3A_3285 = vector.extract_strided_slice %get3A_1 {offsets = [0, 3968], sizes = [8, 128], strides = [1, 1]} : vector<8x5120xf32> to vector<8x128xf32>
    %dot_general3A_3286 = arith.constant dense<0.000000e+00> : vector<128x8xf32>
    %dot_general3A_3287 = tpu.matmul %select_n3A, %slice3A_3285, %dot_general3A_3286 {dimension_numbers = #tpu.dot_dimension_numbers<[1], [1], [0], [0], [0, 0, 1, 0], [], []>, precision = #tpu.contract_precision<fp32>, transpose_lhs_hint = false} : vector<128x128xf32>, vector<8x128xf32>, vector<128x8xf32> -> vector<128x8xf32>
    %slice3A_3288 = vector.extract_strided_slice %dot_general3A_3287 {offsets = [0, 0], sizes = [128, 1], strides = [1, 1]} : vector<128x8xf32> to vector<128x1xf32>
    %slice3A_3289 = vector.extract_strided_slice %dot_general3A_3287 {offsets = [0, 1], sizes = [128, 1], strides = [1, 1]} : vector<128x8xf32> to vector<128x1xf32>
    %slice3A_3290 = vector.extract_strided_slice %dot_general3A_3287 {offsets = [0, 2], sizes = [128, 1], strides = [1, 1]} : vector<128x8xf32> to vector<128x1xf32>
    %slice3A_3291 = vector.extract_strided_slice %dot_general3A_3287 {offsets = [0, 3], sizes = [128, 1], strides = [1, 1]} : vector<128x8xf32> to vector<128x1xf32>
    %slice3A_3292 = vector.extract_strided_slice %dot_general3A_3287 {offsets = [0, 4], sizes = [128, 1], strides = [1, 1]} : vector<128x8xf32> to vector<128x1xf32>
    %slice3A_3293 = vector.extract_strided_slice %get3A_1 {offsets = [0, 3968], sizes = [1, 128], strides = [1, 1]} : vector<8x5120xf32> to vector<1x128xf32>
    %slice3A_3294 = vector.extract_strided_slice %get3A_1 {offsets = [1, 3968], sizes = [1, 128], strides = [1, 1]} : vector<8x5120xf32> to vector<1x128xf32>
    %slice3A_3295 = vector.extract_strided_slice %get3A_1 {offsets = [2, 3968], sizes = [1, 128], strides = [1, 1]} : vector<8x5120xf32> to vector<1x128xf32>
    %slice3A_3296 = vector.extract_strided_slice %get3A_1 {offsets = [3, 3968], sizes = [1, 128], strides = [1, 1]} : vector<8x5120xf32> to vector<1x128xf32>
    %slice3A_3297 = vector.extract_strided_slice %get3A_1 {offsets = [4, 3968], sizes = [1, 128], strides = [1, 1]} : vector<8x5120xf32> to vector<1x128xf32>
    %min3A_3298 = vector.broadcast %slice3A_3290 : vector<128x1xf32> to vector<128x128xf32>
    %min3A_3299 = vector.broadcast %slice3A_3295 : vector<1x128xf32> to vector<128x128xf32>
    %min3A_3300 = arith.minimumf %min3A_3298, %min3A_3299 : vector<128x128xf32>
    %max3A_3301 = vector.broadcast %slice3A_3288 : vector<128x1xf32> to vector<128x128xf32>
    %max3A_3302 = vector.broadcast %slice3A_3293 : vector<1x128xf32> to vector<128x128xf32>
    %max3A_3303 = arith.maximumf %max3A_3301, %max3A_3302 : vector<128x128xf32>
    %sub3A_3304 = arith.subf %min3A_3300, %max3A_3303 : vector<128x128xf32>
    %max3A_3305 = arith.constant 0.000000e+00 : f32
    %max3A_3306 = vector.broadcast %max3A_3305 : f32 to vector<128x128xf32>
    %max3A_3307 = arith.maximumf %sub3A_3304, %max3A_3306 : vector<128x128xf32>
    %min3A_3308 = vector.broadcast %slice3A_3291 : vector<128x1xf32> to vector<128x128xf32>
    %min3A_3309 = vector.broadcast %slice3A_3296 : vector<1x128xf32> to vector<128x128xf32>
    %min3A_3310 = arith.minimumf %min3A_3308, %min3A_3309 : vector<128x128xf32>
    %max3A_3311 = vector.broadcast %slice3A_3289 : vector<128x1xf32> to vector<128x128xf32>
    %max3A_3312 = vector.broadcast %slice3A_3294 : vector<1x128xf32> to vector<128x128xf32>
    %max3A_3313 = arith.maximumf %max3A_3311, %max3A_3312 : vector<128x128xf32>
    %sub3A_3314 = arith.subf %min3A_3310, %max3A_3313 : vector<128x128xf32>
    %max3A_3315 = arith.constant 0.000000e+00 : f32
    %max3A_3316 = vector.broadcast %max3A_3315 : f32 to vector<128x128xf32>
    %max3A_3317 = arith.maximumf %sub3A_3314, %max3A_3316 : vector<128x128xf32>
    %mul3A_3318 = arith.mulf %max3A_3307, %max3A_3317 : vector<128x128xf32>
    %mul3A_3319 = arith.constant 3.000000e+00 : f32
    %mul3A_3320 = vector.broadcast %mul3A_3319 : f32 to vector<128x128xf32>
    %mul3A_3321 = arith.mulf %mul3A_3318, %mul3A_3320 : vector<128x128xf32>
    %add3A_3322 = vector.broadcast %slice3A_3292 : vector<128x1xf32> to vector<128x128xf32>
    %add3A_3323 = vector.broadcast %slice3A_3297 : vector<1x128xf32> to vector<128x128xf32>
    %add3A_3324 = arith.addf %add3A_3322, %add3A_3323 : vector<128x128xf32>
    %gt3A_3325 = arith.cmpf ogt, %mul3A_3321, %add3A_3324 : vector<128x128xf32>
    %and3A_3326 = arith.andi %gt3A_3325, %gt3A : vector<128x128xi1>
    %jit3A_3327 = arith.constant 1.000000e+00 : f32
    %jit3A_3328 = arith.constant 0.000000e+00 : f32
    %broadcast_in_dim3A_3329 = vector.broadcast %jit3A_3327 : f32 to vector<128x128xf32>
    %broadcast_in_dim3A_3330 = vector.broadcast %jit3A_3328 : f32 to vector<128x128xf32>
    %select_n3A_3331 = arith.select %and3A_3326, %broadcast_in_dim3A_3329, %broadcast_in_dim3A_3330 : vector<128x128xi1>, vector<128x128xf32>
    %get3A_3332 = arith.constant 0 : index
    %get3A_3333 = arith.constant 3968 : index
    %get3A_3334 = vector.load %arg1[%get3A_3332, %get3A_3333] : memref<1x5120xf32, #tpu.memory_space<vmem>>, vector<1x128xf32>
    %while3A_3335 = arith.constant true
    %while3A_3336:2 = scf.while (%while3A_4188 = %get3A_3334, %while3A_4189 = %while3A_3335) : (vector<1x128xf32>, i1) -> (vector<1x128xf32>, i1) {
      scf.condition(%while3A_4189) %while3A_4188, %while3A_4189 : vector<1x128xf32>, i1
    } do {
    ^bb0(%while3A_4188: vector<1x128xf32>, %while3A_4189: i1):
      %dot_general3A_4190 = arith.constant dense<0.000000e+00> : vector<1x128xf32>
      %dot_general3A_4191 = tpu.matmul %while3A_4188, %select_n3A_3331, %dot_general3A_4190 {dimension_numbers = #tpu.dot_dimension_numbers<[1], [0], [0], [1], [0, 0, 1, 1], [], []>, transpose_lhs_hint = false} : vector<1x128xf32>, vector<128x128xf32>, vector<1x128xf32> -> vector<1x128xf32>
      %gt3A_4192 = arith.constant 5.000000e-01 : f32
      %gt3A_4193 = vector.broadcast %gt3A_4192 : f32 to vector<1x128xf32>
      %gt3A_4194 = arith.cmpf ogt, %dot_general3A_4191, %gt3A_4193 : vector<1x128xf32>
      %jit3A_4195 = arith.constant 0.000000e+00 : f32
      %broadcast_in_dim3A_4196 = vector.broadcast %jit3A_4195 : f32 to vector<1x128xf32>
      %select_n3A_4197 = arith.select %gt3A_4194, %broadcast_in_dim3A_4196, %get3A_3334 : vector<1x128xi1>, vector<1x128xf32>
      %dot_general3A_4198 = arith.constant dense<0.000000e+00> : vector<1x128xf32>
      %dot_general3A_4199 = tpu.matmul %select_n3A_4197, %select_n3A_3331, %dot_general3A_4198 {dimension_numbers = #tpu.dot_dimension_numbers<[1], [0], [0], [1], [0, 0, 1, 1], [], []>, transpose_lhs_hint = false} : vector<1x128xf32>, vector<128x128xf32>, vector<1x128xf32> -> vector<1x128xf32>
      %gt3A_4200 = arith.constant 5.000000e-01 : f32
      %gt3A_4201 = vector.broadcast %gt3A_4200 : f32 to vector<1x128xf32>
      %gt3A_4202 = arith.cmpf ogt, %dot_general3A_4199, %gt3A_4201 : vector<1x128xf32>
      %jit3A_4203 = arith.constant 0.000000e+00 : f32
      %broadcast_in_dim3A_4204 = vector.broadcast %jit3A_4203 : f32 to vector<1x128xf32>
      %select_n3A_4205 = arith.select %gt3A_4202, %broadcast_in_dim3A_4204, %get3A_3334 : vector<1x128xi1>, vector<1x128xf32>
      %sub3A_4206 = arith.subf %select_n3A_4205, %select_n3A_4197 : vector<1x128xf32>
      %abs3A = math.absf %sub3A_4206 : vector<1x128xf32>
      %reduce_sum3A = vector.shape_cast %abs3A : vector<1x128xf32> to vector<1x1x128xf32>
      %reduce_sum3A_4207 = arith.constant dense<0.000000e+00> : vector<1xf32>
      %reduce_sum3A_4208 = vector.multi_reduction <add>, %reduce_sum3A, %reduce_sum3A_4207 [1, 2] : vector<1x1x128xf32> to vector<1xf32>
      %reduce_sum3A_4209 = vector.shape_cast %reduce_sum3A_4208 : vector<1xf32> to vector<1x1x1xf32>
      %reduce_sum3A_4210 = vector.extract %reduce_sum3A_4209[0, 0, 0] : f32 from vector<1x1x1xf32>
      %gt3A_4211 = arith.constant 0.000000e+00 : f32
      %gt3A_4212 = arith.cmpf ogt, %reduce_sum3A_4210, %gt3A_4211 : f32
      scf.yield %select_n3A_4205, %gt3A_4212 : vector<1x128xf32>, i1
    }
    %swap3A_3337 = arith.constant 0 : index
    %swap3A_3338 = arith.constant 3968 : index
    %swap3A_3339 = vector.load %arg1[%swap3A_3337, %swap3A_3338] : memref<1x5120xf32, #tpu.memory_space<vmem>>, vector<1x128xf32>
    tpu.vector_store %arg1[%swap3A_3337, %swap3A_3338], %while3A_3336#0 {strides = array<i32>} : memref<1x5120xf32, #tpu.memory_space<vmem>>, vector<1x128xf32>,
    %slice3A_3340 = vector.extract_strided_slice %get3A_1 {offsets = [0, 4096], sizes = [1, 1024], strides = [1, 1]} : vector<8x5120xf32> to vector<1x1024xf32>
    %slice3A_3341 = vector.extract_strided_slice %get3A_1 {offsets = [1, 4096], sizes = [1, 1024], strides = [1, 1]} : vector<8x5120xf32> to vector<1x1024xf32>
    %slice3A_3342 = vector.extract_strided_slice %get3A_1 {offsets = [2, 4096], sizes = [1, 1024], strides = [1, 1]} : vector<8x5120xf32> to vector<1x1024xf32>
    %slice3A_3343 = vector.extract_strided_slice %get3A_1 {offsets = [3, 4096], sizes = [1, 1024], strides = [1, 1]} : vector<8x5120xf32> to vector<1x1024xf32>
    %slice3A_3344 = vector.extract_strided_slice %get3A_1 {offsets = [4, 4096], sizes = [1, 1024], strides = [1, 1]} : vector<8x5120xf32> to vector<1x1024xf32>
    %min3A_3345 = vector.broadcast %slice3A_3290 : vector<128x1xf32> to vector<128x1024xf32>
    %min3A_3346 = vector.broadcast %slice3A_3342 : vector<1x1024xf32> to vector<128x1024xf32>
    %min3A_3347 = arith.minimumf %min3A_3345, %min3A_3346 : vector<128x1024xf32>
    %max3A_3348 = vector.broadcast %slice3A_3288 : vector<128x1xf32> to vector<128x1024xf32>
    %max3A_3349 = vector.broadcast %slice3A_3340 : vector<1x1024xf32> to vector<128x1024xf32>
    %max3A_3350 = arith.maximumf %max3A_3348, %max3A_3349 : vector<128x1024xf32>
    %sub3A_3351 = arith.subf %min3A_3347, %max3A_3350 : vector<128x1024xf32>
    %max3A_3352 = arith.constant 0.000000e+00 : f32
    %max3A_3353 = vector.broadcast %max3A_3352 : f32 to vector<128x1024xf32>
    %max3A_3354 = arith.maximumf %sub3A_3351, %max3A_3353 : vector<128x1024xf32>
    %min3A_3355 = vector.broadcast %slice3A_3291 : vector<128x1xf32> to vector<128x1024xf32>
    %min3A_3356 = vector.broadcast %slice3A_3343 : vector<1x1024xf32> to vector<128x1024xf32>
    %min3A_3357 = arith.minimumf %min3A_3355, %min3A_3356 : vector<128x1024xf32>
    %max3A_3358 = vector.broadcast %slice3A_3289 : vector<128x1xf32> to vector<128x1024xf32>
    %max3A_3359 = vector.broadcast %slice3A_3341 : vector<1x1024xf32> to vector<128x1024xf32>
    %max3A_3360 = arith.maximumf %max3A_3358, %max3A_3359 : vector<128x1024xf32>
    %sub3A_3361 = arith.subf %min3A_3357, %max3A_3360 : vector<128x1024xf32>
    %max3A_3362 = arith.constant 0.000000e+00 : f32
    %max3A_3363 = vector.broadcast %max3A_3362 : f32 to vector<128x1024xf32>
    %max3A_3364 = arith.maximumf %sub3A_3361, %max3A_3363 : vector<128x1024xf32>
    %mul3A_3365 = arith.mulf %max3A_3354, %max3A_3364 : vector<128x1024xf32>
    %mul3A_3366 = arith.constant 3.000000e+00 : f32
    %mul3A_3367 = vector.broadcast %mul3A_3366 : f32 to vector<128x1024xf32>
    %mul3A_3368 = arith.mulf %mul3A_3365, %mul3A_3367 : vector<128x1024xf32>
    %add3A_3369 = vector.broadcast %slice3A_3292 : vector<128x1xf32> to vector<128x1024xf32>
    %add3A_3370 = vector.broadcast %slice3A_3344 : vector<1x1024xf32> to vector<128x1024xf32>
    %add3A_3371 = arith.addf %add3A_3369, %add3A_3370 : vector<128x1024xf32>
    %gt3A_3372 = arith.cmpf ogt, %mul3A_3368, %add3A_3371 : vector<128x1024xf32>
    %convert_element_type3A_3373 = arith.extui %gt3A_3372 : vector<128x1024xi1> to vector<128x1024xi32>
    %convert_element_type3A_3374 = arith.sitofp %convert_element_type3A_3373 : vector<128x1024xi32> to vector<128x1024xf32>
    %convert_element_type3A_3375 = arith.truncf %convert_element_type3A_3374 : vector<128x1024xf32> to vector<128x1024xbf16>
    %convert_element_type3A_3376 = arith.truncf %while3A_3336#0 : vector<1x128xf32> to vector<1x128xbf16>
    %dot_general3A_3377 = arith.constant dense<0.000000e+00> : vector<1x1024xf32>
    %dot_general3A_3378 = tpu.matmul %convert_element_type3A_3376, %convert_element_type3A_3375, %dot_general3A_3377 {dimension_numbers = #tpu.dot_dimension_numbers<[1], [0], [0], [1], [0, 0, 1, 1], [], []>, transpose_lhs_hint = false} : vector<1x128xbf16>, vector<128x1024xbf16>, vector<1x1024xf32> -> vector<1x1024xf32>
    %gt3A_3379 = arith.constant 5.000000e-01 : f32
    %gt3A_3380 = vector.broadcast %gt3A_3379 : f32 to vector<1x1024xf32>
    %gt3A_3381 = arith.cmpf ogt, %dot_general3A_3378, %gt3A_3380 : vector<1x1024xf32>
    %get3A_3382 = arith.constant 0 : index
    %get3A_3383 = arith.constant 4096 : index
    %get3A_3384 = vector.load %arg1[%get3A_3382, %get3A_3383] : memref<1x5120xf32, #tpu.memory_space<vmem>>, vector<1x1024xf32>
    %jit3A_3385 = arith.constant 0.000000e+00 : f32
    %broadcast_in_dim3A_3386 = vector.broadcast %jit3A_3385 : f32 to vector<1x1024xf32>
    %select_n3A_3387 = arith.select %gt3A_3381, %broadcast_in_dim3A_3386, %get3A_3384 : vector<1x1024xi1>, vector<1x1024xf32>
    %swap3A_3388 = arith.constant 0 : index
    %swap3A_3389 = arith.constant 4096 : index
    %swap3A_3390 = vector.load %arg1[%swap3A_3388, %swap3A_3389] : memref<1x5120xf32, #tpu.memory_space<vmem>>, vector<1x1024xf32>
    tpu.vector_store %arg1[%swap3A_3388, %swap3A_3389], %select_n3A_3387 {strides = array<i32>} : memref<1x5120xf32, #tpu.memory_space<vmem>>, vector<1x1024xf32>,
    %slice3A_3391 = vector.extract_strided_slice %get3A_1 {offsets = [0, 4096], sizes = [8, 128], strides = [1, 1]} : vector<8x5120xf32> to vector<8x128xf32>
    %dot_general3A_3392 = arith.constant dense<0.000000e+00> : vector<128x8xf32>
    %dot_general3A_3393 = tpu.matmul %select_n3A, %slice3A_3391, %dot_general3A_3392 {dimension_numbers = #tpu.dot_dimension_numbers<[1], [1], [0], [0], [0, 0, 1, 0], [], []>, precision = #tpu.contract_precision<fp32>, transpose_lhs_hint = false} : vector<128x128xf32>, vector<8x128xf32>, vector<128x8xf32> -> vector<128x8xf32>
    %slice3A_3394 = vector.extract_strided_slice %dot_general3A_3393 {offsets = [0, 0], sizes = [128, 1], strides = [1, 1]} : vector<128x8xf32> to vector<128x1xf32>
    %slice3A_3395 = vector.extract_strided_slice %dot_general3A_3393 {offsets = [0, 1], sizes = [128, 1], strides = [1, 1]} : vector<128x8xf32> to vector<128x1xf32>
    %slice3A_3396 = vector.extract_strided_slice %dot_general3A_3393 {offsets = [0, 2], sizes = [128, 1], strides = [1, 1]} : vector<128x8xf32> to vector<128x1xf32>
    %slice3A_3397 = vector.extract_strided_slice %dot_general3A_3393 {offsets = [0, 3], sizes = [128, 1], strides = [1, 1]} : vector<128x8xf32> to vector<128x1xf32>
    %slice3A_3398 = vector.extract_strided_slice %dot_general3A_3393 {offsets = [0, 4], sizes = [128, 1], strides = [1, 1]} : vector<128x8xf32> to vector<128x1xf32>
    %slice3A_3399 = vector.extract_strided_slice %get3A_1 {offsets = [0, 4096], sizes = [1, 128], strides = [1, 1]} : vector<8x5120xf32> to vector<1x128xf32>
    %slice3A_3400 = vector.extract_strided_slice %get3A_1 {offsets = [1, 4096], sizes = [1, 128], strides = [1, 1]} : vector<8x5120xf32> to vector<1x128xf32>
    %slice3A_3401 = vector.extract_strided_slice %get3A_1 {offsets = [2, 4096], sizes = [1, 128], strides = [1, 1]} : vector<8x5120xf32> to vector<1x128xf32>
    %slice3A_3402 = vector.extract_strided_slice %get3A_1 {offsets = [3, 4096], sizes = [1, 128], strides = [1, 1]} : vector<8x5120xf32> to vector<1x128xf32>
    %slice3A_3403 = vector.extract_strided_slice %get3A_1 {offsets = [4, 4096], sizes = [1, 128], strides = [1, 1]} : vector<8x5120xf32> to vector<1x128xf32>
    %min3A_3404 = vector.broadcast %slice3A_3396 : vector<128x1xf32> to vector<128x128xf32>
    %min3A_3405 = vector.broadcast %slice3A_3401 : vector<1x128xf32> to vector<128x128xf32>
    %min3A_3406 = arith.minimumf %min3A_3404, %min3A_3405 : vector<128x128xf32>
    %max3A_3407 = vector.broadcast %slice3A_3394 : vector<128x1xf32> to vector<128x128xf32>
    %max3A_3408 = vector.broadcast %slice3A_3399 : vector<1x128xf32> to vector<128x128xf32>
    %max3A_3409 = arith.maximumf %max3A_3407, %max3A_3408 : vector<128x128xf32>
    %sub3A_3410 = arith.subf %min3A_3406, %max3A_3409 : vector<128x128xf32>
    %max3A_3411 = arith.constant 0.000000e+00 : f32
    %max3A_3412 = vector.broadcast %max3A_3411 : f32 to vector<128x128xf32>
    %max3A_3413 = arith.maximumf %sub3A_3410, %max3A_3412 : vector<128x128xf32>
    %min3A_3414 = vector.broadcast %slice3A_3397 : vector<128x1xf32> to vector<128x128xf32>
    %min3A_3415 = vector.broadcast %slice3A_3402 : vector<1x128xf32> to vector<128x128xf32>
    %min3A_3416 = arith.minimumf %min3A_3414, %min3A_3415 : vector<128x128xf32>
    %max3A_3417 = vector.broadcast %slice3A_3395 : vector<128x1xf32> to vector<128x128xf32>
    %max3A_3418 = vector.broadcast %slice3A_3400 : vector<1x128xf32> to vector<128x128xf32>
    %max3A_3419 = arith.maximumf %max3A_3417, %max3A_3418 : vector<128x128xf32>
    %sub3A_3420 = arith.subf %min3A_3416, %max3A_3419 : vector<128x128xf32>
    %max3A_3421 = arith.constant 0.000000e+00 : f32
    %max3A_3422 = vector.broadcast %max3A_3421 : f32 to vector<128x128xf32>
    %max3A_3423 = arith.maximumf %sub3A_3420, %max3A_3422 : vector<128x128xf32>
    %mul3A_3424 = arith.mulf %max3A_3413, %max3A_3423 : vector<128x128xf32>
    %mul3A_3425 = arith.constant 3.000000e+00 : f32
    %mul3A_3426 = vector.broadcast %mul3A_3425 : f32 to vector<128x128xf32>
    %mul3A_3427 = arith.mulf %mul3A_3424, %mul3A_3426 : vector<128x128xf32>
    %add3A_3428 = vector.broadcast %slice3A_3398 : vector<128x1xf32> to vector<128x128xf32>
    %add3A_3429 = vector.broadcast %slice3A_3403 : vector<1x128xf32> to vector<128x128xf32>
    %add3A_3430 = arith.addf %add3A_3428, %add3A_3429 : vector<128x128xf32>
    %gt3A_3431 = arith.cmpf ogt, %mul3A_3427, %add3A_3430 : vector<128x128xf32>
    %and3A_3432 = arith.andi %gt3A_3431, %gt3A : vector<128x128xi1>
    %jit3A_3433 = arith.constant 1.000000e+00 : f32
    %jit3A_3434 = arith.constant 0.000000e+00 : f32
    %broadcast_in_dim3A_3435 = vector.broadcast %jit3A_3433 : f32 to vector<128x128xf32>
    %broadcast_in_dim3A_3436 = vector.broadcast %jit3A_3434 : f32 to vector<128x128xf32>
    %select_n3A_3437 = arith.select %and3A_3432, %broadcast_in_dim3A_3435, %broadcast_in_dim3A_3436 : vector<128x128xi1>, vector<128x128xf32>
    %get3A_3438 = arith.constant 0 : index
    %get3A_3439 = arith.constant 4096 : index
    %get3A_3440 = vector.load %arg1[%get3A_3438, %get3A_3439] : memref<1x5120xf32, #tpu.memory_space<vmem>>, vector<1x128xf32>
    %while3A_3441 = arith.constant true
    %while3A_3442:2 = scf.while (%while3A_4188 = %get3A_3440, %while3A_4189 = %while3A_3441) : (vector<1x128xf32>, i1) -> (vector<1x128xf32>, i1) {
      scf.condition(%while3A_4189) %while3A_4188, %while3A_4189 : vector<1x128xf32>, i1
    } do {
    ^bb0(%while3A_4188: vector<1x128xf32>, %while3A_4189: i1):
      %dot_general3A_4190 = arith.constant dense<0.000000e+00> : vector<1x128xf32>
      %dot_general3A_4191 = tpu.matmul %while3A_4188, %select_n3A_3437, %dot_general3A_4190 {dimension_numbers = #tpu.dot_dimension_numbers<[1], [0], [0], [1], [0, 0, 1, 1], [], []>, transpose_lhs_hint = false} : vector<1x128xf32>, vector<128x128xf32>, vector<1x128xf32> -> vector<1x128xf32>
      %gt3A_4192 = arith.constant 5.000000e-01 : f32
      %gt3A_4193 = vector.broadcast %gt3A_4192 : f32 to vector<1x128xf32>
      %gt3A_4194 = arith.cmpf ogt, %dot_general3A_4191, %gt3A_4193 : vector<1x128xf32>
      %jit3A_4195 = arith.constant 0.000000e+00 : f32
      %broadcast_in_dim3A_4196 = vector.broadcast %jit3A_4195 : f32 to vector<1x128xf32>
      %select_n3A_4197 = arith.select %gt3A_4194, %broadcast_in_dim3A_4196, %get3A_3440 : vector<1x128xi1>, vector<1x128xf32>
      %dot_general3A_4198 = arith.constant dense<0.000000e+00> : vector<1x128xf32>
      %dot_general3A_4199 = tpu.matmul %select_n3A_4197, %select_n3A_3437, %dot_general3A_4198 {dimension_numbers = #tpu.dot_dimension_numbers<[1], [0], [0], [1], [0, 0, 1, 1], [], []>, transpose_lhs_hint = false} : vector<1x128xf32>, vector<128x128xf32>, vector<1x128xf32> -> vector<1x128xf32>
      %gt3A_4200 = arith.constant 5.000000e-01 : f32
      %gt3A_4201 = vector.broadcast %gt3A_4200 : f32 to vector<1x128xf32>
      %gt3A_4202 = arith.cmpf ogt, %dot_general3A_4199, %gt3A_4201 : vector<1x128xf32>
      %jit3A_4203 = arith.constant 0.000000e+00 : f32
      %broadcast_in_dim3A_4204 = vector.broadcast %jit3A_4203 : f32 to vector<1x128xf32>
      %select_n3A_4205 = arith.select %gt3A_4202, %broadcast_in_dim3A_4204, %get3A_3440 : vector<1x128xi1>, vector<1x128xf32>
      %sub3A_4206 = arith.subf %select_n3A_4205, %select_n3A_4197 : vector<1x128xf32>
      %abs3A = math.absf %sub3A_4206 : vector<1x128xf32>
      %reduce_sum3A = vector.shape_cast %abs3A : vector<1x128xf32> to vector<1x1x128xf32>
      %reduce_sum3A_4207 = arith.constant dense<0.000000e+00> : vector<1xf32>
      %reduce_sum3A_4208 = vector.multi_reduction <add>, %reduce_sum3A, %reduce_sum3A_4207 [1, 2] : vector<1x1x128xf32> to vector<1xf32>
      %reduce_sum3A_4209 = vector.shape_cast %reduce_sum3A_4208 : vector<1xf32> to vector<1x1x1xf32>
      %reduce_sum3A_4210 = vector.extract %reduce_sum3A_4209[0, 0, 0] : f32 from vector<1x1x1xf32>
      %gt3A_4211 = arith.constant 0.000000e+00 : f32
      %gt3A_4212 = arith.cmpf ogt, %reduce_sum3A_4210, %gt3A_4211 : f32
      scf.yield %select_n3A_4205, %gt3A_4212 : vector<1x128xf32>, i1
    }
    %swap3A_3443 = arith.constant 0 : index
    %swap3A_3444 = arith.constant 4096 : index
    %swap3A_3445 = vector.load %arg1[%swap3A_3443, %swap3A_3444] : memref<1x5120xf32, #tpu.memory_space<vmem>>, vector<1x128xf32>
    tpu.vector_store %arg1[%swap3A_3443, %swap3A_3444], %while3A_3442#0 {strides = array<i32>} : memref<1x5120xf32, #tpu.memory_space<vmem>>, vector<1x128xf32>,
    %slice3A_3446 = vector.extract_strided_slice %get3A_1 {offsets = [0, 4224], sizes = [1, 896], strides = [1, 1]} : vector<8x5120xf32> to vector<1x896xf32>
    %slice3A_3447 = vector.extract_strided_slice %get3A_1 {offsets = [1, 4224], sizes = [1, 896], strides = [1, 1]} : vector<8x5120xf32> to vector<1x896xf32>
    %slice3A_3448 = vector.extract_strided_slice %get3A_1 {offsets = [2, 4224], sizes = [1, 896], strides = [1, 1]} : vector<8x5120xf32> to vector<1x896xf32>
    %slice3A_3449 = vector.extract_strided_slice %get3A_1 {offsets = [3, 4224], sizes = [1, 896], strides = [1, 1]} : vector<8x5120xf32> to vector<1x896xf32>
    %slice3A_3450 = vector.extract_strided_slice %get3A_1 {offsets = [4, 4224], sizes = [1, 896], strides = [1, 1]} : vector<8x5120xf32> to vector<1x896xf32>
    %min3A_3451 = vector.broadcast %slice3A_3396 : vector<128x1xf32> to vector<128x896xf32>
    %min3A_3452 = vector.broadcast %slice3A_3448 : vector<1x896xf32> to vector<128x896xf32>
    %min3A_3453 = arith.minimumf %min3A_3451, %min3A_3452 : vector<128x896xf32>
    %max3A_3454 = vector.broadcast %slice3A_3394 : vector<128x1xf32> to vector<128x896xf32>
    %max3A_3455 = vector.broadcast %slice3A_3446 : vector<1x896xf32> to vector<128x896xf32>
    %max3A_3456 = arith.maximumf %max3A_3454, %max3A_3455 : vector<128x896xf32>
    %sub3A_3457 = arith.subf %min3A_3453, %max3A_3456 : vector<128x896xf32>
    %max3A_3458 = arith.constant 0.000000e+00 : f32
    %max3A_3459 = vector.broadcast %max3A_3458 : f32 to vector<128x896xf32>
    %max3A_3460 = arith.maximumf %sub3A_3457, %max3A_3459 : vector<128x896xf32>
    %min3A_3461 = vector.broadcast %slice3A_3397 : vector<128x1xf32> to vector<128x896xf32>
    %min3A_3462 = vector.broadcast %slice3A_3449 : vector<1x896xf32> to vector<128x896xf32>
    %min3A_3463 = arith.minimumf %min3A_3461, %min3A_3462 : vector<128x896xf32>
    %max3A_3464 = vector.broadcast %slice3A_3395 : vector<128x1xf32> to vector<128x896xf32>
    %max3A_3465 = vector.broadcast %slice3A_3447 : vector<1x896xf32> to vector<128x896xf32>
    %max3A_3466 = arith.maximumf %max3A_3464, %max3A_3465 : vector<128x896xf32>
    %sub3A_3467 = arith.subf %min3A_3463, %max3A_3466 : vector<128x896xf32>
    %max3A_3468 = arith.constant 0.000000e+00 : f32
    %max3A_3469 = vector.broadcast %max3A_3468 : f32 to vector<128x896xf32>
    %max3A_3470 = arith.maximumf %sub3A_3467, %max3A_3469 : vector<128x896xf32>
    %mul3A_3471 = arith.mulf %max3A_3460, %max3A_3470 : vector<128x896xf32>
    %mul3A_3472 = arith.constant 3.000000e+00 : f32
    %mul3A_3473 = vector.broadcast %mul3A_3472 : f32 to vector<128x896xf32>
    %mul3A_3474 = arith.mulf %mul3A_3471, %mul3A_3473 : vector<128x896xf32>
    %add3A_3475 = vector.broadcast %slice3A_3398 : vector<128x1xf32> to vector<128x896xf32>
    %add3A_3476 = vector.broadcast %slice3A_3450 : vector<1x896xf32> to vector<128x896xf32>
    %add3A_3477 = arith.addf %add3A_3475, %add3A_3476 : vector<128x896xf32>
    %gt3A_3478 = arith.cmpf ogt, %mul3A_3474, %add3A_3477 : vector<128x896xf32>
    %convert_element_type3A_3479 = arith.extui %gt3A_3478 : vector<128x896xi1> to vector<128x896xi32>
    %convert_element_type3A_3480 = arith.sitofp %convert_element_type3A_3479 : vector<128x896xi32> to vector<128x896xf32>
    %convert_element_type3A_3481 = arith.truncf %convert_element_type3A_3480 : vector<128x896xf32> to vector<128x896xbf16>
    %convert_element_type3A_3482 = arith.truncf %while3A_3442#0 : vector<1x128xf32> to vector<1x128xbf16>
    %dot_general3A_3483 = arith.constant dense<0.000000e+00> : vector<1x896xf32>
    %dot_general3A_3484 = tpu.matmul %convert_element_type3A_3482, %convert_element_type3A_3481, %dot_general3A_3483 {dimension_numbers = #tpu.dot_dimension_numbers<[1], [0], [0], [1], [0, 0, 1, 1], [], []>, transpose_lhs_hint = false} : vector<1x128xbf16>, vector<128x896xbf16>, vector<1x896xf32> -> vector<1x896xf32>
    %gt3A_3485 = arith.constant 5.000000e-01 : f32
    %gt3A_3486 = vector.broadcast %gt3A_3485 : f32 to vector<1x896xf32>
    %gt3A_3487 = arith.cmpf ogt, %dot_general3A_3484, %gt3A_3486 : vector<1x896xf32>
    %get3A_3488 = arith.constant 0 : index
    %get3A_3489 = arith.constant 4224 : index
    %get3A_3490 = vector.load %arg1[%get3A_3488, %get3A_3489] : memref<1x5120xf32, #tpu.memory_space<vmem>>, vector<1x896xf32>
    %jit3A_3491 = arith.constant 0.000000e+00 : f32
    %broadcast_in_dim3A_3492 = vector.broadcast %jit3A_3491 : f32 to vector<1x896xf32>
    %select_n3A_3493 = arith.select %gt3A_3487, %broadcast_in_dim3A_3492, %get3A_3490 : vector<1x896xi1>, vector<1x896xf32>
    %swap3A_3494 = arith.constant 0 : index
    %swap3A_3495 = arith.constant 4224 : index
    %swap3A_3496 = vector.load %arg1[%swap3A_3494, %swap3A_3495] : memref<1x5120xf32, #tpu.memory_space<vmem>>, vector<1x896xf32>
    tpu.vector_store %arg1[%swap3A_3494, %swap3A_3495], %select_n3A_3493 {strides = array<i32>} : memref<1x5120xf32, #tpu.memory_space<vmem>>, vector<1x896xf32>,
    %slice3A_3497 = vector.extract_strided_slice %get3A_1 {offsets = [0, 4224], sizes = [8, 128], strides = [1, 1]} : vector<8x5120xf32> to vector<8x128xf32>
    %dot_general3A_3498 = arith.constant dense<0.000000e+00> : vector<128x8xf32>
    %dot_general3A_3499 = tpu.matmul %select_n3A, %slice3A_3497, %dot_general3A_3498 {dimension_numbers = #tpu.dot_dimension_numbers<[1], [1], [0], [0], [0, 0, 1, 0], [], []>, precision = #tpu.contract_precision<fp32>, transpose_lhs_hint = false} : vector<128x128xf32>, vector<8x128xf32>, vector<128x8xf32> -> vector<128x8xf32>
    %slice3A_3500 = vector.extract_strided_slice %dot_general3A_3499 {offsets = [0, 0], sizes = [128, 1], strides = [1, 1]} : vector<128x8xf32> to vector<128x1xf32>
    %slice3A_3501 = vector.extract_strided_slice %dot_general3A_3499 {offsets = [0, 1], sizes = [128, 1], strides = [1, 1]} : vector<128x8xf32> to vector<128x1xf32>
    %slice3A_3502 = vector.extract_strided_slice %dot_general3A_3499 {offsets = [0, 2], sizes = [128, 1], strides = [1, 1]} : vector<128x8xf32> to vector<128x1xf32>
    %slice3A_3503 = vector.extract_strided_slice %dot_general3A_3499 {offsets = [0, 3], sizes = [128, 1], strides = [1, 1]} : vector<128x8xf32> to vector<128x1xf32>
    %slice3A_3504 = vector.extract_strided_slice %dot_general3A_3499 {offsets = [0, 4], sizes = [128, 1], strides = [1, 1]} : vector<128x8xf32> to vector<128x1xf32>
    %slice3A_3505 = vector.extract_strided_slice %get3A_1 {offsets = [0, 4224], sizes = [1, 128], strides = [1, 1]} : vector<8x5120xf32> to vector<1x128xf32>
    %slice3A_3506 = vector.extract_strided_slice %get3A_1 {offsets = [1, 4224], sizes = [1, 128], strides = [1, 1]} : vector<8x5120xf32> to vector<1x128xf32>
    %slice3A_3507 = vector.extract_strided_slice %get3A_1 {offsets = [2, 4224], sizes = [1, 128], strides = [1, 1]} : vector<8x5120xf32> to vector<1x128xf32>
    %slice3A_3508 = vector.extract_strided_slice %get3A_1 {offsets = [3, 4224], sizes = [1, 128], strides = [1, 1]} : vector<8x5120xf32> to vector<1x128xf32>
    %slice3A_3509 = vector.extract_strided_slice %get3A_1 {offsets = [4, 4224], sizes = [1, 128], strides = [1, 1]} : vector<8x5120xf32> to vector<1x128xf32>
    %min3A_3510 = vector.broadcast %slice3A_3502 : vector<128x1xf32> to vector<128x128xf32>
    %min3A_3511 = vector.broadcast %slice3A_3507 : vector<1x128xf32> to vector<128x128xf32>
    %min3A_3512 = arith.minimumf %min3A_3510, %min3A_3511 : vector<128x128xf32>
    %max3A_3513 = vector.broadcast %slice3A_3500 : vector<128x1xf32> to vector<128x128xf32>
    %max3A_3514 = vector.broadcast %slice3A_3505 : vector<1x128xf32> to vector<128x128xf32>
    %max3A_3515 = arith.maximumf %max3A_3513, %max3A_3514 : vector<128x128xf32>
    %sub3A_3516 = arith.subf %min3A_3512, %max3A_3515 : vector<128x128xf32>
    %max3A_3517 = arith.constant 0.000000e+00 : f32
    %max3A_3518 = vector.broadcast %max3A_3517 : f32 to vector<128x128xf32>
    %max3A_3519 = arith.maximumf %sub3A_3516, %max3A_3518 : vector<128x128xf32>
    %min3A_3520 = vector.broadcast %slice3A_3503 : vector<128x1xf32> to vector<128x128xf32>
    %min3A_3521 = vector.broadcast %slice3A_3508 : vector<1x128xf32> to vector<128x128xf32>
    %min3A_3522 = arith.minimumf %min3A_3520, %min3A_3521 : vector<128x128xf32>
    %max3A_3523 = vector.broadcast %slice3A_3501 : vector<128x1xf32> to vector<128x128xf32>
    %max3A_3524 = vector.broadcast %slice3A_3506 : vector<1x128xf32> to vector<128x128xf32>
    %max3A_3525 = arith.maximumf %max3A_3523, %max3A_3524 : vector<128x128xf32>
    %sub3A_3526 = arith.subf %min3A_3522, %max3A_3525 : vector<128x128xf32>
    %max3A_3527 = arith.constant 0.000000e+00 : f32
    %max3A_3528 = vector.broadcast %max3A_3527 : f32 to vector<128x128xf32>
    %max3A_3529 = arith.maximumf %sub3A_3526, %max3A_3528 : vector<128x128xf32>
    %mul3A_3530 = arith.mulf %max3A_3519, %max3A_3529 : vector<128x128xf32>
    %mul3A_3531 = arith.constant 3.000000e+00 : f32
    %mul3A_3532 = vector.broadcast %mul3A_3531 : f32 to vector<128x128xf32>
    %mul3A_3533 = arith.mulf %mul3A_3530, %mul3A_3532 : vector<128x128xf32>
    %add3A_3534 = vector.broadcast %slice3A_3504 : vector<128x1xf32> to vector<128x128xf32>
    %add3A_3535 = vector.broadcast %slice3A_3509 : vector<1x128xf32> to vector<128x128xf32>
    %add3A_3536 = arith.addf %add3A_3534, %add3A_3535 : vector<128x128xf32>
    %gt3A_3537 = arith.cmpf ogt, %mul3A_3533, %add3A_3536 : vector<128x128xf32>
    %and3A_3538 = arith.andi %gt3A_3537, %gt3A : vector<128x128xi1>
    %jit3A_3539 = arith.constant 1.000000e+00 : f32
    %jit3A_3540 = arith.constant 0.000000e+00 : f32
    %broadcast_in_dim3A_3541 = vector.broadcast %jit3A_3539 : f32 to vector<128x128xf32>
    %broadcast_in_dim3A_3542 = vector.broadcast %jit3A_3540 : f32 to vector<128x128xf32>
    %select_n3A_3543 = arith.select %and3A_3538, %broadcast_in_dim3A_3541, %broadcast_in_dim3A_3542 : vector<128x128xi1>, vector<128x128xf32>
    %get3A_3544 = arith.constant 0 : index
    %get3A_3545 = arith.constant 4224 : index
    %get3A_3546 = vector.load %arg1[%get3A_3544, %get3A_3545] : memref<1x5120xf32, #tpu.memory_space<vmem>>, vector<1x128xf32>
    %while3A_3547 = arith.constant true
    %while3A_3548:2 = scf.while (%while3A_4188 = %get3A_3546, %while3A_4189 = %while3A_3547) : (vector<1x128xf32>, i1) -> (vector<1x128xf32>, i1) {
      scf.condition(%while3A_4189) %while3A_4188, %while3A_4189 : vector<1x128xf32>, i1
    } do {
    ^bb0(%while3A_4188: vector<1x128xf32>, %while3A_4189: i1):
      %dot_general3A_4190 = arith.constant dense<0.000000e+00> : vector<1x128xf32>
      %dot_general3A_4191 = tpu.matmul %while3A_4188, %select_n3A_3543, %dot_general3A_4190 {dimension_numbers = #tpu.dot_dimension_numbers<[1], [0], [0], [1], [0, 0, 1, 1], [], []>, transpose_lhs_hint = false} : vector<1x128xf32>, vector<128x128xf32>, vector<1x128xf32> -> vector<1x128xf32>
      %gt3A_4192 = arith.constant 5.000000e-01 : f32
      %gt3A_4193 = vector.broadcast %gt3A_4192 : f32 to vector<1x128xf32>
      %gt3A_4194 = arith.cmpf ogt, %dot_general3A_4191, %gt3A_4193 : vector<1x128xf32>
      %jit3A_4195 = arith.constant 0.000000e+00 : f32
      %broadcast_in_dim3A_4196 = vector.broadcast %jit3A_4195 : f32 to vector<1x128xf32>
      %select_n3A_4197 = arith.select %gt3A_4194, %broadcast_in_dim3A_4196, %get3A_3546 : vector<1x128xi1>, vector<1x128xf32>
      %dot_general3A_4198 = arith.constant dense<0.000000e+00> : vector<1x128xf32>
      %dot_general3A_4199 = tpu.matmul %select_n3A_4197, %select_n3A_3543, %dot_general3A_4198 {dimension_numbers = #tpu.dot_dimension_numbers<[1], [0], [0], [1], [0, 0, 1, 1], [], []>, transpose_lhs_hint = false} : vector<1x128xf32>, vector<128x128xf32>, vector<1x128xf32> -> vector<1x128xf32>
      %gt3A_4200 = arith.constant 5.000000e-01 : f32
      %gt3A_4201 = vector.broadcast %gt3A_4200 : f32 to vector<1x128xf32>
      %gt3A_4202 = arith.cmpf ogt, %dot_general3A_4199, %gt3A_4201 : vector<1x128xf32>
      %jit3A_4203 = arith.constant 0.000000e+00 : f32
      %broadcast_in_dim3A_4204 = vector.broadcast %jit3A_4203 : f32 to vector<1x128xf32>
      %select_n3A_4205 = arith.select %gt3A_4202, %broadcast_in_dim3A_4204, %get3A_3546 : vector<1x128xi1>, vector<1x128xf32>
      %sub3A_4206 = arith.subf %select_n3A_4205, %select_n3A_4197 : vector<1x128xf32>
      %abs3A = math.absf %sub3A_4206 : vector<1x128xf32>
      %reduce_sum3A = vector.shape_cast %abs3A : vector<1x128xf32> to vector<1x1x128xf32>
      %reduce_sum3A_4207 = arith.constant dense<0.000000e+00> : vector<1xf32>
      %reduce_sum3A_4208 = vector.multi_reduction <add>, %reduce_sum3A, %reduce_sum3A_4207 [1, 2] : vector<1x1x128xf32> to vector<1xf32>
      %reduce_sum3A_4209 = vector.shape_cast %reduce_sum3A_4208 : vector<1xf32> to vector<1x1x1xf32>
      %reduce_sum3A_4210 = vector.extract %reduce_sum3A_4209[0, 0, 0] : f32 from vector<1x1x1xf32>
      %gt3A_4211 = arith.constant 0.000000e+00 : f32
      %gt3A_4212 = arith.cmpf ogt, %reduce_sum3A_4210, %gt3A_4211 : f32
      scf.yield %select_n3A_4205, %gt3A_4212 : vector<1x128xf32>, i1
    }
    %swap3A_3549 = arith.constant 0 : index
    %swap3A_3550 = arith.constant 4224 : index
    %swap3A_3551 = vector.load %arg1[%swap3A_3549, %swap3A_3550] : memref<1x5120xf32, #tpu.memory_space<vmem>>, vector<1x128xf32>
    tpu.vector_store %arg1[%swap3A_3549, %swap3A_3550], %while3A_3548#0 {strides = array<i32>} : memref<1x5120xf32, #tpu.memory_space<vmem>>, vector<1x128xf32>,
    %slice3A_3552 = vector.extract_strided_slice %get3A_1 {offsets = [0, 4352], sizes = [1, 768], strides = [1, 1]} : vector<8x5120xf32> to vector<1x768xf32>
    %slice3A_3553 = vector.extract_strided_slice %get3A_1 {offsets = [1, 4352], sizes = [1, 768], strides = [1, 1]} : vector<8x5120xf32> to vector<1x768xf32>
    %slice3A_3554 = vector.extract_strided_slice %get3A_1 {offsets = [2, 4352], sizes = [1, 768], strides = [1, 1]} : vector<8x5120xf32> to vector<1x768xf32>
    %slice3A_3555 = vector.extract_strided_slice %get3A_1 {offsets = [3, 4352], sizes = [1, 768], strides = [1, 1]} : vector<8x5120xf32> to vector<1x768xf32>
    %slice3A_3556 = vector.extract_strided_slice %get3A_1 {offsets = [4, 4352], sizes = [1, 768], strides = [1, 1]} : vector<8x5120xf32> to vector<1x768xf32>
    %min3A_3557 = vector.broadcast %slice3A_3502 : vector<128x1xf32> to vector<128x768xf32>
    %min3A_3558 = vector.broadcast %slice3A_3554 : vector<1x768xf32> to vector<128x768xf32>
    %min3A_3559 = arith.minimumf %min3A_3557, %min3A_3558 : vector<128x768xf32>
    %max3A_3560 = vector.broadcast %slice3A_3500 : vector<128x1xf32> to vector<128x768xf32>
    %max3A_3561 = vector.broadcast %slice3A_3552 : vector<1x768xf32> to vector<128x768xf32>
    %max3A_3562 = arith.maximumf %max3A_3560, %max3A_3561 : vector<128x768xf32>
    %sub3A_3563 = arith.subf %min3A_3559, %max3A_3562 : vector<128x768xf32>
    %max3A_3564 = arith.constant 0.000000e+00 : f32
    %max3A_3565 = vector.broadcast %max3A_3564 : f32 to vector<128x768xf32>
    %max3A_3566 = arith.maximumf %sub3A_3563, %max3A_3565 : vector<128x768xf32>
    %min3A_3567 = vector.broadcast %slice3A_3503 : vector<128x1xf32> to vector<128x768xf32>
    %min3A_3568 = vector.broadcast %slice3A_3555 : vector<1x768xf32> to vector<128x768xf32>
    %min3A_3569 = arith.minimumf %min3A_3567, %min3A_3568 : vector<128x768xf32>
    %max3A_3570 = vector.broadcast %slice3A_3501 : vector<128x1xf32> to vector<128x768xf32>
    %max3A_3571 = vector.broadcast %slice3A_3553 : vector<1x768xf32> to vector<128x768xf32>
    %max3A_3572 = arith.maximumf %max3A_3570, %max3A_3571 : vector<128x768xf32>
    %sub3A_3573 = arith.subf %min3A_3569, %max3A_3572 : vector<128x768xf32>
    %max3A_3574 = arith.constant 0.000000e+00 : f32
    %max3A_3575 = vector.broadcast %max3A_3574 : f32 to vector<128x768xf32>
    %max3A_3576 = arith.maximumf %sub3A_3573, %max3A_3575 : vector<128x768xf32>
    %mul3A_3577 = arith.mulf %max3A_3566, %max3A_3576 : vector<128x768xf32>
    %mul3A_3578 = arith.constant 3.000000e+00 : f32
    %mul3A_3579 = vector.broadcast %mul3A_3578 : f32 to vector<128x768xf32>
    %mul3A_3580 = arith.mulf %mul3A_3577, %mul3A_3579 : vector<128x768xf32>
    %add3A_3581 = vector.broadcast %slice3A_3504 : vector<128x1xf32> to vector<128x768xf32>
    %add3A_3582 = vector.broadcast %slice3A_3556 : vector<1x768xf32> to vector<128x768xf32>
    %add3A_3583 = arith.addf %add3A_3581, %add3A_3582 : vector<128x768xf32>
    %gt3A_3584 = arith.cmpf ogt, %mul3A_3580, %add3A_3583 : vector<128x768xf32>
    %convert_element_type3A_3585 = arith.extui %gt3A_3584 : vector<128x768xi1> to vector<128x768xi32>
    %convert_element_type3A_3586 = arith.sitofp %convert_element_type3A_3585 : vector<128x768xi32> to vector<128x768xf32>
    %convert_element_type3A_3587 = arith.truncf %convert_element_type3A_3586 : vector<128x768xf32> to vector<128x768xbf16>
    %convert_element_type3A_3588 = arith.truncf %while3A_3548#0 : vector<1x128xf32> to vector<1x128xbf16>
    %dot_general3A_3589 = arith.constant dense<0.000000e+00> : vector<1x768xf32>
    %dot_general3A_3590 = tpu.matmul %convert_element_type3A_3588, %convert_element_type3A_3587, %dot_general3A_3589 {dimension_numbers = #tpu.dot_dimension_numbers<[1], [0], [0], [1], [0, 0, 1, 1], [], []>, transpose_lhs_hint = false} : vector<1x128xbf16>, vector<128x768xbf16>, vector<1x768xf32> -> vector<1x768xf32>
    %gt3A_3591 = arith.constant 5.000000e-01 : f32
    %gt3A_3592 = vector.broadcast %gt3A_3591 : f32 to vector<1x768xf32>
    %gt3A_3593 = arith.cmpf ogt, %dot_general3A_3590, %gt3A_3592 : vector<1x768xf32>
    %get3A_3594 = arith.constant 0 : index
    %get3A_3595 = arith.constant 4352 : index
    %get3A_3596 = vector.load %arg1[%get3A_3594, %get3A_3595] : memref<1x5120xf32, #tpu.memory_space<vmem>>, vector<1x768xf32>
    %jit3A_3597 = arith.constant 0.000000e+00 : f32
    %broadcast_in_dim3A_3598 = vector.broadcast %jit3A_3597 : f32 to vector<1x768xf32>
    %select_n3A_3599 = arith.select %gt3A_3593, %broadcast_in_dim3A_3598, %get3A_3596 : vector<1x768xi1>, vector<1x768xf32>
    %swap3A_3600 = arith.constant 0 : index
    %swap3A_3601 = arith.constant 4352 : index
    %swap3A_3602 = vector.load %arg1[%swap3A_3600, %swap3A_3601] : memref<1x5120xf32, #tpu.memory_space<vmem>>, vector<1x768xf32>
    tpu.vector_store %arg1[%swap3A_3600, %swap3A_3601], %select_n3A_3599 {strides = array<i32>} : memref<1x5120xf32, #tpu.memory_space<vmem>>, vector<1x768xf32>,
    %slice3A_3603 = vector.extract_strided_slice %get3A_1 {offsets = [0, 4352], sizes = [8, 128], strides = [1, 1]} : vector<8x5120xf32> to vector<8x128xf32>
    %dot_general3A_3604 = arith.constant dense<0.000000e+00> : vector<128x8xf32>
    %dot_general3A_3605 = tpu.matmul %select_n3A, %slice3A_3603, %dot_general3A_3604 {dimension_numbers = #tpu.dot_dimension_numbers<[1], [1], [0], [0], [0, 0, 1, 0], [], []>, precision = #tpu.contract_precision<fp32>, transpose_lhs_hint = false} : vector<128x128xf32>, vector<8x128xf32>, vector<128x8xf32> -> vector<128x8xf32>
    %slice3A_3606 = vector.extract_strided_slice %dot_general3A_3605 {offsets = [0, 0], sizes = [128, 1], strides = [1, 1]} : vector<128x8xf32> to vector<128x1xf32>
    %slice3A_3607 = vector.extract_strided_slice %dot_general3A_3605 {offsets = [0, 1], sizes = [128, 1], strides = [1, 1]} : vector<128x8xf32> to vector<128x1xf32>
    %slice3A_3608 = vector.extract_strided_slice %dot_general3A_3605 {offsets = [0, 2], sizes = [128, 1], strides = [1, 1]} : vector<128x8xf32> to vector<128x1xf32>
    %slice3A_3609 = vector.extract_strided_slice %dot_general3A_3605 {offsets = [0, 3], sizes = [128, 1], strides = [1, 1]} : vector<128x8xf32> to vector<128x1xf32>
    %slice3A_3610 = vector.extract_strided_slice %dot_general3A_3605 {offsets = [0, 4], sizes = [128, 1], strides = [1, 1]} : vector<128x8xf32> to vector<128x1xf32>
    %slice3A_3611 = vector.extract_strided_slice %get3A_1 {offsets = [0, 4352], sizes = [1, 128], strides = [1, 1]} : vector<8x5120xf32> to vector<1x128xf32>
    %slice3A_3612 = vector.extract_strided_slice %get3A_1 {offsets = [1, 4352], sizes = [1, 128], strides = [1, 1]} : vector<8x5120xf32> to vector<1x128xf32>
    %slice3A_3613 = vector.extract_strided_slice %get3A_1 {offsets = [2, 4352], sizes = [1, 128], strides = [1, 1]} : vector<8x5120xf32> to vector<1x128xf32>
    %slice3A_3614 = vector.extract_strided_slice %get3A_1 {offsets = [3, 4352], sizes = [1, 128], strides = [1, 1]} : vector<8x5120xf32> to vector<1x128xf32>
    %slice3A_3615 = vector.extract_strided_slice %get3A_1 {offsets = [4, 4352], sizes = [1, 128], strides = [1, 1]} : vector<8x5120xf32> to vector<1x128xf32>
    %min3A_3616 = vector.broadcast %slice3A_3608 : vector<128x1xf32> to vector<128x128xf32>
    %min3A_3617 = vector.broadcast %slice3A_3613 : vector<1x128xf32> to vector<128x128xf32>
    %min3A_3618 = arith.minimumf %min3A_3616, %min3A_3617 : vector<128x128xf32>
    %max3A_3619 = vector.broadcast %slice3A_3606 : vector<128x1xf32> to vector<128x128xf32>
    %max3A_3620 = vector.broadcast %slice3A_3611 : vector<1x128xf32> to vector<128x128xf32>
    %max3A_3621 = arith.maximumf %max3A_3619, %max3A_3620 : vector<128x128xf32>
    %sub3A_3622 = arith.subf %min3A_3618, %max3A_3621 : vector<128x128xf32>
    %max3A_3623 = arith.constant 0.000000e+00 : f32
    %max3A_3624 = vector.broadcast %max3A_3623 : f32 to vector<128x128xf32>
    %max3A_3625 = arith.maximumf %sub3A_3622, %max3A_3624 : vector<128x128xf32>
    %min3A_3626 = vector.broadcast %slice3A_3609 : vector<128x1xf32> to vector<128x128xf32>
    %min3A_3627 = vector.broadcast %slice3A_3614 : vector<1x128xf32> to vector<128x128xf32>
    %min3A_3628 = arith.minimumf %min3A_3626, %min3A_3627 : vector<128x128xf32>
    %max3A_3629 = vector.broadcast %slice3A_3607 : vector<128x1xf32> to vector<128x128xf32>
    %max3A_3630 = vector.broadcast %slice3A_3612 : vector<1x128xf32> to vector<128x128xf32>
    %max3A_3631 = arith.maximumf %max3A_3629, %max3A_3630 : vector<128x128xf32>
    %sub3A_3632 = arith.subf %min3A_3628, %max3A_3631 : vector<128x128xf32>
    %max3A_3633 = arith.constant 0.000000e+00 : f32
    %max3A_3634 = vector.broadcast %max3A_3633 : f32 to vector<128x128xf32>
    %max3A_3635 = arith.maximumf %sub3A_3632, %max3A_3634 : vector<128x128xf32>
    %mul3A_3636 = arith.mulf %max3A_3625, %max3A_3635 : vector<128x128xf32>
    %mul3A_3637 = arith.constant 3.000000e+00 : f32
    %mul3A_3638 = vector.broadcast %mul3A_3637 : f32 to vector<128x128xf32>
    %mul3A_3639 = arith.mulf %mul3A_3636, %mul3A_3638 : vector<128x128xf32>
    %add3A_3640 = vector.broadcast %slice3A_3610 : vector<128x1xf32> to vector<128x128xf32>
    %add3A_3641 = vector.broadcast %slice3A_3615 : vector<1x128xf32> to vector<128x128xf32>
    %add3A_3642 = arith.addf %add3A_3640, %add3A_3641 : vector<128x128xf32>
    %gt3A_3643 = arith.cmpf ogt, %mul3A_3639, %add3A_3642 : vector<128x128xf32>
    %and3A_3644 = arith.andi %gt3A_3643, %gt3A : vector<128x128xi1>
    %jit3A_3645 = arith.constant 1.000000e+00 : f32
    %jit3A_3646 = arith.constant 0.000000e+00 : f32
    %broadcast_in_dim3A_3647 = vector.broadcast %jit3A_3645 : f32 to vector<128x128xf32>
    %broadcast_in_dim3A_3648 = vector.broadcast %jit3A_3646 : f32 to vector<128x128xf32>
    %select_n3A_3649 = arith.select %and3A_3644, %broadcast_in_dim3A_3647, %broadcast_in_dim3A_3648 : vector<128x128xi1>, vector<128x128xf32>
    %get3A_3650 = arith.constant 0 : index
    %get3A_3651 = arith.constant 4352 : index
    %get3A_3652 = vector.load %arg1[%get3A_3650, %get3A_3651] : memref<1x5120xf32, #tpu.memory_space<vmem>>, vector<1x128xf32>
    %while3A_3653 = arith.constant true
    %while3A_3654:2 = scf.while (%while3A_4188 = %get3A_3652, %while3A_4189 = %while3A_3653) : (vector<1x128xf32>, i1) -> (vector<1x128xf32>, i1) {
      scf.condition(%while3A_4189) %while3A_4188, %while3A_4189 : vector<1x128xf32>, i1
    } do {
    ^bb0(%while3A_4188: vector<1x128xf32>, %while3A_4189: i1):
      %dot_general3A_4190 = arith.constant dense<0.000000e+00> : vector<1x128xf32>
      %dot_general3A_4191 = tpu.matmul %while3A_4188, %select_n3A_3649, %dot_general3A_4190 {dimension_numbers = #tpu.dot_dimension_numbers<[1], [0], [0], [1], [0, 0, 1, 1], [], []>, transpose_lhs_hint = false} : vector<1x128xf32>, vector<128x128xf32>, vector<1x128xf32> -> vector<1x128xf32>
      %gt3A_4192 = arith.constant 5.000000e-01 : f32
      %gt3A_4193 = vector.broadcast %gt3A_4192 : f32 to vector<1x128xf32>
      %gt3A_4194 = arith.cmpf ogt, %dot_general3A_4191, %gt3A_4193 : vector<1x128xf32>
      %jit3A_4195 = arith.constant 0.000000e+00 : f32
      %broadcast_in_dim3A_4196 = vector.broadcast %jit3A_4195 : f32 to vector<1x128xf32>
      %select_n3A_4197 = arith.select %gt3A_4194, %broadcast_in_dim3A_4196, %get3A_3652 : vector<1x128xi1>, vector<1x128xf32>
      %dot_general3A_4198 = arith.constant dense<0.000000e+00> : vector<1x128xf32>
      %dot_general3A_4199 = tpu.matmul %select_n3A_4197, %select_n3A_3649, %dot_general3A_4198 {dimension_numbers = #tpu.dot_dimension_numbers<[1], [0], [0], [1], [0, 0, 1, 1], [], []>, transpose_lhs_hint = false} : vector<1x128xf32>, vector<128x128xf32>, vector<1x128xf32> -> vector<1x128xf32>
      %gt3A_4200 = arith.constant 5.000000e-01 : f32
      %gt3A_4201 = vector.broadcast %gt3A_4200 : f32 to vector<1x128xf32>
      %gt3A_4202 = arith.cmpf ogt, %dot_general3A_4199, %gt3A_4201 : vector<1x128xf32>
      %jit3A_4203 = arith.constant 0.000000e+00 : f32
      %broadcast_in_dim3A_4204 = vector.broadcast %jit3A_4203 : f32 to vector<1x128xf32>
      %select_n3A_4205 = arith.select %gt3A_4202, %broadcast_in_dim3A_4204, %get3A_3652 : vector<1x128xi1>, vector<1x128xf32>
      %sub3A_4206 = arith.subf %select_n3A_4205, %select_n3A_4197 : vector<1x128xf32>
      %abs3A = math.absf %sub3A_4206 : vector<1x128xf32>
      %reduce_sum3A = vector.shape_cast %abs3A : vector<1x128xf32> to vector<1x1x128xf32>
      %reduce_sum3A_4207 = arith.constant dense<0.000000e+00> : vector<1xf32>
      %reduce_sum3A_4208 = vector.multi_reduction <add>, %reduce_sum3A, %reduce_sum3A_4207 [1, 2] : vector<1x1x128xf32> to vector<1xf32>
      %reduce_sum3A_4209 = vector.shape_cast %reduce_sum3A_4208 : vector<1xf32> to vector<1x1x1xf32>
      %reduce_sum3A_4210 = vector.extract %reduce_sum3A_4209[0, 0, 0] : f32 from vector<1x1x1xf32>
      %gt3A_4211 = arith.constant 0.000000e+00 : f32
      %gt3A_4212 = arith.cmpf ogt, %reduce_sum3A_4210, %gt3A_4211 : f32
      scf.yield %select_n3A_4205, %gt3A_4212 : vector<1x128xf32>, i1
    }
    %swap3A_3655 = arith.constant 0 : index
    %swap3A_3656 = arith.constant 4352 : index
    %swap3A_3657 = vector.load %arg1[%swap3A_3655, %swap3A_3656] : memref<1x5120xf32, #tpu.memory_space<vmem>>, vector<1x128xf32>
    tpu.vector_store %arg1[%swap3A_3655, %swap3A_3656], %while3A_3654#0 {strides = array<i32>} : memref<1x5120xf32, #tpu.memory_space<vmem>>, vector<1x128xf32>,
    %slice3A_3658 = vector.extract_strided_slice %get3A_1 {offsets = [0, 4480], sizes = [1, 640], strides = [1, 1]} : vector<8x5120xf32> to vector<1x640xf32>
    %slice3A_3659 = vector.extract_strided_slice %get3A_1 {offsets = [1, 4480], sizes = [1, 640], strides = [1, 1]} : vector<8x5120xf32> to vector<1x640xf32>
    %slice3A_3660 = vector.extract_strided_slice %get3A_1 {offsets = [2, 4480], sizes = [1, 640], strides = [1, 1]} : vector<8x5120xf32> to vector<1x640xf32>
    %slice3A_3661 = vector.extract_strided_slice %get3A_1 {offsets = [3, 4480], sizes = [1, 640], strides = [1, 1]} : vector<8x5120xf32> to vector<1x640xf32>
    %slice3A_3662 = vector.extract_strided_slice %get3A_1 {offsets = [4, 4480], sizes = [1, 640], strides = [1, 1]} : vector<8x5120xf32> to vector<1x640xf32>
    %min3A_3663 = vector.broadcast %slice3A_3608 : vector<128x1xf32> to vector<128x640xf32>
    %min3A_3664 = vector.broadcast %slice3A_3660 : vector<1x640xf32> to vector<128x640xf32>
    %min3A_3665 = arith.minimumf %min3A_3663, %min3A_3664 : vector<128x640xf32>
    %max3A_3666 = vector.broadcast %slice3A_3606 : vector<128x1xf32> to vector<128x640xf32>
    %max3A_3667 = vector.broadcast %slice3A_3658 : vector<1x640xf32> to vector<128x640xf32>
    %max3A_3668 = arith.maximumf %max3A_3666, %max3A_3667 : vector<128x640xf32>
    %sub3A_3669 = arith.subf %min3A_3665, %max3A_3668 : vector<128x640xf32>
    %max3A_3670 = arith.constant 0.000000e+00 : f32
    %max3A_3671 = vector.broadcast %max3A_3670 : f32 to vector<128x640xf32>
    %max3A_3672 = arith.maximumf %sub3A_3669, %max3A_3671 : vector<128x640xf32>
    %min3A_3673 = vector.broadcast %slice3A_3609 : vector<128x1xf32> to vector<128x640xf32>
    %min3A_3674 = vector.broadcast %slice3A_3661 : vector<1x640xf32> to vector<128x640xf32>
    %min3A_3675 = arith.minimumf %min3A_3673, %min3A_3674 : vector<128x640xf32>
    %max3A_3676 = vector.broadcast %slice3A_3607 : vector<128x1xf32> to vector<128x640xf32>
    %max3A_3677 = vector.broadcast %slice3A_3659 : vector<1x640xf32> to vector<128x640xf32>
    %max3A_3678 = arith.maximumf %max3A_3676, %max3A_3677 : vector<128x640xf32>
    %sub3A_3679 = arith.subf %min3A_3675, %max3A_3678 : vector<128x640xf32>
    %max3A_3680 = arith.constant 0.000000e+00 : f32
    %max3A_3681 = vector.broadcast %max3A_3680 : f32 to vector<128x640xf32>
    %max3A_3682 = arith.maximumf %sub3A_3679, %max3A_3681 : vector<128x640xf32>
    %mul3A_3683 = arith.mulf %max3A_3672, %max3A_3682 : vector<128x640xf32>
    %mul3A_3684 = arith.constant 3.000000e+00 : f32
    %mul3A_3685 = vector.broadcast %mul3A_3684 : f32 to vector<128x640xf32>
    %mul3A_3686 = arith.mulf %mul3A_3683, %mul3A_3685 : vector<128x640xf32>
    %add3A_3687 = vector.broadcast %slice3A_3610 : vector<128x1xf32> to vector<128x640xf32>
    %add3A_3688 = vector.broadcast %slice3A_3662 : vector<1x640xf32> to vector<128x640xf32>
    %add3A_3689 = arith.addf %add3A_3687, %add3A_3688 : vector<128x640xf32>
    %gt3A_3690 = arith.cmpf ogt, %mul3A_3686, %add3A_3689 : vector<128x640xf32>
    %convert_element_type3A_3691 = arith.extui %gt3A_3690 : vector<128x640xi1> to vector<128x640xi32>
    %convert_element_type3A_3692 = arith.sitofp %convert_element_type3A_3691 : vector<128x640xi32> to vector<128x640xf32>
    %convert_element_type3A_3693 = arith.truncf %convert_element_type3A_3692 : vector<128x640xf32> to vector<128x640xbf16>
    %convert_element_type3A_3694 = arith.truncf %while3A_3654#0 : vector<1x128xf32> to vector<1x128xbf16>
    %dot_general3A_3695 = arith.constant dense<0.000000e+00> : vector<1x640xf32>
    %dot_general3A_3696 = tpu.matmul %convert_element_type3A_3694, %convert_element_type3A_3693, %dot_general3A_3695 {dimension_numbers = #tpu.dot_dimension_numbers<[1], [0], [0], [1], [0, 0, 1, 1], [], []>, transpose_lhs_hint = false} : vector<1x128xbf16>, vector<128x640xbf16>, vector<1x640xf32> -> vector<1x640xf32>
    %gt3A_3697 = arith.constant 5.000000e-01 : f32
    %gt3A_3698 = vector.broadcast %gt3A_3697 : f32 to vector<1x640xf32>
    %gt3A_3699 = arith.cmpf ogt, %dot_general3A_3696, %gt3A_3698 : vector<1x640xf32>
    %get3A_3700 = arith.constant 0 : index
    %get3A_3701 = arith.constant 4480 : index
    %get3A_3702 = vector.load %arg1[%get3A_3700, %get3A_3701] : memref<1x5120xf32, #tpu.memory_space<vmem>>, vector<1x640xf32>
    %jit3A_3703 = arith.constant 0.000000e+00 : f32
    %broadcast_in_dim3A_3704 = vector.broadcast %jit3A_3703 : f32 to vector<1x640xf32>
    %select_n3A_3705 = arith.select %gt3A_3699, %broadcast_in_dim3A_3704, %get3A_3702 : vector<1x640xi1>, vector<1x640xf32>
    %swap3A_3706 = arith.constant 0 : index
    %swap3A_3707 = arith.constant 4480 : index
    %swap3A_3708 = vector.load %arg1[%swap3A_3706, %swap3A_3707] : memref<1x5120xf32, #tpu.memory_space<vmem>>, vector<1x640xf32>
    tpu.vector_store %arg1[%swap3A_3706, %swap3A_3707], %select_n3A_3705 {strides = array<i32>} : memref<1x5120xf32, #tpu.memory_space<vmem>>, vector<1x640xf32>,
    %slice3A_3709 = vector.extract_strided_slice %get3A_1 {offsets = [0, 4480], sizes = [8, 128], strides = [1, 1]} : vector<8x5120xf32> to vector<8x128xf32>
    %dot_general3A_3710 = arith.constant dense<0.000000e+00> : vector<128x8xf32>
    %dot_general3A_3711 = tpu.matmul %select_n3A, %slice3A_3709, %dot_general3A_3710 {dimension_numbers = #tpu.dot_dimension_numbers<[1], [1], [0], [0], [0, 0, 1, 0], [], []>, precision = #tpu.contract_precision<fp32>, transpose_lhs_hint = false} : vector<128x128xf32>, vector<8x128xf32>, vector<128x8xf32> -> vector<128x8xf32>
    %slice3A_3712 = vector.extract_strided_slice %dot_general3A_3711 {offsets = [0, 0], sizes = [128, 1], strides = [1, 1]} : vector<128x8xf32> to vector<128x1xf32>
    %slice3A_3713 = vector.extract_strided_slice %dot_general3A_3711 {offsets = [0, 1], sizes = [128, 1], strides = [1, 1]} : vector<128x8xf32> to vector<128x1xf32>
    %slice3A_3714 = vector.extract_strided_slice %dot_general3A_3711 {offsets = [0, 2], sizes = [128, 1], strides = [1, 1]} : vector<128x8xf32> to vector<128x1xf32>
    %slice3A_3715 = vector.extract_strided_slice %dot_general3A_3711 {offsets = [0, 3], sizes = [128, 1], strides = [1, 1]} : vector<128x8xf32> to vector<128x1xf32>
    %slice3A_3716 = vector.extract_strided_slice %dot_general3A_3711 {offsets = [0, 4], sizes = [128, 1], strides = [1, 1]} : vector<128x8xf32> to vector<128x1xf32>
    %slice3A_3717 = vector.extract_strided_slice %get3A_1 {offsets = [0, 4480], sizes = [1, 128], strides = [1, 1]} : vector<8x5120xf32> to vector<1x128xf32>
    %slice3A_3718 = vector.extract_strided_slice %get3A_1 {offsets = [1, 4480], sizes = [1, 128], strides = [1, 1]} : vector<8x5120xf32> to vector<1x128xf32>
    %slice3A_3719 = vector.extract_strided_slice %get3A_1 {offsets = [2, 4480], sizes = [1, 128], strides = [1, 1]} : vector<8x5120xf32> to vector<1x128xf32>
    %slice3A_3720 = vector.extract_strided_slice %get3A_1 {offsets = [3, 4480], sizes = [1, 128], strides = [1, 1]} : vector<8x5120xf32> to vector<1x128xf32>
    %slice3A_3721 = vector.extract_strided_slice %get3A_1 {offsets = [4, 4480], sizes = [1, 128], strides = [1, 1]} : vector<8x5120xf32> to vector<1x128xf32>
    %min3A_3722 = vector.broadcast %slice3A_3714 : vector<128x1xf32> to vector<128x128xf32>
    %min3A_3723 = vector.broadcast %slice3A_3719 : vector<1x128xf32> to vector<128x128xf32>
    %min3A_3724 = arith.minimumf %min3A_3722, %min3A_3723 : vector<128x128xf32>
    %max3A_3725 = vector.broadcast %slice3A_3712 : vector<128x1xf32> to vector<128x128xf32>
    %max3A_3726 = vector.broadcast %slice3A_3717 : vector<1x128xf32> to vector<128x128xf32>
    %max3A_3727 = arith.maximumf %max3A_3725, %max3A_3726 : vector<128x128xf32>
    %sub3A_3728 = arith.subf %min3A_3724, %max3A_3727 : vector<128x128xf32>
    %max3A_3729 = arith.constant 0.000000e+00 : f32
    %max3A_3730 = vector.broadcast %max3A_3729 : f32 to vector<128x128xf32>
    %max3A_3731 = arith.maximumf %sub3A_3728, %max3A_3730 : vector<128x128xf32>
    %min3A_3732 = vector.broadcast %slice3A_3715 : vector<128x1xf32> to vector<128x128xf32>
    %min3A_3733 = vector.broadcast %slice3A_3720 : vector<1x128xf32> to vector<128x128xf32>
    %min3A_3734 = arith.minimumf %min3A_3732, %min3A_3733 : vector<128x128xf32>
    %max3A_3735 = vector.broadcast %slice3A_3713 : vector<128x1xf32> to vector<128x128xf32>
    %max3A_3736 = vector.broadcast %slice3A_3718 : vector<1x128xf32> to vector<128x128xf32>
    %max3A_3737 = arith.maximumf %max3A_3735, %max3A_3736 : vector<128x128xf32>
    %sub3A_3738 = arith.subf %min3A_3734, %max3A_3737 : vector<128x128xf32>
    %max3A_3739 = arith.constant 0.000000e+00 : f32
    %max3A_3740 = vector.broadcast %max3A_3739 : f32 to vector<128x128xf32>
    %max3A_3741 = arith.maximumf %sub3A_3738, %max3A_3740 : vector<128x128xf32>
    %mul3A_3742 = arith.mulf %max3A_3731, %max3A_3741 : vector<128x128xf32>
    %mul3A_3743 = arith.constant 3.000000e+00 : f32
    %mul3A_3744 = vector.broadcast %mul3A_3743 : f32 to vector<128x128xf32>
    %mul3A_3745 = arith.mulf %mul3A_3742, %mul3A_3744 : vector<128x128xf32>
    %add3A_3746 = vector.broadcast %slice3A_3716 : vector<128x1xf32> to vector<128x128xf32>
    %add3A_3747 = vector.broadcast %slice3A_3721 : vector<1x128xf32> to vector<128x128xf32>
    %add3A_3748 = arith.addf %add3A_3746, %add3A_3747 : vector<128x128xf32>
    %gt3A_3749 = arith.cmpf ogt, %mul3A_3745, %add3A_3748 : vector<128x128xf32>
    %and3A_3750 = arith.andi %gt3A_3749, %gt3A : vector<128x128xi1>
    %jit3A_3751 = arith.constant 1.000000e+00 : f32
    %jit3A_3752 = arith.constant 0.000000e+00 : f32
    %broadcast_in_dim3A_3753 = vector.broadcast %jit3A_3751 : f32 to vector<128x128xf32>
    %broadcast_in_dim3A_3754 = vector.broadcast %jit3A_3752 : f32 to vector<128x128xf32>
    %select_n3A_3755 = arith.select %and3A_3750, %broadcast_in_dim3A_3753, %broadcast_in_dim3A_3754 : vector<128x128xi1>, vector<128x128xf32>
    %get3A_3756 = arith.constant 0 : index
    %get3A_3757 = arith.constant 4480 : index
    %get3A_3758 = vector.load %arg1[%get3A_3756, %get3A_3757] : memref<1x5120xf32, #tpu.memory_space<vmem>>, vector<1x128xf32>
    %while3A_3759 = arith.constant true
    %while3A_3760:2 = scf.while (%while3A_4188 = %get3A_3758, %while3A_4189 = %while3A_3759) : (vector<1x128xf32>, i1) -> (vector<1x128xf32>, i1) {
      scf.condition(%while3A_4189) %while3A_4188, %while3A_4189 : vector<1x128xf32>, i1
    } do {
    ^bb0(%while3A_4188: vector<1x128xf32>, %while3A_4189: i1):
      %dot_general3A_4190 = arith.constant dense<0.000000e+00> : vector<1x128xf32>
      %dot_general3A_4191 = tpu.matmul %while3A_4188, %select_n3A_3755, %dot_general3A_4190 {dimension_numbers = #tpu.dot_dimension_numbers<[1], [0], [0], [1], [0, 0, 1, 1], [], []>, transpose_lhs_hint = false} : vector<1x128xf32>, vector<128x128xf32>, vector<1x128xf32> -> vector<1x128xf32>
      %gt3A_4192 = arith.constant 5.000000e-01 : f32
      %gt3A_4193 = vector.broadcast %gt3A_4192 : f32 to vector<1x128xf32>
      %gt3A_4194 = arith.cmpf ogt, %dot_general3A_4191, %gt3A_4193 : vector<1x128xf32>
      %jit3A_4195 = arith.constant 0.000000e+00 : f32
      %broadcast_in_dim3A_4196 = vector.broadcast %jit3A_4195 : f32 to vector<1x128xf32>
      %select_n3A_4197 = arith.select %gt3A_4194, %broadcast_in_dim3A_4196, %get3A_3758 : vector<1x128xi1>, vector<1x128xf32>
      %dot_general3A_4198 = arith.constant dense<0.000000e+00> : vector<1x128xf32>
      %dot_general3A_4199 = tpu.matmul %select_n3A_4197, %select_n3A_3755, %dot_general3A_4198 {dimension_numbers = #tpu.dot_dimension_numbers<[1], [0], [0], [1], [0, 0, 1, 1], [], []>, transpose_lhs_hint = false} : vector<1x128xf32>, vector<128x128xf32>, vector<1x128xf32> -> vector<1x128xf32>
      %gt3A_4200 = arith.constant 5.000000e-01 : f32
      %gt3A_4201 = vector.broadcast %gt3A_4200 : f32 to vector<1x128xf32>
      %gt3A_4202 = arith.cmpf ogt, %dot_general3A_4199, %gt3A_4201 : vector<1x128xf32>
      %jit3A_4203 = arith.constant 0.000000e+00 : f32
      %broadcast_in_dim3A_4204 = vector.broadcast %jit3A_4203 : f32 to vector<1x128xf32>
      %select_n3A_4205 = arith.select %gt3A_4202, %broadcast_in_dim3A_4204, %get3A_3758 : vector<1x128xi1>, vector<1x128xf32>
      %sub3A_4206 = arith.subf %select_n3A_4205, %select_n3A_4197 : vector<1x128xf32>
      %abs3A = math.absf %sub3A_4206 : vector<1x128xf32>
      %reduce_sum3A = vector.shape_cast %abs3A : vector<1x128xf32> to vector<1x1x128xf32>
      %reduce_sum3A_4207 = arith.constant dense<0.000000e+00> : vector<1xf32>
      %reduce_sum3A_4208 = vector.multi_reduction <add>, %reduce_sum3A, %reduce_sum3A_4207 [1, 2] : vector<1x1x128xf32> to vector<1xf32>
      %reduce_sum3A_4209 = vector.shape_cast %reduce_sum3A_4208 : vector<1xf32> to vector<1x1x1xf32>
      %reduce_sum3A_4210 = vector.extract %reduce_sum3A_4209[0, 0, 0] : f32 from vector<1x1x1xf32>
      %gt3A_4211 = arith.constant 0.000000e+00 : f32
      %gt3A_4212 = arith.cmpf ogt, %reduce_sum3A_4210, %gt3A_4211 : f32
      scf.yield %select_n3A_4205, %gt3A_4212 : vector<1x128xf32>, i1
    }
    %swap3A_3761 = arith.constant 0 : index
    %swap3A_3762 = arith.constant 4480 : index
    %swap3A_3763 = vector.load %arg1[%swap3A_3761, %swap3A_3762] : memref<1x5120xf32, #tpu.memory_space<vmem>>, vector<1x128xf32>
    tpu.vector_store %arg1[%swap3A_3761, %swap3A_3762], %while3A_3760#0 {strides = array<i32>} : memref<1x5120xf32, #tpu.memory_space<vmem>>, vector<1x128xf32>,
    %slice3A_3764 = vector.extract_strided_slice %get3A_1 {offsets = [0, 4608], sizes = [1, 512], strides = [1, 1]} : vector<8x5120xf32> to vector<1x512xf32>
    %slice3A_3765 = vector.extract_strided_slice %get3A_1 {offsets = [1, 4608], sizes = [1, 512], strides = [1, 1]} : vector<8x5120xf32> to vector<1x512xf32>
    %slice3A_3766 = vector.extract_strided_slice %get3A_1 {offsets = [2, 4608], sizes = [1, 512], strides = [1, 1]} : vector<8x5120xf32> to vector<1x512xf32>
    %slice3A_3767 = vector.extract_strided_slice %get3A_1 {offsets = [3, 4608], sizes = [1, 512], strides = [1, 1]} : vector<8x5120xf32> to vector<1x512xf32>
    %slice3A_3768 = vector.extract_strided_slice %get3A_1 {offsets = [4, 4608], sizes = [1, 512], strides = [1, 1]} : vector<8x5120xf32> to vector<1x512xf32>
    %min3A_3769 = vector.broadcast %slice3A_3714 : vector<128x1xf32> to vector<128x512xf32>
    %min3A_3770 = vector.broadcast %slice3A_3766 : vector<1x512xf32> to vector<128x512xf32>
    %min3A_3771 = arith.minimumf %min3A_3769, %min3A_3770 : vector<128x512xf32>
    %max3A_3772 = vector.broadcast %slice3A_3712 : vector<128x1xf32> to vector<128x512xf32>
    %max3A_3773 = vector.broadcast %slice3A_3764 : vector<1x512xf32> to vector<128x512xf32>
    %max3A_3774 = arith.maximumf %max3A_3772, %max3A_3773 : vector<128x512xf32>
    %sub3A_3775 = arith.subf %min3A_3771, %max3A_3774 : vector<128x512xf32>
    %max3A_3776 = arith.constant 0.000000e+00 : f32
    %max3A_3777 = vector.broadcast %max3A_3776 : f32 to vector<128x512xf32>
    %max3A_3778 = arith.maximumf %sub3A_3775, %max3A_3777 : vector<128x512xf32>
    %min3A_3779 = vector.broadcast %slice3A_3715 : vector<128x1xf32> to vector<128x512xf32>
    %min3A_3780 = vector.broadcast %slice3A_3767 : vector<1x512xf32> to vector<128x512xf32>
    %min3A_3781 = arith.minimumf %min3A_3779, %min3A_3780 : vector<128x512xf32>
    %max3A_3782 = vector.broadcast %slice3A_3713 : vector<128x1xf32> to vector<128x512xf32>
    %max3A_3783 = vector.broadcast %slice3A_3765 : vector<1x512xf32> to vector<128x512xf32>
    %max3A_3784 = arith.maximumf %max3A_3782, %max3A_3783 : vector<128x512xf32>
    %sub3A_3785 = arith.subf %min3A_3781, %max3A_3784 : vector<128x512xf32>
    %max3A_3786 = arith.constant 0.000000e+00 : f32
    %max3A_3787 = vector.broadcast %max3A_3786 : f32 to vector<128x512xf32>
    %max3A_3788 = arith.maximumf %sub3A_3785, %max3A_3787 : vector<128x512xf32>
    %mul3A_3789 = arith.mulf %max3A_3778, %max3A_3788 : vector<128x512xf32>
    %mul3A_3790 = arith.constant 3.000000e+00 : f32
    %mul3A_3791 = vector.broadcast %mul3A_3790 : f32 to vector<128x512xf32>
    %mul3A_3792 = arith.mulf %mul3A_3789, %mul3A_3791 : vector<128x512xf32>
    %add3A_3793 = vector.broadcast %slice3A_3716 : vector<128x1xf32> to vector<128x512xf32>
    %add3A_3794 = vector.broadcast %slice3A_3768 : vector<1x512xf32> to vector<128x512xf32>
    %add3A_3795 = arith.addf %add3A_3793, %add3A_3794 : vector<128x512xf32>
    %gt3A_3796 = arith.cmpf ogt, %mul3A_3792, %add3A_3795 : vector<128x512xf32>
    %convert_element_type3A_3797 = arith.extui %gt3A_3796 : vector<128x512xi1> to vector<128x512xi32>
    %convert_element_type3A_3798 = arith.sitofp %convert_element_type3A_3797 : vector<128x512xi32> to vector<128x512xf32>
    %convert_element_type3A_3799 = arith.truncf %convert_element_type3A_3798 : vector<128x512xf32> to vector<128x512xbf16>
    %convert_element_type3A_3800 = arith.truncf %while3A_3760#0 : vector<1x128xf32> to vector<1x128xbf16>
    %dot_general3A_3801 = arith.constant dense<0.000000e+00> : vector<1x512xf32>
    %dot_general3A_3802 = tpu.matmul %convert_element_type3A_3800, %convert_element_type3A_3799, %dot_general3A_3801 {dimension_numbers = #tpu.dot_dimension_numbers<[1], [0], [0], [1], [0, 0, 1, 1], [], []>, transpose_lhs_hint = false} : vector<1x128xbf16>, vector<128x512xbf16>, vector<1x512xf32> -> vector<1x512xf32>
    %gt3A_3803 = arith.constant 5.000000e-01 : f32
    %gt3A_3804 = vector.broadcast %gt3A_3803 : f32 to vector<1x512xf32>
    %gt3A_3805 = arith.cmpf ogt, %dot_general3A_3802, %gt3A_3804 : vector<1x512xf32>
    %get3A_3806 = arith.constant 0 : index
    %get3A_3807 = arith.constant 4608 : index
    %get3A_3808 = vector.load %arg1[%get3A_3806, %get3A_3807] : memref<1x5120xf32, #tpu.memory_space<vmem>>, vector<1x512xf32>
    %jit3A_3809 = arith.constant 0.000000e+00 : f32
    %broadcast_in_dim3A_3810 = vector.broadcast %jit3A_3809 : f32 to vector<1x512xf32>
    %select_n3A_3811 = arith.select %gt3A_3805, %broadcast_in_dim3A_3810, %get3A_3808 : vector<1x512xi1>, vector<1x512xf32>
    %swap3A_3812 = arith.constant 0 : index
    %swap3A_3813 = arith.constant 4608 : index
    %swap3A_3814 = vector.load %arg1[%swap3A_3812, %swap3A_3813] : memref<1x5120xf32, #tpu.memory_space<vmem>>, vector<1x512xf32>
    tpu.vector_store %arg1[%swap3A_3812, %swap3A_3813], %select_n3A_3811 {strides = array<i32>} : memref<1x5120xf32, #tpu.memory_space<vmem>>, vector<1x512xf32>,
    %slice3A_3815 = vector.extract_strided_slice %get3A_1 {offsets = [0, 4608], sizes = [8, 128], strides = [1, 1]} : vector<8x5120xf32> to vector<8x128xf32>
    %dot_general3A_3816 = arith.constant dense<0.000000e+00> : vector<128x8xf32>
    %dot_general3A_3817 = tpu.matmul %select_n3A, %slice3A_3815, %dot_general3A_3816 {dimension_numbers = #tpu.dot_dimension_numbers<[1], [1], [0], [0], [0, 0, 1, 0], [], []>, precision = #tpu.contract_precision<fp32>, transpose_lhs_hint = false} : vector<128x128xf32>, vector<8x128xf32>, vector<128x8xf32> -> vector<128x8xf32>
    %slice3A_3818 = vector.extract_strided_slice %dot_general3A_3817 {offsets = [0, 0], sizes = [128, 1], strides = [1, 1]} : vector<128x8xf32> to vector<128x1xf32>
    %slice3A_3819 = vector.extract_strided_slice %dot_general3A_3817 {offsets = [0, 1], sizes = [128, 1], strides = [1, 1]} : vector<128x8xf32> to vector<128x1xf32>
    %slice3A_3820 = vector.extract_strided_slice %dot_general3A_3817 {offsets = [0, 2], sizes = [128, 1], strides = [1, 1]} : vector<128x8xf32> to vector<128x1xf32>
    %slice3A_3821 = vector.extract_strided_slice %dot_general3A_3817 {offsets = [0, 3], sizes = [128, 1], strides = [1, 1]} : vector<128x8xf32> to vector<128x1xf32>
    %slice3A_3822 = vector.extract_strided_slice %dot_general3A_3817 {offsets = [0, 4], sizes = [128, 1], strides = [1, 1]} : vector<128x8xf32> to vector<128x1xf32>
    %slice3A_3823 = vector.extract_strided_slice %get3A_1 {offsets = [0, 4608], sizes = [1, 128], strides = [1, 1]} : vector<8x5120xf32> to vector<1x128xf32>
    %slice3A_3824 = vector.extract_strided_slice %get3A_1 {offsets = [1, 4608], sizes = [1, 128], strides = [1, 1]} : vector<8x5120xf32> to vector<1x128xf32>
    %slice3A_3825 = vector.extract_strided_slice %get3A_1 {offsets = [2, 4608], sizes = [1, 128], strides = [1, 1]} : vector<8x5120xf32> to vector<1x128xf32>
    %slice3A_3826 = vector.extract_strided_slice %get3A_1 {offsets = [3, 4608], sizes = [1, 128], strides = [1, 1]} : vector<8x5120xf32> to vector<1x128xf32>
    %slice3A_3827 = vector.extract_strided_slice %get3A_1 {offsets = [4, 4608], sizes = [1, 128], strides = [1, 1]} : vector<8x5120xf32> to vector<1x128xf32>
    %min3A_3828 = vector.broadcast %slice3A_3820 : vector<128x1xf32> to vector<128x128xf32>
    %min3A_3829 = vector.broadcast %slice3A_3825 : vector<1x128xf32> to vector<128x128xf32>
    %min3A_3830 = arith.minimumf %min3A_3828, %min3A_3829 : vector<128x128xf32>
    %max3A_3831 = vector.broadcast %slice3A_3818 : vector<128x1xf32> to vector<128x128xf32>
    %max3A_3832 = vector.broadcast %slice3A_3823 : vector<1x128xf32> to vector<128x128xf32>
    %max3A_3833 = arith.maximumf %max3A_3831, %max3A_3832 : vector<128x128xf32>
    %sub3A_3834 = arith.subf %min3A_3830, %max3A_3833 : vector<128x128xf32>
    %max3A_3835 = arith.constant 0.000000e+00 : f32
    %max3A_3836 = vector.broadcast %max3A_3835 : f32 to vector<128x128xf32>
    %max3A_3837 = arith.maximumf %sub3A_3834, %max3A_3836 : vector<128x128xf32>
    %min3A_3838 = vector.broadcast %slice3A_3821 : vector<128x1xf32> to vector<128x128xf32>
    %min3A_3839 = vector.broadcast %slice3A_3826 : vector<1x128xf32> to vector<128x128xf32>
    %min3A_3840 = arith.minimumf %min3A_3838, %min3A_3839 : vector<128x128xf32>
    %max3A_3841 = vector.broadcast %slice3A_3819 : vector<128x1xf32> to vector<128x128xf32>
    %max3A_3842 = vector.broadcast %slice3A_3824 : vector<1x128xf32> to vector<128x128xf32>
    %max3A_3843 = arith.maximumf %max3A_3841, %max3A_3842 : vector<128x128xf32>
    %sub3A_3844 = arith.subf %min3A_3840, %max3A_3843 : vector<128x128xf32>
    %max3A_3845 = arith.constant 0.000000e+00 : f32
    %max3A_3846 = vector.broadcast %max3A_3845 : f32 to vector<128x128xf32>
    %max3A_3847 = arith.maximumf %sub3A_3844, %max3A_3846 : vector<128x128xf32>
    %mul3A_3848 = arith.mulf %max3A_3837, %max3A_3847 : vector<128x128xf32>
    %mul3A_3849 = arith.constant 3.000000e+00 : f32
    %mul3A_3850 = vector.broadcast %mul3A_3849 : f32 to vector<128x128xf32>
    %mul3A_3851 = arith.mulf %mul3A_3848, %mul3A_3850 : vector<128x128xf32>
    %add3A_3852 = vector.broadcast %slice3A_3822 : vector<128x1xf32> to vector<128x128xf32>
    %add3A_3853 = vector.broadcast %slice3A_3827 : vector<1x128xf32> to vector<128x128xf32>
    %add3A_3854 = arith.addf %add3A_3852, %add3A_3853 : vector<128x128xf32>
    %gt3A_3855 = arith.cmpf ogt, %mul3A_3851, %add3A_3854 : vector<128x128xf32>
    %and3A_3856 = arith.andi %gt3A_3855, %gt3A : vector<128x128xi1>
    %jit3A_3857 = arith.constant 1.000000e+00 : f32
    %jit3A_3858 = arith.constant 0.000000e+00 : f32
    %broadcast_in_dim3A_3859 = vector.broadcast %jit3A_3857 : f32 to vector<128x128xf32>
    %broadcast_in_dim3A_3860 = vector.broadcast %jit3A_3858 : f32 to vector<128x128xf32>
    %select_n3A_3861 = arith.select %and3A_3856, %broadcast_in_dim3A_3859, %broadcast_in_dim3A_3860 : vector<128x128xi1>, vector<128x128xf32>
    %get3A_3862 = arith.constant 0 : index
    %get3A_3863 = arith.constant 4608 : index
    %get3A_3864 = vector.load %arg1[%get3A_3862, %get3A_3863] : memref<1x5120xf32, #tpu.memory_space<vmem>>, vector<1x128xf32>
    %while3A_3865 = arith.constant true
    %while3A_3866:2 = scf.while (%while3A_4188 = %get3A_3864, %while3A_4189 = %while3A_3865) : (vector<1x128xf32>, i1) -> (vector<1x128xf32>, i1) {
      scf.condition(%while3A_4189) %while3A_4188, %while3A_4189 : vector<1x128xf32>, i1
    } do {
    ^bb0(%while3A_4188: vector<1x128xf32>, %while3A_4189: i1):
      %dot_general3A_4190 = arith.constant dense<0.000000e+00> : vector<1x128xf32>
      %dot_general3A_4191 = tpu.matmul %while3A_4188, %select_n3A_3861, %dot_general3A_4190 {dimension_numbers = #tpu.dot_dimension_numbers<[1], [0], [0], [1], [0, 0, 1, 1], [], []>, transpose_lhs_hint = false} : vector<1x128xf32>, vector<128x128xf32>, vector<1x128xf32> -> vector<1x128xf32>
      %gt3A_4192 = arith.constant 5.000000e-01 : f32
      %gt3A_4193 = vector.broadcast %gt3A_4192 : f32 to vector<1x128xf32>
      %gt3A_4194 = arith.cmpf ogt, %dot_general3A_4191, %gt3A_4193 : vector<1x128xf32>
      %jit3A_4195 = arith.constant 0.000000e+00 : f32
      %broadcast_in_dim3A_4196 = vector.broadcast %jit3A_4195 : f32 to vector<1x128xf32>
      %select_n3A_4197 = arith.select %gt3A_4194, %broadcast_in_dim3A_4196, %get3A_3864 : vector<1x128xi1>, vector<1x128xf32>
      %dot_general3A_4198 = arith.constant dense<0.000000e+00> : vector<1x128xf32>
      %dot_general3A_4199 = tpu.matmul %select_n3A_4197, %select_n3A_3861, %dot_general3A_4198 {dimension_numbers = #tpu.dot_dimension_numbers<[1], [0], [0], [1], [0, 0, 1, 1], [], []>, transpose_lhs_hint = false} : vector<1x128xf32>, vector<128x128xf32>, vector<1x128xf32> -> vector<1x128xf32>
      %gt3A_4200 = arith.constant 5.000000e-01 : f32
      %gt3A_4201 = vector.broadcast %gt3A_4200 : f32 to vector<1x128xf32>
      %gt3A_4202 = arith.cmpf ogt, %dot_general3A_4199, %gt3A_4201 : vector<1x128xf32>
      %jit3A_4203 = arith.constant 0.000000e+00 : f32
      %broadcast_in_dim3A_4204 = vector.broadcast %jit3A_4203 : f32 to vector<1x128xf32>
      %select_n3A_4205 = arith.select %gt3A_4202, %broadcast_in_dim3A_4204, %get3A_3864 : vector<1x128xi1>, vector<1x128xf32>
      %sub3A_4206 = arith.subf %select_n3A_4205, %select_n3A_4197 : vector<1x128xf32>
      %abs3A = math.absf %sub3A_4206 : vector<1x128xf32>
      %reduce_sum3A = vector.shape_cast %abs3A : vector<1x128xf32> to vector<1x1x128xf32>
      %reduce_sum3A_4207 = arith.constant dense<0.000000e+00> : vector<1xf32>
      %reduce_sum3A_4208 = vector.multi_reduction <add>, %reduce_sum3A, %reduce_sum3A_4207 [1, 2] : vector<1x1x128xf32> to vector<1xf32>
      %reduce_sum3A_4209 = vector.shape_cast %reduce_sum3A_4208 : vector<1xf32> to vector<1x1x1xf32>
      %reduce_sum3A_4210 = vector.extract %reduce_sum3A_4209[0, 0, 0] : f32 from vector<1x1x1xf32>
      %gt3A_4211 = arith.constant 0.000000e+00 : f32
      %gt3A_4212 = arith.cmpf ogt, %reduce_sum3A_4210, %gt3A_4211 : f32
      scf.yield %select_n3A_4205, %gt3A_4212 : vector<1x128xf32>, i1
    }
    %swap3A_3867 = arith.constant 0 : index
    %swap3A_3868 = arith.constant 4608 : index
    %swap3A_3869 = vector.load %arg1[%swap3A_3867, %swap3A_3868] : memref<1x5120xf32, #tpu.memory_space<vmem>>, vector<1x128xf32>
    tpu.vector_store %arg1[%swap3A_3867, %swap3A_3868], %while3A_3866#0 {strides = array<i32>} : memref<1x5120xf32, #tpu.memory_space<vmem>>, vector<1x128xf32>,
    %slice3A_3870 = vector.extract_strided_slice %get3A_1 {offsets = [0, 4736], sizes = [1, 384], strides = [1, 1]} : vector<8x5120xf32> to vector<1x384xf32>
    %slice3A_3871 = vector.extract_strided_slice %get3A_1 {offsets = [1, 4736], sizes = [1, 384], strides = [1, 1]} : vector<8x5120xf32> to vector<1x384xf32>
    %slice3A_3872 = vector.extract_strided_slice %get3A_1 {offsets = [2, 4736], sizes = [1, 384], strides = [1, 1]} : vector<8x5120xf32> to vector<1x384xf32>
    %slice3A_3873 = vector.extract_strided_slice %get3A_1 {offsets = [3, 4736], sizes = [1, 384], strides = [1, 1]} : vector<8x5120xf32> to vector<1x384xf32>
    %slice3A_3874 = vector.extract_strided_slice %get3A_1 {offsets = [4, 4736], sizes = [1, 384], strides = [1, 1]} : vector<8x5120xf32> to vector<1x384xf32>
    %min3A_3875 = vector.broadcast %slice3A_3820 : vector<128x1xf32> to vector<128x384xf32>
    %min3A_3876 = vector.broadcast %slice3A_3872 : vector<1x384xf32> to vector<128x384xf32>
    %min3A_3877 = arith.minimumf %min3A_3875, %min3A_3876 : vector<128x384xf32>
    %max3A_3878 = vector.broadcast %slice3A_3818 : vector<128x1xf32> to vector<128x384xf32>
    %max3A_3879 = vector.broadcast %slice3A_3870 : vector<1x384xf32> to vector<128x384xf32>
    %max3A_3880 = arith.maximumf %max3A_3878, %max3A_3879 : vector<128x384xf32>
    %sub3A_3881 = arith.subf %min3A_3877, %max3A_3880 : vector<128x384xf32>
    %max3A_3882 = arith.constant 0.000000e+00 : f32
    %max3A_3883 = vector.broadcast %max3A_3882 : f32 to vector<128x384xf32>
    %max3A_3884 = arith.maximumf %sub3A_3881, %max3A_3883 : vector<128x384xf32>
    %min3A_3885 = vector.broadcast %slice3A_3821 : vector<128x1xf32> to vector<128x384xf32>
    %min3A_3886 = vector.broadcast %slice3A_3873 : vector<1x384xf32> to vector<128x384xf32>
    %min3A_3887 = arith.minimumf %min3A_3885, %min3A_3886 : vector<128x384xf32>
    %max3A_3888 = vector.broadcast %slice3A_3819 : vector<128x1xf32> to vector<128x384xf32>
    %max3A_3889 = vector.broadcast %slice3A_3871 : vector<1x384xf32> to vector<128x384xf32>
    %max3A_3890 = arith.maximumf %max3A_3888, %max3A_3889 : vector<128x384xf32>
    %sub3A_3891 = arith.subf %min3A_3887, %max3A_3890 : vector<128x384xf32>
    %max3A_3892 = arith.constant 0.000000e+00 : f32
    %max3A_3893 = vector.broadcast %max3A_3892 : f32 to vector<128x384xf32>
    %max3A_3894 = arith.maximumf %sub3A_3891, %max3A_3893 : vector<128x384xf32>
    %mul3A_3895 = arith.mulf %max3A_3884, %max3A_3894 : vector<128x384xf32>
    %mul3A_3896 = arith.constant 3.000000e+00 : f32
    %mul3A_3897 = vector.broadcast %mul3A_3896 : f32 to vector<128x384xf32>
    %mul3A_3898 = arith.mulf %mul3A_3895, %mul3A_3897 : vector<128x384xf32>
    %add3A_3899 = vector.broadcast %slice3A_3822 : vector<128x1xf32> to vector<128x384xf32>
    %add3A_3900 = vector.broadcast %slice3A_3874 : vector<1x384xf32> to vector<128x384xf32>
    %add3A_3901 = arith.addf %add3A_3899, %add3A_3900 : vector<128x384xf32>
    %gt3A_3902 = arith.cmpf ogt, %mul3A_3898, %add3A_3901 : vector<128x384xf32>
    %convert_element_type3A_3903 = arith.extui %gt3A_3902 : vector<128x384xi1> to vector<128x384xi32>
    %convert_element_type3A_3904 = arith.sitofp %convert_element_type3A_3903 : vector<128x384xi32> to vector<128x384xf32>
    %convert_element_type3A_3905 = arith.truncf %convert_element_type3A_3904 : vector<128x384xf32> to vector<128x384xbf16>
    %convert_element_type3A_3906 = arith.truncf %while3A_3866#0 : vector<1x128xf32> to vector<1x128xbf16>
    %dot_general3A_3907 = arith.constant dense<0.000000e+00> : vector<1x384xf32>
    %dot_general3A_3908 = tpu.matmul %convert_element_type3A_3906, %convert_element_type3A_3905, %dot_general3A_3907 {dimension_numbers = #tpu.dot_dimension_numbers<[1], [0], [0], [1], [0, 0, 1, 1], [], []>, transpose_lhs_hint = false} : vector<1x128xbf16>, vector<128x384xbf16>, vector<1x384xf32> -> vector<1x384xf32>
    %gt3A_3909 = arith.constant 5.000000e-01 : f32
    %gt3A_3910 = vector.broadcast %gt3A_3909 : f32 to vector<1x384xf32>
    %gt3A_3911 = arith.cmpf ogt, %dot_general3A_3908, %gt3A_3910 : vector<1x384xf32>
    %get3A_3912 = arith.constant 0 : index
    %get3A_3913 = arith.constant 4736 : index
    %get3A_3914 = vector.load %arg1[%get3A_3912, %get3A_3913] : memref<1x5120xf32, #tpu.memory_space<vmem>>, vector<1x384xf32>
    %jit3A_3915 = arith.constant 0.000000e+00 : f32
    %broadcast_in_dim3A_3916 = vector.broadcast %jit3A_3915 : f32 to vector<1x384xf32>
    %select_n3A_3917 = arith.select %gt3A_3911, %broadcast_in_dim3A_3916, %get3A_3914 : vector<1x384xi1>, vector<1x384xf32>
    %swap3A_3918 = arith.constant 0 : index
    %swap3A_3919 = arith.constant 4736 : index
    %swap3A_3920 = vector.load %arg1[%swap3A_3918, %swap3A_3919] : memref<1x5120xf32, #tpu.memory_space<vmem>>, vector<1x384xf32>
    tpu.vector_store %arg1[%swap3A_3918, %swap3A_3919], %select_n3A_3917 {strides = array<i32>} : memref<1x5120xf32, #tpu.memory_space<vmem>>, vector<1x384xf32>,
    %slice3A_3921 = vector.extract_strided_slice %get3A_1 {offsets = [0, 4736], sizes = [8, 128], strides = [1, 1]} : vector<8x5120xf32> to vector<8x128xf32>
    %dot_general3A_3922 = arith.constant dense<0.000000e+00> : vector<128x8xf32>
    %dot_general3A_3923 = tpu.matmul %select_n3A, %slice3A_3921, %dot_general3A_3922 {dimension_numbers = #tpu.dot_dimension_numbers<[1], [1], [0], [0], [0, 0, 1, 0], [], []>, precision = #tpu.contract_precision<fp32>, transpose_lhs_hint = false} : vector<128x128xf32>, vector<8x128xf32>, vector<128x8xf32> -> vector<128x8xf32>
    %slice3A_3924 = vector.extract_strided_slice %dot_general3A_3923 {offsets = [0, 0], sizes = [128, 1], strides = [1, 1]} : vector<128x8xf32> to vector<128x1xf32>
    %slice3A_3925 = vector.extract_strided_slice %dot_general3A_3923 {offsets = [0, 1], sizes = [128, 1], strides = [1, 1]} : vector<128x8xf32> to vector<128x1xf32>
    %slice3A_3926 = vector.extract_strided_slice %dot_general3A_3923 {offsets = [0, 2], sizes = [128, 1], strides = [1, 1]} : vector<128x8xf32> to vector<128x1xf32>
    %slice3A_3927 = vector.extract_strided_slice %dot_general3A_3923 {offsets = [0, 3], sizes = [128, 1], strides = [1, 1]} : vector<128x8xf32> to vector<128x1xf32>
    %slice3A_3928 = vector.extract_strided_slice %dot_general3A_3923 {offsets = [0, 4], sizes = [128, 1], strides = [1, 1]} : vector<128x8xf32> to vector<128x1xf32>
    %slice3A_3929 = vector.extract_strided_slice %get3A_1 {offsets = [0, 4736], sizes = [1, 128], strides = [1, 1]} : vector<8x5120xf32> to vector<1x128xf32>
    %slice3A_3930 = vector.extract_strided_slice %get3A_1 {offsets = [1, 4736], sizes = [1, 128], strides = [1, 1]} : vector<8x5120xf32> to vector<1x128xf32>
    %slice3A_3931 = vector.extract_strided_slice %get3A_1 {offsets = [2, 4736], sizes = [1, 128], strides = [1, 1]} : vector<8x5120xf32> to vector<1x128xf32>
    %slice3A_3932 = vector.extract_strided_slice %get3A_1 {offsets = [3, 4736], sizes = [1, 128], strides = [1, 1]} : vector<8x5120xf32> to vector<1x128xf32>
    %slice3A_3933 = vector.extract_strided_slice %get3A_1 {offsets = [4, 4736], sizes = [1, 128], strides = [1, 1]} : vector<8x5120xf32> to vector<1x128xf32>
    %min3A_3934 = vector.broadcast %slice3A_3926 : vector<128x1xf32> to vector<128x128xf32>
    %min3A_3935 = vector.broadcast %slice3A_3931 : vector<1x128xf32> to vector<128x128xf32>
    %min3A_3936 = arith.minimumf %min3A_3934, %min3A_3935 : vector<128x128xf32>
    %max3A_3937 = vector.broadcast %slice3A_3924 : vector<128x1xf32> to vector<128x128xf32>
    %max3A_3938 = vector.broadcast %slice3A_3929 : vector<1x128xf32> to vector<128x128xf32>
    %max3A_3939 = arith.maximumf %max3A_3937, %max3A_3938 : vector<128x128xf32>
    %sub3A_3940 = arith.subf %min3A_3936, %max3A_3939 : vector<128x128xf32>
    %max3A_3941 = arith.constant 0.000000e+00 : f32
    %max3A_3942 = vector.broadcast %max3A_3941 : f32 to vector<128x128xf32>
    %max3A_3943 = arith.maximumf %sub3A_3940, %max3A_3942 : vector<128x128xf32>
    %min3A_3944 = vector.broadcast %slice3A_3927 : vector<128x1xf32> to vector<128x128xf32>
    %min3A_3945 = vector.broadcast %slice3A_3932 : vector<1x128xf32> to vector<128x128xf32>
    %min3A_3946 = arith.minimumf %min3A_3944, %min3A_3945 : vector<128x128xf32>
    %max3A_3947 = vector.broadcast %slice3A_3925 : vector<128x1xf32> to vector<128x128xf32>
    %max3A_3948 = vector.broadcast %slice3A_3930 : vector<1x128xf32> to vector<128x128xf32>
    %max3A_3949 = arith.maximumf %max3A_3947, %max3A_3948 : vector<128x128xf32>
    %sub3A_3950 = arith.subf %min3A_3946, %max3A_3949 : vector<128x128xf32>
    %max3A_3951 = arith.constant 0.000000e+00 : f32
    %max3A_3952 = vector.broadcast %max3A_3951 : f32 to vector<128x128xf32>
    %max3A_3953 = arith.maximumf %sub3A_3950, %max3A_3952 : vector<128x128xf32>
    %mul3A_3954 = arith.mulf %max3A_3943, %max3A_3953 : vector<128x128xf32>
    %mul3A_3955 = arith.constant 3.000000e+00 : f32
    %mul3A_3956 = vector.broadcast %mul3A_3955 : f32 to vector<128x128xf32>
    %mul3A_3957 = arith.mulf %mul3A_3954, %mul3A_3956 : vector<128x128xf32>
    %add3A_3958 = vector.broadcast %slice3A_3928 : vector<128x1xf32> to vector<128x128xf32>
    %add3A_3959 = vector.broadcast %slice3A_3933 : vector<1x128xf32> to vector<128x128xf32>
    %add3A_3960 = arith.addf %add3A_3958, %add3A_3959 : vector<128x128xf32>
    %gt3A_3961 = arith.cmpf ogt, %mul3A_3957, %add3A_3960 : vector<128x128xf32>
    %and3A_3962 = arith.andi %gt3A_3961, %gt3A : vector<128x128xi1>
    %jit3A_3963 = arith.constant 1.000000e+00 : f32
    %jit3A_3964 = arith.constant 0.000000e+00 : f32
    %broadcast_in_dim3A_3965 = vector.broadcast %jit3A_3963 : f32 to vector<128x128xf32>
    %broadcast_in_dim3A_3966 = vector.broadcast %jit3A_3964 : f32 to vector<128x128xf32>
    %select_n3A_3967 = arith.select %and3A_3962, %broadcast_in_dim3A_3965, %broadcast_in_dim3A_3966 : vector<128x128xi1>, vector<128x128xf32>
    %get3A_3968 = arith.constant 0 : index
    %get3A_3969 = arith.constant 4736 : index
    %get3A_3970 = vector.load %arg1[%get3A_3968, %get3A_3969] : memref<1x5120xf32, #tpu.memory_space<vmem>>, vector<1x128xf32>
    %while3A_3971 = arith.constant true
    %while3A_3972:2 = scf.while (%while3A_4188 = %get3A_3970, %while3A_4189 = %while3A_3971) : (vector<1x128xf32>, i1) -> (vector<1x128xf32>, i1) {
      scf.condition(%while3A_4189) %while3A_4188, %while3A_4189 : vector<1x128xf32>, i1
    } do {
    ^bb0(%while3A_4188: vector<1x128xf32>, %while3A_4189: i1):
      %dot_general3A_4190 = arith.constant dense<0.000000e+00> : vector<1x128xf32>
      %dot_general3A_4191 = tpu.matmul %while3A_4188, %select_n3A_3967, %dot_general3A_4190 {dimension_numbers = #tpu.dot_dimension_numbers<[1], [0], [0], [1], [0, 0, 1, 1], [], []>, transpose_lhs_hint = false} : vector<1x128xf32>, vector<128x128xf32>, vector<1x128xf32> -> vector<1x128xf32>
      %gt3A_4192 = arith.constant 5.000000e-01 : f32
      %gt3A_4193 = vector.broadcast %gt3A_4192 : f32 to vector<1x128xf32>
      %gt3A_4194 = arith.cmpf ogt, %dot_general3A_4191, %gt3A_4193 : vector<1x128xf32>
      %jit3A_4195 = arith.constant 0.000000e+00 : f32
      %broadcast_in_dim3A_4196 = vector.broadcast %jit3A_4195 : f32 to vector<1x128xf32>
      %select_n3A_4197 = arith.select %gt3A_4194, %broadcast_in_dim3A_4196, %get3A_3970 : vector<1x128xi1>, vector<1x128xf32>
      %dot_general3A_4198 = arith.constant dense<0.000000e+00> : vector<1x128xf32>
      %dot_general3A_4199 = tpu.matmul %select_n3A_4197, %select_n3A_3967, %dot_general3A_4198 {dimension_numbers = #tpu.dot_dimension_numbers<[1], [0], [0], [1], [0, 0, 1, 1], [], []>, transpose_lhs_hint = false} : vector<1x128xf32>, vector<128x128xf32>, vector<1x128xf32> -> vector<1x128xf32>
      %gt3A_4200 = arith.constant 5.000000e-01 : f32
      %gt3A_4201 = vector.broadcast %gt3A_4200 : f32 to vector<1x128xf32>
      %gt3A_4202 = arith.cmpf ogt, %dot_general3A_4199, %gt3A_4201 : vector<1x128xf32>
      %jit3A_4203 = arith.constant 0.000000e+00 : f32
      %broadcast_in_dim3A_4204 = vector.broadcast %jit3A_4203 : f32 to vector<1x128xf32>
      %select_n3A_4205 = arith.select %gt3A_4202, %broadcast_in_dim3A_4204, %get3A_3970 : vector<1x128xi1>, vector<1x128xf32>
      %sub3A_4206 = arith.subf %select_n3A_4205, %select_n3A_4197 : vector<1x128xf32>
      %abs3A = math.absf %sub3A_4206 : vector<1x128xf32>
      %reduce_sum3A = vector.shape_cast %abs3A : vector<1x128xf32> to vector<1x1x128xf32>
      %reduce_sum3A_4207 = arith.constant dense<0.000000e+00> : vector<1xf32>
      %reduce_sum3A_4208 = vector.multi_reduction <add>, %reduce_sum3A, %reduce_sum3A_4207 [1, 2] : vector<1x1x128xf32> to vector<1xf32>
      %reduce_sum3A_4209 = vector.shape_cast %reduce_sum3A_4208 : vector<1xf32> to vector<1x1x1xf32>
      %reduce_sum3A_4210 = vector.extract %reduce_sum3A_4209[0, 0, 0] : f32 from vector<1x1x1xf32>
      %gt3A_4211 = arith.constant 0.000000e+00 : f32
      %gt3A_4212 = arith.cmpf ogt, %reduce_sum3A_4210, %gt3A_4211 : f32
      scf.yield %select_n3A_4205, %gt3A_4212 : vector<1x128xf32>, i1
    }
    %swap3A_3973 = arith.constant 0 : index
    %swap3A_3974 = arith.constant 4736 : index
    %swap3A_3975 = vector.load %arg1[%swap3A_3973, %swap3A_3974] : memref<1x5120xf32, #tpu.memory_space<vmem>>, vector<1x128xf32>
    tpu.vector_store %arg1[%swap3A_3973, %swap3A_3974], %while3A_3972#0 {strides = array<i32>} : memref<1x5120xf32, #tpu.memory_space<vmem>>, vector<1x128xf32>,
    %slice3A_3976 = vector.extract_strided_slice %get3A_1 {offsets = [0, 4864], sizes = [1, 256], strides = [1, 1]} : vector<8x5120xf32> to vector<1x256xf32>
    %slice3A_3977 = vector.extract_strided_slice %get3A_1 {offsets = [1, 4864], sizes = [1, 256], strides = [1, 1]} : vector<8x5120xf32> to vector<1x256xf32>
    %slice3A_3978 = vector.extract_strided_slice %get3A_1 {offsets = [2, 4864], sizes = [1, 256], strides = [1, 1]} : vector<8x5120xf32> to vector<1x256xf32>
    %slice3A_3979 = vector.extract_strided_slice %get3A_1 {offsets = [3, 4864], sizes = [1, 256], strides = [1, 1]} : vector<8x5120xf32> to vector<1x256xf32>
    %slice3A_3980 = vector.extract_strided_slice %get3A_1 {offsets = [4, 4864], sizes = [1, 256], strides = [1, 1]} : vector<8x5120xf32> to vector<1x256xf32>
    %min3A_3981 = vector.broadcast %slice3A_3926 : vector<128x1xf32> to vector<128x256xf32>
    %min3A_3982 = vector.broadcast %slice3A_3978 : vector<1x256xf32> to vector<128x256xf32>
    %min3A_3983 = arith.minimumf %min3A_3981, %min3A_3982 : vector<128x256xf32>
    %max3A_3984 = vector.broadcast %slice3A_3924 : vector<128x1xf32> to vector<128x256xf32>
    %max3A_3985 = vector.broadcast %slice3A_3976 : vector<1x256xf32> to vector<128x256xf32>
    %max3A_3986 = arith.maximumf %max3A_3984, %max3A_3985 : vector<128x256xf32>
    %sub3A_3987 = arith.subf %min3A_3983, %max3A_3986 : vector<128x256xf32>
    %max3A_3988 = arith.constant 0.000000e+00 : f32
    %max3A_3989 = vector.broadcast %max3A_3988 : f32 to vector<128x256xf32>
    %max3A_3990 = arith.maximumf %sub3A_3987, %max3A_3989 : vector<128x256xf32>
    %min3A_3991 = vector.broadcast %slice3A_3927 : vector<128x1xf32> to vector<128x256xf32>
    %min3A_3992 = vector.broadcast %slice3A_3979 : vector<1x256xf32> to vector<128x256xf32>
    %min3A_3993 = arith.minimumf %min3A_3991, %min3A_3992 : vector<128x256xf32>
    %max3A_3994 = vector.broadcast %slice3A_3925 : vector<128x1xf32> to vector<128x256xf32>
    %max3A_3995 = vector.broadcast %slice3A_3977 : vector<1x256xf32> to vector<128x256xf32>
    %max3A_3996 = arith.maximumf %max3A_3994, %max3A_3995 : vector<128x256xf32>
    %sub3A_3997 = arith.subf %min3A_3993, %max3A_3996 : vector<128x256xf32>
    %max3A_3998 = arith.constant 0.000000e+00 : f32
    %max3A_3999 = vector.broadcast %max3A_3998 : f32 to vector<128x256xf32>
    %max3A_4000 = arith.maximumf %sub3A_3997, %max3A_3999 : vector<128x256xf32>
    %mul3A_4001 = arith.mulf %max3A_3990, %max3A_4000 : vector<128x256xf32>
    %mul3A_4002 = arith.constant 3.000000e+00 : f32
    %mul3A_4003 = vector.broadcast %mul3A_4002 : f32 to vector<128x256xf32>
    %mul3A_4004 = arith.mulf %mul3A_4001, %mul3A_4003 : vector<128x256xf32>
    %add3A_4005 = vector.broadcast %slice3A_3928 : vector<128x1xf32> to vector<128x256xf32>
    %add3A_4006 = vector.broadcast %slice3A_3980 : vector<1x256xf32> to vector<128x256xf32>
    %add3A_4007 = arith.addf %add3A_4005, %add3A_4006 : vector<128x256xf32>
    %gt3A_4008 = arith.cmpf ogt, %mul3A_4004, %add3A_4007 : vector<128x256xf32>
    %convert_element_type3A_4009 = arith.extui %gt3A_4008 : vector<128x256xi1> to vector<128x256xi32>
    %convert_element_type3A_4010 = arith.sitofp %convert_element_type3A_4009 : vector<128x256xi32> to vector<128x256xf32>
    %convert_element_type3A_4011 = arith.truncf %convert_element_type3A_4010 : vector<128x256xf32> to vector<128x256xbf16>
    %convert_element_type3A_4012 = arith.truncf %while3A_3972#0 : vector<1x128xf32> to vector<1x128xbf16>
    %dot_general3A_4013 = arith.constant dense<0.000000e+00> : vector<1x256xf32>
    %dot_general3A_4014 = tpu.matmul %convert_element_type3A_4012, %convert_element_type3A_4011, %dot_general3A_4013 {dimension_numbers = #tpu.dot_dimension_numbers<[1], [0], [0], [1], [0, 0, 1, 1], [], []>, transpose_lhs_hint = false} : vector<1x128xbf16>, vector<128x256xbf16>, vector<1x256xf32> -> vector<1x256xf32>
    %gt3A_4015 = arith.constant 5.000000e-01 : f32
    %gt3A_4016 = vector.broadcast %gt3A_4015 : f32 to vector<1x256xf32>
    %gt3A_4017 = arith.cmpf ogt, %dot_general3A_4014, %gt3A_4016 : vector<1x256xf32>
    %get3A_4018 = arith.constant 0 : index
    %get3A_4019 = arith.constant 4864 : index
    %get3A_4020 = vector.load %arg1[%get3A_4018, %get3A_4019] : memref<1x5120xf32, #tpu.memory_space<vmem>>, vector<1x256xf32>
    %jit3A_4021 = arith.constant 0.000000e+00 : f32
    %broadcast_in_dim3A_4022 = vector.broadcast %jit3A_4021 : f32 to vector<1x256xf32>
    %select_n3A_4023 = arith.select %gt3A_4017, %broadcast_in_dim3A_4022, %get3A_4020 : vector<1x256xi1>, vector<1x256xf32>
    %swap3A_4024 = arith.constant 0 : index
    %swap3A_4025 = arith.constant 4864 : index
    %swap3A_4026 = vector.load %arg1[%swap3A_4024, %swap3A_4025] : memref<1x5120xf32, #tpu.memory_space<vmem>>, vector<1x256xf32>
    tpu.vector_store %arg1[%swap3A_4024, %swap3A_4025], %select_n3A_4023 {strides = array<i32>} : memref<1x5120xf32, #tpu.memory_space<vmem>>, vector<1x256xf32>,
    %slice3A_4027 = vector.extract_strided_slice %get3A_1 {offsets = [0, 4864], sizes = [8, 128], strides = [1, 1]} : vector<8x5120xf32> to vector<8x128xf32>
    %dot_general3A_4028 = arith.constant dense<0.000000e+00> : vector<128x8xf32>
    %dot_general3A_4029 = tpu.matmul %select_n3A, %slice3A_4027, %dot_general3A_4028 {dimension_numbers = #tpu.dot_dimension_numbers<[1], [1], [0], [0], [0, 0, 1, 0], [], []>, precision = #tpu.contract_precision<fp32>, transpose_lhs_hint = false} : vector<128x128xf32>, vector<8x128xf32>, vector<128x8xf32> -> vector<128x8xf32>
    %slice3A_4030 = vector.extract_strided_slice %dot_general3A_4029 {offsets = [0, 0], sizes = [128, 1], strides = [1, 1]} : vector<128x8xf32> to vector<128x1xf32>
    %slice3A_4031 = vector.extract_strided_slice %dot_general3A_4029 {offsets = [0, 1], sizes = [128, 1], strides = [1, 1]} : vector<128x8xf32> to vector<128x1xf32>
    %slice3A_4032 = vector.extract_strided_slice %dot_general3A_4029 {offsets = [0, 2], sizes = [128, 1], strides = [1, 1]} : vector<128x8xf32> to vector<128x1xf32>
    %slice3A_4033 = vector.extract_strided_slice %dot_general3A_4029 {offsets = [0, 3], sizes = [128, 1], strides = [1, 1]} : vector<128x8xf32> to vector<128x1xf32>
    %slice3A_4034 = vector.extract_strided_slice %dot_general3A_4029 {offsets = [0, 4], sizes = [128, 1], strides = [1, 1]} : vector<128x8xf32> to vector<128x1xf32>
    %slice3A_4035 = vector.extract_strided_slice %get3A_1 {offsets = [0, 4864], sizes = [1, 128], strides = [1, 1]} : vector<8x5120xf32> to vector<1x128xf32>
    %slice3A_4036 = vector.extract_strided_slice %get3A_1 {offsets = [1, 4864], sizes = [1, 128], strides = [1, 1]} : vector<8x5120xf32> to vector<1x128xf32>
    %slice3A_4037 = vector.extract_strided_slice %get3A_1 {offsets = [2, 4864], sizes = [1, 128], strides = [1, 1]} : vector<8x5120xf32> to vector<1x128xf32>
    %slice3A_4038 = vector.extract_strided_slice %get3A_1 {offsets = [3, 4864], sizes = [1, 128], strides = [1, 1]} : vector<8x5120xf32> to vector<1x128xf32>
    %slice3A_4039 = vector.extract_strided_slice %get3A_1 {offsets = [4, 4864], sizes = [1, 128], strides = [1, 1]} : vector<8x5120xf32> to vector<1x128xf32>
    %min3A_4040 = vector.broadcast %slice3A_4032 : vector<128x1xf32> to vector<128x128xf32>
    %min3A_4041 = vector.broadcast %slice3A_4037 : vector<1x128xf32> to vector<128x128xf32>
    %min3A_4042 = arith.minimumf %min3A_4040, %min3A_4041 : vector<128x128xf32>
    %max3A_4043 = vector.broadcast %slice3A_4030 : vector<128x1xf32> to vector<128x128xf32>
    %max3A_4044 = vector.broadcast %slice3A_4035 : vector<1x128xf32> to vector<128x128xf32>
    %max3A_4045 = arith.maximumf %max3A_4043, %max3A_4044 : vector<128x128xf32>
    %sub3A_4046 = arith.subf %min3A_4042, %max3A_4045 : vector<128x128xf32>
    %max3A_4047 = arith.constant 0.000000e+00 : f32
    %max3A_4048 = vector.broadcast %max3A_4047 : f32 to vector<128x128xf32>
    %max3A_4049 = arith.maximumf %sub3A_4046, %max3A_4048 : vector<128x128xf32>
    %min3A_4050 = vector.broadcast %slice3A_4033 : vector<128x1xf32> to vector<128x128xf32>
    %min3A_4051 = vector.broadcast %slice3A_4038 : vector<1x128xf32> to vector<128x128xf32>
    %min3A_4052 = arith.minimumf %min3A_4050, %min3A_4051 : vector<128x128xf32>
    %max3A_4053 = vector.broadcast %slice3A_4031 : vector<128x1xf32> to vector<128x128xf32>
    %max3A_4054 = vector.broadcast %slice3A_4036 : vector<1x128xf32> to vector<128x128xf32>
    %max3A_4055 = arith.maximumf %max3A_4053, %max3A_4054 : vector<128x128xf32>
    %sub3A_4056 = arith.subf %min3A_4052, %max3A_4055 : vector<128x128xf32>
    %max3A_4057 = arith.constant 0.000000e+00 : f32
    %max3A_4058 = vector.broadcast %max3A_4057 : f32 to vector<128x128xf32>
    %max3A_4059 = arith.maximumf %sub3A_4056, %max3A_4058 : vector<128x128xf32>
    %mul3A_4060 = arith.mulf %max3A_4049, %max3A_4059 : vector<128x128xf32>
    %mul3A_4061 = arith.constant 3.000000e+00 : f32
    %mul3A_4062 = vector.broadcast %mul3A_4061 : f32 to vector<128x128xf32>
    %mul3A_4063 = arith.mulf %mul3A_4060, %mul3A_4062 : vector<128x128xf32>
    %add3A_4064 = vector.broadcast %slice3A_4034 : vector<128x1xf32> to vector<128x128xf32>
    %add3A_4065 = vector.broadcast %slice3A_4039 : vector<1x128xf32> to vector<128x128xf32>
    %add3A_4066 = arith.addf %add3A_4064, %add3A_4065 : vector<128x128xf32>
    %gt3A_4067 = arith.cmpf ogt, %mul3A_4063, %add3A_4066 : vector<128x128xf32>
    %and3A_4068 = arith.andi %gt3A_4067, %gt3A : vector<128x128xi1>
    %jit3A_4069 = arith.constant 1.000000e+00 : f32
    %jit3A_4070 = arith.constant 0.000000e+00 : f32
    %broadcast_in_dim3A_4071 = vector.broadcast %jit3A_4069 : f32 to vector<128x128xf32>
    %broadcast_in_dim3A_4072 = vector.broadcast %jit3A_4070 : f32 to vector<128x128xf32>
    %select_n3A_4073 = arith.select %and3A_4068, %broadcast_in_dim3A_4071, %broadcast_in_dim3A_4072 : vector<128x128xi1>, vector<128x128xf32>
    %get3A_4074 = arith.constant 0 : index
    %get3A_4075 = arith.constant 4864 : index
    %get3A_4076 = vector.load %arg1[%get3A_4074, %get3A_4075] : memref<1x5120xf32, #tpu.memory_space<vmem>>, vector<1x128xf32>
    %while3A_4077 = arith.constant true
    %while3A_4078:2 = scf.while (%while3A_4188 = %get3A_4076, %while3A_4189 = %while3A_4077) : (vector<1x128xf32>, i1) -> (vector<1x128xf32>, i1) {
      scf.condition(%while3A_4189) %while3A_4188, %while3A_4189 : vector<1x128xf32>, i1
    } do {
    ^bb0(%while3A_4188: vector<1x128xf32>, %while3A_4189: i1):
      %dot_general3A_4190 = arith.constant dense<0.000000e+00> : vector<1x128xf32>
      %dot_general3A_4191 = tpu.matmul %while3A_4188, %select_n3A_4073, %dot_general3A_4190 {dimension_numbers = #tpu.dot_dimension_numbers<[1], [0], [0], [1], [0, 0, 1, 1], [], []>, transpose_lhs_hint = false} : vector<1x128xf32>, vector<128x128xf32>, vector<1x128xf32> -> vector<1x128xf32>
      %gt3A_4192 = arith.constant 5.000000e-01 : f32
      %gt3A_4193 = vector.broadcast %gt3A_4192 : f32 to vector<1x128xf32>
      %gt3A_4194 = arith.cmpf ogt, %dot_general3A_4191, %gt3A_4193 : vector<1x128xf32>
      %jit3A_4195 = arith.constant 0.000000e+00 : f32
      %broadcast_in_dim3A_4196 = vector.broadcast %jit3A_4195 : f32 to vector<1x128xf32>
      %select_n3A_4197 = arith.select %gt3A_4194, %broadcast_in_dim3A_4196, %get3A_4076 : vector<1x128xi1>, vector<1x128xf32>
      %dot_general3A_4198 = arith.constant dense<0.000000e+00> : vector<1x128xf32>
      %dot_general3A_4199 = tpu.matmul %select_n3A_4197, %select_n3A_4073, %dot_general3A_4198 {dimension_numbers = #tpu.dot_dimension_numbers<[1], [0], [0], [1], [0, 0, 1, 1], [], []>, transpose_lhs_hint = false} : vector<1x128xf32>, vector<128x128xf32>, vector<1x128xf32> -> vector<1x128xf32>
      %gt3A_4200 = arith.constant 5.000000e-01 : f32
      %gt3A_4201 = vector.broadcast %gt3A_4200 : f32 to vector<1x128xf32>
      %gt3A_4202 = arith.cmpf ogt, %dot_general3A_4199, %gt3A_4201 : vector<1x128xf32>
      %jit3A_4203 = arith.constant 0.000000e+00 : f32
      %broadcast_in_dim3A_4204 = vector.broadcast %jit3A_4203 : f32 to vector<1x128xf32>
      %select_n3A_4205 = arith.select %gt3A_4202, %broadcast_in_dim3A_4204, %get3A_4076 : vector<1x128xi1>, vector<1x128xf32>
      %sub3A_4206 = arith.subf %select_n3A_4205, %select_n3A_4197 : vector<1x128xf32>
      %abs3A = math.absf %sub3A_4206 : vector<1x128xf32>
      %reduce_sum3A = vector.shape_cast %abs3A : vector<1x128xf32> to vector<1x1x128xf32>
      %reduce_sum3A_4207 = arith.constant dense<0.000000e+00> : vector<1xf32>
      %reduce_sum3A_4208 = vector.multi_reduction <add>, %reduce_sum3A, %reduce_sum3A_4207 [1, 2] : vector<1x1x128xf32> to vector<1xf32>
      %reduce_sum3A_4209 = vector.shape_cast %reduce_sum3A_4208 : vector<1xf32> to vector<1x1x1xf32>
      %reduce_sum3A_4210 = vector.extract %reduce_sum3A_4209[0, 0, 0] : f32 from vector<1x1x1xf32>
      %gt3A_4211 = arith.constant 0.000000e+00 : f32
      %gt3A_4212 = arith.cmpf ogt, %reduce_sum3A_4210, %gt3A_4211 : f32
      scf.yield %select_n3A_4205, %gt3A_4212 : vector<1x128xf32>, i1
    }
    %swap3A_4079 = arith.constant 0 : index
    %swap3A_4080 = arith.constant 4864 : index
    %swap3A_4081 = vector.load %arg1[%swap3A_4079, %swap3A_4080] : memref<1x5120xf32, #tpu.memory_space<vmem>>, vector<1x128xf32>
    tpu.vector_store %arg1[%swap3A_4079, %swap3A_4080], %while3A_4078#0 {strides = array<i32>} : memref<1x5120xf32, #tpu.memory_space<vmem>>, vector<1x128xf32>,
    %slice3A_4082 = vector.extract_strided_slice %get3A_1 {offsets = [0, 4992], sizes = [1, 128], strides = [1, 1]} : vector<8x5120xf32> to vector<1x128xf32>
    %slice3A_4083 = vector.extract_strided_slice %get3A_1 {offsets = [1, 4992], sizes = [1, 128], strides = [1, 1]} : vector<8x5120xf32> to vector<1x128xf32>
    %slice3A_4084 = vector.extract_strided_slice %get3A_1 {offsets = [2, 4992], sizes = [1, 128], strides = [1, 1]} : vector<8x5120xf32> to vector<1x128xf32>
    %slice3A_4085 = vector.extract_strided_slice %get3A_1 {offsets = [3, 4992], sizes = [1, 128], strides = [1, 1]} : vector<8x5120xf32> to vector<1x128xf32>
    %slice3A_4086 = vector.extract_strided_slice %get3A_1 {offsets = [4, 4992], sizes = [1, 128], strides = [1, 1]} : vector<8x5120xf32> to vector<1x128xf32>
    %min3A_4087 = vector.broadcast %slice3A_4032 : vector<128x1xf32> to vector<128x128xf32>
    %min3A_4088 = vector.broadcast %slice3A_4084 : vector<1x128xf32> to vector<128x128xf32>
    %min3A_4089 = arith.minimumf %min3A_4087, %min3A_4088 : vector<128x128xf32>
    %max3A_4090 = vector.broadcast %slice3A_4030 : vector<128x1xf32> to vector<128x128xf32>
    %max3A_4091 = vector.broadcast %slice3A_4082 : vector<1x128xf32> to vector<128x128xf32>
    %max3A_4092 = arith.maximumf %max3A_4090, %max3A_4091 : vector<128x128xf32>
    %sub3A_4093 = arith.subf %min3A_4089, %max3A_4092 : vector<128x128xf32>
    %max3A_4094 = arith.constant 0.000000e+00 : f32
    %max3A_4095 = vector.broadcast %max3A_4094 : f32 to vector<128x128xf32>
    %max3A_4096 = arith.maximumf %sub3A_4093, %max3A_4095 : vector<128x128xf32>
    %min3A_4097 = vector.broadcast %slice3A_4033 : vector<128x1xf32> to vector<128x128xf32>
    %min3A_4098 = vector.broadcast %slice3A_4085 : vector<1x128xf32> to vector<128x128xf32>
    %min3A_4099 = arith.minimumf %min3A_4097, %min3A_4098 : vector<128x128xf32>
    %max3A_4100 = vector.broadcast %slice3A_4031 : vector<128x1xf32> to vector<128x128xf32>
    %max3A_4101 = vector.broadcast %slice3A_4083 : vector<1x128xf32> to vector<128x128xf32>
    %max3A_4102 = arith.maximumf %max3A_4100, %max3A_4101 : vector<128x128xf32>
    %sub3A_4103 = arith.subf %min3A_4099, %max3A_4102 : vector<128x128xf32>
    %max3A_4104 = arith.constant 0.000000e+00 : f32
    %max3A_4105 = vector.broadcast %max3A_4104 : f32 to vector<128x128xf32>
    %max3A_4106 = arith.maximumf %sub3A_4103, %max3A_4105 : vector<128x128xf32>
    %mul3A_4107 = arith.mulf %max3A_4096, %max3A_4106 : vector<128x128xf32>
    %mul3A_4108 = arith.constant 3.000000e+00 : f32
    %mul3A_4109 = vector.broadcast %mul3A_4108 : f32 to vector<128x128xf32>
    %mul3A_4110 = arith.mulf %mul3A_4107, %mul3A_4109 : vector<128x128xf32>
    %add3A_4111 = vector.broadcast %slice3A_4034 : vector<128x1xf32> to vector<128x128xf32>
    %add3A_4112 = vector.broadcast %slice3A_4086 : vector<1x128xf32> to vector<128x128xf32>
    %add3A_4113 = arith.addf %add3A_4111, %add3A_4112 : vector<128x128xf32>
    %gt3A_4114 = arith.cmpf ogt, %mul3A_4110, %add3A_4113 : vector<128x128xf32>
    %convert_element_type3A_4115 = arith.extui %gt3A_4114 : vector<128x128xi1> to vector<128x128xi32>
    %convert_element_type3A_4116 = arith.sitofp %convert_element_type3A_4115 : vector<128x128xi32> to vector<128x128xf32>
    %convert_element_type3A_4117 = arith.truncf %convert_element_type3A_4116 : vector<128x128xf32> to vector<128x128xbf16>
    %convert_element_type3A_4118 = arith.truncf %while3A_4078#0 : vector<1x128xf32> to vector<1x128xbf16>
    %dot_general3A_4119 = arith.constant dense<0.000000e+00> : vector<1x128xf32>
    %dot_general3A_4120 = tpu.matmul %convert_element_type3A_4118, %convert_element_type3A_4117, %dot_general3A_4119 {dimension_numbers = #tpu.dot_dimension_numbers<[1], [0], [0], [1], [0, 0, 1, 1], [], []>, transpose_lhs_hint = false} : vector<1x128xbf16>, vector<128x128xbf16>, vector<1x128xf32> -> vector<1x128xf32>
    %gt3A_4121 = arith.constant 5.000000e-01 : f32
    %gt3A_4122 = vector.broadcast %gt3A_4121 : f32 to vector<1x128xf32>
    %gt3A_4123 = arith.cmpf ogt, %dot_general3A_4120, %gt3A_4122 : vector<1x128xf32>
    %get3A_4124 = arith.constant 0 : index
    %get3A_4125 = arith.constant 4992 : index
    %get3A_4126 = vector.load %arg1[%get3A_4124, %get3A_4125] : memref<1x5120xf32, #tpu.memory_space<vmem>>, vector<1x128xf32>
    %jit3A_4127 = arith.constant 0.000000e+00 : f32
    %broadcast_in_dim3A_4128 = vector.broadcast %jit3A_4127 : f32 to vector<1x128xf32>
    %select_n3A_4129 = arith.select %gt3A_4123, %broadcast_in_dim3A_4128, %get3A_4126 : vector<1x128xi1>, vector<1x128xf32>
    %swap3A_4130 = arith.constant 0 : index
    %swap3A_4131 = arith.constant 4992 : index
    %swap3A_4132 = vector.load %arg1[%swap3A_4130, %swap3A_4131] : memref<1x5120xf32, #tpu.memory_space<vmem>>, vector<1x128xf32>
    tpu.vector_store %arg1[%swap3A_4130, %swap3A_4131], %select_n3A_4129 {strides = array<i32>} : memref<1x5120xf32, #tpu.memory_space<vmem>>, vector<1x128xf32>,
    %slice3A_4133 = vector.extract_strided_slice %get3A_1 {offsets = [0, 4992], sizes = [8, 128], strides = [1, 1]} : vector<8x5120xf32> to vector<8x128xf32>
    %dot_general3A_4134 = arith.constant dense<0.000000e+00> : vector<128x8xf32>
    %dot_general3A_4135 = tpu.matmul %select_n3A, %slice3A_4133, %dot_general3A_4134 {dimension_numbers = #tpu.dot_dimension_numbers<[1], [1], [0], [0], [0, 0, 1, 0], [], []>, precision = #tpu.contract_precision<fp32>, transpose_lhs_hint = false} : vector<128x128xf32>, vector<8x128xf32>, vector<128x8xf32> -> vector<128x8xf32>
    %slice3A_4136 = vector.extract_strided_slice %dot_general3A_4135 {offsets = [0, 0], sizes = [128, 1], strides = [1, 1]} : vector<128x8xf32> to vector<128x1xf32>
    %slice3A_4137 = vector.extract_strided_slice %dot_general3A_4135 {offsets = [0, 1], sizes = [128, 1], strides = [1, 1]} : vector<128x8xf32> to vector<128x1xf32>
    %slice3A_4138 = vector.extract_strided_slice %dot_general3A_4135 {offsets = [0, 2], sizes = [128, 1], strides = [1, 1]} : vector<128x8xf32> to vector<128x1xf32>
    %slice3A_4139 = vector.extract_strided_slice %dot_general3A_4135 {offsets = [0, 3], sizes = [128, 1], strides = [1, 1]} : vector<128x8xf32> to vector<128x1xf32>
    %slice3A_4140 = vector.extract_strided_slice %dot_general3A_4135 {offsets = [0, 4], sizes = [128, 1], strides = [1, 1]} : vector<128x8xf32> to vector<128x1xf32>
    %slice3A_4141 = vector.extract_strided_slice %get3A_1 {offsets = [0, 4992], sizes = [1, 128], strides = [1, 1]} : vector<8x5120xf32> to vector<1x128xf32>
    %slice3A_4142 = vector.extract_strided_slice %get3A_1 {offsets = [1, 4992], sizes = [1, 128], strides = [1, 1]} : vector<8x5120xf32> to vector<1x128xf32>
    %slice3A_4143 = vector.extract_strided_slice %get3A_1 {offsets = [2, 4992], sizes = [1, 128], strides = [1, 1]} : vector<8x5120xf32> to vector<1x128xf32>
    %slice3A_4144 = vector.extract_strided_slice %get3A_1 {offsets = [3, 4992], sizes = [1, 128], strides = [1, 1]} : vector<8x5120xf32> to vector<1x128xf32>
    %slice3A_4145 = vector.extract_strided_slice %get3A_1 {offsets = [4, 4992], sizes = [1, 128], strides = [1, 1]} : vector<8x5120xf32> to vector<1x128xf32>
    %min3A_4146 = vector.broadcast %slice3A_4138 : vector<128x1xf32> to vector<128x128xf32>
    %min3A_4147 = vector.broadcast %slice3A_4143 : vector<1x128xf32> to vector<128x128xf32>
    %min3A_4148 = arith.minimumf %min3A_4146, %min3A_4147 : vector<128x128xf32>
    %max3A_4149 = vector.broadcast %slice3A_4136 : vector<128x1xf32> to vector<128x128xf32>
    %max3A_4150 = vector.broadcast %slice3A_4141 : vector<1x128xf32> to vector<128x128xf32>
    %max3A_4151 = arith.maximumf %max3A_4149, %max3A_4150 : vector<128x128xf32>
    %sub3A_4152 = arith.subf %min3A_4148, %max3A_4151 : vector<128x128xf32>
    %max3A_4153 = arith.constant 0.000000e+00 : f32
    %max3A_4154 = vector.broadcast %max3A_4153 : f32 to vector<128x128xf32>
    %max3A_4155 = arith.maximumf %sub3A_4152, %max3A_4154 : vector<128x128xf32>
    %min3A_4156 = vector.broadcast %slice3A_4139 : vector<128x1xf32> to vector<128x128xf32>
    %min3A_4157 = vector.broadcast %slice3A_4144 : vector<1x128xf32> to vector<128x128xf32>
    %min3A_4158 = arith.minimumf %min3A_4156, %min3A_4157 : vector<128x128xf32>
    %max3A_4159 = vector.broadcast %slice3A_4137 : vector<128x1xf32> to vector<128x128xf32>
    %max3A_4160 = vector.broadcast %slice3A_4142 : vector<1x128xf32> to vector<128x128xf32>
    %max3A_4161 = arith.maximumf %max3A_4159, %max3A_4160 : vector<128x128xf32>
    %sub3A_4162 = arith.subf %min3A_4158, %max3A_4161 : vector<128x128xf32>
    %max3A_4163 = arith.constant 0.000000e+00 : f32
    %max3A_4164 = vector.broadcast %max3A_4163 : f32 to vector<128x128xf32>
    %max3A_4165 = arith.maximumf %sub3A_4162, %max3A_4164 : vector<128x128xf32>
    %mul3A_4166 = arith.mulf %max3A_4155, %max3A_4165 : vector<128x128xf32>
    %mul3A_4167 = arith.constant 3.000000e+00 : f32
    %mul3A_4168 = vector.broadcast %mul3A_4167 : f32 to vector<128x128xf32>
    %mul3A_4169 = arith.mulf %mul3A_4166, %mul3A_4168 : vector<128x128xf32>
    %add3A_4170 = vector.broadcast %slice3A_4140 : vector<128x1xf32> to vector<128x128xf32>
    %add3A_4171 = vector.broadcast %slice3A_4145 : vector<1x128xf32> to vector<128x128xf32>
    %add3A_4172 = arith.addf %add3A_4170, %add3A_4171 : vector<128x128xf32>
    %gt3A_4173 = arith.cmpf ogt, %mul3A_4169, %add3A_4172 : vector<128x128xf32>
    %and3A_4174 = arith.andi %gt3A_4173, %gt3A : vector<128x128xi1>
    %jit3A_4175 = arith.constant 1.000000e+00 : f32
    %jit3A_4176 = arith.constant 0.000000e+00 : f32
    %broadcast_in_dim3A_4177 = vector.broadcast %jit3A_4175 : f32 to vector<128x128xf32>
    %broadcast_in_dim3A_4178 = vector.broadcast %jit3A_4176 : f32 to vector<128x128xf32>
    %select_n3A_4179 = arith.select %and3A_4174, %broadcast_in_dim3A_4177, %broadcast_in_dim3A_4178 : vector<128x128xi1>, vector<128x128xf32>
    %get3A_4180 = arith.constant 0 : index
    %get3A_4181 = arith.constant 4992 : index
    %get3A_4182 = vector.load %arg1[%get3A_4180, %get3A_4181] : memref<1x5120xf32, #tpu.memory_space<vmem>>, vector<1x128xf32>
    %while3A_4183 = arith.constant true
    %while3A_4184:2 = scf.while (%while3A_4188 = %get3A_4182, %while3A_4189 = %while3A_4183) : (vector<1x128xf32>, i1) -> (vector<1x128xf32>, i1) {
      scf.condition(%while3A_4189) %while3A_4188, %while3A_4189 : vector<1x128xf32>, i1
    } do {
    ^bb0(%while3A_4188: vector<1x128xf32>, %while3A_4189: i1):
      %dot_general3A_4190 = arith.constant dense<0.000000e+00> : vector<1x128xf32>
      %dot_general3A_4191 = tpu.matmul %while3A_4188, %select_n3A_4179, %dot_general3A_4190 {dimension_numbers = #tpu.dot_dimension_numbers<[1], [0], [0], [1], [0, 0, 1, 1], [], []>, transpose_lhs_hint = false} : vector<1x128xf32>, vector<128x128xf32>, vector<1x128xf32> -> vector<1x128xf32>
      %gt3A_4192 = arith.constant 5.000000e-01 : f32
      %gt3A_4193 = vector.broadcast %gt3A_4192 : f32 to vector<1x128xf32>
      %gt3A_4194 = arith.cmpf ogt, %dot_general3A_4191, %gt3A_4193 : vector<1x128xf32>
      %jit3A_4195 = arith.constant 0.000000e+00 : f32
      %broadcast_in_dim3A_4196 = vector.broadcast %jit3A_4195 : f32 to vector<1x128xf32>
      %select_n3A_4197 = arith.select %gt3A_4194, %broadcast_in_dim3A_4196, %get3A_4182 : vector<1x128xi1>, vector<1x128xf32>
      %dot_general3A_4198 = arith.constant dense<0.000000e+00> : vector<1x128xf32>
      %dot_general3A_4199 = tpu.matmul %select_n3A_4197, %select_n3A_4179, %dot_general3A_4198 {dimension_numbers = #tpu.dot_dimension_numbers<[1], [0], [0], [1], [0, 0, 1, 1], [], []>, transpose_lhs_hint = false} : vector<1x128xf32>, vector<128x128xf32>, vector<1x128xf32> -> vector<1x128xf32>
      %gt3A_4200 = arith.constant 5.000000e-01 : f32
      %gt3A_4201 = vector.broadcast %gt3A_4200 : f32 to vector<1x128xf32>
      %gt3A_4202 = arith.cmpf ogt, %dot_general3A_4199, %gt3A_4201 : vector<1x128xf32>
      %jit3A_4203 = arith.constant 0.000000e+00 : f32
      %broadcast_in_dim3A_4204 = vector.broadcast %jit3A_4203 : f32 to vector<1x128xf32>
      %select_n3A_4205 = arith.select %gt3A_4202, %broadcast_in_dim3A_4204, %get3A_4182 : vector<1x128xi1>, vector<1x128xf32>
      %sub3A_4206 = arith.subf %select_n3A_4205, %select_n3A_4197 : vector<1x128xf32>
      %abs3A = math.absf %sub3A_4206 : vector<1x128xf32>
      %reduce_sum3A = vector.shape_cast %abs3A : vector<1x128xf32> to vector<1x1x128xf32>
      %reduce_sum3A_4207 = arith.constant dense<0.000000e+00> : vector<1xf32>
      %reduce_sum3A_4208 = vector.multi_reduction <add>, %reduce_sum3A, %reduce_sum3A_4207 [1, 2] : vector<1x1x128xf32> to vector<1xf32>
      %reduce_sum3A_4209 = vector.shape_cast %reduce_sum3A_4208 : vector<1xf32> to vector<1x1x1xf32>
      %reduce_sum3A_4210 = vector.extract %reduce_sum3A_4209[0, 0, 0] : f32 from vector<1x1x1xf32>
      %gt3A_4211 = arith.constant 0.000000e+00 : f32
      %gt3A_4212 = arith.cmpf ogt, %reduce_sum3A_4210, %gt3A_4211 : f32
      scf.yield %select_n3A_4205, %gt3A_4212 : vector<1x128xf32>, i1
    }
    %swap3A_4185 = arith.constant 0 : index
    %swap3A_4186 = arith.constant 4992 : index
    %swap3A_4187 = vector.load %arg1[%swap3A_4185, %swap3A_4186] : memref<1x5120xf32, #tpu.memory_space<vmem>>, vector<1x128xf32>
    tpu.vector_store %arg1[%swap3A_4185, %swap3A_4186], %while3A_4184#0 {strides = array<i32>} : memref<1x5120xf32, #tpu.memory_space<vmem>>, vector<1x128xf32>,
    return
  }
}

module attributes {stable_mosaic.version = 14 : i64} {
  func.func @_mask_body(%arg0: i32, %arg1: memref<1000x8xf32, #tpu.memory_space<vmem>>, %arg2: memref<1000x256xf32, #tpu.memory_space<vmem>>, %arg3: memref<1000x261xf32, #tpu.memory_space<vmem>>) attributes {dimension_semantics = [#tpu.dimension_semantics<arbitrary>], iteration_bounds = array<i64: 5>, scalar_prefetch = 0 : i64, scratch_operands = 0 : i64, tpu.core_type = #tpu.core_type<tc>, window_params = [{transform_indices = @transform_0, window_bounds = array<i64: 1000, 8>}, {transform_indices = @transform_1, window_bounds = array<i64: 1000, 256>}, {transform_indices = @transform_2, window_bounds = array<i64: 1000, 261>}]} {
    %get3A = arith.constant 0 : index
    %get3A_0 = arith.constant 0 : index
    %get3A_1 = vector.load %arg1[%get3A, %get3A_0] : memref<1000x8xf32, #tpu.memory_space<vmem>>, vector<1000x8xf32>
    %slice3A = vector.extract_strided_slice %get3A_1 {offsets = [0, 0], sizes = [1000, 1], strides = [1, 1]} : vector<1000x8xf32> to vector<1000x1xf32>
    %slice3A_2 = vector.extract_strided_slice %get3A_1 {offsets = [0, 1], sizes = [1000, 5], strides = [1, 1]} : vector<1000x8xf32> to vector<1000x5xf32>
    %get3A_3 = arith.constant 0 : index
    %get3A_4 = arith.constant 0 : index
    %get3A_5 = vector.load %arg2[%get3A_3, %get3A_4] : memref<1000x256xf32, #tpu.memory_space<vmem>>, vector<1000x256xf32>
    %mul3A = vector.broadcast %slice3A : vector<1000x1xf32> to vector<1000x256xf32>
    %mul3A_6 = arith.mulf %get3A_5, %mul3A : vector<1000x256xf32>
    %concatenate3A = tpu.concatenate %slice3A_2, %mul3A_6 in 1 : vector<1000x5xf32>, vector<1000x256xf32> -> vector<1000x261xf32>
    %swap3A = arith.constant 0 : index
    %swap3A_7 = arith.constant 0 : index
    %swap3A_8 = vector.load %arg3[%swap3A, %swap3A_7] : memref<1000x261xf32, #tpu.memory_space<vmem>>, vector<1000x261xf32>
    tpu.vector_store %arg3[%swap3A, %swap3A_7], %concatenate3A {strides = array<i32>} : memref<1000x261xf32, #tpu.memory_space<vmem>>, vector<1000x261xf32>,
    return
  }
  func.func @transform_0(%arg0: i32) -> (i32, i32) {
    %c0_i32 = arith.constant 0 : i32
    %c0_i32_0 = arith.constant 0 : i32
    return %arg0, %c0_i32 : i32, i32
  }
  func.func @transform_1(%arg0: i32) -> (i32, i32) {
    %c0_i32 = arith.constant 0 : i32
    %c0_i32_0 = arith.constant 0 : i32
    return %arg0, %c0_i32 : i32, i32
  }
  func.func @transform_2(%arg0: i32) -> (i32, i32) {
    %c0_i32 = arith.constant 0 : i32
    %c0_i32_0 = arith.constant 0 : i32
    return %arg0, %c0_i32 : i32, i32
  }
}

</mosaic_0001>

<sc_bundles>
// kernel: gather_offload_async_start
scs
__scs_entry_jumppad:
0x0: {  	(pc) =	sbr.rel $0x88, $3  }
0x1: {  	(tag) =	ssettag $0x0;
	lr =	simm.s32 $0x1  }
0x2: {  	[smem:$0x3F9D] =	sst lr;
	_ =	strace $0xD0000000  }
0x3: {  	_ = 	snop  }
0x4: {  	_ = 	snop  }
0x5: {  	_ = 	snop  }
0x6: {  	_ = 	snop  }
0x7: {  	_ = 	snop  }
__scs_overlays_trampoline_lowered:
0x8: {  	[smem:$0x3FAC] =	sst s0  }
0x9: {  	[smem:$0x3FAD] =	sst s1  }
0xa: {  	[smem:$0x3FAE] =	sst s2  }
0xb: {  	[smem:$0x3FAF] =	sst s3  }
0xc: {  	[smem:$0x3FB0] =	sst s4  }
0xd: {  	[smem:$0x3FB1] =	sst s5  }
0xe: {  	[smem:$0x3FB2] =	sst s6  }
0xf: {  	[smem:$0x3FB3] =	sst s7  }
0x10: {  	[smem:$0x3FB4] =	sst s8  }
0x11: {  	[smem:$0x3FB5] =	sst s9;
	s0 =	simm.s32 @!p0 $0x0  }
0x12: {  	s1 =	sld [smem:$0x3F9B];
	s0 =	simm.s32 @p0 $0x1  }
0x13: {  	[smem:$0x3FB6] =	sst s0;
	s0 =	simm.s32 @!p1 $0x0  }
0x14: {  	s2 =	sld [smem:$0x3F9A];
	s0 =	simm.s32 @p1 $0x1  }
0x15: {  	[smem:$0x3FB7] =	sst s0;
	s0 =	simm.s32 @!p2 $0x0  }
0x16: {  	s3 =	sld [smem:$0x3FDB];
	s0 =	simm.s32 @p2 $0x1  }
0x17: {  	s4 =	simm.s32 $0x1BF5;
	[smem:$0x3FB9] =	sst s0  }
0x18: {  	s0 =	sld [smem:$0x3F9C];
	_ =	swait.ge [sflag:s4], $0x0  }
0x19: {  	s7 =	sld [smem:$0x3F9D]  }
0x1a: {  	s8 =	sadd.s32 $0xFFFFE003, lr  }
0x1b: {  	s9 =	sadd.s32 $0xFFFFFEF7, lr;
	s5 =	simm.s32 $0xFFFFFFFF;
	p2 =	slt.u32 s8, $0xFFFFF086  }
0x1c: {  	p1 =	slt.u32 s9, $0xF7A;
	s5 =	simm.s32 @!p2 $0x0  }
0x1d: {  	s5 =	simm.s32 @p1 $0x1;
	p0 =	seq.s32 s7, s2  }
0x1e: {  	s7 =	smul.u32 @!p0 $0xF7A, s2;
	p2 =	seq.s32 @!p0 s5, $0x0  }
0x1f: {  	s9 =	smul.u32 $0xF7A, s1;
	s8 =	simm.s32 @!p0 $0x1BF5;
	p2 =	por !p2, p0  }
0x20: {  	[sflag:s8] =	ssyncset.s32 @!p0 $0xFFFFF086;
	s6 =	sadd.s32 @!p0 s3, s7;
	s7 =	simm.s32 @!p0 $0x108  }
0x21: {  	s3 =	sadd.s32 s3, s9;
	s6 =	sadd.s32 @!p0 $0x88, s6;
	s7 =	simm.s32 @p2 $0x1082  }
0x22: {  	[simem:s7], [sflag:s8] =	dma.local @!p0 [hbm:s6], $0xF7A  }
0x23: {  	s9 =	sor.u32 $0xD0000000, s2;
	s6 =	simm.s32 $0x108;
	_ =	swait.ge @!p0 [sflag:s8], $0x0  }
0x24: {  	s3 =	sadd.s32 $0x88, s3;
	s6 =	simm.s32 @!p1 $0x1082;
	[sflag:s4] =	ssyncset.s32 $0xFFFFF086  }
0x25: {  	[simem:s6], [sflag:s4] =	dma.local [hbm:s3], $0xF7A  }
0x26: {  	[smem:$0x3F9D] =	sst s1;
	(tag) =	ssettag s2;
	_ =	strace s9  }
0x27: {  	s1 =	sld [smem:$0x3FAD]  }
0x28: {  	s2 =	sld [smem:$0x3FAE]  }
0x29: {  	s4 =	sld [smem:$0x3FB0]  }
0x2a: {  	p0 =	seq.s32 s5, $0x0;
	s5 =	sld [smem:$0x3FB1]  }
0x2b: {  	s6 =	sld [smem:$0x3FB2]  }
0x2c: {  	s7 =	sld [smem:$0x3FB3]  }
0x2d: {  	s3 =	simm.s32 $0x108;
	s8 =	sld [smem:$0x3FB4]  }
0x2e: {  	s3 =	simm.s32 @!p0 $0x1082;
	s9 =	sld [smem:$0x3FB5]  }
0x2f: {  	lr =	sadd.s32 s0, s3;
	s0 =	sld [smem:$0x3FAC]  }
0x30: {  	s3 =	sld [smem:$0x3FAF]  }
0x31: {  	[smem:$0x3FB8] =	sst s10  }
0x32: {  	s10 =	sld [smem:$0x3FB6];
	_ =	sdelay $0x3  }
0x33: {  	p0 =	seq.s32 s10, $0x1;
	s10 =	sld [smem:$0x3FB8];
	_ =	sdelay $0x3  }
0x34: {  	[smem:$0x3FB8] =	sst s10  }
0x35: {  	s10 =	sld [smem:$0x3FB7];
	_ =	sdelay $0x3  }
0x36: {  	p1 =	seq.s32 s10, $0x1;
	s10 =	sld [smem:$0x3FB8];
	_ =	sdelay $0x3  }
0x37: {  	[smem:$0x3FB8] =	sst s10  }
0x38: {  	s10 =	sld [smem:$0x3FB9]  }
0x39: {  	_ = 	snop;
	(pc) =	sbr.ind lr, $3  }
0x3a: {  	_ = 	snop  }
0x3b: {  	_ = 	snop  }
0x3c: {  	p2 =	seq.s32 s10, $0x1;
	s10 =	sld [smem:$0x3FB8]  }
0x3d: {  	_ =	shalt  }
0x3e: {  	_ =	shalt  }
0x3f: {  	_ =	shalt  }
0x40: {  	_ =	shalt  }
0x41: {  	_ =	shalt  }
0x42: {  	_ =	shalt  }
0x43: {  	_ =	shalt  }
0x44: {  	_ =	shalt  }
0x45: {  	_ =	shalt  }
0x46: {  	_ =	shalt  }
0x47: {  	_ =	shalt  }
0x48: {  	_ =	shalt  }
0x49: {  	_ =	shalt  }
0x4a: {  	_ =	shalt  }
0x4b: {  	_ =	shalt  }
0x4c: {  	_ =	shalt  }
0x4d: {  	_ =	shalt  }
0x4e: {  	_ =	shalt  }
0x4f: {  	_ =	shalt  }
0x50: {  	_ =	shalt  }
0x51: {  	_ =	shalt  }
0x52: {  	_ =	shalt  }
0x53: {  	_ =	shalt  }
0x54: {  	_ =	shalt  }
0x55: {  	_ =	shalt  }
0x56: {  	_ =	shalt  }
0x57: {  	_ =	shalt  }
0x58: {  	_ =	shalt  }
0x59: {  	_ =	shalt  }
0x5a: {  	_ =	shalt  }
0x5b: {  	_ =	shalt  }
0x5c: {  	_ =	shalt  }
0x5d: {  	_ =	shalt  }
0x5e: {  	_ =	shalt  }
0x5f: {  	_ =	shalt  }
0x60: {  	_ =	shalt  }
0x61: {  	_ =	shalt  }
0x62: {  	_ =	shalt  }
0x63: {  	_ =	shalt  }
0x64: {  	_ =	shalt  }
0x65: {  	_ =	shalt  }
0x66: {  	_ =	shalt  }
0x67: {  	_ =	shalt  }
0x68: {  	_ =	shalt  }
0x69: {  	_ =	shalt  }
0x6a: {  	_ =	shalt  }
0x6b: {  	_ =	shalt  }
0x6c: {  	_ =	shalt  }
0x6d: {  	_ =	shalt  }
0x6e: {  	_ =	shalt  }
0x6f: {  	_ =	shalt  }
0x70: {  	_ =	shalt  }
0x71: {  	_ =	shalt  }
0x72: {  	_ =	shalt  }
0x73: {  	_ =	shalt  }
0x74: {  	_ =	shalt  }
0x75: {  	_ =	shalt  }
0x76: {  	_ =	shalt  }
0x77: {  	_ =	shalt  }
0x78: {  	_ =	shalt  }
0x79: {  	_ =	shalt  }
0x7a: {  	_ =	shalt  }
0x7b: {  	_ =	shalt  }
0x7c: {  	_ =	shalt  }
0x7d: {  	_ =	shalt  }
0x7e: {  	_ =	shalt  }
0x7f: {  	_ =	shalt  }
0x80: {  	_ =	shalt  }
0x81: {  	_ =	shalt  }
0x82: {  	_ =	shalt  }
0x83: {  	_ =	shalt  }
0x84: {  	_ =	shalt  }
0x85: {  	_ =	shalt  }
0x86: {  	_ =	shalt  }
0x87: {  	_ =	shalt  }
.Lfunc_end0:
.L_simem_size_0:
called_computation_lowered:
.L_overlay_start_0:
0x88: {  	s0 =	sld [smem:$0x3FD9]  }
0x89: {  	s1 =	sld [smem:$0x3FFE];
	_ =	sdelay $0x3  }
0x8a: {  	s0 =	sadd.s32 s1, s0  }
0x8b: {  	[smem:$0x3FC4] =	sst s0  }
0x8c: {  	_ = 	snop  }
0x8d: {  	s0 =	sld [smem:$0x3FD0];
	(tm) =	ssettm $0x1  }
0x8e: {  	s16 =	sld [smem:$0x3FFB];
	_ =	sdelay $0x3  }
0x8f: {  	_ =	strace s16  }
0x90: {  	s1 =	sld [smem:$0x3FFC];
	_ =	sdelay $0x3  }
0x91: {  	_ =	strace s1  }
0x92: {  	s1 =	sld [smem:$0x3FFD];
	_ =	sdelay $0x3  }
0x93: {  	_ =	strace s1  }
0x94: {  	_ =	strace $0x8FFFFFFF  }
0x95: {  	s17 =	sld [smem:$0x3FDB];
	_ =	sdelay $0x1  }
0x96: {  	s2 =	simm.s32 $_scs_section_size  }
0x97: {  	s3 =	simm.s32 $_size__tile_overlayer_lowered;
	s4 =	simm.s32 $_tile_overlayer_lowered  }
0x98: {  	s20 =	simm.s32 $0x1BFF;
	s19 =	sshll.u32 s4, $0x1;
	s1 =	sadd.s32 s2, s17  }
0x99: {  	s5 =	simm.s32 $0x0;
	s18 =	sshll.u32 s3, $0x1;
	s3 =	sadd.s32 s19, s1  }
0x9a: {  	[timem:s5], [sflag:s20] =	dma.local [hbm:s3], s18  }
0x9b: {  	_ =	swait.ge [sflag:s20], s18  }
0x9c: {  	s2 =	ssub.s32 $0x0, s18;
	[sflag:s20] =	ssyncset.done $0x0  }
0x9d: {  	[sflag:s20] =	ssyncadd.s32 s2;
	_ =	sdelay $0x1  }
0x9e: {  	s21 =	simm.s32 $0x1B8B  }
0x9f: {  	_ =	swait.ge [sflag:s21], $0x1  }
0xa0: {  	[sflag:s21] =	ssyncset.done $0x0  }
0xa1: {  	s23 =	simm.s32 $0x1B8E;
	s22 =	sld [smem:$0x3FFE];
	[sflag:s21] =	ssyncadd.s32 $0xFFFFFFFF  }
0xa2: {  	s24 =	simm.s32 $execute0_lowered;
	[smem:$0x3FD2] =	sst s23  }
0xa3: {  	s3 =	sshll.u32 s24, $0x1;
	_ =	strace $0x80000046;
	[dreg:$0x1] =	wrdreg $0xFFFFFFFF  }
0xa4: {  	s25 =	simm.s32 $_size_execute0_lowered;
	s1 =	sadd.s32 s1, s3;
	[dreg:$0x0] =	wrdreg $0x0  }
0xa5: {  	s3 =	sshll.u32 s25, $0x1;
	[dreg:$0x2] =	wrdreg s1  }
0xa6: {  	[dreg:$0x3] =	wrdreg s3  }
0xa7: {  	[dreg:$0x4] =	wrdreg $0xC0  }
0xa8: {  	_ =	task [dreg:s5], $0x5FFFF  }
0xa9: {  	[dreg:$0x1] =	wrdreg $0xFFFFFFFF  }
0xaa: {  	[dreg:$0x0] =	wrdreg $0x60  }
0xab: {  	[dreg:$0x2] =	wrdreg s0  }
0xac: {  	[dreg:$0x3] =	wrdreg s22  }
0xad: {  	[dreg:$0x4] =	wrdreg $0x9  }
0xae: {  	_ =	task.clear_ibuf [dreg:s5], $0x5FFFF;
	_ =	strace $0x90000046  }
0xaf: {  	s26 =	simm.s32 $0x9;
	_ =	strace $0x80000048  }
0xb0: {  	_ =	swait.ge [sflag:s26], $0x1  }
0xb1: {  	[sflag:s26] =	ssyncadd.s32 $0xFFFFFFFF  }
0xb2: {  	_ =	strace $0x90000048  }
0xb3: {  	_ =	sfence  }
0xb4: {  	s28 =	sld [smem:$0x0];
	_ =	sdelay $0x1  }
0xb5: {  	s29 =	srdreg.scid  }
0xb6: {  	s30 =	sshll.u32 s29, $0xD;
	s31 =	sshrl.u32 s29, $0x2  }
0xb7: {  	s2 =	sand.u32 $0x4000, s30;
	s1 =	sand.u32 $0x1, s29;
	s0 =	sadd.s32 s31, s28  }
0xb8: {  	s1 =	sor.u32 s2, s1;
	s0 =	sshll.u32 s0, $0x11  }
0xb9: {  	s0 =	sor.u32 s0, s1  }
0xba: {  	s0 =	sadd.s32 $0x8F2B, s0  }
0xbb: {  	[sflag:s0] =	ssyncadd.remote.s32 $0x1  }
0xbc: {  	_ =	sfence.sel $0xFFFF  }
0xbd: {  	[dreg:$0x0] =	wrdreg $0xFFFFFFFF;
	(pc) =	sbr.abs _section_cstart, $3  }
0xbe: {  	[dreg:$0x1] =	wrdreg $0xFFFFFFFF  }
0xbf: {  	_ =	task.clear_ibuf [dreg:s5], $0x2FFFF;
	_ =	strace $0x9FFFFFFF  }
0xc0: {  	(tm) =	ssettm $0x7FFFFFFF  }
0xc1: {  	_ =	shalt  }
tec
execute0_lowered:
.L_overlay_start_1:
0x0: {  	(tag) =	ssettag $0x1  }
0x1: {  	s0 =	stileid.u32  }
0x2: {  	s1 =	smin.u32 s0, $0x9  }
0x3: {  	s1 =	sadd.s32 s0, s1  }
0x4: {  	s2 =	simm.s32 $0x190;
	p0 =	slt.u32 s0, $0x9;
	s1 =	smul.u32 $0xC8, s1  }
0x5: {  	s2 =	simm.s32 @!p0 $0xC8  }
0x6: {  	s2 =	sadd.s32 s2, s1  }
0x7: {  	s3 =	smin.u32 s2, $0x1388  }
0x8: {  	s7 =	ssub.s32 s3, s1  }
0x9: {  	p0 =	sgt.s32 s7, $0x0  }
0xa: {  	s7 =	simm.s32 @!p0 $0x0  }
0xb: {  	s31 =	sand.u32 $0xFFF8, s7  }
0xc: {  	s2 =	sshrl.u32 s31, $0x3  }
0xd: {  	s4 =	rddreg [dreg:$0x0];
	s2 =	smul.u32 $0x147B, s2  }
0xe: {  	s5 =	rddreg [dreg:$0x1]  }
0xf: {  	s6 =	simm.s32 $0x1;
	s10 =	simm.s32 $0x3;
	s8 =	sshrl.u32 s2, $0x11  }
0x10: {  	s13 =	simm.s32 $0x0;
	s12 =	simm.s32 $0x0;
	s9 =	smul.u32 $0xC8, s8  }
.Ltmp0:
0x11: {  	s11 =	smov.u32 s1;
	s2 =	rddreg [dreg:$0x2];
	(pc) =	sbr.rel .LBB2_1-.Ltmp0, $4  }
0x12: {  	_ =	strace $0x80000047;
	p0 =	sne.s32 s7, s9;
	s9 =	simm.s32 $0x1  }
0x13: {  	[sflag:s6] =	ssyncpa.u1 $0x0;
	s7 =	simm.s32 $0x2;
	s9 =	simm.s32 @!p0 $0x0  }
0x14: {  	[sflag:s7] =	ssyncpa.u1 $0x0;
	p0 =	por $0x0, $0x0;
	s8 =	sadd.s32 s8, s9  }
0x15: {  	vm0 =	vmmov $0xff;
	vm1 =	vcmask $0x3F20;
	s9 =	sadd.s32 $0x400, s5;
	[sflag:s10] =	ssyncpa.u1 $0x0;
	s10 =	sadd.s32 $0x1, s8  }
.LBB2_6:
0x16: {  	[hbm:s17] =	stream.linear.scatter [tilespmem:s14], [sflag:$0x3], $0x400, $0x38;
	[tilespmem:$0xC990] =	vst v63  }
.LBB2_7:
0x17: {  	s13 =	sadd.s32 $0xC8, s11  }
0x18: {  	s15 =	smov.u32 s1;
	p2 =	slt.s32 s13, s3  }
0x19: {  	s15 =	smov.u32 @p2 s13;
	p2 =	sne.s32 s12, s10  }
.Ltmp1:
0x1a: {  	p1 =	slt.u32 s12, $0x2;
	(pc) =	sbr.rel @!p2 .LBB2_8-.Ltmp1, $4  }
0x1b: {  	s14 =	simm.s32 @!p1 $0x3  }
0x1c: {  	s16 =	sadd.s32 $0x1, s12;
	_ =	swait.ge @!p1 [sflag:s14], $0x6400  }
0x1d: {  	p0 =	por !p0, !p0;
	s13 =	smov.u32 s11;
	[sflag:s14] =	ssyncset.done @!p1 $0x0  }
0x1e: {  	s12 =	smov.u32 s16;
	s11 =	smov.u32 s15;
	[sflag:s14] =	ssyncadd.s32 @!p1 $0xFFFF9C00  }
.LBB2_1:
0x1f: {  	p1 =	sge.u32 s12, s8  }
0x20: {  	s14 =	sxor.u32 @!p1 $0xFFFFFFFF, s12  }
0x21: {  	s14 =	sand.u32 @!p1 $0x1, s14  }
0x22: {  	s14 =	smul.u32 @!p1 $0x320, s14  }
0x23: {  	s31 =	sadd.s32 $0xFFFFFFFF, s12;
	s15 =	sshrl.u32 @!p1 s11, $0x3  }
0x24: {  	s16 =	sand.u32 @!p1 $0x7, s11;
	s15 =	sadd.s32 @!p1 s5, s15;
	s14 =	sshrl.u32 @!p1 s14, $0x2  }
0x25: {  	[tilespmem:s14], [sflag:$0x2] =	stream.linear.gather @!p1 [hbm4b:s15+s16], $0xC8, $0x38;
	[tilespmem:$0xC990] =	vst v63  }
0x26: {  	p1 =	sge.u32 s31, s8  }
.Ltmp2:
0x27: {  	_ = 	snop;
	(pc) =	sbr.rel @p1 .LBB2_7-.Ltmp2, $1  }
0x28: {  	_ =	sdelay $0x3  }
0x29: {  	s14 =	simm.s32 $0x1  }
0x2a: {  	s14 =	simm.s32 @!p0 $0x0  }
0x2b: {  	s15 =	smul.u32 $0x320, s14  }
0x2c: {  	_ =	swait.ge [sflag:s7], $0xC8  }
0x2d: {  	[sflag:s7] =	ssyncset.done $0x0;
	s16 =	sshrl.u32 s15, $0x2  }
0x2e: {  	[sflag:s7] =	ssyncadd.s32 $0xFFFFFF38;
	s15 =	sadd.s32 $0x0, s16  }
0x2f: {  	v0 =	vld.msk [tilespmem:s15+$0x0 ss:$0x1], $0xffff;
	_ =	sdelay $0x4  }
0x30: {  	vm2 =	vgt.s32 v0, $0x0  }
0x31: {  	v0 =	vnsel vm2, $0x0, v0  }
0x32: {  	v0 =	vmin.u32 v0, $0x1387  }
0x33: {  	v0 =	vshll.u32 v0, $0x4  }
0x34: {  	s14 =	smul.u32 $0x19000, s14  }
0x35: {  	s31 =	sand.u32 $0x1, s12  }
0x36: {  	s17 =	smul.u32 $0x320, s31;
	s14 =	sshrl.u32 s14, $0x2  }
0x37: {  	s19 =	smul.u32 $0x19000, s31;
	s14 =	sor.u32 $0x190, s14  }
0x38: {  	[tilespmem:s14], [sflag:$0x1] =	stream.indirect_vreg.gather [hbm:s4], $0x80, v0, vm0, $0x38;
	[tilespmem:$0xC990] =	vst v63  }
0x39: {  	s18 =	sshrl.u32 s17, $0x2;
	s20 =	sadd.s32 $0x10, s16;
	s15 =	sadd.s32 $0x400, s14  }
0x3a: {  	[tilespmem:s15], [sflag:$0x1] =	stream.indirect_vreg.gather [hbm:s4], $0x80, v0, vm1, $0x38;
	[tilespmem:$0xC990] =	vst v63  }
0x3b: {  	s17 =	sshrl.u32 s19, $0x2;
	s19 =	smov.u32 s14;
	v0 =	vld.msk [tilespmem:s20+$0x0 ss:$0x1], $0xffff;
	s20 =	simm.s32 $0x80  }
.LBB2_3:
0x3c: {  	p1 =	sne.s32 s20, $0x2C0;
	_ =	sdelay $0x4  }
0x3d: {  	vm2 =	vgt.s32 v0, $0x0  }
0x3e: {  	v0 =	vnsel vm2, $0x0, v0  }
0x3f: {  	v0 =	vmin.u32 v0, $0x1387  }
0x40: {  	v0 =	vshll.u32 v0, $0x4;
	_ =	sdelay $0x3  }
.Ltmp3:
0x41: {  	s21 =	sshra.s32 s20, $0x2;
	s19 =	sadd.s32 $0x800, s19;
	(pc) =	sbr.rel @p1 .LBB2_3-.Ltmp3, $4  }
0x42: {  	[tilespmem:s19], [sflag:$0x1] =	stream.indirect_vreg.gather [hbm:s4], $0x80, v0, vm0, $0x38;
	[tilespmem:$0xC990] =	vst v63  }
0x43: {  	s21 =	sadd.s32 s21, s16;
	s22 =	sadd.s32 $0x400, s19  }
0x44: {  	[tilespmem:s22], [sflag:$0x1] =	stream.indirect_vreg.gather [hbm:s4], $0x80, v0, vm1, $0x38;
	[tilespmem:$0xC990] =	vst v63  }
0x45: {  	s20 =	sadd.s32 $0x40, s20;
	v0 =	vld.msk [tilespmem:s21+$0x0 ss:$0x1], $0xffff  }
0x46: {  	_ =	sdelay $0x3  }
0x47: {  	vm2 =	vgt.s32 v0, $0x0  }
0x48: {  	v0 =	vnsel vm2, $0x0, v0  }
0x49: {  	v0 =	vmin.u32 v0, $0x1387  }
0x4a: {  	v0 =	vshll.u32 v0, $0x4;
	_ =	sdelay $0x3  }
0x4b: {  	s16 =	sadd.s32 $0x800, s19  }
0x4c: {  	[tilespmem:s16], [sflag:$0x1] =	stream.indirect_vreg.gather [hbm:s4], $0x80, v0, vm0, $0x38;
	[tilespmem:$0xC990] =	vst v63  }
0x4d: {  	s16 =	sadd.s32 $0x400, s16  }
0x4e: {  	[tilespmem:s16], [sflag:$0x1] =	stream.indirect_vreg.gather [hbm:s4], $0x80, v0, vm1, $0x38;
	[tilespmem:$0xC990] =	vst v63  }
0x4f: {  	v0 =	vld.msk [tilespmem:s18+$0xC0 ss:$0x1], $0xff;
	_ =	sdelay $0x4  }
0x50: {  	vm2 =	vgt.s32 v0, $0x0  }
0x51: {  	v0 =	vnsel vm2, $0x0, v0  }
0x52: {  	v0 =	vmin.u32 v0, $0x1387  }
0x53: {  	v0 =	vshll.u32 v0, $0x4;
	_ =	sdelay $0x3  }
0x54: {  	s31 =	sadd.s32 $0x6190, s17  }
0x55: {  	[tilespmem:s31], [sflag:$0x1] =	stream.indirect_vreg.gather [hbm:s4], $0x80, v0, vm0, $0x38;
	[tilespmem:$0xC990] =	vst v63  }
0x56: {  	s13 =	sshll.u32 s13, $0x4;
	_ =	swait.ge [sflag:s6], $0x6400  }
0x57: {  	s13 =	sadd.s32 s13, s9;
	[sflag:s6] =	ssyncset.done $0x0  }
0x58: {  	s17 =	sadd.s32 $0x0, s13;
	s16 =	simm.s32 $0x80;
	[sflag:s6] =	ssyncadd.s32 $0xFFFF9C00  }
.LBB2_5:
0x59: {  	[hbm:s17] =	stream.linear.scatter [tilespmem:s14], [sflag:$0x3], $0x400, $0x38;
	[tilespmem:$0xC990] =	vst v63  }
0x5a: {  	s17 =	smov.u32 s16;
	s14 =	smov.u32 s15;
	p1 =	sne.s32 s16, $0xC00  }
.Ltmp4:
0x5b: {  	s16 =	sadd.s32 $0x80, s16;
	(pc) =	sbr.rel @p1 .LBB2_5-.Ltmp4, $2  }
0x5c: {  	_ =	sdelay $0x2  }
0x5d: {  	s15 =	sadd.s32 $0x400, s15;
	s17 =	sadd.s32 s17, s13  }
.Ltmp5:
0x5e: {  	_ = 	snop;
	(pc) =	sbr.rel .LBB2_6-.Ltmp5, $1  }
0x5f: {  	_ =	sdelay $0x3  }
.LBB2_8:
0x60: {  	_ =	sfence.sel $0x180000  }
0x61: {  	s1 =	simm.s32 $0x2;
	[bflag:$0x0] =	sbarrier.arrive $0xFFFF  }
0x62: {  	s30 =	simm.s32 $0x3;
	[sflag:s1] =	ssyncpa.u1 $0x1  }
0x63: {  	s31 =	simm.s32 $0x1;
	[sflag:s30] =	ssyncpa.u1 $0x1  }
0x64: {  	[sflag:s31] =	ssyncpa.u1 $0x1  }
0x65: {  	p0 =	sne.s32 s0, $0x0;
	_ =	strace $0x90000047  }
0x66: {  	s0 =	sadd.s32 @!p0 $0x100000, s2;
	[bflag:$0x2] =	sbarrier.arrive $0xFFFF  }
0x67: {  	[sflag:s0] =	ssyncadd.tile.s32 @!p0 $0x1;
	_ =	shalt  }
.Lfunc_end2:
_tile_overlayer_lowered:
.L_overlay_start_2:
0x68: {  	(tag) =	ssettag $0x2  }
0x69: {  	s0 =	rddreg [dreg:$0x0];
	s2 =	stileid.u32  }
0x6a: {  	s1 =	rddreg [dreg:$0x1];
	p0 =	sne.s32 s2, $0x0  }
0x6b: {  	s3 =	rddreg [dreg:$0x2];
	[bflag:$0x3] =	sbarrier.arrive $0xFFFF;
	s2 =	simm.s32 @!p0 $0x1C01  }
0x6c: {  	[timem:s3], [sflag:s2] =	dma.local @!p0 [hbm:s0], s1  }
0x6d: {  	s0 =	simm.s32 @!p0 $0x1  }
0x6e: {  	_ =	swait.ge @!p0 [sflag:s0], s1  }
0x6f: {  	s1 =	ssub.s32 @!p0 $0x0, s1;
	[sflag:s0] =	ssyncset.done @!p0 $0x0  }
0x70: {  	[sflag:s0] =	ssyncadd.s32 @!p0 s1  }
0x71: {  	[bflag:$0x3] =	sbarrier.arrive $0xFFFF  }
0x72: {  	_ =	shalt  }

</sc_bundles>
